<compile_context>
chip_gen: v7x
topology: tpu7x:2x2x1
jax: 0.10.2.dev20260603
libtpu: 0.0.44.dev20260713+nightly
codegen_flags: <defaults>
</compile_context>

<pallas_src>
import functools

import jax
import jax.numpy as jnp
from jax import lax
from jax.experimental import pallas as pl
from jax.experimental.pallas import tpu as pltpu
from jax.experimental.pallas import tpu_sc as plsc

N_NODE = 10000
E = 160000
D = 256
DH = 128
B = 4096
NS = 16
EPT = E // NS
CH = 40
RPT = 624
REM_BASE = RPT * NS
REM = N_NODE - REM_BASE
BPT = B // NS
DCH = 8

_sc_mesh = functools.partial(
    plsc.VectorSubcoreMesh, core_axis_name="c", subcore_axis_name="s")


def _zero_acc(zrows, acc, s):
    pltpu.sync_copy(zrows.at[pl.ds(0, RPT)], acc.at[pl.ds(s * RPT, RPT)])

    @pl.when(s == NS - 1)
    def _():
        pltpu.sync_copy(zrows.at[pl.ds(0, REM)], acc.at[pl.ds(REM_BASE, REM)])


def _flush(acc, out, s):
    pltpu.sync_copy(acc.at[pl.ds(s * RPT, RPT)], out.at[pl.ds(s * RPT, RPT)])

    @pl.when(s == NS - 1)
    def _():
        pltpu.sync_copy(acc.at[pl.ds(REM_BASE, REM)],
                        out.at[pl.ds(REM_BASE, REM)])


NPAIR = EPT // (2 * CH)


def _agg_pipelined(tbl, src, dst, acc, ebase,
                   sidx0, didx0, rows0, sidx1, didx1, rows1,
                   sem_i0, sem_i1, sem_g0, sem_g1, sem_s):

    def idx_start(k, si, di, sem):
        base = ebase + k * CH
        pltpu.async_copy(src.at[pl.ds(base, CH)], si, sem)
        pltpu.async_copy(dst.at[pl.ds(base, CH)], di, sem)

    def idx_wait(si, di, sem):
        pltpu.make_async_copy(src.at[pl.ds(ebase, CH)], si, sem).wait()
        pltpu.make_async_copy(dst.at[pl.ds(ebase, CH)], di, sem).wait()

    def gather_start(si, rows, sem):
        pltpu.async_copy(tbl.at[si], rows, sem)

    def gather_wait(si, rows, sem):
        pltpu.make_async_copy(tbl.at[si], rows, sem).wait()

    idx_start(0, sidx0, didx0, sem_i0)
    idx_start(1, sidx1, didx1, sem_i1)
    idx_wait(sidx0, didx0, sem_i0)
    gather_start(sidx0, rows0, sem_g0)

    def pair(j, carry):
        a = 2 * j
        idx_wait(sidx1, didx1, sem_i1)
        gather_start(sidx1, rows1, sem_g1)
        gather_wait(sidx0, rows0, sem_g0)

        @pl.when(j < NPAIR - 1)
        def _():
            idx_start(a + 2, sidx0, didx0, sem_i0)
            pltpu.async_copy(rows0, acc.at[didx0], sem_s, add=True)

        @pl.when(j == NPAIR - 1)
        def _():
            pltpu.sync_copy(rows0, acc.at[didx0], add=True)

        gather_wait(sidx1, rows1, sem_g1)

        @pl.when(j < NPAIR - 1)
        def _():
            idx_start(a + 3, sidx1, didx1, sem_i1)

        pltpu.sync_copy(rows1, acc.at[didx1], add=True)

        @pl.when(j < NPAIR - 1)
        def _():
            pltpu.make_async_copy(rows0, acc.at[didx0], sem_s).wait()
            idx_wait(sidx0, didx0, sem_i0)
            gather_start(sidx0, rows0, sem_g0)

        return carry

    lax.fori_loop(0, NPAIR, pair, 0)


@functools.partial(
    pl.kernel,
    out_type=[
        jax.ShapeDtypeStruct((N_NODE, DH), jnp.float32),
        jax.ShapeDtypeStruct((N_NODE, DH), jnp.float32),
    ],
    mesh=_sc_mesh(),
    scratch_types=[
        pltpu.VMEM((CH,), jnp.int32),
        pltpu.VMEM((CH,), jnp.int32),
        pltpu.VMEM((CH, DH), jnp.float32),
        pltpu.VMEM((CH,), jnp.int32),
        pltpu.VMEM((CH,), jnp.int32),
        pltpu.VMEM((CH, DH), jnp.float32),
        pltpu.VMEM_SHARED((N_NODE, DH), jnp.float32),
        pltpu.SemaphoreType.DMA,
        pltpu.SemaphoreType.DMA,
        pltpu.SemaphoreType.DMA,
        pltpu.SemaphoreType.DMA,
        pltpu.SemaphoreType.DMA,
    ],
)
def _sc_agg(h_L, h_R, src, dst, zrows,
            S_L, S_R,
            sidx0, didx0, rows0, sidx1, didx1, rows1, acc,
            sem_i0, sem_i1, sem_g0, sem_g1, sem_s):
    c = lax.axis_index("c")
    s = lax.axis_index("s")
    ebase = s * EPT

    _zero_acc(zrows, acc, s)
    plsc.subcore_barrier()

    @pl.when(c == 0)
    def _():
        _agg_pipelined(h_L, src, dst, acc, ebase,
                       sidx0, didx0, rows0, sidx1, didx1, rows1,
                       sem_i0, sem_i1, sem_g0, sem_g1, sem_s)

    @pl.when(c == 1)
    def _():
        _agg_pipelined(h_R, src, dst, acc, ebase,
                       sidx0, didx0, rows0, sidx1, didx1, rows1,
                       sem_i0, sem_i1, sem_g0, sem_g1, sem_s)

    plsc.subcore_barrier()

    @pl.when(c == 0)
    def _():
        _flush(acc, S_L, s)

    @pl.when(c == 1)
    def _():
        _flush(acc, S_R, s)


CH_C = 1000


def _zero_1d(zbuf, acc, s):
    pltpu.sync_copy(zbuf.at[pl.ds(0, RPT)], acc.at[pl.ds(s * RPT, RPT)])

    @pl.when(s == NS - 1)
    def _():
        pltpu.sync_copy(zbuf.at[pl.ds(0, REM)], acc.at[pl.ds(REM_BASE, REM)])


def _flush_1d(acc, cbuf, out, s):
    pltpu.sync_copy(acc.at[pl.ds(s * RPT, RPT)], cbuf.at[pl.ds(0, RPT)])
    pltpu.sync_copy(cbuf.at[pl.ds(0, RPT)], out.at[pl.ds(s * RPT, RPT)])

    @pl.when(s == NS - 1)
    def _():
        pltpu.sync_copy(acc.at[pl.ds(REM_BASE, REM)], cbuf.at[pl.ds(0, REM)])
        pltpu.sync_copy(cbuf.at[pl.ds(0, REM)], out.at[pl.ds(REM_BASE, REM)])


@functools.partial(
    pl.kernel,
    out_type=[
        jax.ShapeDtypeStruct((N_NODE,), jnp.float32),
        jax.ShapeDtypeStruct((N_NODE,), jnp.float32),
    ],
    mesh=_sc_mesh(),
    scratch_types=[
        pltpu.VMEM((CH_C,), jnp.int32),
        pltpu.VMEM((CH_C,), jnp.float32),
        pltpu.VMEM((RPT,), jnp.float32),
        pltpu.VMEM_SHARED((N_NODE,), jnp.float32),
    ],
)
def _sc_cnt(dst_ht, dst_th, zrows1, ones1,
            cnt_t, cnt_h,
            didx, ones_v, cbuf, acc_cnt):
    c = lax.axis_index("c")
    s = lax.axis_index("s")
    ebase = s * EPT

    pltpu.sync_copy(zrows1, cbuf)
    _zero_1d(cbuf, acc_cnt, s)
    pltpu.sync_copy(ones1, ones_v)
    plsc.subcore_barrier()

    def count_chunks(dst):
        def chunk(i, carry):
            base = ebase + i * CH_C
            pltpu.sync_copy(dst.at[pl.ds(base, CH_C)], didx)
            pltpu.sync_copy(ones_v, acc_cnt.at[didx], add=True)
            return carry

        lax.fori_loop(0, EPT // CH_C, chunk, 0)

    @pl.when(c == 0)
    def _():
        count_chunks(dst_ht)

    @pl.when(c == 1)
    def _():
        count_chunks(dst_th)

    plsc.subcore_barrier()

    @pl.when(c == 0)
    def _():
        _flush_1d(acc_cnt, cbuf, cnt_t, s)

    @pl.when(c == 1)
    def _():
        _flush_1d(acc_cnt, cbuf, cnt_h, s)


@functools.partial(
    pl.kernel,
    out_type=[
        jax.ShapeDtypeStruct((B, D), jnp.float32),
        jax.ShapeDtypeStruct((B, D), jnp.float32),
    ],
    mesh=_sc_mesh(),
    scratch_types=[
        pltpu.VMEM((BPT,), jnp.int32),
        pltpu.VMEM((DCH, D), jnp.float32),
    ],
)
def _sc_dec_gather(h_tail, eli0, eli1, z_src, z_dst, idx_v, rows):
    c = lax.axis_index("c")
    s = lax.axis_index("s")
    base = s * BPT

    def gather_to(eli, z_out):
        pltpu.sync_copy(eli.at[pl.ds(base, BPT)], idx_v)

        def chunk(k, carry):
            pltpu.sync_copy(h_tail.at[idx_v.at[pl.ds(k * DCH, DCH)]], rows)
            pltpu.sync_copy(rows, z_out.at[pl.ds(base + k * DCH, DCH)])
            return carry

        lax.fori_loop(0, BPT // DCH, chunk, 0)

    @pl.when(c == 0)
    def _():
        gather_to(eli0, z_src)

    @pl.when(c == 1)
    def _():
        gather_to(eli1, z_dst)



_TCR = 1000


def _tc_layer_body(xh, xt, StL, StR, ShL, ShR, cnt_t, cnt_h,
                   Wsh, Wnth, bh, Wst, Wnht, bt,
                   oh_L, oh_R, ot_L, ot_R):
    f32 = jnp.float32
    rt = 1.0 / jnp.maximum(cnt_t[...], 1.0)
    rh = 1.0 / jnp.maximum(cnt_h[...], 1.0)
    nh = jnp.dot(xh[...], Wsh[...], preferred_element_type=f32)
    nh = nh + jnp.dot(ShL[...] * rh, Wnth[:DH, :], preferred_element_type=f32)
    nh = nh + jnp.dot(ShR[...] * rh, Wnth[DH:, :], preferred_element_type=f32)
    nh = jnp.maximum(nh + bh[...], 0.0)
    oh_L[...] = nh[:, :DH]
    oh_R[...] = nh[:, DH:]
    nt = jnp.dot(xt[...], Wst[...], preferred_element_type=f32)
    nt = nt + jnp.dot(StL[...] * rt, Wnht[:DH, :], preferred_element_type=f32)
    nt = nt + jnp.dot(StR[...] * rt, Wnht[DH:, :], preferred_element_type=f32)
    nt = jnp.maximum(nt + bt[...], 0.0)
    ot_L[...] = nt[:, :DH]
    ot_R[...] = nt[:, DH:]


def _row_spec(w):
    return pl.BlockSpec((_TCR, w), lambda i: (i, 0))


def _full_spec(shape):
    return pl.BlockSpec(shape, lambda i: (0,) * len(shape))


def _tc_layer(xh, xt, StL, StR, ShL, ShR, cnt_t, cnt_h,
              Wsh, Wnth, bh, Wst, Wnht, bt):
    grid = (N_NODE // _TCR,)
    half = jax.ShapeDtypeStruct((N_NODE, DH), jnp.float32)
    return pl.pallas_call(
        _tc_layer_body,
        grid=grid,
        in_specs=[
            _row_spec(D), _row_spec(D),
            _row_spec(DH), _row_spec(DH), _row_spec(DH), _row_spec(DH),
            _row_spec(1), _row_spec(1),
            _full_spec((D, D)), _full_spec((D, D)), _full_spec((1, D)),
            _full_spec((D, D)), _full_spec((D, D)), _full_spec((1, D)),
        ],
        out_specs=[_row_spec(DH)] * 4,
        out_shape=[half] * 4,
        compiler_params=pltpu.CompilerParams(
            dimension_semantics=("parallel",)),
    )(xh, xt, StL, StR, ShL, ShR, cnt_t, cnt_h,
      Wsh, Wnth, bh, Wst, Wnht, bt)


def _tc_tail_body(htL, htR, StL, StR, cnt_t, Wst, Wnht, bt, out):
    f32 = jnp.float32
    rt = 1.0 / jnp.maximum(cnt_t[...], 1.0)
    nt = jnp.dot(htL[...], Wst[:DH, :], preferred_element_type=f32)
    nt = nt + jnp.dot(htR[...], Wst[DH:, :], preferred_element_type=f32)
    nt = nt + jnp.dot(StL[...] * rt, Wnht[:DH, :], preferred_element_type=f32)
    nt = nt + jnp.dot(StR[...] * rt, Wnht[DH:, :], preferred_element_type=f32)
    out[...] = jnp.maximum(nt + bt[...], 0.0)


def _tc_tail(htL, htR, StL, StR, cnt_t, Wst, Wnht, bt):
    grid = (N_NODE // _TCR,)
    return pl.pallas_call(
        _tc_tail_body,
        grid=grid,
        in_specs=[
            _row_spec(DH), _row_spec(DH), _row_spec(DH), _row_spec(DH),
            _row_spec(1),
            _full_spec((D, D)), _full_spec((D, D)), _full_spec((1, D)),
        ],
        out_specs=_row_spec(D),
        out_shape=jax.ShapeDtypeStruct((N_NODE, D), jnp.float32),
        compiler_params=pltpu.CompilerParams(
            dimension_semantics=("parallel",)),
    )(htL, htR, StL, StR, cnt_t, Wst, Wnht, bt)


def _tc_dec_body(zs, zd, W1a, W1b, b1, W2, b2, out):
    f32 = jnp.float32
    x = jnp.dot(zs[...], W1a[...], preferred_element_type=f32)
    x = x + jnp.dot(zd[...], W1b[...], preferred_element_type=f32)
    x = jnp.maximum(x + b1[...], 0.0)
    out[...] = jnp.dot(x, W2[...], preferred_element_type=f32) + b2[...]


def _tc_dec(z_src, z_dst, W1a, W1b, b1, W2, b2):
    return pl.pallas_call(
        _tc_dec_body,
        out_shape=jax.ShapeDtypeStruct((B, 1), jnp.float32),
    )(z_src, z_dst, W1a, W1b, b1, W2, b2)


def kernel(x_head, x_tail, edge_index_ht, edge_index_th, edge_label_index,
           Wsh0, Wnth0, bh0, Wst0, Wnht0, bt0,
           Wsh1, Wnth1, bh1, Wst1, Wnht1, bt1,
           lin1_W, lin1_b, lin2_W, lin2_b):
    i32 = jnp.int32
    src_ht = edge_index_ht[0].astype(i32)
    dst_ht = edge_index_ht[1].astype(i32)
    src_th = edge_index_th[0].astype(i32)
    dst_th = edge_index_th[1].astype(i32)
    eli0 = edge_label_index[0].astype(i32)
    eli1 = edge_label_index[1].astype(i32)

    xh_L, xh_R = x_head[:, :DH], x_head[:, DH:]
    xt_L, xt_R = x_tail[:, :DH], x_tail[:, DH:]

    zrows = jnp.zeros((RPT, DH), jnp.float32)
    zrows1 = jnp.zeros((RPT,), jnp.float32)
    ones1 = jnp.ones((CH_C,), jnp.float32)

    cnt_t1, cnt_h1 = _sc_cnt(dst_ht, dst_th, zrows1, ones1)
    cnt_t = cnt_t1.reshape(N_NODE, 1)
    cnt_h = cnt_h1.reshape(N_NODE, 1)
    StL, StR = _sc_agg(xh_L, xh_R, src_ht, dst_ht, zrows)
    ShL, ShR = _sc_agg(xt_L, xt_R, src_th, dst_th, zrows)

    h1hL, h1hR, h1tL, h1tR = _tc_layer(
        x_head, x_tail, StL, StR, ShL, ShR, cnt_t, cnt_h,
        Wsh0, Wnth0, bh0.reshape(1, D), Wst0, Wnht0, bt0.reshape(1, D))

    S1tL, S1tR = _sc_agg(h1hL, h1hR, src_ht, dst_ht, zrows)

    h2_tail = _tc_tail(h1tL, h1tR, S1tL, S1tR, cnt_t,
                       Wst1, Wnht1, bt1.reshape(1, D))

    z_src, z_dst = _sc_dec_gather(h2_tail, eli0, eli1)

    out = _tc_dec(z_src, z_dst, lin1_W[:D], lin1_W[D:],
                  lin1_b.reshape(1, D), lin2_W, lin2_b.reshape(1, 1))
    return out.reshape(-1)

# --- scband reference (transcript-rebuilt; emitter-appended) ---
"""Pipeline reference for scband-model-22196390985763 (READ-ONLY COPY).

The authoritative reference and input builder live on the scoring server;
editing this copy changes nothing except your own understanding.
"""

import jax, jax.numpy as jnp
import numpy as np

N_HEAD = 10000
N_TAIL = 10000
E = 160000
D = 256
B = 4096
NUM_LAYERS = 2


def mean_aggr(src_feat, src_idx, dst_idx, n_dst):
    msg = src_feat[src_idx]
    s = jax.ops.segment_sum(msg, dst_idx, num_segments=n_dst)
    cnt = jax.ops.segment_sum(jnp.ones((src_idx.shape[0], 1), dtype=src_feat.dtype), dst_idx, num_segments=n_dst)
    return s / jnp.maximum(cnt, 1.0)


def setup_inputs(seed: int = 0) -> dict:
    key = jax.random.key(seed)
    ks = jax.random.split(key, 32)
    inp = {}
    inp['x_head'] = jax.random.normal(ks[0], (N_HEAD, D), dtype=jnp.float32)
    inp['x_tail'] = jax.random.normal(ks[1], (N_TAIL, D), dtype=jnp.float32)
    inp['edge_index_ht'] = jax.random.randint(ks[2], (2, E), 0, N_HEAD, dtype=jnp.int32).astype(jnp.int64)
    inp['edge_index_th'] = jax.random.randint(ks[3], (2, E), 0, N_TAIL, dtype=jnp.int32).astype(jnp.int64)
    inp['edge_label_index'] = jax.random.randint(ks[4], (2, B), 0, N_TAIL, dtype=jnp.int32).astype(jnp.int64)
    sc = 1.0 / np.sqrt(D)
    i = 5
    for l in range(NUM_LAYERS):
        inp[f'Wsh{l}'] = jax.random.normal(ks[i + 0], (D, D), dtype=jnp.float32) * sc
        inp[f'Wnth{l}'] = jax.random.normal(ks[i + 1], (D, D), dtype=jnp.float32) * sc
        inp[f'bh{l}'] = jnp.zeros((D,), dtype=jnp.float32)
        inp[f'Wst{l}'] = jax.random.normal(ks[i + 2], (D, D), dtype=jnp.float32) * sc
        inp[f'Wnht{l}'] = jax.random.normal(ks[i + 3], (D, D), dtype=jnp.float32) * sc
        inp[f'bt{l}'] = jnp.zeros((D,), dtype=jnp.float32)
        i += 4
    inp['lin1_W'] = jax.random.normal(ks[i], (2 * D, D), dtype=jnp.float32) * (1.0 / np.sqrt(2 * D))
    inp['lin1_b'] = jnp.zeros((D,), dtype=jnp.float32)
    inp['lin2_W'] = jax.random.normal(ks[i + 1], (D, 1), dtype=jnp.float32) * sc
    inp['lin2_b'] = jnp.zeros((1,), dtype=jnp.float32)
    return inp


def reference(x_head, x_tail, edge_index_ht, edge_index_th, edge_label_index,
              Wsh0, Wnth0, bh0, Wst0, Wnht0, bt0,
              Wsh1, Wnth1, bh1, Wst1, Wnht1, bt1,
              lin1_W, lin1_b, lin2_W, lin2_b):
    layers = [
        (Wsh0, Wnth0, bh0, Wst0, Wnht0, bt0),
        (Wsh1, Wnth1, bh1, Wst1, Wnht1, bt1),
    ]
    h_head, h_tail = x_head, x_tail
    src_ht, dst_ht = edge_index_ht[0], edge_index_ht[1]
    src_th, dst_th = edge_index_th[0], edge_index_th[1]
    for (Wsh, Wnth, bh, Wst, Wnht, bt) in layers:
        # SAGE-mean conv per edge type; to_hetero with aggr='sum' (single incoming edge type per dst here)
        m_tail = mean_aggr(h_head, src_ht, dst_ht, N_TAIL)
        m_head = mean_aggr(h_tail, src_th, dst_th, N_HEAD)
        new_tail = h_tail @ Wst + m_tail @ Wnht + bt
        new_head = h_head @ Wsh + m_head @ Wnth + bh
        # norm is None; relu applied in HeteroGNN.forward
        h_head = jax.nn.relu(new_head)
        h_tail = jax.nn.relu(new_tail)
    # decoder: concat tail embeddings of sampled src/dst pairs
    z_src = h_tail[edge_label_index[0]]
    z_dst = h_tail[edge_label_index[1]]
    x = jnp.concatenate([z_src, z_dst], axis=-1)
    x = x @ lin1_W + lin1_b
    x = jax.nn.relu(x)
    # dropout p=0.0 (eval) -> identity
    x = x @ lin2_W + lin2_b
    return x.reshape(-1)

if __name__ == "__main__":
    import jax
    _d = setup_inputs()
    print(jax.jit(kernel)(*tuple(_d.values())))

</pallas_src>

<mosaic_0001>
#map = affine_map<(d0, d1) -> (0)>
module attributes {stable_mosaic.version = 14 : i64} {
  func.func @_sc_cnt(%arg0: i32, %arg1: i32, %arg2: memref<160000xi32, #tpu.memory_space<hbm>>, %arg3: memref<160000xi32, #tpu.memory_space<hbm>>, %arg4: memref<624xf32, #tpu.memory_space<hbm>>, %arg5: memref<1000xf32, #tpu.memory_space<hbm>>, %arg6: memref<10000xf32, #tpu.memory_space<hbm>>, %arg7: memref<10000xf32, #tpu.memory_space<hbm>>, %arg8: memref<1000xi32, #tpu.memory_space<vmem>>, %arg9: memref<1000xf32, #tpu.memory_space<vmem>>, %arg10: memref<624xf32, #tpu.memory_space<vmem>>, %arg11: memref<10000xf32, #tpu.memory_space<vmem_shared>>) attributes {dimension_semantics = [#tpu.dimension_semantics<core_parallel>, #tpu.dimension_semantics<subcore_parallel>], iteration_bounds = array<i64: 2, 16>, scalar_prefetch = 0 : i64, scratch_operands = 4 : i64, tpu.core_type = #tpu.core_type<sc_vector_subcore>, window_params = [{transform_indices = #map}, {transform_indices = #map}, {transform_indices = #map}, {transform_indices = #map}, {transform_indices = #map}, {transform_indices = #map}]} {
    %mul3A = arith.constant 10000 : i32
    %mul3A_0 = arith.muli %arg1, %mul3A : i32
    "tpu.region"() ({
      %run_scoped3A = tpu.sem_alloc : memref<!tpu.dma_semaphore, #tpu.memory_space<semaphore_mem>>
      tpu.enqueue_dma source(%arg4 : memref<624xf32, #tpu.memory_space<hbm>>) target(%arg10 : memref<624xf32, #tpu.memory_space<vmem>>) target_semaphore(%run_scoped3A : memref<!tpu.dma_semaphore, #tpu.memory_space<semaphore_mem>>)
      tpu.wait_dma2 semaphore(%run_scoped3A : memref<!tpu.dma_semaphore, #tpu.memory_space<semaphore_mem>>) src(%arg4 : memref<624xf32, #tpu.memory_space<hbm>>) dst(%arg10 : memref<624xf32, #tpu.memory_space<vmem>>)
      tpu.yield
    }) : () -> ()
    %mul3A_1 = arith.constant 624 : i32
    %mul3A_2 = arith.muli %arg1, %mul3A_1 : i32
    "tpu.region"() ({
      %run_scoped3A = tpu.sem_alloc : memref<!tpu.dma_semaphore, #tpu.memory_space<semaphore_mem>>
      %dma_start3A = arith.constant 0 : i32
      %dma_start3A_26 = tpu.memref_slice %arg10[%dma_start3A] : memref<624xf32, #tpu.memory_space<vmem>> -> memref<624xf32, #tpu.memory_space<vmem>>
      %dma_start3A_27 = tpu.memref_slice %arg11[%mul3A_2] : memref<10000xf32, #tpu.memory_space<vmem_shared>> -> memref<624xf32, #tpu.memory_space<vmem_shared>>
      %dma_start3A_28 = tpu.memref_slice %arg11[%mul3A_2] : memref<10000xf32, #tpu.memory_space<vmem_shared>> -> memref<624xf32, #tpu.memory_space<vmem_shared>>
      %dma_start3A_29 = arith.constant 0 : i32
      %dma_start3A_30 = tpu.memref_slice %arg10[%dma_start3A_29] : memref<624xf32, #tpu.memory_space<vmem>> -> memref<624xf32, #tpu.memory_space<vmem>>
      tpu.enqueue_dma source(%dma_start3A_30 : memref<624xf32, #tpu.memory_space<vmem>>) target(%dma_start3A_28 : memref<624xf32, #tpu.memory_space<vmem_shared>>) target_semaphore(%run_scoped3A : memref<!tpu.dma_semaphore, #tpu.memory_space<semaphore_mem>>)
      %dma_wait3A = arith.constant 0 : i32
      %dma_wait3A_31 = tpu.memref_slice %arg10[%dma_wait3A] : memref<624xf32, #tpu.memory_space<vmem>> -> memref<624xf32, #tpu.memory_space<vmem>>
      %dma_wait3A_32 = tpu.memref_slice %arg11[%mul3A_2] : memref<10000xf32, #tpu.memory_space<vmem_shared>> -> memref<624xf32, #tpu.memory_space<vmem_shared>>
      %dma_wait3A_33 = tpu.memref_slice %arg11[%mul3A_2] : memref<10000xf32, #tpu.memory_space<vmem_shared>> -> memref<624xf32, #tpu.memory_space<vmem_shared>>
      %dma_wait3A_34 = arith.constant 0 : i32
      %dma_wait3A_35 = tpu.memref_slice %arg10[%dma_wait3A_34] : memref<624xf32, #tpu.memory_space<vmem>> -> memref<624xf32, #tpu.memory_space<vmem>>
      tpu.wait_dma2 semaphore(%run_scoped3A : memref<!tpu.dma_semaphore, #tpu.memory_space<semaphore_mem>>) src(%dma_wait3A_35 : memref<624xf32, #tpu.memory_space<vmem>>) dst(%dma_wait3A_33 : memref<624xf32, #tpu.memory_space<vmem_shared>>)
      tpu.yield
    }) : () -> ()
    %eq3A = arith.constant 15 : i32
    %eq3A_3 = arith.cmpi eq, %arg1, %eq3A : i32
    %convert_element_type3A = arith.extui %eq3A_3 : i1 to i32
    %cond3A = arith.constant 0 : i32
    %cond3A_4 = arith.cmpi ne, %convert_element_type3A, %cond3A : i32
    scf.if %cond3A_4 {
      "tpu.region"() ({
        %run_scoped3A = tpu.sem_alloc : memref<!tpu.dma_semaphore, #tpu.memory_space<semaphore_mem>>
        %dma_start3A = arith.constant 0 : i32
        %dma_start3A_26 = tpu.memref_slice %arg10[%dma_start3A] : memref<624xf32, #tpu.memory_space<vmem>> -> memref<16xf32, #tpu.memory_space<vmem>>
        %dma_start3A_27 = arith.constant 9984 : i32
        %dma_start3A_28 = tpu.memref_slice %arg11[%dma_start3A_27] : memref<10000xf32, #tpu.memory_space<vmem_shared>> -> memref<16xf32, #tpu.memory_space<vmem_shared>>
        %dma_start3A_29 = arith.constant 9984 : i32
        %dma_start3A_30 = tpu.memref_slice %arg11[%dma_start3A_29] : memref<10000xf32, #tpu.memory_space<vmem_shared>> -> memref<16xf32, #tpu.memory_space<vmem_shared>>
        %dma_start3A_31 = arith.constant 0 : i32
        %dma_start3A_32 = tpu.memref_slice %arg10[%dma_start3A_31] : memref<624xf32, #tpu.memory_space<vmem>> -> memref<16xf32, #tpu.memory_space<vmem>>
        tpu.enqueue_dma source(%dma_start3A_32 : memref<16xf32, #tpu.memory_space<vmem>>) target(%dma_start3A_30 : memref<16xf32, #tpu.memory_space<vmem_shared>>) target_semaphore(%run_scoped3A : memref<!tpu.dma_semaphore, #tpu.memory_space<semaphore_mem>>)
        %dma_wait3A = arith.constant 0 : i32
        %dma_wait3A_33 = tpu.memref_slice %arg10[%dma_wait3A] : memref<624xf32, #tpu.memory_space<vmem>> -> memref<16xf32, #tpu.memory_space<vmem>>
        %dma_wait3A_34 = arith.constant 9984 : i32
        %dma_wait3A_35 = tpu.memref_slice %arg11[%dma_wait3A_34] : memref<10000xf32, #tpu.memory_space<vmem_shared>> -> memref<16xf32, #tpu.memory_space<vmem_shared>>
        %dma_wait3A_36 = arith.constant 9984 : i32
        %dma_wait3A_37 = tpu.memref_slice %arg11[%dma_wait3A_36] : memref<10000xf32, #tpu.memory_space<vmem_shared>> -> memref<16xf32, #tpu.memory_space<vmem_shared>>
        %dma_wait3A_38 = arith.constant 0 : i32
        %dma_wait3A_39 = tpu.memref_slice %arg10[%dma_wait3A_38] : memref<624xf32, #tpu.memory_space<vmem>> -> memref<16xf32, #tpu.memory_space<vmem>>
        tpu.wait_dma2 semaphore(%run_scoped3A : memref<!tpu.dma_semaphore, #tpu.memory_space<semaphore_mem>>) src(%dma_wait3A_39 : memref<16xf32, #tpu.memory_space<vmem>>) dst(%dma_wait3A_37 : memref<16xf32, #tpu.memory_space<vmem_shared>>)
        tpu.yield
      }) : () -> ()
    } else {
    }
    "tpu.region"() ({
      %run_scoped3A = tpu.sem_alloc : memref<!tpu.dma_semaphore, #tpu.memory_space<semaphore_mem>>
      tpu.enqueue_dma source(%arg5 : memref<1000xf32, #tpu.memory_space<hbm>>) target(%arg9 : memref<1000xf32, #tpu.memory_space<vmem>>) target_semaphore(%run_scoped3A : memref<!tpu.dma_semaphore, #tpu.memory_space<semaphore_mem>>)
      tpu.wait_dma2 semaphore(%run_scoped3A : memref<!tpu.dma_semaphore, #tpu.memory_space<semaphore_mem>>) src(%arg5 : memref<1000xf32, #tpu.memory_space<hbm>>) dst(%arg9 : memref<1000xf32, #tpu.memory_space<vmem>>)
      tpu.yield
    }) : () -> ()
    %barrier3A = arith.constant 0 : index
    tpu.barrier barrier_id(%barrier3A)
    %eq3A_5 = arith.constant 0 : i32
    %eq3A_6 = arith.cmpi eq, %arg0, %eq3A_5 : i32
    %convert_element_type3A_7 = arith.extui %eq3A_6 : i1 to i32
    %cond3A_8 = arith.constant 0 : i32
    %cond3A_9 = arith.cmpi ne, %convert_element_type3A_7, %cond3A_8 : i32
    scf.if %cond3A_9 {
      %scan3A = arith.constant 0 : i32
      %scan3A_26 = arith.constant 0 : i32
      %scan3A_27 = arith.constant 10 : i32
      %scan3A_28 = arith.addi %scan3A_26, %scan3A_27 : i32
      %scan3A_29 = arith.constant 1 : i32
      scf.for %scan3A_31 = %scan3A_26 to %scan3A_28 step %scan3A_29  : i32 {
        %mul3A_32 = arith.constant 1000 : i32
        %mul3A_33 = arith.muli %scan3A_31, %mul3A_32 : i32
        %add3A = arith.addi %mul3A_0, %mul3A_33 : i32
        "tpu.region"() ({
          %run_scoped3A = tpu.sem_alloc : memref<!tpu.dma_semaphore, #tpu.memory_space<semaphore_mem>>
          %dma_start3A = tpu.memref_slice %arg2[%add3A] : memref<160000xi32, #tpu.memory_space<hbm>> -> memref<1000xi32, #tpu.memory_space<hbm>>
          %dma_start3A_34 = tpu.memref_slice %arg2[%add3A] : memref<160000xi32, #tpu.memory_space<hbm>> -> memref<1000xi32, #tpu.memory_space<hbm>>
          tpu.enqueue_dma source(%dma_start3A_34 : memref<1000xi32, #tpu.memory_space<hbm>>) target(%arg8 : memref<1000xi32, #tpu.memory_space<vmem>>) target_semaphore(%run_scoped3A : memref<!tpu.dma_semaphore, #tpu.memory_space<semaphore_mem>>)
          %dma_wait3A = tpu.memref_slice %arg2[%add3A] : memref<160000xi32, #tpu.memory_space<hbm>> -> memref<1000xi32, #tpu.memory_space<hbm>>
          %dma_wait3A_35 = tpu.memref_slice %arg2[%add3A] : memref<160000xi32, #tpu.memory_space<hbm>> -> memref<1000xi32, #tpu.memory_space<hbm>>
          tpu.wait_dma2 semaphore(%run_scoped3A : memref<!tpu.dma_semaphore, #tpu.memory_space<semaphore_mem>>) src(%dma_wait3A_35 : memref<1000xi32, #tpu.memory_space<hbm>>) dst(%arg8 : memref<1000xi32, #tpu.memory_space<vmem>>)
          tpu.yield
        }) : () -> ()
        "tpu.region"() ({
          %run_scoped3A = tpu.sem_alloc : memref<!tpu.dma_semaphore, #tpu.memory_space<semaphore_mem>>
          %dma_start3A = arith.constant 0 : i32
          %dma_start3A_34 = tpu.memref_slice %arg11[%dma_start3A] : memref<10000xf32, #tpu.memory_space<vmem_shared>> -> memref<10000xf32, #tpu.memory_space<vmem_shared>>
          tpu.enqueue_indirect_dma source(%arg9 : memref<1000xf32, #tpu.memory_space<vmem>>) target(%dma_start3A_34 : memref<10000xf32, #tpu.memory_space<vmem_shared>>) offsets(%arg8 : memref<1000xi32, #tpu.memory_space<vmem>>) semaphore(%run_scoped3A : memref<!tpu.dma_semaphore, #tpu.memory_space<semaphore_mem>>) {add = true}
          %dma_wait3A = arith.constant 0 : i32
          %dma_wait3A_35 = tpu.memref_slice %arg11[%dma_wait3A] : memref<10000xf32, #tpu.memory_space<vmem_shared>> -> memref<10000xf32, #tpu.memory_space<vmem_shared>>
          tpu.wait_indirect_dma semaphore(%run_scoped3A : memref<!tpu.dma_semaphore, #tpu.memory_space<semaphore_mem>>) src(%arg9 : memref<1000xf32, #tpu.memory_space<vmem>>) dst(%dma_wait3A_35 : memref<10000xf32, #tpu.memory_space<vmem_shared>>)
          tpu.yield
        }) : () -> ()
      }
      %scan3A_30 = arith.constant 10 : i32
    } else {
    }
    %eq3A_10 = arith.constant 1 : i32
    %eq3A_11 = arith.cmpi eq, %arg0, %eq3A_10 : i32
    %convert_element_type3A_12 = arith.extui %eq3A_11 : i1 to i32
    %cond3A_13 = arith.constant 0 : i32
    %cond3A_14 = arith.cmpi ne, %convert_element_type3A_12, %cond3A_13 : i32
    scf.if %cond3A_14 {
      %scan3A = arith.constant 0 : i32
      %scan3A_26 = arith.constant 0 : i32
      %scan3A_27 = arith.constant 10 : i32
      %scan3A_28 = arith.addi %scan3A_26, %scan3A_27 : i32
      %scan3A_29 = arith.constant 1 : i32
      scf.for %scan3A_31 = %scan3A_26 to %scan3A_28 step %scan3A_29  : i32 {
        %mul3A_32 = arith.constant 1000 : i32
        %mul3A_33 = arith.muli %scan3A_31, %mul3A_32 : i32
        %add3A = arith.addi %mul3A_0, %mul3A_33 : i32
        "tpu.region"() ({
          %run_scoped3A = tpu.sem_alloc : memref<!tpu.dma_semaphore, #tpu.memory_space<semaphore_mem>>
          %dma_start3A = tpu.memref_slice %arg3[%add3A] : memref<160000xi32, #tpu.memory_space<hbm>> -> memref<1000xi32, #tpu.memory_space<hbm>>
          %dma_start3A_34 = tpu.memref_slice %arg3[%add3A] : memref<160000xi32, #tpu.memory_space<hbm>> -> memref<1000xi32, #tpu.memory_space<hbm>>
          tpu.enqueue_dma source(%dma_start3A_34 : memref<1000xi32, #tpu.memory_space<hbm>>) target(%arg8 : memref<1000xi32, #tpu.memory_space<vmem>>) target_semaphore(%run_scoped3A : memref<!tpu.dma_semaphore, #tpu.memory_space<semaphore_mem>>)
          %dma_wait3A = tpu.memref_slice %arg3[%add3A] : memref<160000xi32, #tpu.memory_space<hbm>> -> memref<1000xi32, #tpu.memory_space<hbm>>
          %dma_wait3A_35 = tpu.memref_slice %arg3[%add3A] : memref<160000xi32, #tpu.memory_space<hbm>> -> memref<1000xi32, #tpu.memory_space<hbm>>
          tpu.wait_dma2 semaphore(%run_scoped3A : memref<!tpu.dma_semaphore, #tpu.memory_space<semaphore_mem>>) src(%dma_wait3A_35 : memref<1000xi32, #tpu.memory_space<hbm>>) dst(%arg8 : memref<1000xi32, #tpu.memory_space<vmem>>)
          tpu.yield
        }) : () -> ()
        "tpu.region"() ({
          %run_scoped3A = tpu.sem_alloc : memref<!tpu.dma_semaphore, #tpu.memory_space<semaphore_mem>>
          %dma_start3A = arith.constant 0 : i32
          %dma_start3A_34 = tpu.memref_slice %arg11[%dma_start3A] : memref<10000xf32, #tpu.memory_space<vmem_shared>> -> memref<10000xf32, #tpu.memory_space<vmem_shared>>
          tpu.enqueue_indirect_dma source(%arg9 : memref<1000xf32, #tpu.memory_space<vmem>>) target(%dma_start3A_34 : memref<10000xf32, #tpu.memory_space<vmem_shared>>) offsets(%arg8 : memref<1000xi32, #tpu.memory_space<vmem>>) semaphore(%run_scoped3A : memref<!tpu.dma_semaphore, #tpu.memory_space<semaphore_mem>>) {add = true}
          %dma_wait3A = arith.constant 0 : i32
          %dma_wait3A_35 = tpu.memref_slice %arg11[%dma_wait3A] : memref<10000xf32, #tpu.memory_space<vmem_shared>> -> memref<10000xf32, #tpu.memory_space<vmem_shared>>
          tpu.wait_indirect_dma semaphore(%run_scoped3A : memref<!tpu.dma_semaphore, #tpu.memory_space<semaphore_mem>>) src(%arg9 : memref<1000xf32, #tpu.memory_space<vmem>>) dst(%dma_wait3A_35 : memref<10000xf32, #tpu.memory_space<vmem_shared>>)
          tpu.yield
        }) : () -> ()
      }
      %scan3A_30 = arith.constant 10 : i32
    } else {
    }
    %barrier3A_15 = arith.constant 0 : index
    tpu.barrier barrier_id(%barrier3A_15)
    %eq3A_16 = arith.constant 0 : i32
    %eq3A_17 = arith.cmpi eq, %arg0, %eq3A_16 : i32
    %convert_element_type3A_18 = arith.extui %eq3A_17 : i1 to i32
    %cond3A_19 = arith.constant 0 : i32
    %cond3A_20 = arith.cmpi ne, %convert_element_type3A_18, %cond3A_19 : i32
    scf.if %cond3A_20 {
      %mul3A_26 = arith.constant 624 : i32
      %mul3A_27 = arith.muli %arg1, %mul3A_26 : i32
      "tpu.region"() ({
        %run_scoped3A = tpu.sem_alloc : memref<!tpu.dma_semaphore, #tpu.memory_space<semaphore_mem>>
        %dma_start3A = arith.constant 0 : i32
        %dma_start3A_35 = tpu.memref_slice %arg10[%dma_start3A] : memref<624xf32, #tpu.memory_space<vmem>> -> memref<624xf32, #tpu.memory_space<vmem>>
        %dma_start3A_36 = tpu.memref_slice %arg11[%mul3A_27] : memref<10000xf32, #tpu.memory_space<vmem_shared>> -> memref<624xf32, #tpu.memory_space<vmem_shared>>
        %dma_start3A_37 = arith.constant 0 : i32
        %dma_start3A_38 = tpu.memref_slice %arg10[%dma_start3A_37] : memref<624xf32, #tpu.memory_space<vmem>> -> memref<624xf32, #tpu.memory_space<vmem>>
        %dma_start3A_39 = tpu.memref_slice %arg11[%mul3A_27] : memref<10000xf32, #tpu.memory_space<vmem_shared>> -> memref<624xf32, #tpu.memory_space<vmem_shared>>
        tpu.enqueue_dma source(%dma_start3A_39 : memref<624xf32, #tpu.memory_space<vmem_shared>>) target(%dma_start3A_38 : memref<624xf32, #tpu.memory_space<vmem>>) target_semaphore(%run_scoped3A : memref<!tpu.dma_semaphore, #tpu.memory_space<semaphore_mem>>)
        %dma_wait3A = arith.constant 0 : i32
        %dma_wait3A_40 = tpu.memref_slice %arg10[%dma_wait3A] : memref<624xf32, #tpu.memory_space<vmem>> -> memref<624xf32, #tpu.memory_space<vmem>>
        %dma_wait3A_41 = tpu.memref_slice %arg11[%mul3A_27] : memref<10000xf32, #tpu.memory_space<vmem_shared>> -> memref<624xf32, #tpu.memory_space<vmem_shared>>
        %dma_wait3A_42 = arith.constant 0 : i32
        %dma_wait3A_43 = tpu.memref_slice %arg10[%dma_wait3A_42] : memref<624xf32, #tpu.memory_space<vmem>> -> memref<624xf32, #tpu.memory_space<vmem>>
        %dma_wait3A_44 = tpu.memref_slice %arg11[%mul3A_27] : memref<10000xf32, #tpu.memory_space<vmem_shared>> -> memref<624xf32, #tpu.memory_space<vmem_shared>>
        tpu.wait_dma2 semaphore(%run_scoped3A : memref<!tpu.dma_semaphore, #tpu.memory_space<semaphore_mem>>) src(%dma_wait3A_44 : memref<624xf32, #tpu.memory_space<vmem_shared>>) dst(%dma_wait3A_43 : memref<624xf32, #tpu.memory_space<vmem>>)
        tpu.yield
      }) : () -> ()
      %mul3A_28 = arith.constant 624 : i32
      %mul3A_29 = arith.muli %arg1, %mul3A_28 : i32
      "tpu.region"() ({
        %run_scoped3A = tpu.sem_alloc : memref<!tpu.dma_semaphore, #tpu.memory_space<semaphore_mem>>
        %dma_start3A = arith.constant 0 : i32
        %dma_start3A_35 = tpu.memref_slice %arg10[%dma_start3A] : memref<624xf32, #tpu.memory_space<vmem>> -> memref<624xf32, #tpu.memory_space<vmem>>
        %dma_start3A_36 = tpu.memref_slice %arg6[%mul3A_29] : memref<10000xf32, #tpu.memory_space<hbm>> -> memref<624xf32, #tpu.memory_space<hbm>>
        %dma_start3A_37 = tpu.memref_slice %arg6[%mul3A_29] : memref<10000xf32, #tpu.memory_space<hbm>> -> memref<624xf32, #tpu.memory_space<hbm>>
        %dma_start3A_38 = arith.constant 0 : i32
        %dma_start3A_39 = tpu.memref_slice %arg10[%dma_start3A_38] : memref<624xf32, #tpu.memory_space<vmem>> -> memref<624xf32, #tpu.memory_space<vmem>>
        tpu.enqueue_dma source(%dma_start3A_39 : memref<624xf32, #tpu.memory_space<vmem>>) target(%dma_start3A_37 : memref<624xf32, #tpu.memory_space<hbm>>) target_semaphore(%run_scoped3A : memref<!tpu.dma_semaphore, #tpu.memory_space<semaphore_mem>>)
        %dma_wait3A = arith.constant 0 : i32
        %dma_wait3A_40 = tpu.memref_slice %arg10[%dma_wait3A] : memref<624xf32, #tpu.memory_space<vmem>> -> memref<624xf32, #tpu.memory_space<vmem>>
        %dma_wait3A_41 = tpu.memref_slice %arg6[%mul3A_29] : memref<10000xf32, #tpu.memory_space<hbm>> -> memref<624xf32, #tpu.memory_space<hbm>>
        %dma_wait3A_42 = tpu.memref_slice %arg6[%mul3A_29] : memref<10000xf32, #tpu.memory_space<hbm>> -> memref<624xf32, #tpu.memory_space<hbm>>
        %dma_wait3A_43 = arith.constant 0 : i32
        %dma_wait3A_44 = tpu.memref_slice %arg10[%dma_wait3A_43] : memref<624xf32, #tpu.memory_space<vmem>> -> memref<624xf32, #tpu.memory_space<vmem>>
        tpu.wait_dma2 semaphore(%run_scoped3A : memref<!tpu.dma_semaphore, #tpu.memory_space<semaphore_mem>>) src(%dma_wait3A_44 : memref<624xf32, #tpu.memory_space<vmem>>) dst(%dma_wait3A_42 : memref<624xf32, #tpu.memory_space<hbm>>)
        tpu.yield
      }) : () -> ()
      %eq3A_30 = arith.constant 15 : i32
      %eq3A_31 = arith.cmpi eq, %arg1, %eq3A_30 : i32
      %convert_element_type3A_32 = arith.extui %eq3A_31 : i1 to i32
      %cond3A_33 = arith.constant 0 : i32
      %cond3A_34 = arith.cmpi ne, %convert_element_type3A_32, %cond3A_33 : i32
      scf.if %cond3A_34 {
        "tpu.region"() ({
          %run_scoped3A = tpu.sem_alloc : memref<!tpu.dma_semaphore, #tpu.memory_space<semaphore_mem>>
          %dma_start3A = arith.constant 0 : i32
          %dma_start3A_35 = tpu.memref_slice %arg10[%dma_start3A] : memref<624xf32, #tpu.memory_space<vmem>> -> memref<16xf32, #tpu.memory_space<vmem>>
          %dma_start3A_36 = arith.constant 9984 : i32
          %dma_start3A_37 = tpu.memref_slice %arg11[%dma_start3A_36] : memref<10000xf32, #tpu.memory_space<vmem_shared>> -> memref<16xf32, #tpu.memory_space<vmem_shared>>
          %dma_start3A_38 = arith.constant 0 : i32
          %dma_start3A_39 = tpu.memref_slice %arg10[%dma_start3A_38] : memref<624xf32, #tpu.memory_space<vmem>> -> memref<16xf32, #tpu.memory_space<vmem>>
          %dma_start3A_40 = arith.constant 9984 : i32
          %dma_start3A_41 = tpu.memref_slice %arg11[%dma_start3A_40] : memref<10000xf32, #tpu.memory_space<vmem_shared>> -> memref<16xf32, #tpu.memory_space<vmem_shared>>
          tpu.enqueue_dma source(%dma_start3A_41 : memref<16xf32, #tpu.memory_space<vmem_shared>>) target(%dma_start3A_39 : memref<16xf32, #tpu.memory_space<vmem>>) target_semaphore(%run_scoped3A : memref<!tpu.dma_semaphore, #tpu.memory_space<semaphore_mem>>)
          %dma_wait3A = arith.constant 0 : i32
          %dma_wait3A_42 = tpu.memref_slice %arg10[%dma_wait3A] : memref<624xf32, #tpu.memory_space<vmem>> -> memref<16xf32, #tpu.memory_space<vmem>>
          %dma_wait3A_43 = arith.constant 9984 : i32
          %dma_wait3A_44 = tpu.memref_slice %arg11[%dma_wait3A_43] : memref<10000xf32, #tpu.memory_space<vmem_shared>> -> memref<16xf32, #tpu.memory_space<vmem_shared>>
          %dma_wait3A_45 = arith.constant 0 : i32
          %dma_wait3A_46 = tpu.memref_slice %arg10[%dma_wait3A_45] : memref<624xf32, #tpu.memory_space<vmem>> -> memref<16xf32, #tpu.memory_space<vmem>>
          %dma_wait3A_47 = arith.constant 9984 : i32
          %dma_wait3A_48 = tpu.memref_slice %arg11[%dma_wait3A_47] : memref<10000xf32, #tpu.memory_space<vmem_shared>> -> memref<16xf32, #tpu.memory_space<vmem_shared>>
          tpu.wait_dma2 semaphore(%run_scoped3A : memref<!tpu.dma_semaphore, #tpu.memory_space<semaphore_mem>>) src(%dma_wait3A_48 : memref<16xf32, #tpu.memory_space<vmem_shared>>) dst(%dma_wait3A_46 : memref<16xf32, #tpu.memory_space<vmem>>)
          tpu.yield
        }) : () -> ()
        "tpu.region"() ({
          %run_scoped3A = tpu.sem_alloc : memref<!tpu.dma_semaphore, #tpu.memory_space<semaphore_mem>>
          %dma_start3A = arith.constant 0 : i32
          %dma_start3A_35 = tpu.memref_slice %arg10[%dma_start3A] : memref<624xf32, #tpu.memory_space<vmem>> -> memref<16xf32, #tpu.memory_space<vmem>>
          %dma_start3A_36 = arith.constant 9984 : i32
          %dma_start3A_37 = tpu.memref_slice %arg6[%dma_start3A_36] : memref<10000xf32, #tpu.memory_space<hbm>> -> memref<16xf32, #tpu.memory_space<hbm>>
          %dma_start3A_38 = arith.constant 9984 : i32
          %dma_start3A_39 = tpu.memref_slice %arg6[%dma_start3A_38] : memref<10000xf32, #tpu.memory_space<hbm>> -> memref<16xf32, #tpu.memory_space<hbm>>
          %dma_start3A_40 = arith.constant 0 : i32
          %dma_start3A_41 = tpu.memref_slice %arg10[%dma_start3A_40] : memref<624xf32, #tpu.memory_space<vmem>> -> memref<16xf32, #tpu.memory_space<vmem>>
          tpu.enqueue_dma source(%dma_start3A_41 : memref<16xf32, #tpu.memory_space<vmem>>) target(%dma_start3A_39 : memref<16xf32, #tpu.memory_space<hbm>>) target_semaphore(%run_scoped3A : memref<!tpu.dma_semaphore, #tpu.memory_space<semaphore_mem>>)
          %dma_wait3A = arith.constant 0 : i32
          %dma_wait3A_42 = tpu.memref_slice %arg10[%dma_wait3A] : memref<624xf32, #tpu.memory_space<vmem>> -> memref<16xf32, #tpu.memory_space<vmem>>
          %dma_wait3A_43 = arith.constant 9984 : i32
          %dma_wait3A_44 = tpu.memref_slice %arg6[%dma_wait3A_43] : memref<10000xf32, #tpu.memory_space<hbm>> -> memref<16xf32, #tpu.memory_space<hbm>>
          %dma_wait3A_45 = arith.constant 9984 : i32
          %dma_wait3A_46 = tpu.memref_slice %arg6[%dma_wait3A_45] : memref<10000xf32, #tpu.memory_space<hbm>> -> memref<16xf32, #tpu.memory_space<hbm>>
          %dma_wait3A_47 = arith.constant 0 : i32
          %dma_wait3A_48 = tpu.memref_slice %arg10[%dma_wait3A_47] : memref<624xf32, #tpu.memory_space<vmem>> -> memref<16xf32, #tpu.memory_space<vmem>>
          tpu.wait_dma2 semaphore(%run_scoped3A : memref<!tpu.dma_semaphore, #tpu.memory_space<semaphore_mem>>) src(%dma_wait3A_48 : memref<16xf32, #tpu.memory_space<vmem>>) dst(%dma_wait3A_46 : memref<16xf32, #tpu.memory_space<hbm>>)
          tpu.yield
        }) : () -> ()
      } else {
      }
    } else {
    }
    %eq3A_21 = arith.constant 1 : i32
    %eq3A_22 = arith.cmpi eq, %arg0, %eq3A_21 : i32
    %convert_element_type3A_23 = arith.extui %eq3A_22 : i1 to i32
    %cond3A_24 = arith.constant 0 : i32
    %cond3A_25 = arith.cmpi ne, %convert_element_type3A_23, %cond3A_24 : i32
    scf.if %cond3A_25 {
      %mul3A_26 = arith.constant 624 : i32
      %mul3A_27 = arith.muli %arg1, %mul3A_26 : i32
      "tpu.region"() ({
        %run_scoped3A = tpu.sem_alloc : memref<!tpu.dma_semaphore, #tpu.memory_space<semaphore_mem>>
        %dma_start3A = arith.constant 0 : i32
        %dma_start3A_35 = tpu.memref_slice %arg10[%dma_start3A] : memref<624xf32, #tpu.memory_space<vmem>> -> memref<624xf32, #tpu.memory_space<vmem>>
        %dma_start3A_36 = tpu.memref_slice %arg11[%mul3A_27] : memref<10000xf32, #tpu.memory_space<vmem_shared>> -> memref<624xf32, #tpu.memory_space<vmem_shared>>
        %dma_start3A_37 = arith.constant 0 : i32
        %dma_start3A_38 = tpu.memref_slice %arg10[%dma_start3A_37] : memref<624xf32, #tpu.memory_space<vmem>> -> memref<624xf32, #tpu.memory_space<vmem>>
        %dma_start3A_39 = tpu.memref_slice %arg11[%mul3A_27] : memref<10000xf32, #tpu.memory_space<vmem_shared>> -> memref<624xf32, #tpu.memory_space<vmem_shared>>
        tpu.enqueue_dma source(%dma_start3A_39 : memref<624xf32, #tpu.memory_space<vmem_shared>>) target(%dma_start3A_38 : memref<624xf32, #tpu.memory_space<vmem>>) target_semaphore(%run_scoped3A : memref<!tpu.dma_semaphore, #tpu.memory_space<semaphore_mem>>)
        %dma_wait3A = arith.constant 0 : i32
        %dma_wait3A_40 = tpu.memref_slice %arg10[%dma_wait3A] : memref<624xf32, #tpu.memory_space<vmem>> -> memref<624xf32, #tpu.memory_space<vmem>>
        %dma_wait3A_41 = tpu.memref_slice %arg11[%mul3A_27] : memref<10000xf32, #tpu.memory_space<vmem_shared>> -> memref<624xf32, #tpu.memory_space<vmem_shared>>
        %dma_wait3A_42 = arith.constant 0 : i32
        %dma_wait3A_43 = tpu.memref_slice %arg10[%dma_wait3A_42] : memref<624xf32, #tpu.memory_space<vmem>> -> memref<624xf32, #tpu.memory_space<vmem>>
        %dma_wait3A_44 = tpu.memref_slice %arg11[%mul3A_27] : memref<10000xf32, #tpu.memory_space<vmem_shared>> -> memref<624xf32, #tpu.memory_space<vmem_shared>>
        tpu.wait_dma2 semaphore(%run_scoped3A : memref<!tpu.dma_semaphore, #tpu.memory_space<semaphore_mem>>) src(%dma_wait3A_44 : memref<624xf32, #tpu.memory_space<vmem_shared>>) dst(%dma_wait3A_43 : memref<624xf32, #tpu.memory_space<vmem>>)
        tpu.yield
      }) : () -> ()
      %mul3A_28 = arith.constant 624 : i32
      %mul3A_29 = arith.muli %arg1, %mul3A_28 : i32
      "tpu.region"() ({
        %run_scoped3A = tpu.sem_alloc : memref<!tpu.dma_semaphore, #tpu.memory_space<semaphore_mem>>
        %dma_start3A = arith.constant 0 : i32
        %dma_start3A_35 = tpu.memref_slice %arg10[%dma_start3A] : memref<624xf32, #tpu.memory_space<vmem>> -> memref<624xf32, #tpu.memory_space<vmem>>
        %dma_start3A_36 = tpu.memref_slice %arg7[%mul3A_29] : memref<10000xf32, #tpu.memory_space<hbm>> -> memref<624xf32, #tpu.memory_space<hbm>>
        %dma_start3A_37 = tpu.memref_slice %arg7[%mul3A_29] : memref<10000xf32, #tpu.memory_space<hbm>> -> memref<624xf32, #tpu.memory_space<hbm>>
        %dma_start3A_38 = arith.constant 0 : i32
        %dma_start3A_39 = tpu.memref_slice %arg10[%dma_start3A_38] : memref<624xf32, #tpu.memory_space<vmem>> -> memref<624xf32, #tpu.memory_space<vmem>>
        tpu.enqueue_dma source(%dma_start3A_39 : memref<624xf32, #tpu.memory_space<vmem>>) target(%dma_start3A_37 : memref<624xf32, #tpu.memory_space<hbm>>) target_semaphore(%run_scoped3A : memref<!tpu.dma_semaphore, #tpu.memory_space<semaphore_mem>>)
        %dma_wait3A = arith.constant 0 : i32
        %dma_wait3A_40 = tpu.memref_slice %arg10[%dma_wait3A] : memref<624xf32, #tpu.memory_space<vmem>> -> memref<624xf32, #tpu.memory_space<vmem>>
        %dma_wait3A_41 = tpu.memref_slice %arg7[%mul3A_29] : memref<10000xf32, #tpu.memory_space<hbm>> -> memref<624xf32, #tpu.memory_space<hbm>>
        %dma_wait3A_42 = tpu.memref_slice %arg7[%mul3A_29] : memref<10000xf32, #tpu.memory_space<hbm>> -> memref<624xf32, #tpu.memory_space<hbm>>
        %dma_wait3A_43 = arith.constant 0 : i32
        %dma_wait3A_44 = tpu.memref_slice %arg10[%dma_wait3A_43] : memref<624xf32, #tpu.memory_space<vmem>> -> memref<624xf32, #tpu.memory_space<vmem>>
        tpu.wait_dma2 semaphore(%run_scoped3A : memref<!tpu.dma_semaphore, #tpu.memory_space<semaphore_mem>>) src(%dma_wait3A_44 : memref<624xf32, #tpu.memory_space<vmem>>) dst(%dma_wait3A_42 : memref<624xf32, #tpu.memory_space<hbm>>)
        tpu.yield
      }) : () -> ()
      %eq3A_30 = arith.constant 15 : i32
      %eq3A_31 = arith.cmpi eq, %arg1, %eq3A_30 : i32
      %convert_element_type3A_32 = arith.extui %eq3A_31 : i1 to i32
      %cond3A_33 = arith.constant 0 : i32
      %cond3A_34 = arith.cmpi ne, %convert_element_type3A_32, %cond3A_33 : i32
      scf.if %cond3A_34 {
        "tpu.region"() ({
          %run_scoped3A = tpu.sem_alloc : memref<!tpu.dma_semaphore, #tpu.memory_space<semaphore_mem>>
          %dma_start3A = arith.constant 0 : i32
          %dma_start3A_35 = tpu.memref_slice %arg10[%dma_start3A] : memref<624xf32, #tpu.memory_space<vmem>> -> memref<16xf32, #tpu.memory_space<vmem>>
          %dma_start3A_36 = arith.constant 9984 : i32
          %dma_start3A_37 = tpu.memref_slice %arg11[%dma_start3A_36] : memref<10000xf32, #tpu.memory_space<vmem_shared>> -> memref<16xf32, #tpu.memory_space<vmem_shared>>
          %dma_start3A_38 = arith.constant 0 : i32
          %dma_start3A_39 = tpu.memref_slice %arg10[%dma_start3A_38] : memref<624xf32, #tpu.memory_space<vmem>> -> memref<16xf32, #tpu.memory_space<vmem>>
          %dma_start3A_40 = arith.constant 9984 : i32
          %dma_start3A_41 = tpu.memref_slice %arg11[%dma_start3A_40] : memref<10000xf32, #tpu.memory_space<vmem_shared>> -> memref<16xf32, #tpu.memory_space<vmem_shared>>
          tpu.enqueue_dma source(%dma_start3A_41 : memref<16xf32, #tpu.memory_space<vmem_shared>>) target(%dma_start3A_39 : memref<16xf32, #tpu.memory_space<vmem>>) target_semaphore(%run_scoped3A : memref<!tpu.dma_semaphore, #tpu.memory_space<semaphore_mem>>)
          %dma_wait3A = arith.constant 0 : i32
          %dma_wait3A_42 = tpu.memref_slice %arg10[%dma_wait3A] : memref<624xf32, #tpu.memory_space<vmem>> -> memref<16xf32, #tpu.memory_space<vmem>>
          %dma_wait3A_43 = arith.constant 9984 : i32
          %dma_wait3A_44 = tpu.memref_slice %arg11[%dma_wait3A_43] : memref<10000xf32, #tpu.memory_space<vmem_shared>> -> memref<16xf32, #tpu.memory_space<vmem_shared>>
          %dma_wait3A_45 = arith.constant 0 : i32
          %dma_wait3A_46 = tpu.memref_slice %arg10[%dma_wait3A_45] : memref<624xf32, #tpu.memory_space<vmem>> -> memref<16xf32, #tpu.memory_space<vmem>>
          %dma_wait3A_47 = arith.constant 9984 : i32
          %dma_wait3A_48 = tpu.memref_slice %arg11[%dma_wait3A_47] : memref<10000xf32, #tpu.memory_space<vmem_shared>> -> memref<16xf32, #tpu.memory_space<vmem_shared>>
          tpu.wait_dma2 semaphore(%run_scoped3A : memref<!tpu.dma_semaphore, #tpu.memory_space<semaphore_mem>>) src(%dma_wait3A_48 : memref<16xf32, #tpu.memory_space<vmem_shared>>) dst(%dma_wait3A_46 : memref<16xf32, #tpu.memory_space<vmem>>)
          tpu.yield
        }) : () -> ()
        "tpu.region"() ({
          %run_scoped3A = tpu.sem_alloc : memref<!tpu.dma_semaphore, #tpu.memory_space<semaphore_mem>>
          %dma_start3A = arith.constant 0 : i32
          %dma_start3A_35 = tpu.memref_slice %arg10[%dma_start3A] : memref<624xf32, #tpu.memory_space<vmem>> -> memref<16xf32, #tpu.memory_space<vmem>>
          %dma_start3A_36 = arith.constant 9984 : i32
          %dma_start3A_37 = tpu.memref_slice %arg7[%dma_start3A_36] : memref<10000xf32, #tpu.memory_space<hbm>> -> memref<16xf32, #tpu.memory_space<hbm>>
          %dma_start3A_38 = arith.constant 9984 : i32
          %dma_start3A_39 = tpu.memref_slice %arg7[%dma_start3A_38] : memref<10000xf32, #tpu.memory_space<hbm>> -> memref<16xf32, #tpu.memory_space<hbm>>
          %dma_start3A_40 = arith.constant 0 : i32
          %dma_start3A_41 = tpu.memref_slice %arg10[%dma_start3A_40] : memref<624xf32, #tpu.memory_space<vmem>> -> memref<16xf32, #tpu.memory_space<vmem>>
          tpu.enqueue_dma source(%dma_start3A_41 : memref<16xf32, #tpu.memory_space<vmem>>) target(%dma_start3A_39 : memref<16xf32, #tpu.memory_space<hbm>>) target_semaphore(%run_scoped3A : memref<!tpu.dma_semaphore, #tpu.memory_space<semaphore_mem>>)
          %dma_wait3A = arith.constant 0 : i32
          %dma_wait3A_42 = tpu.memref_slice %arg10[%dma_wait3A] : memref<624xf32, #tpu.memory_space<vmem>> -> memref<16xf32, #tpu.memory_space<vmem>>
          %dma_wait3A_43 = arith.constant 9984 : i32
          %dma_wait3A_44 = tpu.memref_slice %arg7[%dma_wait3A_43] : memref<10000xf32, #tpu.memory_space<hbm>> -> memref<16xf32, #tpu.memory_space<hbm>>
          %dma_wait3A_45 = arith.constant 9984 : i32
          %dma_wait3A_46 = tpu.memref_slice %arg7[%dma_wait3A_45] : memref<10000xf32, #tpu.memory_space<hbm>> -> memref<16xf32, #tpu.memory_space<hbm>>
          %dma_wait3A_47 = arith.constant 0 : i32
          %dma_wait3A_48 = tpu.memref_slice %arg10[%dma_wait3A_47] : memref<624xf32, #tpu.memory_space<vmem>> -> memref<16xf32, #tpu.memory_space<vmem>>
          tpu.wait_dma2 semaphore(%run_scoped3A : memref<!tpu.dma_semaphore, #tpu.memory_space<semaphore_mem>>) src(%dma_wait3A_48 : memref<16xf32, #tpu.memory_space<vmem>>) dst(%dma_wait3A_46 : memref<16xf32, #tpu.memory_space<hbm>>)
          tpu.yield
        }) : () -> ()
      } else {
      }
    } else {
    }
    return
  }
}

#map = affine_map<(d0, d1) -> (0, 0)>
#map1 = affine_map<(d0, d1) -> (0)>
module attributes {stable_mosaic.version = 14 : i64} {
  func.func @_sc_agg(%arg0: i32, %arg1: i32, %arg2: memref<10000x128xf32, #tpu.memory_space<hbm>>, %arg3: memref<10000x128xf32, #tpu.memory_space<hbm>>, %arg4: memref<160000xi32, #tpu.memory_space<hbm>>, %arg5: memref<160000xi32, #tpu.memory_space<hbm>>, %arg6: memref<624x128xf32, #tpu.memory_space<hbm>>, %arg7: memref<10000x128xf32, #tpu.memory_space<hbm>>, %arg8: memref<10000x128xf32, #tpu.memory_space<hbm>>, %arg9: memref<40xi32, #tpu.memory_space<vmem>>, %arg10: memref<40xi32, #tpu.memory_space<vmem>>, %arg11: memref<40x128xf32, #tpu.memory_space<vmem>>, %arg12: memref<40xi32, #tpu.memory_space<vmem>>, %arg13: memref<40xi32, #tpu.memory_space<vmem>>, %arg14: memref<40x128xf32, #tpu.memory_space<vmem>>, %arg15: memref<10000x128xf32, #tpu.memory_space<vmem_shared>>, %arg16: memref<!tpu.dma_semaphore, #tpu.memory_space<semaphore_mem>>, %arg17: memref<!tpu.dma_semaphore, #tpu.memory_space<semaphore_mem>>, %arg18: memref<!tpu.dma_semaphore, #tpu.memory_space<semaphore_mem>>, %arg19: memref<!tpu.dma_semaphore, #tpu.memory_space<semaphore_mem>>, %arg20: memref<!tpu.dma_semaphore, #tpu.memory_space<semaphore_mem>>) attributes {dimension_semantics = [#tpu.dimension_semantics<core_parallel>, #tpu.dimension_semantics<subcore_parallel>], iteration_bounds = array<i64: 2, 16>, scalar_prefetch = 0 : i64, scratch_operands = 12 : i64, tpu.core_type = #tpu.core_type<sc_vector_subcore>, window_params = [{transform_indices = #map}, {transform_indices = #map}, {transform_indices = #map1}, {transform_indices = #map1}, {transform_indices = #map}, {transform_indices = #map}, {transform_indices = #map}]} {
    %mul3A = arith.constant 10000 : i32
    %mul3A_0 = arith.muli %arg1, %mul3A : i32
    %mul3A_1 = arith.constant 624 : i32
    %mul3A_2 = arith.muli %arg1, %mul3A_1 : i32
    "tpu.region"() ({
      %run_scoped3A = tpu.sem_alloc : memref<!tpu.dma_semaphore, #tpu.memory_space<semaphore_mem>>
      %dma_start3A = arith.constant 0 : i32
      %dma_start3A_26 = tpu.memref_slice %arg15[%mul3A_2, %dma_start3A] : memref<10000x128xf32, #tpu.memory_space<vmem_shared>> -> memref<624x128xf32, #tpu.memory_space<vmem_shared>>
      %dma_start3A_27 = arith.constant 0 : i32
      %dma_start3A_28 = arith.constant 0 : i32
      %dma_start3A_29 = tpu.memref_slice %arg6[%dma_start3A_27, %dma_start3A_28] : memref<624x128xf32, #tpu.memory_space<hbm>> -> memref<624x128xf32, #tpu.memory_space<hbm>>
      tpu.enqueue_dma source(%dma_start3A_29 : memref<624x128xf32, #tpu.memory_space<hbm>>) target(%dma_start3A_26 : memref<624x128xf32, #tpu.memory_space<vmem_shared>>) target_semaphore(%run_scoped3A : memref<!tpu.dma_semaphore, #tpu.memory_space<semaphore_mem>>)
      %dma_wait3A = arith.constant 0 : i32
      %dma_wait3A_30 = tpu.memref_slice %arg15[%mul3A_2, %dma_wait3A] : memref<10000x128xf32, #tpu.memory_space<vmem_shared>> -> memref<624x128xf32, #tpu.memory_space<vmem_shared>>
      %dma_wait3A_31 = arith.constant 0 : i32
      %dma_wait3A_32 = arith.constant 0 : i32
      %dma_wait3A_33 = tpu.memref_slice %arg6[%dma_wait3A_31, %dma_wait3A_32] : memref<624x128xf32, #tpu.memory_space<hbm>> -> memref<624x128xf32, #tpu.memory_space<hbm>>
      tpu.wait_dma2 semaphore(%run_scoped3A : memref<!tpu.dma_semaphore, #tpu.memory_space<semaphore_mem>>) src(%dma_wait3A_33 : memref<624x128xf32, #tpu.memory_space<hbm>>) dst(%dma_wait3A_30 : memref<624x128xf32, #tpu.memory_space<vmem_shared>>)
      tpu.yield
    }) : () -> ()
    %eq3A = arith.constant 15 : i32
    %eq3A_3 = arith.cmpi eq, %arg1, %eq3A : i32
    %convert_element_type3A = arith.extui %eq3A_3 : i1 to i32
    %cond3A = arith.constant 0 : i32
    %cond3A_4 = arith.cmpi ne, %convert_element_type3A, %cond3A : i32
    scf.if %cond3A_4 {
      "tpu.region"() ({
        %run_scoped3A = tpu.sem_alloc : memref<!tpu.dma_semaphore, #tpu.memory_space<semaphore_mem>>
        %dma_start3A = arith.constant 9984 : i32
        %dma_start3A_26 = arith.constant 0 : i32
        %dma_start3A_27 = tpu.memref_slice %arg15[%dma_start3A, %dma_start3A_26] : memref<10000x128xf32, #tpu.memory_space<vmem_shared>> -> memref<16x128xf32, #tpu.memory_space<vmem_shared>>
        %dma_start3A_28 = arith.constant 0 : i32
        %dma_start3A_29 = arith.constant 0 : i32
        %dma_start3A_30 = tpu.memref_slice %arg6[%dma_start3A_28, %dma_start3A_29] : memref<624x128xf32, #tpu.memory_space<hbm>> -> memref<16x128xf32, #tpu.memory_space<hbm>>
        tpu.enqueue_dma source(%dma_start3A_30 : memref<16x128xf32, #tpu.memory_space<hbm>>) target(%dma_start3A_27 : memref<16x128xf32, #tpu.memory_space<vmem_shared>>) target_semaphore(%run_scoped3A : memref<!tpu.dma_semaphore, #tpu.memory_space<semaphore_mem>>)
        %dma_wait3A = arith.constant 9984 : i32
        %dma_wait3A_31 = arith.constant 0 : i32
        %dma_wait3A_32 = tpu.memref_slice %arg15[%dma_wait3A, %dma_wait3A_31] : memref<10000x128xf32, #tpu.memory_space<vmem_shared>> -> memref<16x128xf32, #tpu.memory_space<vmem_shared>>
        %dma_wait3A_33 = arith.constant 0 : i32
        %dma_wait3A_34 = arith.constant 0 : i32
        %dma_wait3A_35 = tpu.memref_slice %arg6[%dma_wait3A_33, %dma_wait3A_34] : memref<624x128xf32, #tpu.memory_space<hbm>> -> memref<16x128xf32, #tpu.memory_space<hbm>>
        tpu.wait_dma2 semaphore(%run_scoped3A : memref<!tpu.dma_semaphore, #tpu.memory_space<semaphore_mem>>) src(%dma_wait3A_35 : memref<16x128xf32, #tpu.memory_space<hbm>>) dst(%dma_wait3A_32 : memref<16x128xf32, #tpu.memory_space<vmem_shared>>)
        tpu.yield
      }) : () -> ()
    } else {
    }
    %barrier3A = arith.constant 0 : index
    tpu.barrier barrier_id(%barrier3A)
    %eq3A_5 = arith.constant 0 : i32
    %eq3A_6 = arith.cmpi eq, %arg0, %eq3A_5 : i32
    %convert_element_type3A_7 = arith.extui %eq3A_6 : i1 to i32
    %cond3A_8 = arith.constant 0 : i32
    %cond3A_9 = arith.cmpi ne, %convert_element_type3A_7, %cond3A_8 : i32
    scf.if %cond3A_9 {
      %add3A = arith.constant 0 : i32
      %add3A_26 = arith.addi %mul3A_0, %add3A : i32
      %dma_start3A = tpu.memref_slice %arg4[%add3A_26] : memref<160000xi32, #tpu.memory_space<hbm>> -> memref<40xi32, #tpu.memory_space<hbm>>
      %dma_start3A_27 = tpu.memref_slice %arg4[%add3A_26] : memref<160000xi32, #tpu.memory_space<hbm>> -> memref<40xi32, #tpu.memory_space<hbm>>
      tpu.enqueue_dma source(%dma_start3A_27 : memref<40xi32, #tpu.memory_space<hbm>>) target(%arg9 : memref<40xi32, #tpu.memory_space<vmem>>) target_semaphore(%arg16 : memref<!tpu.dma_semaphore, #tpu.memory_space<semaphore_mem>>)
      %dma_start3A_28 = tpu.memref_slice %arg5[%add3A_26] : memref<160000xi32, #tpu.memory_space<hbm>> -> memref<40xi32, #tpu.memory_space<hbm>>
      %dma_start3A_29 = tpu.memref_slice %arg5[%add3A_26] : memref<160000xi32, #tpu.memory_space<hbm>> -> memref<40xi32, #tpu.memory_space<hbm>>
      tpu.enqueue_dma source(%dma_start3A_29 : memref<40xi32, #tpu.memory_space<hbm>>) target(%arg10 : memref<40xi32, #tpu.memory_space<vmem>>) target_semaphore(%arg16 : memref<!tpu.dma_semaphore, #tpu.memory_space<semaphore_mem>>)
      %add3A_30 = arith.constant 40 : i32
      %add3A_31 = arith.addi %mul3A_0, %add3A_30 : i32
      %dma_start3A_32 = tpu.memref_slice %arg4[%add3A_31] : memref<160000xi32, #tpu.memory_space<hbm>> -> memref<40xi32, #tpu.memory_space<hbm>>
      %dma_start3A_33 = tpu.memref_slice %arg4[%add3A_31] : memref<160000xi32, #tpu.memory_space<hbm>> -> memref<40xi32, #tpu.memory_space<hbm>>
      tpu.enqueue_dma source(%dma_start3A_33 : memref<40xi32, #tpu.memory_space<hbm>>) target(%arg12 : memref<40xi32, #tpu.memory_space<vmem>>) target_semaphore(%arg17 : memref<!tpu.dma_semaphore, #tpu.memory_space<semaphore_mem>>)
      %dma_start3A_34 = tpu.memref_slice %arg5[%add3A_31] : memref<160000xi32, #tpu.memory_space<hbm>> -> memref<40xi32, #tpu.memory_space<hbm>>
      %dma_start3A_35 = tpu.memref_slice %arg5[%add3A_31] : memref<160000xi32, #tpu.memory_space<hbm>> -> memref<40xi32, #tpu.memory_space<hbm>>
      tpu.enqueue_dma source(%dma_start3A_35 : memref<40xi32, #tpu.memory_space<hbm>>) target(%arg13 : memref<40xi32, #tpu.memory_space<vmem>>) target_semaphore(%arg17 : memref<!tpu.dma_semaphore, #tpu.memory_space<semaphore_mem>>)
      %dma_wait3A = tpu.memref_slice %arg4[%mul3A_0] : memref<160000xi32, #tpu.memory_space<hbm>> -> memref<40xi32, #tpu.memory_space<hbm>>
      %dma_wait3A_36 = tpu.memref_slice %arg4[%mul3A_0] : memref<160000xi32, #tpu.memory_space<hbm>> -> memref<40xi32, #tpu.memory_space<hbm>>
      tpu.wait_dma2 semaphore(%arg16 : memref<!tpu.dma_semaphore, #tpu.memory_space<semaphore_mem>>) src(%dma_wait3A_36 : memref<40xi32, #tpu.memory_space<hbm>>) dst(%arg9 : memref<40xi32, #tpu.memory_space<vmem>>)
      %dma_wait3A_37 = tpu.memref_slice %arg5[%mul3A_0] : memref<160000xi32, #tpu.memory_space<hbm>> -> memref<40xi32, #tpu.memory_space<hbm>>
      %dma_wait3A_38 = tpu.memref_slice %arg5[%mul3A_0] : memref<160000xi32, #tpu.memory_space<hbm>> -> memref<40xi32, #tpu.memory_space<hbm>>
      tpu.wait_dma2 semaphore(%arg16 : memref<!tpu.dma_semaphore, #tpu.memory_space<semaphore_mem>>) src(%dma_wait3A_38 : memref<40xi32, #tpu.memory_space<hbm>>) dst(%arg10 : memref<40xi32, #tpu.memory_space<vmem>>)
      %dma_start3A_39 = arith.constant 0 : i32
      %dma_start3A_40 = arith.constant 0 : i32
      %dma_start3A_41 = tpu.memref_slice %arg2[%dma_start3A_39, %dma_start3A_40] : memref<10000x128xf32, #tpu.memory_space<hbm>> -> memref<10000x128xf32, #tpu.memory_space<hbm>>
      tpu.enqueue_indirect_dma source(%dma_start3A_41 : memref<10000x128xf32, #tpu.memory_space<hbm>>) target(%arg11 : memref<40x128xf32, #tpu.memory_space<vmem>>) offsets(%arg9 : memref<40xi32, #tpu.memory_space<vmem>>) semaphore(%arg18 : memref<!tpu.dma_semaphore, #tpu.memory_space<semaphore_mem>>)
      %scan3A = arith.constant 0 : i32
      %scan3A_42 = arith.constant 0 : i32
      %scan3A_43 = arith.constant 125 : i32
      %scan3A_44 = arith.addi %scan3A_42, %scan3A_43 : i32
      %scan3A_45 = arith.constant 1 : i32
      scf.for %scan3A_47 = %scan3A_42 to %scan3A_44 step %scan3A_45  : i32 {
        %mul3A_48 = arith.constant 2 : i32
        %mul3A_49 = arith.muli %mul3A_48, %scan3A_47 : i32
        %dma_wait3A_50 = tpu.memref_slice %arg4[%mul3A_0] : memref<160000xi32, #tpu.memory_space<hbm>> -> memref<40xi32, #tpu.memory_space<hbm>>
        %dma_wait3A_51 = tpu.memref_slice %arg4[%mul3A_0] : memref<160000xi32, #tpu.memory_space<hbm>> -> memref<40xi32, #tpu.memory_space<hbm>>
        tpu.wait_dma2 semaphore(%arg17 : memref<!tpu.dma_semaphore, #tpu.memory_space<semaphore_mem>>) src(%dma_wait3A_51 : memref<40xi32, #tpu.memory_space<hbm>>) dst(%arg12 : memref<40xi32, #tpu.memory_space<vmem>>)
        %dma_wait3A_52 = tpu.memref_slice %arg5[%mul3A_0] : memref<160000xi32, #tpu.memory_space<hbm>> -> memref<40xi32, #tpu.memory_space<hbm>>
        %dma_wait3A_53 = tpu.memref_slice %arg5[%mul3A_0] : memref<160000xi32, #tpu.memory_space<hbm>> -> memref<40xi32, #tpu.memory_space<hbm>>
        tpu.wait_dma2 semaphore(%arg17 : memref<!tpu.dma_semaphore, #tpu.memory_space<semaphore_mem>>) src(%dma_wait3A_53 : memref<40xi32, #tpu.memory_space<hbm>>) dst(%arg13 : memref<40xi32, #tpu.memory_space<vmem>>)
        %dma_start3A_54 = arith.constant 0 : i32
        %dma_start3A_55 = arith.constant 0 : i32
        %dma_start3A_56 = tpu.memref_slice %arg2[%dma_start3A_54, %dma_start3A_55] : memref<10000x128xf32, #tpu.memory_space<hbm>> -> memref<10000x128xf32, #tpu.memory_space<hbm>>
        tpu.enqueue_indirect_dma source(%dma_start3A_56 : memref<10000x128xf32, #tpu.memory_space<hbm>>) target(%arg14 : memref<40x128xf32, #tpu.memory_space<vmem>>) offsets(%arg12 : memref<40xi32, #tpu.memory_space<vmem>>) semaphore(%arg19 : memref<!tpu.dma_semaphore, #tpu.memory_space<semaphore_mem>>)
        %dma_wait3A_57 = arith.constant 0 : i32
        %dma_wait3A_58 = arith.constant 0 : i32
        %dma_wait3A_59 = tpu.memref_slice %arg2[%dma_wait3A_57, %dma_wait3A_58] : memref<10000x128xf32, #tpu.memory_space<hbm>> -> memref<10000x128xf32, #tpu.memory_space<hbm>>
        tpu.wait_indirect_dma semaphore(%arg18 : memref<!tpu.dma_semaphore, #tpu.memory_space<semaphore_mem>>) src(%dma_wait3A_59 : memref<10000x128xf32, #tpu.memory_space<hbm>>) dst(%arg11 : memref<40x128xf32, #tpu.memory_space<vmem>>)
        %lt3A = arith.constant 124 : i32
        %lt3A_60 = arith.cmpi slt, %scan3A_47, %lt3A : i32
        %convert_element_type3A_61 = arith.extui %lt3A_60 : i1 to i32
        %cond3A_62 = arith.constant 0 : i32
        %cond3A_63 = arith.cmpi ne, %convert_element_type3A_61, %cond3A_62 : i32
        scf.if %cond3A_63 {
          %add3A_82 = arith.constant 2 : i32
          %add3A_83 = arith.addi %mul3A_49, %add3A_82 : i32
          %mul3A_84 = arith.constant 40 : i32
          %mul3A_85 = arith.muli %add3A_83, %mul3A_84 : i32
          %add3A_86 = arith.addi %mul3A_0, %mul3A_85 : i32
          %dma_start3A_87 = tpu.memref_slice %arg4[%add3A_86] : memref<160000xi32, #tpu.memory_space<hbm>> -> memref<40xi32, #tpu.memory_space<hbm>>
          %dma_start3A_88 = tpu.memref_slice %arg4[%add3A_86] : memref<160000xi32, #tpu.memory_space<hbm>> -> memref<40xi32, #tpu.memory_space<hbm>>
          tpu.enqueue_dma source(%dma_start3A_88 : memref<40xi32, #tpu.memory_space<hbm>>) target(%arg9 : memref<40xi32, #tpu.memory_space<vmem>>) target_semaphore(%arg16 : memref<!tpu.dma_semaphore, #tpu.memory_space<semaphore_mem>>)
          %dma_start3A_89 = tpu.memref_slice %arg5[%add3A_86] : memref<160000xi32, #tpu.memory_space<hbm>> -> memref<40xi32, #tpu.memory_space<hbm>>
          %dma_start3A_90 = tpu.memref_slice %arg5[%add3A_86] : memref<160000xi32, #tpu.memory_space<hbm>> -> memref<40xi32, #tpu.memory_space<hbm>>
          tpu.enqueue_dma source(%dma_start3A_90 : memref<40xi32, #tpu.memory_space<hbm>>) target(%arg10 : memref<40xi32, #tpu.memory_space<vmem>>) target_semaphore(%arg16 : memref<!tpu.dma_semaphore, #tpu.memory_space<semaphore_mem>>)
          %dma_start3A_91 = arith.constant 0 : i32
          %dma_start3A_92 = arith.constant 0 : i32
          %dma_start3A_93 = tpu.memref_slice %arg15[%dma_start3A_91, %dma_start3A_92] : memref<10000x128xf32, #tpu.memory_space<vmem_shared>> -> memref<10000x128xf32, #tpu.memory_space<vmem_shared>>
          tpu.enqueue_indirect_dma source(%arg11 : memref<40x128xf32, #tpu.memory_space<vmem>>) target(%dma_start3A_93 : memref<10000x128xf32, #tpu.memory_space<vmem_shared>>) offsets(%arg10 : memref<40xi32, #tpu.memory_space<vmem>>) semaphore(%arg20 : memref<!tpu.dma_semaphore, #tpu.memory_space<semaphore_mem>>) {add = true}
        } else {
        }
        %eq3A_64 = arith.constant 124 : i32
        %eq3A_65 = arith.cmpi eq, %scan3A_47, %eq3A_64 : i32
        %convert_element_type3A_66 = arith.extui %eq3A_65 : i1 to i32
        %cond3A_67 = arith.constant 0 : i32
        %cond3A_68 = arith.cmpi ne, %convert_element_type3A_66, %cond3A_67 : i32
        scf.if %cond3A_68 {
          "tpu.region"() ({
            %run_scoped3A = tpu.sem_alloc : memref<!tpu.dma_semaphore, #tpu.memory_space<semaphore_mem>>
            %dma_start3A_82 = arith.constant 0 : i32
            %dma_start3A_83 = arith.constant 0 : i32
            %dma_start3A_84 = tpu.memref_slice %arg15[%dma_start3A_82, %dma_start3A_83] : memref<10000x128xf32, #tpu.memory_space<vmem_shared>> -> memref<10000x128xf32, #tpu.memory_space<vmem_shared>>
            tpu.enqueue_indirect_dma source(%arg11 : memref<40x128xf32, #tpu.memory_space<vmem>>) target(%dma_start3A_84 : memref<10000x128xf32, #tpu.memory_space<vmem_shared>>) offsets(%arg10 : memref<40xi32, #tpu.memory_space<vmem>>) semaphore(%run_scoped3A : memref<!tpu.dma_semaphore, #tpu.memory_space<semaphore_mem>>) {add = true}
            %dma_wait3A_85 = arith.constant 0 : i32
            %dma_wait3A_86 = arith.constant 0 : i32
            %dma_wait3A_87 = tpu.memref_slice %arg15[%dma_wait3A_85, %dma_wait3A_86] : memref<10000x128xf32, #tpu.memory_space<vmem_shared>> -> memref<10000x128xf32, #tpu.memory_space<vmem_shared>>
            tpu.wait_indirect_dma semaphore(%run_scoped3A : memref<!tpu.dma_semaphore, #tpu.memory_space<semaphore_mem>>) src(%arg11 : memref<40x128xf32, #tpu.memory_space<vmem>>) dst(%dma_wait3A_87 : memref<10000x128xf32, #tpu.memory_space<vmem_shared>>)
            tpu.yield
          }) : () -> ()
        } else {
        }
        %dma_wait3A_69 = arith.constant 0 : i32
        %dma_wait3A_70 = arith.constant 0 : i32
        %dma_wait3A_71 = tpu.memref_slice %arg2[%dma_wait3A_69, %dma_wait3A_70] : memref<10000x128xf32, #tpu.memory_space<hbm>> -> memref<10000x128xf32, #tpu.memory_space<hbm>>
        tpu.wait_indirect_dma semaphore(%arg19 : memref<!tpu.dma_semaphore, #tpu.memory_space<semaphore_mem>>) src(%dma_wait3A_71 : memref<10000x128xf32, #tpu.memory_space<hbm>>) dst(%arg14 : memref<40x128xf32, #tpu.memory_space<vmem>>)
        %lt3A_72 = arith.constant 124 : i32
        %lt3A_73 = arith.cmpi slt, %scan3A_47, %lt3A_72 : i32
        %convert_element_type3A_74 = arith.extui %lt3A_73 : i1 to i32
        %cond3A_75 = arith.constant 0 : i32
        %cond3A_76 = arith.cmpi ne, %convert_element_type3A_74, %cond3A_75 : i32
        scf.if %cond3A_76 {
          %add3A_82 = arith.constant 3 : i32
          %add3A_83 = arith.addi %mul3A_49, %add3A_82 : i32
          %mul3A_84 = arith.constant 40 : i32
          %mul3A_85 = arith.muli %add3A_83, %mul3A_84 : i32
          %add3A_86 = arith.addi %mul3A_0, %mul3A_85 : i32
          %dma_start3A_87 = tpu.memref_slice %arg4[%add3A_86] : memref<160000xi32, #tpu.memory_space<hbm>> -> memref<40xi32, #tpu.memory_space<hbm>>
          %dma_start3A_88 = tpu.memref_slice %arg4[%add3A_86] : memref<160000xi32, #tpu.memory_space<hbm>> -> memref<40xi32, #tpu.memory_space<hbm>>
          tpu.enqueue_dma source(%dma_start3A_88 : memref<40xi32, #tpu.memory_space<hbm>>) target(%arg12 : memref<40xi32, #tpu.memory_space<vmem>>) target_semaphore(%arg17 : memref<!tpu.dma_semaphore, #tpu.memory_space<semaphore_mem>>)
          %dma_start3A_89 = tpu.memref_slice %arg5[%add3A_86] : memref<160000xi32, #tpu.memory_space<hbm>> -> memref<40xi32, #tpu.memory_space<hbm>>
          %dma_start3A_90 = tpu.memref_slice %arg5[%add3A_86] : memref<160000xi32, #tpu.memory_space<hbm>> -> memref<40xi32, #tpu.memory_space<hbm>>
          tpu.enqueue_dma source(%dma_start3A_90 : memref<40xi32, #tpu.memory_space<hbm>>) target(%arg13 : memref<40xi32, #tpu.memory_space<vmem>>) target_semaphore(%arg17 : memref<!tpu.dma_semaphore, #tpu.memory_space<semaphore_mem>>)
        } else {
        }
        "tpu.region"() ({
          %run_scoped3A = tpu.sem_alloc : memref<!tpu.dma_semaphore, #tpu.memory_space<semaphore_mem>>
          %dma_start3A_82 = arith.constant 0 : i32
          %dma_start3A_83 = arith.constant 0 : i32
          %dma_start3A_84 = tpu.memref_slice %arg15[%dma_start3A_82, %dma_start3A_83] : memref<10000x128xf32, #tpu.memory_space<vmem_shared>> -> memref<10000x128xf32, #tpu.memory_space<vmem_shared>>
          tpu.enqueue_indirect_dma source(%arg14 : memref<40x128xf32, #tpu.memory_space<vmem>>) target(%dma_start3A_84 : memref<10000x128xf32, #tpu.memory_space<vmem_shared>>) offsets(%arg13 : memref<40xi32, #tpu.memory_space<vmem>>) semaphore(%run_scoped3A : memref<!tpu.dma_semaphore, #tpu.memory_space<semaphore_mem>>) {add = true}
          %dma_wait3A_85 = arith.constant 0 : i32
          %dma_wait3A_86 = arith.constant 0 : i32
          %dma_wait3A_87 = tpu.memref_slice %arg15[%dma_wait3A_85, %dma_wait3A_86] : memref<10000x128xf32, #tpu.memory_space<vmem_shared>> -> memref<10000x128xf32, #tpu.memory_space<vmem_shared>>
          tpu.wait_indirect_dma semaphore(%run_scoped3A : memref<!tpu.dma_semaphore, #tpu.memory_space<semaphore_mem>>) src(%arg14 : memref<40x128xf32, #tpu.memory_space<vmem>>) dst(%dma_wait3A_87 : memref<10000x128xf32, #tpu.memory_space<vmem_shared>>)
          tpu.yield
        }) : () -> ()
        %lt3A_77 = arith.constant 124 : i32
        %lt3A_78 = arith.cmpi slt, %scan3A_47, %lt3A_77 : i32
        %convert_element_type3A_79 = arith.extui %lt3A_78 : i1 to i32
        %cond3A_80 = arith.constant 0 : i32
        %cond3A_81 = arith.cmpi ne, %convert_element_type3A_79, %cond3A_80 : i32
        scf.if %cond3A_81 {
          %dma_wait3A_82 = arith.constant 0 : i32
          %dma_wait3A_83 = arith.constant 0 : i32
          %dma_wait3A_84 = tpu.memref_slice %arg15[%dma_wait3A_82, %dma_wait3A_83] : memref<10000x128xf32, #tpu.memory_space<vmem_shared>> -> memref<10000x128xf32, #tpu.memory_space<vmem_shared>>
          tpu.wait_indirect_dma semaphore(%arg20 : memref<!tpu.dma_semaphore, #tpu.memory_space<semaphore_mem>>) src(%arg11 : memref<40x128xf32, #tpu.memory_space<vmem>>) dst(%dma_wait3A_84 : memref<10000x128xf32, #tpu.memory_space<vmem_shared>>)
          %dma_wait3A_85 = tpu.memref_slice %arg4[%mul3A_0] : memref<160000xi32, #tpu.memory_space<hbm>> -> memref<40xi32, #tpu.memory_space<hbm>>
          %dma_wait3A_86 = tpu.memref_slice %arg4[%mul3A_0] : memref<160000xi32, #tpu.memory_space<hbm>> -> memref<40xi32, #tpu.memory_space<hbm>>
          tpu.wait_dma2 semaphore(%arg16 : memref<!tpu.dma_semaphore, #tpu.memory_space<semaphore_mem>>) src(%dma_wait3A_86 : memref<40xi32, #tpu.memory_space<hbm>>) dst(%arg9 : memref<40xi32, #tpu.memory_space<vmem>>)
          %dma_wait3A_87 = tpu.memref_slice %arg5[%mul3A_0] : memref<160000xi32, #tpu.memory_space<hbm>> -> memref<40xi32, #tpu.memory_space<hbm>>
          %dma_wait3A_88 = tpu.memref_slice %arg5[%mul3A_0] : memref<160000xi32, #tpu.memory_space<hbm>> -> memref<40xi32, #tpu.memory_space<hbm>>
          tpu.wait_dma2 semaphore(%arg16 : memref<!tpu.dma_semaphore, #tpu.memory_space<semaphore_mem>>) src(%dma_wait3A_88 : memref<40xi32, #tpu.memory_space<hbm>>) dst(%arg10 : memref<40xi32, #tpu.memory_space<vmem>>)
          %dma_start3A_89 = arith.constant 0 : i32
          %dma_start3A_90 = arith.constant 0 : i32
          %dma_start3A_91 = tpu.memref_slice %arg2[%dma_start3A_89, %dma_start3A_90] : memref<10000x128xf32, #tpu.memory_space<hbm>> -> memref<10000x128xf32, #tpu.memory_space<hbm>>
          tpu.enqueue_indirect_dma source(%dma_start3A_91 : memref<10000x128xf32, #tpu.memory_space<hbm>>) target(%arg11 : memref<40x128xf32, #tpu.memory_space<vmem>>) offsets(%arg9 : memref<40xi32, #tpu.memory_space<vmem>>) semaphore(%arg18 : memref<!tpu.dma_semaphore, #tpu.memory_space<semaphore_mem>>)
        } else {
        }
      }
      %scan3A_46 = arith.constant 125 : i32
    } else {
    }
    %eq3A_10 = arith.constant 1 : i32
    %eq3A_11 = arith.cmpi eq, %arg0, %eq3A_10 : i32
    %convert_element_type3A_12 = arith.extui %eq3A_11 : i1 to i32
    %cond3A_13 = arith.constant 0 : i32
    %cond3A_14 = arith.cmpi ne, %convert_element_type3A_12, %cond3A_13 : i32
    scf.if %cond3A_14 {
      %add3A = arith.constant 0 : i32
      %add3A_26 = arith.addi %mul3A_0, %add3A : i32
      %dma_start3A = tpu.memref_slice %arg4[%add3A_26] : memref<160000xi32, #tpu.memory_space<hbm>> -> memref<40xi32, #tpu.memory_space<hbm>>
      %dma_start3A_27 = tpu.memref_slice %arg4[%add3A_26] : memref<160000xi32, #tpu.memory_space<hbm>> -> memref<40xi32, #tpu.memory_space<hbm>>
      tpu.enqueue_dma source(%dma_start3A_27 : memref<40xi32, #tpu.memory_space<hbm>>) target(%arg9 : memref<40xi32, #tpu.memory_space<vmem>>) target_semaphore(%arg16 : memref<!tpu.dma_semaphore, #tpu.memory_space<semaphore_mem>>)
      %dma_start3A_28 = tpu.memref_slice %arg5[%add3A_26] : memref<160000xi32, #tpu.memory_space<hbm>> -> memref<40xi32, #tpu.memory_space<hbm>>
      %dma_start3A_29 = tpu.memref_slice %arg5[%add3A_26] : memref<160000xi32, #tpu.memory_space<hbm>> -> memref<40xi32, #tpu.memory_space<hbm>>
      tpu.enqueue_dma source(%dma_start3A_29 : memref<40xi32, #tpu.memory_space<hbm>>) target(%arg10 : memref<40xi32, #tpu.memory_space<vmem>>) target_semaphore(%arg16 : memref<!tpu.dma_semaphore, #tpu.memory_space<semaphore_mem>>)
      %add3A_30 = arith.constant 40 : i32
      %add3A_31 = arith.addi %mul3A_0, %add3A_30 : i32
      %dma_start3A_32 = tpu.memref_slice %arg4[%add3A_31] : memref<160000xi32, #tpu.memory_space<hbm>> -> memref<40xi32, #tpu.memory_space<hbm>>
      %dma_start3A_33 = tpu.memref_slice %arg4[%add3A_31] : memref<160000xi32, #tpu.memory_space<hbm>> -> memref<40xi32, #tpu.memory_space<hbm>>
      tpu.enqueue_dma source(%dma_start3A_33 : memref<40xi32, #tpu.memory_space<hbm>>) target(%arg12 : memref<40xi32, #tpu.memory_space<vmem>>) target_semaphore(%arg17 : memref<!tpu.dma_semaphore, #tpu.memory_space<semaphore_mem>>)
      %dma_start3A_34 = tpu.memref_slice %arg5[%add3A_31] : memref<160000xi32, #tpu.memory_space<hbm>> -> memref<40xi32, #tpu.memory_space<hbm>>
      %dma_start3A_35 = tpu.memref_slice %arg5[%add3A_31] : memref<160000xi32, #tpu.memory_space<hbm>> -> memref<40xi32, #tpu.memory_space<hbm>>
      tpu.enqueue_dma source(%dma_start3A_35 : memref<40xi32, #tpu.memory_space<hbm>>) target(%arg13 : memref<40xi32, #tpu.memory_space<vmem>>) target_semaphore(%arg17 : memref<!tpu.dma_semaphore, #tpu.memory_space<semaphore_mem>>)
      %dma_wait3A = tpu.memref_slice %arg4[%mul3A_0] : memref<160000xi32, #tpu.memory_space<hbm>> -> memref<40xi32, #tpu.memory_space<hbm>>
      %dma_wait3A_36 = tpu.memref_slice %arg4[%mul3A_0] : memref<160000xi32, #tpu.memory_space<hbm>> -> memref<40xi32, #tpu.memory_space<hbm>>
      tpu.wait_dma2 semaphore(%arg16 : memref<!tpu.dma_semaphore, #tpu.memory_space<semaphore_mem>>) src(%dma_wait3A_36 : memref<40xi32, #tpu.memory_space<hbm>>) dst(%arg9 : memref<40xi32, #tpu.memory_space<vmem>>)
      %dma_wait3A_37 = tpu.memref_slice %arg5[%mul3A_0] : memref<160000xi32, #tpu.memory_space<hbm>> -> memref<40xi32, #tpu.memory_space<hbm>>
      %dma_wait3A_38 = tpu.memref_slice %arg5[%mul3A_0] : memref<160000xi32, #tpu.memory_space<hbm>> -> memref<40xi32, #tpu.memory_space<hbm>>
      tpu.wait_dma2 semaphore(%arg16 : memref<!tpu.dma_semaphore, #tpu.memory_space<semaphore_mem>>) src(%dma_wait3A_38 : memref<40xi32, #tpu.memory_space<hbm>>) dst(%arg10 : memref<40xi32, #tpu.memory_space<vmem>>)
      %dma_start3A_39 = arith.constant 0 : i32
      %dma_start3A_40 = arith.constant 0 : i32
      %dma_start3A_41 = tpu.memref_slice %arg3[%dma_start3A_39, %dma_start3A_40] : memref<10000x128xf32, #tpu.memory_space<hbm>> -> memref<10000x128xf32, #tpu.memory_space<hbm>>
      tpu.enqueue_indirect_dma source(%dma_start3A_41 : memref<10000x128xf32, #tpu.memory_space<hbm>>) target(%arg11 : memref<40x128xf32, #tpu.memory_space<vmem>>) offsets(%arg9 : memref<40xi32, #tpu.memory_space<vmem>>) semaphore(%arg18 : memref<!tpu.dma_semaphore, #tpu.memory_space<semaphore_mem>>)
      %scan3A = arith.constant 0 : i32
      %scan3A_42 = arith.constant 0 : i32
      %scan3A_43 = arith.constant 125 : i32
      %scan3A_44 = arith.addi %scan3A_42, %scan3A_43 : i32
      %scan3A_45 = arith.constant 1 : i32
      scf.for %scan3A_47 = %scan3A_42 to %scan3A_44 step %scan3A_45  : i32 {
        %mul3A_48 = arith.constant 2 : i32
        %mul3A_49 = arith.muli %mul3A_48, %scan3A_47 : i32
        %dma_wait3A_50 = tpu.memref_slice %arg4[%mul3A_0] : memref<160000xi32, #tpu.memory_space<hbm>> -> memref<40xi32, #tpu.memory_space<hbm>>
        %dma_wait3A_51 = tpu.memref_slice %arg4[%mul3A_0] : memref<160000xi32, #tpu.memory_space<hbm>> -> memref<40xi32, #tpu.memory_space<hbm>>
        tpu.wait_dma2 semaphore(%arg17 : memref<!tpu.dma_semaphore, #tpu.memory_space<semaphore_mem>>) src(%dma_wait3A_51 : memref<40xi32, #tpu.memory_space<hbm>>) dst(%arg12 : memref<40xi32, #tpu.memory_space<vmem>>)
        %dma_wait3A_52 = tpu.memref_slice %arg5[%mul3A_0] : memref<160000xi32, #tpu.memory_space<hbm>> -> memref<40xi32, #tpu.memory_space<hbm>>
        %dma_wait3A_53 = tpu.memref_slice %arg5[%mul3A_0] : memref<160000xi32, #tpu.memory_space<hbm>> -> memref<40xi32, #tpu.memory_space<hbm>>
        tpu.wait_dma2 semaphore(%arg17 : memref<!tpu.dma_semaphore, #tpu.memory_space<semaphore_mem>>) src(%dma_wait3A_53 : memref<40xi32, #tpu.memory_space<hbm>>) dst(%arg13 : memref<40xi32, #tpu.memory_space<vmem>>)
        %dma_start3A_54 = arith.constant 0 : i32
        %dma_start3A_55 = arith.constant 0 : i32
        %dma_start3A_56 = tpu.memref_slice %arg3[%dma_start3A_54, %dma_start3A_55] : memref<10000x128xf32, #tpu.memory_space<hbm>> -> memref<10000x128xf32, #tpu.memory_space<hbm>>
        tpu.enqueue_indirect_dma source(%dma_start3A_56 : memref<10000x128xf32, #tpu.memory_space<hbm>>) target(%arg14 : memref<40x128xf32, #tpu.memory_space<vmem>>) offsets(%arg12 : memref<40xi32, #tpu.memory_space<vmem>>) semaphore(%arg19 : memref<!tpu.dma_semaphore, #tpu.memory_space<semaphore_mem>>)
        %dma_wait3A_57 = arith.constant 0 : i32
        %dma_wait3A_58 = arith.constant 0 : i32
        %dma_wait3A_59 = tpu.memref_slice %arg3[%dma_wait3A_57, %dma_wait3A_58] : memref<10000x128xf32, #tpu.memory_space<hbm>> -> memref<10000x128xf32, #tpu.memory_space<hbm>>
        tpu.wait_indirect_dma semaphore(%arg18 : memref<!tpu.dma_semaphore, #tpu.memory_space<semaphore_mem>>) src(%dma_wait3A_59 : memref<10000x128xf32, #tpu.memory_space<hbm>>) dst(%arg11 : memref<40x128xf32, #tpu.memory_space<vmem>>)
        %lt3A = arith.constant 124 : i32
        %lt3A_60 = arith.cmpi slt, %scan3A_47, %lt3A : i32
        %convert_element_type3A_61 = arith.extui %lt3A_60 : i1 to i32
        %cond3A_62 = arith.constant 0 : i32
        %cond3A_63 = arith.cmpi ne, %convert_element_type3A_61, %cond3A_62 : i32
        scf.if %cond3A_63 {
          %add3A_82 = arith.constant 2 : i32
          %add3A_83 = arith.addi %mul3A_49, %add3A_82 : i32
          %mul3A_84 = arith.constant 40 : i32
          %mul3A_85 = arith.muli %add3A_83, %mul3A_84 : i32
          %add3A_86 = arith.addi %mul3A_0, %mul3A_85 : i32
          %dma_start3A_87 = tpu.memref_slice %arg4[%add3A_86] : memref<160000xi32, #tpu.memory_space<hbm>> -> memref<40xi32, #tpu.memory_space<hbm>>
          %dma_start3A_88 = tpu.memref_slice %arg4[%add3A_86] : memref<160000xi32, #tpu.memory_space<hbm>> -> memref<40xi32, #tpu.memory_space<hbm>>
          tpu.enqueue_dma source(%dma_start3A_88 : memref<40xi32, #tpu.memory_space<hbm>>) target(%arg9 : memref<40xi32, #tpu.memory_space<vmem>>) target_semaphore(%arg16 : memref<!tpu.dma_semaphore, #tpu.memory_space<semaphore_mem>>)
          %dma_start3A_89 = tpu.memref_slice %arg5[%add3A_86] : memref<160000xi32, #tpu.memory_space<hbm>> -> memref<40xi32, #tpu.memory_space<hbm>>
          %dma_start3A_90 = tpu.memref_slice %arg5[%add3A_86] : memref<160000xi32, #tpu.memory_space<hbm>> -> memref<40xi32, #tpu.memory_space<hbm>>
          tpu.enqueue_dma source(%dma_start3A_90 : memref<40xi32, #tpu.memory_space<hbm>>) target(%arg10 : memref<40xi32, #tpu.memory_space<vmem>>) target_semaphore(%arg16 : memref<!tpu.dma_semaphore, #tpu.memory_space<semaphore_mem>>)
          %dma_start3A_91 = arith.constant 0 : i32
          %dma_start3A_92 = arith.constant 0 : i32
          %dma_start3A_93 = tpu.memref_slice %arg15[%dma_start3A_91, %dma_start3A_92] : memref<10000x128xf32, #tpu.memory_space<vmem_shared>> -> memref<10000x128xf32, #tpu.memory_space<vmem_shared>>
          tpu.enqueue_indirect_dma source(%arg11 : memref<40x128xf32, #tpu.memory_space<vmem>>) target(%dma_start3A_93 : memref<10000x128xf32, #tpu.memory_space<vmem_shared>>) offsets(%arg10 : memref<40xi32, #tpu.memory_space<vmem>>) semaphore(%arg20 : memref<!tpu.dma_semaphore, #tpu.memory_space<semaphore_mem>>) {add = true}
        } else {
        }
        %eq3A_64 = arith.constant 124 : i32
        %eq3A_65 = arith.cmpi eq, %scan3A_47, %eq3A_64 : i32
        %convert_element_type3A_66 = arith.extui %eq3A_65 : i1 to i32
        %cond3A_67 = arith.constant 0 : i32
        %cond3A_68 = arith.cmpi ne, %convert_element_type3A_66, %cond3A_67 : i32
        scf.if %cond3A_68 {
          "tpu.region"() ({
            %run_scoped3A = tpu.sem_alloc : memref<!tpu.dma_semaphore, #tpu.memory_space<semaphore_mem>>
            %dma_start3A_82 = arith.constant 0 : i32
            %dma_start3A_83 = arith.constant 0 : i32
            %dma_start3A_84 = tpu.memref_slice %arg15[%dma_start3A_82, %dma_start3A_83] : memref<10000x128xf32, #tpu.memory_space<vmem_shared>> -> memref<10000x128xf32, #tpu.memory_space<vmem_shared>>
            tpu.enqueue_indirect_dma source(%arg11 : memref<40x128xf32, #tpu.memory_space<vmem>>) target(%dma_start3A_84 : memref<10000x128xf32, #tpu.memory_space<vmem_shared>>) offsets(%arg10 : memref<40xi32, #tpu.memory_space<vmem>>) semaphore(%run_scoped3A : memref<!tpu.dma_semaphore, #tpu.memory_space<semaphore_mem>>) {add = true}
            %dma_wait3A_85 = arith.constant 0 : i32
            %dma_wait3A_86 = arith.constant 0 : i32
            %dma_wait3A_87 = tpu.memref_slice %arg15[%dma_wait3A_85, %dma_wait3A_86] : memref<10000x128xf32, #tpu.memory_space<vmem_shared>> -> memref<10000x128xf32, #tpu.memory_space<vmem_shared>>
            tpu.wait_indirect_dma semaphore(%run_scoped3A : memref<!tpu.dma_semaphore, #tpu.memory_space<semaphore_mem>>) src(%arg11 : memref<40x128xf32, #tpu.memory_space<vmem>>) dst(%dma_wait3A_87 : memref<10000x128xf32, #tpu.memory_space<vmem_shared>>)
            tpu.yield
          }) : () -> ()
        } else {
        }
        %dma_wait3A_69 = arith.constant 0 : i32
        %dma_wait3A_70 = arith.constant 0 : i32
        %dma_wait3A_71 = tpu.memref_slice %arg3[%dma_wait3A_69, %dma_wait3A_70] : memref<10000x128xf32, #tpu.memory_space<hbm>> -> memref<10000x128xf32, #tpu.memory_space<hbm>>
        tpu.wait_indirect_dma semaphore(%arg19 : memref<!tpu.dma_semaphore, #tpu.memory_space<semaphore_mem>>) src(%dma_wait3A_71 : memref<10000x128xf32, #tpu.memory_space<hbm>>) dst(%arg14 : memref<40x128xf32, #tpu.memory_space<vmem>>)
        %lt3A_72 = arith.constant 124 : i32
        %lt3A_73 = arith.cmpi slt, %scan3A_47, %lt3A_72 : i32
        %convert_element_type3A_74 = arith.extui %lt3A_73 : i1 to i32
        %cond3A_75 = arith.constant 0 : i32
        %cond3A_76 = arith.cmpi ne, %convert_element_type3A_74, %cond3A_75 : i32
        scf.if %cond3A_76 {
          %add3A_82 = arith.constant 3 : i32
          %add3A_83 = arith.addi %mul3A_49, %add3A_82 : i32
          %mul3A_84 = arith.constant 40 : i32
          %mul3A_85 = arith.muli %add3A_83, %mul3A_84 : i32
          %add3A_86 = arith.addi %mul3A_0, %mul3A_85 : i32
          %dma_start3A_87 = tpu.memref_slice %arg4[%add3A_86] : memref<160000xi32, #tpu.memory_space<hbm>> -> memref<40xi32, #tpu.memory_space<hbm>>
          %dma_start3A_88 = tpu.memref_slice %arg4[%add3A_86] : memref<160000xi32, #tpu.memory_space<hbm>> -> memref<40xi32, #tpu.memory_space<hbm>>
          tpu.enqueue_dma source(%dma_start3A_88 : memref<40xi32, #tpu.memory_space<hbm>>) target(%arg12 : memref<40xi32, #tpu.memory_space<vmem>>) target_semaphore(%arg17 : memref<!tpu.dma_semaphore, #tpu.memory_space<semaphore_mem>>)
          %dma_start3A_89 = tpu.memref_slice %arg5[%add3A_86] : memref<160000xi32, #tpu.memory_space<hbm>> -> memref<40xi32, #tpu.memory_space<hbm>>
          %dma_start3A_90 = tpu.memref_slice %arg5[%add3A_86] : memref<160000xi32, #tpu.memory_space<hbm>> -> memref<40xi32, #tpu.memory_space<hbm>>
          tpu.enqueue_dma source(%dma_start3A_90 : memref<40xi32, #tpu.memory_space<hbm>>) target(%arg13 : memref<40xi32, #tpu.memory_space<vmem>>) target_semaphore(%arg17 : memref<!tpu.dma_semaphore, #tpu.memory_space<semaphore_mem>>)
        } else {
        }
        "tpu.region"() ({
          %run_scoped3A = tpu.sem_alloc : memref<!tpu.dma_semaphore, #tpu.memory_space<semaphore_mem>>
          %dma_start3A_82 = arith.constant 0 : i32
          %dma_start3A_83 = arith.constant 0 : i32
          %dma_start3A_84 = tpu.memref_slice %arg15[%dma_start3A_82, %dma_start3A_83] : memref<10000x128xf32, #tpu.memory_space<vmem_shared>> -> memref<10000x128xf32, #tpu.memory_space<vmem_shared>>
          tpu.enqueue_indirect_dma source(%arg14 : memref<40x128xf32, #tpu.memory_space<vmem>>) target(%dma_start3A_84 : memref<10000x128xf32, #tpu.memory_space<vmem_shared>>) offsets(%arg13 : memref<40xi32, #tpu.memory_space<vmem>>) semaphore(%run_scoped3A : memref<!tpu.dma_semaphore, #tpu.memory_space<semaphore_mem>>) {add = true}
          %dma_wait3A_85 = arith.constant 0 : i32
          %dma_wait3A_86 = arith.constant 0 : i32
          %dma_wait3A_87 = tpu.memref_slice %arg15[%dma_wait3A_85, %dma_wait3A_86] : memref<10000x128xf32, #tpu.memory_space<vmem_shared>> -> memref<10000x128xf32, #tpu.memory_space<vmem_shared>>
          tpu.wait_indirect_dma semaphore(%run_scoped3A : memref<!tpu.dma_semaphore, #tpu.memory_space<semaphore_mem>>) src(%arg14 : memref<40x128xf32, #tpu.memory_space<vmem>>) dst(%dma_wait3A_87 : memref<10000x128xf32, #tpu.memory_space<vmem_shared>>)
          tpu.yield
        }) : () -> ()
        %lt3A_77 = arith.constant 124 : i32
        %lt3A_78 = arith.cmpi slt, %scan3A_47, %lt3A_77 : i32
        %convert_element_type3A_79 = arith.extui %lt3A_78 : i1 to i32
        %cond3A_80 = arith.constant 0 : i32
        %cond3A_81 = arith.cmpi ne, %convert_element_type3A_79, %cond3A_80 : i32
        scf.if %cond3A_81 {
          %dma_wait3A_82 = arith.constant 0 : i32
          %dma_wait3A_83 = arith.constant 0 : i32
          %dma_wait3A_84 = tpu.memref_slice %arg15[%dma_wait3A_82, %dma_wait3A_83] : memref<10000x128xf32, #tpu.memory_space<vmem_shared>> -> memref<10000x128xf32, #tpu.memory_space<vmem_shared>>
          tpu.wait_indirect_dma semaphore(%arg20 : memref<!tpu.dma_semaphore, #tpu.memory_space<semaphore_mem>>) src(%arg11 : memref<40x128xf32, #tpu.memory_space<vmem>>) dst(%dma_wait3A_84 : memref<10000x128xf32, #tpu.memory_space<vmem_shared>>)
          %dma_wait3A_85 = tpu.memref_slice %arg4[%mul3A_0] : memref<160000xi32, #tpu.memory_space<hbm>> -> memref<40xi32, #tpu.memory_space<hbm>>
          %dma_wait3A_86 = tpu.memref_slice %arg4[%mul3A_0] : memref<160000xi32, #tpu.memory_space<hbm>> -> memref<40xi32, #tpu.memory_space<hbm>>
          tpu.wait_dma2 semaphore(%arg16 : memref<!tpu.dma_semaphore, #tpu.memory_space<semaphore_mem>>) src(%dma_wait3A_86 : memref<40xi32, #tpu.memory_space<hbm>>) dst(%arg9 : memref<40xi32, #tpu.memory_space<vmem>>)
          %dma_wait3A_87 = tpu.memref_slice %arg5[%mul3A_0] : memref<160000xi32, #tpu.memory_space<hbm>> -> memref<40xi32, #tpu.memory_space<hbm>>
          %dma_wait3A_88 = tpu.memref_slice %arg5[%mul3A_0] : memref<160000xi32, #tpu.memory_space<hbm>> -> memref<40xi32, #tpu.memory_space<hbm>>
          tpu.wait_dma2 semaphore(%arg16 : memref<!tpu.dma_semaphore, #tpu.memory_space<semaphore_mem>>) src(%dma_wait3A_88 : memref<40xi32, #tpu.memory_space<hbm>>) dst(%arg10 : memref<40xi32, #tpu.memory_space<vmem>>)
          %dma_start3A_89 = arith.constant 0 : i32
          %dma_start3A_90 = arith.constant 0 : i32
          %dma_start3A_91 = tpu.memref_slice %arg3[%dma_start3A_89, %dma_start3A_90] : memref<10000x128xf32, #tpu.memory_space<hbm>> -> memref<10000x128xf32, #tpu.memory_space<hbm>>
          tpu.enqueue_indirect_dma source(%dma_start3A_91 : memref<10000x128xf32, #tpu.memory_space<hbm>>) target(%arg11 : memref<40x128xf32, #tpu.memory_space<vmem>>) offsets(%arg9 : memref<40xi32, #tpu.memory_space<vmem>>) semaphore(%arg18 : memref<!tpu.dma_semaphore, #tpu.memory_space<semaphore_mem>>)
        } else {
        }
      }
      %scan3A_46 = arith.constant 125 : i32
    } else {
    }
    %barrier3A_15 = arith.constant 0 : index
    tpu.barrier barrier_id(%barrier3A_15)
    %eq3A_16 = arith.constant 0 : i32
    %eq3A_17 = arith.cmpi eq, %arg0, %eq3A_16 : i32
    %convert_element_type3A_18 = arith.extui %eq3A_17 : i1 to i32
    %cond3A_19 = arith.constant 0 : i32
    %cond3A_20 = arith.cmpi ne, %convert_element_type3A_18, %cond3A_19 : i32
    scf.if %cond3A_20 {
      %mul3A_26 = arith.constant 624 : i32
      %mul3A_27 = arith.muli %arg1, %mul3A_26 : i32
      %mul3A_28 = arith.constant 624 : i32
      %mul3A_29 = arith.muli %arg1, %mul3A_28 : i32
      "tpu.region"() ({
        %run_scoped3A = tpu.sem_alloc : memref<!tpu.dma_semaphore, #tpu.memory_space<semaphore_mem>>
        %dma_start3A = arith.constant 0 : i32
        %dma_start3A_35 = tpu.memref_slice %arg7[%mul3A_29, %dma_start3A] : memref<10000x128xf32, #tpu.memory_space<hbm>> -> memref<624x128xf32, #tpu.memory_space<hbm>>
        %dma_start3A_36 = arith.constant 0 : i32
        %dma_start3A_37 = tpu.memref_slice %arg15[%mul3A_27, %dma_start3A_36] : memref<10000x128xf32, #tpu.memory_space<vmem_shared>> -> memref<624x128xf32, #tpu.memory_space<vmem_shared>>
        tpu.enqueue_dma source(%dma_start3A_37 : memref<624x128xf32, #tpu.memory_space<vmem_shared>>) target(%dma_start3A_35 : memref<624x128xf32, #tpu.memory_space<hbm>>) target_semaphore(%run_scoped3A : memref<!tpu.dma_semaphore, #tpu.memory_space<semaphore_mem>>)
        %dma_wait3A = arith.constant 0 : i32
        %dma_wait3A_38 = tpu.memref_slice %arg7[%mul3A_29, %dma_wait3A] : memref<10000x128xf32, #tpu.memory_space<hbm>> -> memref<624x128xf32, #tpu.memory_space<hbm>>
        %dma_wait3A_39 = arith.constant 0 : i32
        %dma_wait3A_40 = tpu.memref_slice %arg15[%mul3A_27, %dma_wait3A_39] : memref<10000x128xf32, #tpu.memory_space<vmem_shared>> -> memref<624x128xf32, #tpu.memory_space<vmem_shared>>
        tpu.wait_dma2 semaphore(%run_scoped3A : memref<!tpu.dma_semaphore, #tpu.memory_space<semaphore_mem>>) src(%dma_wait3A_40 : memref<624x128xf32, #tpu.memory_space<vmem_shared>>) dst(%dma_wait3A_38 : memref<624x128xf32, #tpu.memory_space<hbm>>)
        tpu.yield
      }) : () -> ()
      %eq3A_30 = arith.constant 15 : i32
      %eq3A_31 = arith.cmpi eq, %arg1, %eq3A_30 : i32
      %convert_element_type3A_32 = arith.extui %eq3A_31 : i1 to i32
      %cond3A_33 = arith.constant 0 : i32
      %cond3A_34 = arith.cmpi ne, %convert_element_type3A_32, %cond3A_33 : i32
      scf.if %cond3A_34 {
        "tpu.region"() ({
          %run_scoped3A = tpu.sem_alloc : memref<!tpu.dma_semaphore, #tpu.memory_space<semaphore_mem>>
          %dma_start3A = arith.constant 9984 : i32
          %dma_start3A_35 = arith.constant 0 : i32
          %dma_start3A_36 = tpu.memref_slice %arg7[%dma_start3A, %dma_start3A_35] : memref<10000x128xf32, #tpu.memory_space<hbm>> -> memref<16x128xf32, #tpu.memory_space<hbm>>
          %dma_start3A_37 = arith.constant 9984 : i32
          %dma_start3A_38 = arith.constant 0 : i32
          %dma_start3A_39 = tpu.memref_slice %arg15[%dma_start3A_37, %dma_start3A_38] : memref<10000x128xf32, #tpu.memory_space<vmem_shared>> -> memref<16x128xf32, #tpu.memory_space<vmem_shared>>
          tpu.enqueue_dma source(%dma_start3A_39 : memref<16x128xf32, #tpu.memory_space<vmem_shared>>) target(%dma_start3A_36 : memref<16x128xf32, #tpu.memory_space<hbm>>) target_semaphore(%run_scoped3A : memref<!tpu.dma_semaphore, #tpu.memory_space<semaphore_mem>>)
          %dma_wait3A = arith.constant 9984 : i32
          %dma_wait3A_40 = arith.constant 0 : i32
          %dma_wait3A_41 = tpu.memref_slice %arg7[%dma_wait3A, %dma_wait3A_40] : memref<10000x128xf32, #tpu.memory_space<hbm>> -> memref<16x128xf32, #tpu.memory_space<hbm>>
          %dma_wait3A_42 = arith.constant 9984 : i32
          %dma_wait3A_43 = arith.constant 0 : i32
          %dma_wait3A_44 = tpu.memref_slice %arg15[%dma_wait3A_42, %dma_wait3A_43] : memref<10000x128xf32, #tpu.memory_space<vmem_shared>> -> memref<16x128xf32, #tpu.memory_space<vmem_shared>>
          tpu.wait_dma2 semaphore(%run_scoped3A : memref<!tpu.dma_semaphore, #tpu.memory_space<semaphore_mem>>) src(%dma_wait3A_44 : memref<16x128xf32, #tpu.memory_space<vmem_shared>>) dst(%dma_wait3A_41 : memref<16x128xf32, #tpu.memory_space<hbm>>)
          tpu.yield
        }) : () -> ()
      } else {
      }
    } else {
    }
    %eq3A_21 = arith.constant 1 : i32
    %eq3A_22 = arith.cmpi eq, %arg0, %eq3A_21 : i32
    %convert_element_type3A_23 = arith.extui %eq3A_22 : i1 to i32
    %cond3A_24 = arith.constant 0 : i32
    %cond3A_25 = arith.cmpi ne, %convert_element_type3A_23, %cond3A_24 : i32
    scf.if %cond3A_25 {
      %mul3A_26 = arith.constant 624 : i32
      %mul3A_27 = arith.muli %arg1, %mul3A_26 : i32
      %mul3A_28 = arith.constant 624 : i32
      %mul3A_29 = arith.muli %arg1, %mul3A_28 : i32
      "tpu.region"() ({
        %run_scoped3A = tpu.sem_alloc : memref<!tpu.dma_semaphore, #tpu.memory_space<semaphore_mem>>
        %dma_start3A = arith.constant 0 : i32
        %dma_start3A_35 = tpu.memref_slice %arg8[%mul3A_29, %dma_start3A] : memref<10000x128xf32, #tpu.memory_space<hbm>> -> memref<624x128xf32, #tpu.memory_space<hbm>>
        %dma_start3A_36 = arith.constant 0 : i32
        %dma_start3A_37 = tpu.memref_slice %arg15[%mul3A_27, %dma_start3A_36] : memref<10000x128xf32, #tpu.memory_space<vmem_shared>> -> memref<624x128xf32, #tpu.memory_space<vmem_shared>>
        tpu.enqueue_dma source(%dma_start3A_37 : memref<624x128xf32, #tpu.memory_space<vmem_shared>>) target(%dma_start3A_35 : memref<624x128xf32, #tpu.memory_space<hbm>>) target_semaphore(%run_scoped3A : memref<!tpu.dma_semaphore, #tpu.memory_space<semaphore_mem>>)
        %dma_wait3A = arith.constant 0 : i32
        %dma_wait3A_38 = tpu.memref_slice %arg8[%mul3A_29, %dma_wait3A] : memref<10000x128xf32, #tpu.memory_space<hbm>> -> memref<624x128xf32, #tpu.memory_space<hbm>>
        %dma_wait3A_39 = arith.constant 0 : i32
        %dma_wait3A_40 = tpu.memref_slice %arg15[%mul3A_27, %dma_wait3A_39] : memref<10000x128xf32, #tpu.memory_space<vmem_shared>> -> memref<624x128xf32, #tpu.memory_space<vmem_shared>>
        tpu.wait_dma2 semaphore(%run_scoped3A : memref<!tpu.dma_semaphore, #tpu.memory_space<semaphore_mem>>) src(%dma_wait3A_40 : memref<624x128xf32, #tpu.memory_space<vmem_shared>>) dst(%dma_wait3A_38 : memref<624x128xf32, #tpu.memory_space<hbm>>)
        tpu.yield
      }) : () -> ()
      %eq3A_30 = arith.constant 15 : i32
      %eq3A_31 = arith.cmpi eq, %arg1, %eq3A_30 : i32
      %convert_element_type3A_32 = arith.extui %eq3A_31 : i1 to i32
      %cond3A_33 = arith.constant 0 : i32
      %cond3A_34 = arith.cmpi ne, %convert_element_type3A_32, %cond3A_33 : i32
      scf.if %cond3A_34 {
        "tpu.region"() ({
          %run_scoped3A = tpu.sem_alloc : memref<!tpu.dma_semaphore, #tpu.memory_space<semaphore_mem>>
          %dma_start3A = arith.constant 9984 : i32
          %dma_start3A_35 = arith.constant 0 : i32
          %dma_start3A_36 = tpu.memref_slice %arg8[%dma_start3A, %dma_start3A_35] : memref<10000x128xf32, #tpu.memory_space<hbm>> -> memref<16x128xf32, #tpu.memory_space<hbm>>
          %dma_start3A_37 = arith.constant 9984 : i32
          %dma_start3A_38 = arith.constant 0 : i32
          %dma_start3A_39 = tpu.memref_slice %arg15[%dma_start3A_37, %dma_start3A_38] : memref<10000x128xf32, #tpu.memory_space<vmem_shared>> -> memref<16x128xf32, #tpu.memory_space<vmem_shared>>
          tpu.enqueue_dma source(%dma_start3A_39 : memref<16x128xf32, #tpu.memory_space<vmem_shared>>) target(%dma_start3A_36 : memref<16x128xf32, #tpu.memory_space<hbm>>) target_semaphore(%run_scoped3A : memref<!tpu.dma_semaphore, #tpu.memory_space<semaphore_mem>>)
          %dma_wait3A = arith.constant 9984 : i32
          %dma_wait3A_40 = arith.constant 0 : i32
          %dma_wait3A_41 = tpu.memref_slice %arg8[%dma_wait3A, %dma_wait3A_40] : memref<10000x128xf32, #tpu.memory_space<hbm>> -> memref<16x128xf32, #tpu.memory_space<hbm>>
          %dma_wait3A_42 = arith.constant 9984 : i32
          %dma_wait3A_43 = arith.constant 0 : i32
          %dma_wait3A_44 = tpu.memref_slice %arg15[%dma_wait3A_42, %dma_wait3A_43] : memref<10000x128xf32, #tpu.memory_space<vmem_shared>> -> memref<16x128xf32, #tpu.memory_space<vmem_shared>>
          tpu.wait_dma2 semaphore(%run_scoped3A : memref<!tpu.dma_semaphore, #tpu.memory_space<semaphore_mem>>) src(%dma_wait3A_44 : memref<16x128xf32, #tpu.memory_space<vmem_shared>>) dst(%dma_wait3A_41 : memref<16x128xf32, #tpu.memory_space<hbm>>)
          tpu.yield
        }) : () -> ()
      } else {
      }
    } else {
    }
    return
  }
}

#map = affine_map<(d0, d1) -> (0, 0)>
#map1 = affine_map<(d0, d1) -> (0)>
module attributes {stable_mosaic.version = 14 : i64} {
  func.func @_sc_agg(%arg0: i32, %arg1: i32, %arg2: memref<10000x128xf32, #tpu.memory_space<hbm>>, %arg3: memref<10000x128xf32, #tpu.memory_space<hbm>>, %arg4: memref<160000xi32, #tpu.memory_space<hbm>>, %arg5: memref<160000xi32, #tpu.memory_space<hbm>>, %arg6: memref<624x128xf32, #tpu.memory_space<hbm>>, %arg7: memref<10000x128xf32, #tpu.memory_space<hbm>>, %arg8: memref<10000x128xf32, #tpu.memory_space<hbm>>, %arg9: memref<40xi32, #tpu.memory_space<vmem>>, %arg10: memref<40xi32, #tpu.memory_space<vmem>>, %arg11: memref<40x128xf32, #tpu.memory_space<vmem>>, %arg12: memref<40xi32, #tpu.memory_space<vmem>>, %arg13: memref<40xi32, #tpu.memory_space<vmem>>, %arg14: memref<40x128xf32, #tpu.memory_space<vmem>>, %arg15: memref<10000x128xf32, #tpu.memory_space<vmem_shared>>, %arg16: memref<!tpu.dma_semaphore, #tpu.memory_space<semaphore_mem>>, %arg17: memref<!tpu.dma_semaphore, #tpu.memory_space<semaphore_mem>>, %arg18: memref<!tpu.dma_semaphore, #tpu.memory_space<semaphore_mem>>, %arg19: memref<!tpu.dma_semaphore, #tpu.memory_space<semaphore_mem>>, %arg20: memref<!tpu.dma_semaphore, #tpu.memory_space<semaphore_mem>>) attributes {dimension_semantics = [#tpu.dimension_semantics<core_parallel>, #tpu.dimension_semantics<subcore_parallel>], iteration_bounds = array<i64: 2, 16>, scalar_prefetch = 0 : i64, scratch_operands = 12 : i64, tpu.core_type = #tpu.core_type<sc_vector_subcore>, window_params = [{transform_indices = #map}, {transform_indices = #map}, {transform_indices = #map1}, {transform_indices = #map1}, {transform_indices = #map}, {transform_indices = #map}, {transform_indices = #map}]} {
    %mul3A = arith.constant 10000 : i32
    %mul3A_0 = arith.muli %arg1, %mul3A : i32
    %mul3A_1 = arith.constant 624 : i32
    %mul3A_2 = arith.muli %arg1, %mul3A_1 : i32
    "tpu.region"() ({
      %run_scoped3A = tpu.sem_alloc : memref<!tpu.dma_semaphore, #tpu.memory_space<semaphore_mem>>
      %dma_start3A = arith.constant 0 : i32
      %dma_start3A_26 = tpu.memref_slice %arg15[%mul3A_2, %dma_start3A] : memref<10000x128xf32, #tpu.memory_space<vmem_shared>> -> memref<624x128xf32, #tpu.memory_space<vmem_shared>>
      %dma_start3A_27 = arith.constant 0 : i32
      %dma_start3A_28 = arith.constant 0 : i32
      %dma_start3A_29 = tpu.memref_slice %arg6[%dma_start3A_27, %dma_start3A_28] : memref<624x128xf32, #tpu.memory_space<hbm>> -> memref<624x128xf32, #tpu.memory_space<hbm>>
      tpu.enqueue_dma source(%dma_start3A_29 : memref<624x128xf32, #tpu.memory_space<hbm>>) target(%dma_start3A_26 : memref<624x128xf32, #tpu.memory_space<vmem_shared>>) target_semaphore(%run_scoped3A : memref<!tpu.dma_semaphore, #tpu.memory_space<semaphore_mem>>)
      %dma_wait3A = arith.constant 0 : i32
      %dma_wait3A_30 = tpu.memref_slice %arg15[%mul3A_2, %dma_wait3A] : memref<10000x128xf32, #tpu.memory_space<vmem_shared>> -> memref<624x128xf32, #tpu.memory_space<vmem_shared>>
      %dma_wait3A_31 = arith.constant 0 : i32
      %dma_wait3A_32 = arith.constant 0 : i32
      %dma_wait3A_33 = tpu.memref_slice %arg6[%dma_wait3A_31, %dma_wait3A_32] : memref<624x128xf32, #tpu.memory_space<hbm>> -> memref<624x128xf32, #tpu.memory_space<hbm>>
      tpu.wait_dma2 semaphore(%run_scoped3A : memref<!tpu.dma_semaphore, #tpu.memory_space<semaphore_mem>>) src(%dma_wait3A_33 : memref<624x128xf32, #tpu.memory_space<hbm>>) dst(%dma_wait3A_30 : memref<624x128xf32, #tpu.memory_space<vmem_shared>>)
      tpu.yield
    }) : () -> ()
    %eq3A = arith.constant 15 : i32
    %eq3A_3 = arith.cmpi eq, %arg1, %eq3A : i32
    %convert_element_type3A = arith.extui %eq3A_3 : i1 to i32
    %cond3A = arith.constant 0 : i32
    %cond3A_4 = arith.cmpi ne, %convert_element_type3A, %cond3A : i32
    scf.if %cond3A_4 {
      "tpu.region"() ({
        %run_scoped3A = tpu.sem_alloc : memref<!tpu.dma_semaphore, #tpu.memory_space<semaphore_mem>>
        %dma_start3A = arith.constant 9984 : i32
        %dma_start3A_26 = arith.constant 0 : i32
        %dma_start3A_27 = tpu.memref_slice %arg15[%dma_start3A, %dma_start3A_26] : memref<10000x128xf32, #tpu.memory_space<vmem_shared>> -> memref<16x128xf32, #tpu.memory_space<vmem_shared>>
        %dma_start3A_28 = arith.constant 0 : i32
        %dma_start3A_29 = arith.constant 0 : i32
        %dma_start3A_30 = tpu.memref_slice %arg6[%dma_start3A_28, %dma_start3A_29] : memref<624x128xf32, #tpu.memory_space<hbm>> -> memref<16x128xf32, #tpu.memory_space<hbm>>
        tpu.enqueue_dma source(%dma_start3A_30 : memref<16x128xf32, #tpu.memory_space<hbm>>) target(%dma_start3A_27 : memref<16x128xf32, #tpu.memory_space<vmem_shared>>) target_semaphore(%run_scoped3A : memref<!tpu.dma_semaphore, #tpu.memory_space<semaphore_mem>>)
        %dma_wait3A = arith.constant 9984 : i32
        %dma_wait3A_31 = arith.constant 0 : i32
        %dma_wait3A_32 = tpu.memref_slice %arg15[%dma_wait3A, %dma_wait3A_31] : memref<10000x128xf32, #tpu.memory_space<vmem_shared>> -> memref<16x128xf32, #tpu.memory_space<vmem_shared>>
        %dma_wait3A_33 = arith.constant 0 : i32
        %dma_wait3A_34 = arith.constant 0 : i32
        %dma_wait3A_35 = tpu.memref_slice %arg6[%dma_wait3A_33, %dma_wait3A_34] : memref<624x128xf32, #tpu.memory_space<hbm>> -> memref<16x128xf32, #tpu.memory_space<hbm>>
        tpu.wait_dma2 semaphore(%run_scoped3A : memref<!tpu.dma_semaphore, #tpu.memory_space<semaphore_mem>>) src(%dma_wait3A_35 : memref<16x128xf32, #tpu.memory_space<hbm>>) dst(%dma_wait3A_32 : memref<16x128xf32, #tpu.memory_space<vmem_shared>>)
        tpu.yield
      }) : () -> ()
    } else {
    }
    %barrier3A = arith.constant 0 : index
    tpu.barrier barrier_id(%barrier3A)
    %eq3A_5 = arith.constant 0 : i32
    %eq3A_6 = arith.cmpi eq, %arg0, %eq3A_5 : i32
    %convert_element_type3A_7 = arith.extui %eq3A_6 : i1 to i32
    %cond3A_8 = arith.constant 0 : i32
    %cond3A_9 = arith.cmpi ne, %convert_element_type3A_7, %cond3A_8 : i32
    scf.if %cond3A_9 {
      %add3A = arith.constant 0 : i32
      %add3A_26 = arith.addi %mul3A_0, %add3A : i32
      %dma_start3A = tpu.memref_slice %arg4[%add3A_26] : memref<160000xi32, #tpu.memory_space<hbm>> -> memref<40xi32, #tpu.memory_space<hbm>>
      %dma_start3A_27 = tpu.memref_slice %arg4[%add3A_26] : memref<160000xi32, #tpu.memory_space<hbm>> -> memref<40xi32, #tpu.memory_space<hbm>>
      tpu.enqueue_dma source(%dma_start3A_27 : memref<40xi32, #tpu.memory_space<hbm>>) target(%arg9 : memref<40xi32, #tpu.memory_space<vmem>>) target_semaphore(%arg16 : memref<!tpu.dma_semaphore, #tpu.memory_space<semaphore_mem>>)
      %dma_start3A_28 = tpu.memref_slice %arg5[%add3A_26] : memref<160000xi32, #tpu.memory_space<hbm>> -> memref<40xi32, #tpu.memory_space<hbm>>
      %dma_start3A_29 = tpu.memref_slice %arg5[%add3A_26] : memref<160000xi32, #tpu.memory_space<hbm>> -> memref<40xi32, #tpu.memory_space<hbm>>
      tpu.enqueue_dma source(%dma_start3A_29 : memref<40xi32, #tpu.memory_space<hbm>>) target(%arg10 : memref<40xi32, #tpu.memory_space<vmem>>) target_semaphore(%arg16 : memref<!tpu.dma_semaphore, #tpu.memory_space<semaphore_mem>>)
      %add3A_30 = arith.constant 40 : i32
      %add3A_31 = arith.addi %mul3A_0, %add3A_30 : i32
      %dma_start3A_32 = tpu.memref_slice %arg4[%add3A_31] : memref<160000xi32, #tpu.memory_space<hbm>> -> memref<40xi32, #tpu.memory_space<hbm>>
      %dma_start3A_33 = tpu.memref_slice %arg4[%add3A_31] : memref<160000xi32, #tpu.memory_space<hbm>> -> memref<40xi32, #tpu.memory_space<hbm>>
      tpu.enqueue_dma source(%dma_start3A_33 : memref<40xi32, #tpu.memory_space<hbm>>) target(%arg12 : memref<40xi32, #tpu.memory_space<vmem>>) target_semaphore(%arg17 : memref<!tpu.dma_semaphore, #tpu.memory_space<semaphore_mem>>)
      %dma_start3A_34 = tpu.memref_slice %arg5[%add3A_31] : memref<160000xi32, #tpu.memory_space<hbm>> -> memref<40xi32, #tpu.memory_space<hbm>>
      %dma_start3A_35 = tpu.memref_slice %arg5[%add3A_31] : memref<160000xi32, #tpu.memory_space<hbm>> -> memref<40xi32, #tpu.memory_space<hbm>>
      tpu.enqueue_dma source(%dma_start3A_35 : memref<40xi32, #tpu.memory_space<hbm>>) target(%arg13 : memref<40xi32, #tpu.memory_space<vmem>>) target_semaphore(%arg17 : memref<!tpu.dma_semaphore, #tpu.memory_space<semaphore_mem>>)
      %dma_wait3A = tpu.memref_slice %arg4[%mul3A_0] : memref<160000xi32, #tpu.memory_space<hbm>> -> memref<40xi32, #tpu.memory_space<hbm>>
      %dma_wait3A_36 = tpu.memref_slice %arg4[%mul3A_0] : memref<160000xi32, #tpu.memory_space<hbm>> -> memref<40xi32, #tpu.memory_space<hbm>>
      tpu.wait_dma2 semaphore(%arg16 : memref<!tpu.dma_semaphore, #tpu.memory_space<semaphore_mem>>) src(%dma_wait3A_36 : memref<40xi32, #tpu.memory_space<hbm>>) dst(%arg9 : memref<40xi32, #tpu.memory_space<vmem>>)
      %dma_wait3A_37 = tpu.memref_slice %arg5[%mul3A_0] : memref<160000xi32, #tpu.memory_space<hbm>> -> memref<40xi32, #tpu.memory_space<hbm>>
      %dma_wait3A_38 = tpu.memref_slice %arg5[%mul3A_0] : memref<160000xi32, #tpu.memory_space<hbm>> -> memref<40xi32, #tpu.memory_space<hbm>>
      tpu.wait_dma2 semaphore(%arg16 : memref<!tpu.dma_semaphore, #tpu.memory_space<semaphore_mem>>) src(%dma_wait3A_38 : memref<40xi32, #tpu.memory_space<hbm>>) dst(%arg10 : memref<40xi32, #tpu.memory_space<vmem>>)
      %dma_start3A_39 = arith.constant 0 : i32
      %dma_start3A_40 = arith.constant 0 : i32
      %dma_start3A_41 = tpu.memref_slice %arg2[%dma_start3A_39, %dma_start3A_40] : memref<10000x128xf32, #tpu.memory_space<hbm>> -> memref<10000x128xf32, #tpu.memory_space<hbm>>
      tpu.enqueue_indirect_dma source(%dma_start3A_41 : memref<10000x128xf32, #tpu.memory_space<hbm>>) target(%arg11 : memref<40x128xf32, #tpu.memory_space<vmem>>) offsets(%arg9 : memref<40xi32, #tpu.memory_space<vmem>>) semaphore(%arg18 : memref<!tpu.dma_semaphore, #tpu.memory_space<semaphore_mem>>)
      %scan3A = arith.constant 0 : i32
      %scan3A_42 = arith.constant 0 : i32
      %scan3A_43 = arith.constant 125 : i32
      %scan3A_44 = arith.addi %scan3A_42, %scan3A_43 : i32
      %scan3A_45 = arith.constant 1 : i32
      scf.for %scan3A_47 = %scan3A_42 to %scan3A_44 step %scan3A_45  : i32 {
        %mul3A_48 = arith.constant 2 : i32
        %mul3A_49 = arith.muli %mul3A_48, %scan3A_47 : i32
        %dma_wait3A_50 = tpu.memref_slice %arg4[%mul3A_0] : memref<160000xi32, #tpu.memory_space<hbm>> -> memref<40xi32, #tpu.memory_space<hbm>>
        %dma_wait3A_51 = tpu.memref_slice %arg4[%mul3A_0] : memref<160000xi32, #tpu.memory_space<hbm>> -> memref<40xi32, #tpu.memory_space<hbm>>
        tpu.wait_dma2 semaphore(%arg17 : memref<!tpu.dma_semaphore, #tpu.memory_space<semaphore_mem>>) src(%dma_wait3A_51 : memref<40xi32, #tpu.memory_space<hbm>>) dst(%arg12 : memref<40xi32, #tpu.memory_space<vmem>>)
        %dma_wait3A_52 = tpu.memref_slice %arg5[%mul3A_0] : memref<160000xi32, #tpu.memory_space<hbm>> -> memref<40xi32, #tpu.memory_space<hbm>>
        %dma_wait3A_53 = tpu.memref_slice %arg5[%mul3A_0] : memref<160000xi32, #tpu.memory_space<hbm>> -> memref<40xi32, #tpu.memory_space<hbm>>
        tpu.wait_dma2 semaphore(%arg17 : memref<!tpu.dma_semaphore, #tpu.memory_space<semaphore_mem>>) src(%dma_wait3A_53 : memref<40xi32, #tpu.memory_space<hbm>>) dst(%arg13 : memref<40xi32, #tpu.memory_space<vmem>>)
        %dma_start3A_54 = arith.constant 0 : i32
        %dma_start3A_55 = arith.constant 0 : i32
        %dma_start3A_56 = tpu.memref_slice %arg2[%dma_start3A_54, %dma_start3A_55] : memref<10000x128xf32, #tpu.memory_space<hbm>> -> memref<10000x128xf32, #tpu.memory_space<hbm>>
        tpu.enqueue_indirect_dma source(%dma_start3A_56 : memref<10000x128xf32, #tpu.memory_space<hbm>>) target(%arg14 : memref<40x128xf32, #tpu.memory_space<vmem>>) offsets(%arg12 : memref<40xi32, #tpu.memory_space<vmem>>) semaphore(%arg19 : memref<!tpu.dma_semaphore, #tpu.memory_space<semaphore_mem>>)
        %dma_wait3A_57 = arith.constant 0 : i32
        %dma_wait3A_58 = arith.constant 0 : i32
        %dma_wait3A_59 = tpu.memref_slice %arg2[%dma_wait3A_57, %dma_wait3A_58] : memref<10000x128xf32, #tpu.memory_space<hbm>> -> memref<10000x128xf32, #tpu.memory_space<hbm>>
        tpu.wait_indirect_dma semaphore(%arg18 : memref<!tpu.dma_semaphore, #tpu.memory_space<semaphore_mem>>) src(%dma_wait3A_59 : memref<10000x128xf32, #tpu.memory_space<hbm>>) dst(%arg11 : memref<40x128xf32, #tpu.memory_space<vmem>>)
        %lt3A = arith.constant 124 : i32
        %lt3A_60 = arith.cmpi slt, %scan3A_47, %lt3A : i32
        %convert_element_type3A_61 = arith.extui %lt3A_60 : i1 to i32
        %cond3A_62 = arith.constant 0 : i32
        %cond3A_63 = arith.cmpi ne, %convert_element_type3A_61, %cond3A_62 : i32
        scf.if %cond3A_63 {
          %add3A_82 = arith.constant 2 : i32
          %add3A_83 = arith.addi %mul3A_49, %add3A_82 : i32
          %mul3A_84 = arith.constant 40 : i32
          %mul3A_85 = arith.muli %add3A_83, %mul3A_84 : i32
          %add3A_86 = arith.addi %mul3A_0, %mul3A_85 : i32
          %dma_start3A_87 = tpu.memref_slice %arg4[%add3A_86] : memref<160000xi32, #tpu.memory_space<hbm>> -> memref<40xi32, #tpu.memory_space<hbm>>
          %dma_start3A_88 = tpu.memref_slice %arg4[%add3A_86] : memref<160000xi32, #tpu.memory_space<hbm>> -> memref<40xi32, #tpu.memory_space<hbm>>
          tpu.enqueue_dma source(%dma_start3A_88 : memref<40xi32, #tpu.memory_space<hbm>>) target(%arg9 : memref<40xi32, #tpu.memory_space<vmem>>) target_semaphore(%arg16 : memref<!tpu.dma_semaphore, #tpu.memory_space<semaphore_mem>>)
          %dma_start3A_89 = tpu.memref_slice %arg5[%add3A_86] : memref<160000xi32, #tpu.memory_space<hbm>> -> memref<40xi32, #tpu.memory_space<hbm>>
          %dma_start3A_90 = tpu.memref_slice %arg5[%add3A_86] : memref<160000xi32, #tpu.memory_space<hbm>> -> memref<40xi32, #tpu.memory_space<hbm>>
          tpu.enqueue_dma source(%dma_start3A_90 : memref<40xi32, #tpu.memory_space<hbm>>) target(%arg10 : memref<40xi32, #tpu.memory_space<vmem>>) target_semaphore(%arg16 : memref<!tpu.dma_semaphore, #tpu.memory_space<semaphore_mem>>)
          %dma_start3A_91 = arith.constant 0 : i32
          %dma_start3A_92 = arith.constant 0 : i32
          %dma_start3A_93 = tpu.memref_slice %arg15[%dma_start3A_91, %dma_start3A_92] : memref<10000x128xf32, #tpu.memory_space<vmem_shared>> -> memref<10000x128xf32, #tpu.memory_space<vmem_shared>>
          tpu.enqueue_indirect_dma source(%arg11 : memref<40x128xf32, #tpu.memory_space<vmem>>) target(%dma_start3A_93 : memref<10000x128xf32, #tpu.memory_space<vmem_shared>>) offsets(%arg10 : memref<40xi32, #tpu.memory_space<vmem>>) semaphore(%arg20 : memref<!tpu.dma_semaphore, #tpu.memory_space<semaphore_mem>>) {add = true}
        } else {
        }
        %eq3A_64 = arith.constant 124 : i32
        %eq3A_65 = arith.cmpi eq, %scan3A_47, %eq3A_64 : i32
        %convert_element_type3A_66 = arith.extui %eq3A_65 : i1 to i32
        %cond3A_67 = arith.constant 0 : i32
        %cond3A_68 = arith.cmpi ne, %convert_element_type3A_66, %cond3A_67 : i32
        scf.if %cond3A_68 {
          "tpu.region"() ({
            %run_scoped3A = tpu.sem_alloc : memref<!tpu.dma_semaphore, #tpu.memory_space<semaphore_mem>>
            %dma_start3A_82 = arith.constant 0 : i32
            %dma_start3A_83 = arith.constant 0 : i32
            %dma_start3A_84 = tpu.memref_slice %arg15[%dma_start3A_82, %dma_start3A_83] : memref<10000x128xf32, #tpu.memory_space<vmem_shared>> -> memref<10000x128xf32, #tpu.memory_space<vmem_shared>>
            tpu.enqueue_indirect_dma source(%arg11 : memref<40x128xf32, #tpu.memory_space<vmem>>) target(%dma_start3A_84 : memref<10000x128xf32, #tpu.memory_space<vmem_shared>>) offsets(%arg10 : memref<40xi32, #tpu.memory_space<vmem>>) semaphore(%run_scoped3A : memref<!tpu.dma_semaphore, #tpu.memory_space<semaphore_mem>>) {add = true}
            %dma_wait3A_85 = arith.constant 0 : i32
            %dma_wait3A_86 = arith.constant 0 : i32
            %dma_wait3A_87 = tpu.memref_slice %arg15[%dma_wait3A_85, %dma_wait3A_86] : memref<10000x128xf32, #tpu.memory_space<vmem_shared>> -> memref<10000x128xf32, #tpu.memory_space<vmem_shared>>
            tpu.wait_indirect_dma semaphore(%run_scoped3A : memref<!tpu.dma_semaphore, #tpu.memory_space<semaphore_mem>>) src(%arg11 : memref<40x128xf32, #tpu.memory_space<vmem>>) dst(%dma_wait3A_87 : memref<10000x128xf32, #tpu.memory_space<vmem_shared>>)
            tpu.yield
          }) : () -> ()
        } else {
        }
        %dma_wait3A_69 = arith.constant 0 : i32
        %dma_wait3A_70 = arith.constant 0 : i32
        %dma_wait3A_71 = tpu.memref_slice %arg2[%dma_wait3A_69, %dma_wait3A_70] : memref<10000x128xf32, #tpu.memory_space<hbm>> -> memref<10000x128xf32, #tpu.memory_space<hbm>>
        tpu.wait_indirect_dma semaphore(%arg19 : memref<!tpu.dma_semaphore, #tpu.memory_space<semaphore_mem>>) src(%dma_wait3A_71 : memref<10000x128xf32, #tpu.memory_space<hbm>>) dst(%arg14 : memref<40x128xf32, #tpu.memory_space<vmem>>)
        %lt3A_72 = arith.constant 124 : i32
        %lt3A_73 = arith.cmpi slt, %scan3A_47, %lt3A_72 : i32
        %convert_element_type3A_74 = arith.extui %lt3A_73 : i1 to i32
        %cond3A_75 = arith.constant 0 : i32
        %cond3A_76 = arith.cmpi ne, %convert_element_type3A_74, %cond3A_75 : i32
        scf.if %cond3A_76 {
          %add3A_82 = arith.constant 3 : i32
          %add3A_83 = arith.addi %mul3A_49, %add3A_82 : i32
          %mul3A_84 = arith.constant 40 : i32
          %mul3A_85 = arith.muli %add3A_83, %mul3A_84 : i32
          %add3A_86 = arith.addi %mul3A_0, %mul3A_85 : i32
          %dma_start3A_87 = tpu.memref_slice %arg4[%add3A_86] : memref<160000xi32, #tpu.memory_space<hbm>> -> memref<40xi32, #tpu.memory_space<hbm>>
          %dma_start3A_88 = tpu.memref_slice %arg4[%add3A_86] : memref<160000xi32, #tpu.memory_space<hbm>> -> memref<40xi32, #tpu.memory_space<hbm>>
          tpu.enqueue_dma source(%dma_start3A_88 : memref<40xi32, #tpu.memory_space<hbm>>) target(%arg12 : memref<40xi32, #tpu.memory_space<vmem>>) target_semaphore(%arg17 : memref<!tpu.dma_semaphore, #tpu.memory_space<semaphore_mem>>)
          %dma_start3A_89 = tpu.memref_slice %arg5[%add3A_86] : memref<160000xi32, #tpu.memory_space<hbm>> -> memref<40xi32, #tpu.memory_space<hbm>>
          %dma_start3A_90 = tpu.memref_slice %arg5[%add3A_86] : memref<160000xi32, #tpu.memory_space<hbm>> -> memref<40xi32, #tpu.memory_space<hbm>>
          tpu.enqueue_dma source(%dma_start3A_90 : memref<40xi32, #tpu.memory_space<hbm>>) target(%arg13 : memref<40xi32, #tpu.memory_space<vmem>>) target_semaphore(%arg17 : memref<!tpu.dma_semaphore, #tpu.memory_space<semaphore_mem>>)
        } else {
        }
        "tpu.region"() ({
          %run_scoped3A = tpu.sem_alloc : memref<!tpu.dma_semaphore, #tpu.memory_space<semaphore_mem>>
          %dma_start3A_82 = arith.constant 0 : i32
          %dma_start3A_83 = arith.constant 0 : i32
          %dma_start3A_84 = tpu.memref_slice %arg15[%dma_start3A_82, %dma_start3A_83] : memref<10000x128xf32, #tpu.memory_space<vmem_shared>> -> memref<10000x128xf32, #tpu.memory_space<vmem_shared>>
          tpu.enqueue_indirect_dma source(%arg14 : memref<40x128xf32, #tpu.memory_space<vmem>>) target(%dma_start3A_84 : memref<10000x128xf32, #tpu.memory_space<vmem_shared>>) offsets(%arg13 : memref<40xi32, #tpu.memory_space<vmem>>) semaphore(%run_scoped3A : memref<!tpu.dma_semaphore, #tpu.memory_space<semaphore_mem>>) {add = true}
          %dma_wait3A_85 = arith.constant 0 : i32
          %dma_wait3A_86 = arith.constant 0 : i32
          %dma_wait3A_87 = tpu.memref_slice %arg15[%dma_wait3A_85, %dma_wait3A_86] : memref<10000x128xf32, #tpu.memory_space<vmem_shared>> -> memref<10000x128xf32, #tpu.memory_space<vmem_shared>>
          tpu.wait_indirect_dma semaphore(%run_scoped3A : memref<!tpu.dma_semaphore, #tpu.memory_space<semaphore_mem>>) src(%arg14 : memref<40x128xf32, #tpu.memory_space<vmem>>) dst(%dma_wait3A_87 : memref<10000x128xf32, #tpu.memory_space<vmem_shared>>)
          tpu.yield
        }) : () -> ()
        %lt3A_77 = arith.constant 124 : i32
        %lt3A_78 = arith.cmpi slt, %scan3A_47, %lt3A_77 : i32
        %convert_element_type3A_79 = arith.extui %lt3A_78 : i1 to i32
        %cond3A_80 = arith.constant 0 : i32
        %cond3A_81 = arith.cmpi ne, %convert_element_type3A_79, %cond3A_80 : i32
        scf.if %cond3A_81 {
          %dma_wait3A_82 = arith.constant 0 : i32
          %dma_wait3A_83 = arith.constant 0 : i32
          %dma_wait3A_84 = tpu.memref_slice %arg15[%dma_wait3A_82, %dma_wait3A_83] : memref<10000x128xf32, #tpu.memory_space<vmem_shared>> -> memref<10000x128xf32, #tpu.memory_space<vmem_shared>>
          tpu.wait_indirect_dma semaphore(%arg20 : memref<!tpu.dma_semaphore, #tpu.memory_space<semaphore_mem>>) src(%arg11 : memref<40x128xf32, #tpu.memory_space<vmem>>) dst(%dma_wait3A_84 : memref<10000x128xf32, #tpu.memory_space<vmem_shared>>)
          %dma_wait3A_85 = tpu.memref_slice %arg4[%mul3A_0] : memref<160000xi32, #tpu.memory_space<hbm>> -> memref<40xi32, #tpu.memory_space<hbm>>
          %dma_wait3A_86 = tpu.memref_slice %arg4[%mul3A_0] : memref<160000xi32, #tpu.memory_space<hbm>> -> memref<40xi32, #tpu.memory_space<hbm>>
          tpu.wait_dma2 semaphore(%arg16 : memref<!tpu.dma_semaphore, #tpu.memory_space<semaphore_mem>>) src(%dma_wait3A_86 : memref<40xi32, #tpu.memory_space<hbm>>) dst(%arg9 : memref<40xi32, #tpu.memory_space<vmem>>)
          %dma_wait3A_87 = tpu.memref_slice %arg5[%mul3A_0] : memref<160000xi32, #tpu.memory_space<hbm>> -> memref<40xi32, #tpu.memory_space<hbm>>
          %dma_wait3A_88 = tpu.memref_slice %arg5[%mul3A_0] : memref<160000xi32, #tpu.memory_space<hbm>> -> memref<40xi32, #tpu.memory_space<hbm>>
          tpu.wait_dma2 semaphore(%arg16 : memref<!tpu.dma_semaphore, #tpu.memory_space<semaphore_mem>>) src(%dma_wait3A_88 : memref<40xi32, #tpu.memory_space<hbm>>) dst(%arg10 : memref<40xi32, #tpu.memory_space<vmem>>)
          %dma_start3A_89 = arith.constant 0 : i32
          %dma_start3A_90 = arith.constant 0 : i32
          %dma_start3A_91 = tpu.memref_slice %arg2[%dma_start3A_89, %dma_start3A_90] : memref<10000x128xf32, #tpu.memory_space<hbm>> -> memref<10000x128xf32, #tpu.memory_space<hbm>>
          tpu.enqueue_indirect_dma source(%dma_start3A_91 : memref<10000x128xf32, #tpu.memory_space<hbm>>) target(%arg11 : memref<40x128xf32, #tpu.memory_space<vmem>>) offsets(%arg9 : memref<40xi32, #tpu.memory_space<vmem>>) semaphore(%arg18 : memref<!tpu.dma_semaphore, #tpu.memory_space<semaphore_mem>>)
        } else {
        }
      }
      %scan3A_46 = arith.constant 125 : i32
    } else {
    }
    %eq3A_10 = arith.constant 1 : i32
    %eq3A_11 = arith.cmpi eq, %arg0, %eq3A_10 : i32
    %convert_element_type3A_12 = arith.extui %eq3A_11 : i1 to i32
    %cond3A_13 = arith.constant 0 : i32
    %cond3A_14 = arith.cmpi ne, %convert_element_type3A_12, %cond3A_13 : i32
    scf.if %cond3A_14 {
      %add3A = arith.constant 0 : i32
      %add3A_26 = arith.addi %mul3A_0, %add3A : i32
      %dma_start3A = tpu.memref_slice %arg4[%add3A_26] : memref<160000xi32, #tpu.memory_space<hbm>> -> memref<40xi32, #tpu.memory_space<hbm>>
      %dma_start3A_27 = tpu.memref_slice %arg4[%add3A_26] : memref<160000xi32, #tpu.memory_space<hbm>> -> memref<40xi32, #tpu.memory_space<hbm>>
      tpu.enqueue_dma source(%dma_start3A_27 : memref<40xi32, #tpu.memory_space<hbm>>) target(%arg9 : memref<40xi32, #tpu.memory_space<vmem>>) target_semaphore(%arg16 : memref<!tpu.dma_semaphore, #tpu.memory_space<semaphore_mem>>)
      %dma_start3A_28 = tpu.memref_slice %arg5[%add3A_26] : memref<160000xi32, #tpu.memory_space<hbm>> -> memref<40xi32, #tpu.memory_space<hbm>>
      %dma_start3A_29 = tpu.memref_slice %arg5[%add3A_26] : memref<160000xi32, #tpu.memory_space<hbm>> -> memref<40xi32, #tpu.memory_space<hbm>>
      tpu.enqueue_dma source(%dma_start3A_29 : memref<40xi32, #tpu.memory_space<hbm>>) target(%arg10 : memref<40xi32, #tpu.memory_space<vmem>>) target_semaphore(%arg16 : memref<!tpu.dma_semaphore, #tpu.memory_space<semaphore_mem>>)
      %add3A_30 = arith.constant 40 : i32
      %add3A_31 = arith.addi %mul3A_0, %add3A_30 : i32
      %dma_start3A_32 = tpu.memref_slice %arg4[%add3A_31] : memref<160000xi32, #tpu.memory_space<hbm>> -> memref<40xi32, #tpu.memory_space<hbm>>
      %dma_start3A_33 = tpu.memref_slice %arg4[%add3A_31] : memref<160000xi32, #tpu.memory_space<hbm>> -> memref<40xi32, #tpu.memory_space<hbm>>
      tpu.enqueue_dma source(%dma_start3A_33 : memref<40xi32, #tpu.memory_space<hbm>>) target(%arg12 : memref<40xi32, #tpu.memory_space<vmem>>) target_semaphore(%arg17 : memref<!tpu.dma_semaphore, #tpu.memory_space<semaphore_mem>>)
      %dma_start3A_34 = tpu.memref_slice %arg5[%add3A_31] : memref<160000xi32, #tpu.memory_space<hbm>> -> memref<40xi32, #tpu.memory_space<hbm>>
      %dma_start3A_35 = tpu.memref_slice %arg5[%add3A_31] : memref<160000xi32, #tpu.memory_space<hbm>> -> memref<40xi32, #tpu.memory_space<hbm>>
      tpu.enqueue_dma source(%dma_start3A_35 : memref<40xi32, #tpu.memory_space<hbm>>) target(%arg13 : memref<40xi32, #tpu.memory_space<vmem>>) target_semaphore(%arg17 : memref<!tpu.dma_semaphore, #tpu.memory_space<semaphore_mem>>)
      %dma_wait3A = tpu.memref_slice %arg4[%mul3A_0] : memref<160000xi32, #tpu.memory_space<hbm>> -> memref<40xi32, #tpu.memory_space<hbm>>
      %dma_wait3A_36 = tpu.memref_slice %arg4[%mul3A_0] : memref<160000xi32, #tpu.memory_space<hbm>> -> memref<40xi32, #tpu.memory_space<hbm>>
      tpu.wait_dma2 semaphore(%arg16 : memref<!tpu.dma_semaphore, #tpu.memory_space<semaphore_mem>>) src(%dma_wait3A_36 : memref<40xi32, #tpu.memory_space<hbm>>) dst(%arg9 : memref<40xi32, #tpu.memory_space<vmem>>)
      %dma_wait3A_37 = tpu.memref_slice %arg5[%mul3A_0] : memref<160000xi32, #tpu.memory_space<hbm>> -> memref<40xi32, #tpu.memory_space<hbm>>
      %dma_wait3A_38 = tpu.memref_slice %arg5[%mul3A_0] : memref<160000xi32, #tpu.memory_space<hbm>> -> memref<40xi32, #tpu.memory_space<hbm>>
      tpu.wait_dma2 semaphore(%arg16 : memref<!tpu.dma_semaphore, #tpu.memory_space<semaphore_mem>>) src(%dma_wait3A_38 : memref<40xi32, #tpu.memory_space<hbm>>) dst(%arg10 : memref<40xi32, #tpu.memory_space<vmem>>)
      %dma_start3A_39 = arith.constant 0 : i32
      %dma_start3A_40 = arith.constant 0 : i32
      %dma_start3A_41 = tpu.memref_slice %arg3[%dma_start3A_39, %dma_start3A_40] : memref<10000x128xf32, #tpu.memory_space<hbm>> -> memref<10000x128xf32, #tpu.memory_space<hbm>>
      tpu.enqueue_indirect_dma source(%dma_start3A_41 : memref<10000x128xf32, #tpu.memory_space<hbm>>) target(%arg11 : memref<40x128xf32, #tpu.memory_space<vmem>>) offsets(%arg9 : memref<40xi32, #tpu.memory_space<vmem>>) semaphore(%arg18 : memref<!tpu.dma_semaphore, #tpu.memory_space<semaphore_mem>>)
      %scan3A = arith.constant 0 : i32
      %scan3A_42 = arith.constant 0 : i32
      %scan3A_43 = arith.constant 125 : i32
      %scan3A_44 = arith.addi %scan3A_42, %scan3A_43 : i32
      %scan3A_45 = arith.constant 1 : i32
      scf.for %scan3A_47 = %scan3A_42 to %scan3A_44 step %scan3A_45  : i32 {
        %mul3A_48 = arith.constant 2 : i32
        %mul3A_49 = arith.muli %mul3A_48, %scan3A_47 : i32
        %dma_wait3A_50 = tpu.memref_slice %arg4[%mul3A_0] : memref<160000xi32, #tpu.memory_space<hbm>> -> memref<40xi32, #tpu.memory_space<hbm>>
        %dma_wait3A_51 = tpu.memref_slice %arg4[%mul3A_0] : memref<160000xi32, #tpu.memory_space<hbm>> -> memref<40xi32, #tpu.memory_space<hbm>>
        tpu.wait_dma2 semaphore(%arg17 : memref<!tpu.dma_semaphore, #tpu.memory_space<semaphore_mem>>) src(%dma_wait3A_51 : memref<40xi32, #tpu.memory_space<hbm>>) dst(%arg12 : memref<40xi32, #tpu.memory_space<vmem>>)
        %dma_wait3A_52 = tpu.memref_slice %arg5[%mul3A_0] : memref<160000xi32, #tpu.memory_space<hbm>> -> memref<40xi32, #tpu.memory_space<hbm>>
        %dma_wait3A_53 = tpu.memref_slice %arg5[%mul3A_0] : memref<160000xi32, #tpu.memory_space<hbm>> -> memref<40xi32, #tpu.memory_space<hbm>>
        tpu.wait_dma2 semaphore(%arg17 : memref<!tpu.dma_semaphore, #tpu.memory_space<semaphore_mem>>) src(%dma_wait3A_53 : memref<40xi32, #tpu.memory_space<hbm>>) dst(%arg13 : memref<40xi32, #tpu.memory_space<vmem>>)
        %dma_start3A_54 = arith.constant 0 : i32
        %dma_start3A_55 = arith.constant 0 : i32
        %dma_start3A_56 = tpu.memref_slice %arg3[%dma_start3A_54, %dma_start3A_55] : memref<10000x128xf32, #tpu.memory_space<hbm>> -> memref<10000x128xf32, #tpu.memory_space<hbm>>
        tpu.enqueue_indirect_dma source(%dma_start3A_56 : memref<10000x128xf32, #tpu.memory_space<hbm>>) target(%arg14 : memref<40x128xf32, #tpu.memory_space<vmem>>) offsets(%arg12 : memref<40xi32, #tpu.memory_space<vmem>>) semaphore(%arg19 : memref<!tpu.dma_semaphore, #tpu.memory_space<semaphore_mem>>)
        %dma_wait3A_57 = arith.constant 0 : i32
        %dma_wait3A_58 = arith.constant 0 : i32
        %dma_wait3A_59 = tpu.memref_slice %arg3[%dma_wait3A_57, %dma_wait3A_58] : memref<10000x128xf32, #tpu.memory_space<hbm>> -> memref<10000x128xf32, #tpu.memory_space<hbm>>
        tpu.wait_indirect_dma semaphore(%arg18 : memref<!tpu.dma_semaphore, #tpu.memory_space<semaphore_mem>>) src(%dma_wait3A_59 : memref<10000x128xf32, #tpu.memory_space<hbm>>) dst(%arg11 : memref<40x128xf32, #tpu.memory_space<vmem>>)
        %lt3A = arith.constant 124 : i32
        %lt3A_60 = arith.cmpi slt, %scan3A_47, %lt3A : i32
        %convert_element_type3A_61 = arith.extui %lt3A_60 : i1 to i32
        %cond3A_62 = arith.constant 0 : i32
        %cond3A_63 = arith.cmpi ne, %convert_element_type3A_61, %cond3A_62 : i32
        scf.if %cond3A_63 {
          %add3A_82 = arith.constant 2 : i32
          %add3A_83 = arith.addi %mul3A_49, %add3A_82 : i32
          %mul3A_84 = arith.constant 40 : i32
          %mul3A_85 = arith.muli %add3A_83, %mul3A_84 : i32
          %add3A_86 = arith.addi %mul3A_0, %mul3A_85 : i32
          %dma_start3A_87 = tpu.memref_slice %arg4[%add3A_86] : memref<160000xi32, #tpu.memory_space<hbm>> -> memref<40xi32, #tpu.memory_space<hbm>>
          %dma_start3A_88 = tpu.memref_slice %arg4[%add3A_86] : memref<160000xi32, #tpu.memory_space<hbm>> -> memref<40xi32, #tpu.memory_space<hbm>>
          tpu.enqueue_dma source(%dma_start3A_88 : memref<40xi32, #tpu.memory_space<hbm>>) target(%arg9 : memref<40xi32, #tpu.memory_space<vmem>>) target_semaphore(%arg16 : memref<!tpu.dma_semaphore, #tpu.memory_space<semaphore_mem>>)
          %dma_start3A_89 = tpu.memref_slice %arg5[%add3A_86] : memref<160000xi32, #tpu.memory_space<hbm>> -> memref<40xi32, #tpu.memory_space<hbm>>
          %dma_start3A_90 = tpu.memref_slice %arg5[%add3A_86] : memref<160000xi32, #tpu.memory_space<hbm>> -> memref<40xi32, #tpu.memory_space<hbm>>
          tpu.enqueue_dma source(%dma_start3A_90 : memref<40xi32, #tpu.memory_space<hbm>>) target(%arg10 : memref<40xi32, #tpu.memory_space<vmem>>) target_semaphore(%arg16 : memref<!tpu.dma_semaphore, #tpu.memory_space<semaphore_mem>>)
          %dma_start3A_91 = arith.constant 0 : i32
          %dma_start3A_92 = arith.constant 0 : i32
          %dma_start3A_93 = tpu.memref_slice %arg15[%dma_start3A_91, %dma_start3A_92] : memref<10000x128xf32, #tpu.memory_space<vmem_shared>> -> memref<10000x128xf32, #tpu.memory_space<vmem_shared>>
          tpu.enqueue_indirect_dma source(%arg11 : memref<40x128xf32, #tpu.memory_space<vmem>>) target(%dma_start3A_93 : memref<10000x128xf32, #tpu.memory_space<vmem_shared>>) offsets(%arg10 : memref<40xi32, #tpu.memory_space<vmem>>) semaphore(%arg20 : memref<!tpu.dma_semaphore, #tpu.memory_space<semaphore_mem>>) {add = true}
        } else {
        }
        %eq3A_64 = arith.constant 124 : i32
        %eq3A_65 = arith.cmpi eq, %scan3A_47, %eq3A_64 : i32
        %convert_element_type3A_66 = arith.extui %eq3A_65 : i1 to i32
        %cond3A_67 = arith.constant 0 : i32
        %cond3A_68 = arith.cmpi ne, %convert_element_type3A_66, %cond3A_67 : i32
        scf.if %cond3A_68 {
          "tpu.region"() ({
            %run_scoped3A = tpu.sem_alloc : memref<!tpu.dma_semaphore, #tpu.memory_space<semaphore_mem>>
            %dma_start3A_82 = arith.constant 0 : i32
            %dma_start3A_83 = arith.constant 0 : i32
            %dma_start3A_84 = tpu.memref_slice %arg15[%dma_start3A_82, %dma_start3A_83] : memref<10000x128xf32, #tpu.memory_space<vmem_shared>> -> memref<10000x128xf32, #tpu.memory_space<vmem_shared>>
            tpu.enqueue_indirect_dma source(%arg11 : memref<40x128xf32, #tpu.memory_space<vmem>>) target(%dma_start3A_84 : memref<10000x128xf32, #tpu.memory_space<vmem_shared>>) offsets(%arg10 : memref<40xi32, #tpu.memory_space<vmem>>) semaphore(%run_scoped3A : memref<!tpu.dma_semaphore, #tpu.memory_space<semaphore_mem>>) {add = true}
            %dma_wait3A_85 = arith.constant 0 : i32
            %dma_wait3A_86 = arith.constant 0 : i32
            %dma_wait3A_87 = tpu.memref_slice %arg15[%dma_wait3A_85, %dma_wait3A_86] : memref<10000x128xf32, #tpu.memory_space<vmem_shared>> -> memref<10000x128xf32, #tpu.memory_space<vmem_shared>>
            tpu.wait_indirect_dma semaphore(%run_scoped3A : memref<!tpu.dma_semaphore, #tpu.memory_space<semaphore_mem>>) src(%arg11 : memref<40x128xf32, #tpu.memory_space<vmem>>) dst(%dma_wait3A_87 : memref<10000x128xf32, #tpu.memory_space<vmem_shared>>)
            tpu.yield
          }) : () -> ()
        } else {
        }
        %dma_wait3A_69 = arith.constant 0 : i32
        %dma_wait3A_70 = arith.constant 0 : i32
        %dma_wait3A_71 = tpu.memref_slice %arg3[%dma_wait3A_69, %dma_wait3A_70] : memref<10000x128xf32, #tpu.memory_space<hbm>> -> memref<10000x128xf32, #tpu.memory_space<hbm>>
        tpu.wait_indirect_dma semaphore(%arg19 : memref<!tpu.dma_semaphore, #tpu.memory_space<semaphore_mem>>) src(%dma_wait3A_71 : memref<10000x128xf32, #tpu.memory_space<hbm>>) dst(%arg14 : memref<40x128xf32, #tpu.memory_space<vmem>>)
        %lt3A_72 = arith.constant 124 : i32
        %lt3A_73 = arith.cmpi slt, %scan3A_47, %lt3A_72 : i32
        %convert_element_type3A_74 = arith.extui %lt3A_73 : i1 to i32
        %cond3A_75 = arith.constant 0 : i32
        %cond3A_76 = arith.cmpi ne, %convert_element_type3A_74, %cond3A_75 : i32
        scf.if %cond3A_76 {
          %add3A_82 = arith.constant 3 : i32
          %add3A_83 = arith.addi %mul3A_49, %add3A_82 : i32
          %mul3A_84 = arith.constant 40 : i32
          %mul3A_85 = arith.muli %add3A_83, %mul3A_84 : i32
          %add3A_86 = arith.addi %mul3A_0, %mul3A_85 : i32
          %dma_start3A_87 = tpu.memref_slice %arg4[%add3A_86] : memref<160000xi32, #tpu.memory_space<hbm>> -> memref<40xi32, #tpu.memory_space<hbm>>
          %dma_start3A_88 = tpu.memref_slice %arg4[%add3A_86] : memref<160000xi32, #tpu.memory_space<hbm>> -> memref<40xi32, #tpu.memory_space<hbm>>
          tpu.enqueue_dma source(%dma_start3A_88 : memref<40xi32, #tpu.memory_space<hbm>>) target(%arg12 : memref<40xi32, #tpu.memory_space<vmem>>) target_semaphore(%arg17 : memref<!tpu.dma_semaphore, #tpu.memory_space<semaphore_mem>>)
          %dma_start3A_89 = tpu.memref_slice %arg5[%add3A_86] : memref<160000xi32, #tpu.memory_space<hbm>> -> memref<40xi32, #tpu.memory_space<hbm>>
          %dma_start3A_90 = tpu.memref_slice %arg5[%add3A_86] : memref<160000xi32, #tpu.memory_space<hbm>> -> memref<40xi32, #tpu.memory_space<hbm>>
          tpu.enqueue_dma source(%dma_start3A_90 : memref<40xi32, #tpu.memory_space<hbm>>) target(%arg13 : memref<40xi32, #tpu.memory_space<vmem>>) target_semaphore(%arg17 : memref<!tpu.dma_semaphore, #tpu.memory_space<semaphore_mem>>)
        } else {
        }
        "tpu.region"() ({
          %run_scoped3A = tpu.sem_alloc : memref<!tpu.dma_semaphore, #tpu.memory_space<semaphore_mem>>
          %dma_start3A_82 = arith.constant 0 : i32
          %dma_start3A_83 = arith.constant 0 : i32
          %dma_start3A_84 = tpu.memref_slice %arg15[%dma_start3A_82, %dma_start3A_83] : memref<10000x128xf32, #tpu.memory_space<vmem_shared>> -> memref<10000x128xf32, #tpu.memory_space<vmem_shared>>
          tpu.enqueue_indirect_dma source(%arg14 : memref<40x128xf32, #tpu.memory_space<vmem>>) target(%dma_start3A_84 : memref<10000x128xf32, #tpu.memory_space<vmem_shared>>) offsets(%arg13 : memref<40xi32, #tpu.memory_space<vmem>>) semaphore(%run_scoped3A : memref<!tpu.dma_semaphore, #tpu.memory_space<semaphore_mem>>) {add = true}
          %dma_wait3A_85 = arith.constant 0 : i32
          %dma_wait3A_86 = arith.constant 0 : i32
          %dma_wait3A_87 = tpu.memref_slice %arg15[%dma_wait3A_85, %dma_wait3A_86] : memref<10000x128xf32, #tpu.memory_space<vmem_shared>> -> memref<10000x128xf32, #tpu.memory_space<vmem_shared>>
          tpu.wait_indirect_dma semaphore(%run_scoped3A : memref<!tpu.dma_semaphore, #tpu.memory_space<semaphore_mem>>) src(%arg14 : memref<40x128xf32, #tpu.memory_space<vmem>>) dst(%dma_wait3A_87 : memref<10000x128xf32, #tpu.memory_space<vmem_shared>>)
          tpu.yield
        }) : () -> ()
        %lt3A_77 = arith.constant 124 : i32
        %lt3A_78 = arith.cmpi slt, %scan3A_47, %lt3A_77 : i32
        %convert_element_type3A_79 = arith.extui %lt3A_78 : i1 to i32
        %cond3A_80 = arith.constant 0 : i32
        %cond3A_81 = arith.cmpi ne, %convert_element_type3A_79, %cond3A_80 : i32
        scf.if %cond3A_81 {
          %dma_wait3A_82 = arith.constant 0 : i32
          %dma_wait3A_83 = arith.constant 0 : i32
          %dma_wait3A_84 = tpu.memref_slice %arg15[%dma_wait3A_82, %dma_wait3A_83] : memref<10000x128xf32, #tpu.memory_space<vmem_shared>> -> memref<10000x128xf32, #tpu.memory_space<vmem_shared>>
          tpu.wait_indirect_dma semaphore(%arg20 : memref<!tpu.dma_semaphore, #tpu.memory_space<semaphore_mem>>) src(%arg11 : memref<40x128xf32, #tpu.memory_space<vmem>>) dst(%dma_wait3A_84 : memref<10000x128xf32, #tpu.memory_space<vmem_shared>>)
          %dma_wait3A_85 = tpu.memref_slice %arg4[%mul3A_0] : memref<160000xi32, #tpu.memory_space<hbm>> -> memref<40xi32, #tpu.memory_space<hbm>>
          %dma_wait3A_86 = tpu.memref_slice %arg4[%mul3A_0] : memref<160000xi32, #tpu.memory_space<hbm>> -> memref<40xi32, #tpu.memory_space<hbm>>
          tpu.wait_dma2 semaphore(%arg16 : memref<!tpu.dma_semaphore, #tpu.memory_space<semaphore_mem>>) src(%dma_wait3A_86 : memref<40xi32, #tpu.memory_space<hbm>>) dst(%arg9 : memref<40xi32, #tpu.memory_space<vmem>>)
          %dma_wait3A_87 = tpu.memref_slice %arg5[%mul3A_0] : memref<160000xi32, #tpu.memory_space<hbm>> -> memref<40xi32, #tpu.memory_space<hbm>>
          %dma_wait3A_88 = tpu.memref_slice %arg5[%mul3A_0] : memref<160000xi32, #tpu.memory_space<hbm>> -> memref<40xi32, #tpu.memory_space<hbm>>
          tpu.wait_dma2 semaphore(%arg16 : memref<!tpu.dma_semaphore, #tpu.memory_space<semaphore_mem>>) src(%dma_wait3A_88 : memref<40xi32, #tpu.memory_space<hbm>>) dst(%arg10 : memref<40xi32, #tpu.memory_space<vmem>>)
          %dma_start3A_89 = arith.constant 0 : i32
          %dma_start3A_90 = arith.constant 0 : i32
          %dma_start3A_91 = tpu.memref_slice %arg3[%dma_start3A_89, %dma_start3A_90] : memref<10000x128xf32, #tpu.memory_space<hbm>> -> memref<10000x128xf32, #tpu.memory_space<hbm>>
          tpu.enqueue_indirect_dma source(%dma_start3A_91 : memref<10000x128xf32, #tpu.memory_space<hbm>>) target(%arg11 : memref<40x128xf32, #tpu.memory_space<vmem>>) offsets(%arg9 : memref<40xi32, #tpu.memory_space<vmem>>) semaphore(%arg18 : memref<!tpu.dma_semaphore, #tpu.memory_space<semaphore_mem>>)
        } else {
        }
      }
      %scan3A_46 = arith.constant 125 : i32
    } else {
    }
    %barrier3A_15 = arith.constant 0 : index
    tpu.barrier barrier_id(%barrier3A_15)
    %eq3A_16 = arith.constant 0 : i32
    %eq3A_17 = arith.cmpi eq, %arg0, %eq3A_16 : i32
    %convert_element_type3A_18 = arith.extui %eq3A_17 : i1 to i32
    %cond3A_19 = arith.constant 0 : i32
    %cond3A_20 = arith.cmpi ne, %convert_element_type3A_18, %cond3A_19 : i32
    scf.if %cond3A_20 {
      %mul3A_26 = arith.constant 624 : i32
      %mul3A_27 = arith.muli %arg1, %mul3A_26 : i32
      %mul3A_28 = arith.constant 624 : i32
      %mul3A_29 = arith.muli %arg1, %mul3A_28 : i32
      "tpu.region"() ({
        %run_scoped3A = tpu.sem_alloc : memref<!tpu.dma_semaphore, #tpu.memory_space<semaphore_mem>>
        %dma_start3A = arith.constant 0 : i32
        %dma_start3A_35 = tpu.memref_slice %arg7[%mul3A_29, %dma_start3A] : memref<10000x128xf32, #tpu.memory_space<hbm>> -> memref<624x128xf32, #tpu.memory_space<hbm>>
        %dma_start3A_36 = arith.constant 0 : i32
        %dma_start3A_37 = tpu.memref_slice %arg15[%mul3A_27, %dma_start3A_36] : memref<10000x128xf32, #tpu.memory_space<vmem_shared>> -> memref<624x128xf32, #tpu.memory_space<vmem_shared>>
        tpu.enqueue_dma source(%dma_start3A_37 : memref<624x128xf32, #tpu.memory_space<vmem_shared>>) target(%dma_start3A_35 : memref<624x128xf32, #tpu.memory_space<hbm>>) target_semaphore(%run_scoped3A : memref<!tpu.dma_semaphore, #tpu.memory_space<semaphore_mem>>)
        %dma_wait3A = arith.constant 0 : i32
        %dma_wait3A_38 = tpu.memref_slice %arg7[%mul3A_29, %dma_wait3A] : memref<10000x128xf32, #tpu.memory_space<hbm>> -> memref<624x128xf32, #tpu.memory_space<hbm>>
        %dma_wait3A_39 = arith.constant 0 : i32
        %dma_wait3A_40 = tpu.memref_slice %arg15[%mul3A_27, %dma_wait3A_39] : memref<10000x128xf32, #tpu.memory_space<vmem_shared>> -> memref<624x128xf32, #tpu.memory_space<vmem_shared>>
        tpu.wait_dma2 semaphore(%run_scoped3A : memref<!tpu.dma_semaphore, #tpu.memory_space<semaphore_mem>>) src(%dma_wait3A_40 : memref<624x128xf32, #tpu.memory_space<vmem_shared>>) dst(%dma_wait3A_38 : memref<624x128xf32, #tpu.memory_space<hbm>>)
        tpu.yield
      }) : () -> ()
      %eq3A_30 = arith.constant 15 : i32
      %eq3A_31 = arith.cmpi eq, %arg1, %eq3A_30 : i32
      %convert_element_type3A_32 = arith.extui %eq3A_31 : i1 to i32
      %cond3A_33 = arith.constant 0 : i32
      %cond3A_34 = arith.cmpi ne, %convert_element_type3A_32, %cond3A_33 : i32
      scf.if %cond3A_34 {
        "tpu.region"() ({
          %run_scoped3A = tpu.sem_alloc : memref<!tpu.dma_semaphore, #tpu.memory_space<semaphore_mem>>
          %dma_start3A = arith.constant 9984 : i32
          %dma_start3A_35 = arith.constant 0 : i32
          %dma_start3A_36 = tpu.memref_slice %arg7[%dma_start3A, %dma_start3A_35] : memref<10000x128xf32, #tpu.memory_space<hbm>> -> memref<16x128xf32, #tpu.memory_space<hbm>>
          %dma_start3A_37 = arith.constant 9984 : i32
          %dma_start3A_38 = arith.constant 0 : i32
          %dma_start3A_39 = tpu.memref_slice %arg15[%dma_start3A_37, %dma_start3A_38] : memref<10000x128xf32, #tpu.memory_space<vmem_shared>> -> memref<16x128xf32, #tpu.memory_space<vmem_shared>>
          tpu.enqueue_dma source(%dma_start3A_39 : memref<16x128xf32, #tpu.memory_space<vmem_shared>>) target(%dma_start3A_36 : memref<16x128xf32, #tpu.memory_space<hbm>>) target_semaphore(%run_scoped3A : memref<!tpu.dma_semaphore, #tpu.memory_space<semaphore_mem>>)
          %dma_wait3A = arith.constant 9984 : i32
          %dma_wait3A_40 = arith.constant 0 : i32
          %dma_wait3A_41 = tpu.memref_slice %arg7[%dma_wait3A, %dma_wait3A_40] : memref<10000x128xf32, #tpu.memory_space<hbm>> -> memref<16x128xf32, #tpu.memory_space<hbm>>
          %dma_wait3A_42 = arith.constant 9984 : i32
          %dma_wait3A_43 = arith.constant 0 : i32
          %dma_wait3A_44 = tpu.memref_slice %arg15[%dma_wait3A_42, %dma_wait3A_43] : memref<10000x128xf32, #tpu.memory_space<vmem_shared>> -> memref<16x128xf32, #tpu.memory_space<vmem_shared>>
          tpu.wait_dma2 semaphore(%run_scoped3A : memref<!tpu.dma_semaphore, #tpu.memory_space<semaphore_mem>>) src(%dma_wait3A_44 : memref<16x128xf32, #tpu.memory_space<vmem_shared>>) dst(%dma_wait3A_41 : memref<16x128xf32, #tpu.memory_space<hbm>>)
          tpu.yield
        }) : () -> ()
      } else {
      }
    } else {
    }
    %eq3A_21 = arith.constant 1 : i32
    %eq3A_22 = arith.cmpi eq, %arg0, %eq3A_21 : i32
    %convert_element_type3A_23 = arith.extui %eq3A_22 : i1 to i32
    %cond3A_24 = arith.constant 0 : i32
    %cond3A_25 = arith.cmpi ne, %convert_element_type3A_23, %cond3A_24 : i32
    scf.if %cond3A_25 {
      %mul3A_26 = arith.constant 624 : i32
      %mul3A_27 = arith.muli %arg1, %mul3A_26 : i32
      %mul3A_28 = arith.constant 624 : i32
      %mul3A_29 = arith.muli %arg1, %mul3A_28 : i32
      "tpu.region"() ({
        %run_scoped3A = tpu.sem_alloc : memref<!tpu.dma_semaphore, #tpu.memory_space<semaphore_mem>>
        %dma_start3A = arith.constant 0 : i32
        %dma_start3A_35 = tpu.memref_slice %arg8[%mul3A_29, %dma_start3A] : memref<10000x128xf32, #tpu.memory_space<hbm>> -> memref<624x128xf32, #tpu.memory_space<hbm>>
        %dma_start3A_36 = arith.constant 0 : i32
        %dma_start3A_37 = tpu.memref_slice %arg15[%mul3A_27, %dma_start3A_36] : memref<10000x128xf32, #tpu.memory_space<vmem_shared>> -> memref<624x128xf32, #tpu.memory_space<vmem_shared>>
        tpu.enqueue_dma source(%dma_start3A_37 : memref<624x128xf32, #tpu.memory_space<vmem_shared>>) target(%dma_start3A_35 : memref<624x128xf32, #tpu.memory_space<hbm>>) target_semaphore(%run_scoped3A : memref<!tpu.dma_semaphore, #tpu.memory_space<semaphore_mem>>)
        %dma_wait3A = arith.constant 0 : i32
        %dma_wait3A_38 = tpu.memref_slice %arg8[%mul3A_29, %dma_wait3A] : memref<10000x128xf32, #tpu.memory_space<hbm>> -> memref<624x128xf32, #tpu.memory_space<hbm>>
        %dma_wait3A_39 = arith.constant 0 : i32
        %dma_wait3A_40 = tpu.memref_slice %arg15[%mul3A_27, %dma_wait3A_39] : memref<10000x128xf32, #tpu.memory_space<vmem_shared>> -> memref<624x128xf32, #tpu.memory_space<vmem_shared>>
        tpu.wait_dma2 semaphore(%run_scoped3A : memref<!tpu.dma_semaphore, #tpu.memory_space<semaphore_mem>>) src(%dma_wait3A_40 : memref<624x128xf32, #tpu.memory_space<vmem_shared>>) dst(%dma_wait3A_38 : memref<624x128xf32, #tpu.memory_space<hbm>>)
        tpu.yield
      }) : () -> ()
      %eq3A_30 = arith.constant 15 : i32
      %eq3A_31 = arith.cmpi eq, %arg1, %eq3A_30 : i32
      %convert_element_type3A_32 = arith.extui %eq3A_31 : i1 to i32
      %cond3A_33 = arith.constant 0 : i32
      %cond3A_34 = arith.cmpi ne, %convert_element_type3A_32, %cond3A_33 : i32
      scf.if %cond3A_34 {
        "tpu.region"() ({
          %run_scoped3A = tpu.sem_alloc : memref<!tpu.dma_semaphore, #tpu.memory_space<semaphore_mem>>
          %dma_start3A = arith.constant 9984 : i32
          %dma_start3A_35 = arith.constant 0 : i32
          %dma_start3A_36 = tpu.memref_slice %arg8[%dma_start3A, %dma_start3A_35] : memref<10000x128xf32, #tpu.memory_space<hbm>> -> memref<16x128xf32, #tpu.memory_space<hbm>>
          %dma_start3A_37 = arith.constant 9984 : i32
          %dma_start3A_38 = arith.constant 0 : i32
          %dma_start3A_39 = tpu.memref_slice %arg15[%dma_start3A_37, %dma_start3A_38] : memref<10000x128xf32, #tpu.memory_space<vmem_shared>> -> memref<16x128xf32, #tpu.memory_space<vmem_shared>>
          tpu.enqueue_dma source(%dma_start3A_39 : memref<16x128xf32, #tpu.memory_space<vmem_shared>>) target(%dma_start3A_36 : memref<16x128xf32, #tpu.memory_space<hbm>>) target_semaphore(%run_scoped3A : memref<!tpu.dma_semaphore, #tpu.memory_space<semaphore_mem>>)
          %dma_wait3A = arith.constant 9984 : i32
          %dma_wait3A_40 = arith.constant 0 : i32
          %dma_wait3A_41 = tpu.memref_slice %arg8[%dma_wait3A, %dma_wait3A_40] : memref<10000x128xf32, #tpu.memory_space<hbm>> -> memref<16x128xf32, #tpu.memory_space<hbm>>
          %dma_wait3A_42 = arith.constant 9984 : i32
          %dma_wait3A_43 = arith.constant 0 : i32
          %dma_wait3A_44 = tpu.memref_slice %arg15[%dma_wait3A_42, %dma_wait3A_43] : memref<10000x128xf32, #tpu.memory_space<vmem_shared>> -> memref<16x128xf32, #tpu.memory_space<vmem_shared>>
          tpu.wait_dma2 semaphore(%run_scoped3A : memref<!tpu.dma_semaphore, #tpu.memory_space<semaphore_mem>>) src(%dma_wait3A_44 : memref<16x128xf32, #tpu.memory_space<vmem_shared>>) dst(%dma_wait3A_41 : memref<16x128xf32, #tpu.memory_space<hbm>>)
          tpu.yield
        }) : () -> ()
      } else {
      }
    } else {
    }
    return
  }
}

#map = affine_map<(d0, d1) -> (0, 0)>
#map1 = affine_map<(d0, d1) -> (0)>
module attributes {stable_mosaic.version = 14 : i64} {
  func.func @_sc_agg(%arg0: i32, %arg1: i32, %arg2: memref<10000x128xf32, #tpu.memory_space<hbm>>, %arg3: memref<10000x128xf32, #tpu.memory_space<hbm>>, %arg4: memref<160000xi32, #tpu.memory_space<hbm>>, %arg5: memref<160000xi32, #tpu.memory_space<hbm>>, %arg6: memref<624x128xf32, #tpu.memory_space<hbm>>, %arg7: memref<10000x128xf32, #tpu.memory_space<hbm>>, %arg8: memref<10000x128xf32, #tpu.memory_space<hbm>>, %arg9: memref<40xi32, #tpu.memory_space<vmem>>, %arg10: memref<40xi32, #tpu.memory_space<vmem>>, %arg11: memref<40x128xf32, #tpu.memory_space<vmem>>, %arg12: memref<40xi32, #tpu.memory_space<vmem>>, %arg13: memref<40xi32, #tpu.memory_space<vmem>>, %arg14: memref<40x128xf32, #tpu.memory_space<vmem>>, %arg15: memref<10000x128xf32, #tpu.memory_space<vmem_shared>>, %arg16: memref<!tpu.dma_semaphore, #tpu.memory_space<semaphore_mem>>, %arg17: memref<!tpu.dma_semaphore, #tpu.memory_space<semaphore_mem>>, %arg18: memref<!tpu.dma_semaphore, #tpu.memory_space<semaphore_mem>>, %arg19: memref<!tpu.dma_semaphore, #tpu.memory_space<semaphore_mem>>, %arg20: memref<!tpu.dma_semaphore, #tpu.memory_space<semaphore_mem>>) attributes {dimension_semantics = [#tpu.dimension_semantics<core_parallel>, #tpu.dimension_semantics<subcore_parallel>], iteration_bounds = array<i64: 2, 16>, scalar_prefetch = 0 : i64, scratch_operands = 12 : i64, tpu.core_type = #tpu.core_type<sc_vector_subcore>, window_params = [{transform_indices = #map}, {transform_indices = #map}, {transform_indices = #map1}, {transform_indices = #map1}, {transform_indices = #map}, {transform_indices = #map}, {transform_indices = #map}]} {
    %mul3A = arith.constant 10000 : i32
    %mul3A_0 = arith.muli %arg1, %mul3A : i32
    %mul3A_1 = arith.constant 624 : i32
    %mul3A_2 = arith.muli %arg1, %mul3A_1 : i32
    "tpu.region"() ({
      %run_scoped3A = tpu.sem_alloc : memref<!tpu.dma_semaphore, #tpu.memory_space<semaphore_mem>>
      %dma_start3A = arith.constant 0 : i32
      %dma_start3A_26 = tpu.memref_slice %arg15[%mul3A_2, %dma_start3A] : memref<10000x128xf32, #tpu.memory_space<vmem_shared>> -> memref<624x128xf32, #tpu.memory_space<vmem_shared>>
      %dma_start3A_27 = arith.constant 0 : i32
      %dma_start3A_28 = arith.constant 0 : i32
      %dma_start3A_29 = tpu.memref_slice %arg6[%dma_start3A_27, %dma_start3A_28] : memref<624x128xf32, #tpu.memory_space<hbm>> -> memref<624x128xf32, #tpu.memory_space<hbm>>
      tpu.enqueue_dma source(%dma_start3A_29 : memref<624x128xf32, #tpu.memory_space<hbm>>) target(%dma_start3A_26 : memref<624x128xf32, #tpu.memory_space<vmem_shared>>) target_semaphore(%run_scoped3A : memref<!tpu.dma_semaphore, #tpu.memory_space<semaphore_mem>>)
      %dma_wait3A = arith.constant 0 : i32
      %dma_wait3A_30 = tpu.memref_slice %arg15[%mul3A_2, %dma_wait3A] : memref<10000x128xf32, #tpu.memory_space<vmem_shared>> -> memref<624x128xf32, #tpu.memory_space<vmem_shared>>
      %dma_wait3A_31 = arith.constant 0 : i32
      %dma_wait3A_32 = arith.constant 0 : i32
      %dma_wait3A_33 = tpu.memref_slice %arg6[%dma_wait3A_31, %dma_wait3A_32] : memref<624x128xf32, #tpu.memory_space<hbm>> -> memref<624x128xf32, #tpu.memory_space<hbm>>
      tpu.wait_dma2 semaphore(%run_scoped3A : memref<!tpu.dma_semaphore, #tpu.memory_space<semaphore_mem>>) src(%dma_wait3A_33 : memref<624x128xf32, #tpu.memory_space<hbm>>) dst(%dma_wait3A_30 : memref<624x128xf32, #tpu.memory_space<vmem_shared>>)
      tpu.yield
    }) : () -> ()
    %eq3A = arith.constant 15 : i32
    %eq3A_3 = arith.cmpi eq, %arg1, %eq3A : i32
    %convert_element_type3A = arith.extui %eq3A_3 : i1 to i32
    %cond3A = arith.constant 0 : i32
    %cond3A_4 = arith.cmpi ne, %convert_element_type3A, %cond3A : i32
    scf.if %cond3A_4 {
      "tpu.region"() ({
        %run_scoped3A = tpu.sem_alloc : memref<!tpu.dma_semaphore, #tpu.memory_space<semaphore_mem>>
        %dma_start3A = arith.constant 9984 : i32
        %dma_start3A_26 = arith.constant 0 : i32
        %dma_start3A_27 = tpu.memref_slice %arg15[%dma_start3A, %dma_start3A_26] : memref<10000x128xf32, #tpu.memory_space<vmem_shared>> -> memref<16x128xf32, #tpu.memory_space<vmem_shared>>
        %dma_start3A_28 = arith.constant 0 : i32
        %dma_start3A_29 = arith.constant 0 : i32
        %dma_start3A_30 = tpu.memref_slice %arg6[%dma_start3A_28, %dma_start3A_29] : memref<624x128xf32, #tpu.memory_space<hbm>> -> memref<16x128xf32, #tpu.memory_space<hbm>>
        tpu.enqueue_dma source(%dma_start3A_30 : memref<16x128xf32, #tpu.memory_space<hbm>>) target(%dma_start3A_27 : memref<16x128xf32, #tpu.memory_space<vmem_shared>>) target_semaphore(%run_scoped3A : memref<!tpu.dma_semaphore, #tpu.memory_space<semaphore_mem>>)
        %dma_wait3A = arith.constant 9984 : i32
        %dma_wait3A_31 = arith.constant 0 : i32
        %dma_wait3A_32 = tpu.memref_slice %arg15[%dma_wait3A, %dma_wait3A_31] : memref<10000x128xf32, #tpu.memory_space<vmem_shared>> -> memref<16x128xf32, #tpu.memory_space<vmem_shared>>
        %dma_wait3A_33 = arith.constant 0 : i32
        %dma_wait3A_34 = arith.constant 0 : i32
        %dma_wait3A_35 = tpu.memref_slice %arg6[%dma_wait3A_33, %dma_wait3A_34] : memref<624x128xf32, #tpu.memory_space<hbm>> -> memref<16x128xf32, #tpu.memory_space<hbm>>
        tpu.wait_dma2 semaphore(%run_scoped3A : memref<!tpu.dma_semaphore, #tpu.memory_space<semaphore_mem>>) src(%dma_wait3A_35 : memref<16x128xf32, #tpu.memory_space<hbm>>) dst(%dma_wait3A_32 : memref<16x128xf32, #tpu.memory_space<vmem_shared>>)
        tpu.yield
      }) : () -> ()
    } else {
    }
    %barrier3A = arith.constant 0 : index
    tpu.barrier barrier_id(%barrier3A)
    %eq3A_5 = arith.constant 0 : i32
    %eq3A_6 = arith.cmpi eq, %arg0, %eq3A_5 : i32
    %convert_element_type3A_7 = arith.extui %eq3A_6 : i1 to i32
    %cond3A_8 = arith.constant 0 : i32
    %cond3A_9 = arith.cmpi ne, %convert_element_type3A_7, %cond3A_8 : i32
    scf.if %cond3A_9 {
      %add3A = arith.constant 0 : i32
      %add3A_26 = arith.addi %mul3A_0, %add3A : i32
      %dma_start3A = tpu.memref_slice %arg4[%add3A_26] : memref<160000xi32, #tpu.memory_space<hbm>> -> memref<40xi32, #tpu.memory_space<hbm>>
      %dma_start3A_27 = tpu.memref_slice %arg4[%add3A_26] : memref<160000xi32, #tpu.memory_space<hbm>> -> memref<40xi32, #tpu.memory_space<hbm>>
      tpu.enqueue_dma source(%dma_start3A_27 : memref<40xi32, #tpu.memory_space<hbm>>) target(%arg9 : memref<40xi32, #tpu.memory_space<vmem>>) target_semaphore(%arg16 : memref<!tpu.dma_semaphore, #tpu.memory_space<semaphore_mem>>)
      %dma_start3A_28 = tpu.memref_slice %arg5[%add3A_26] : memref<160000xi32, #tpu.memory_space<hbm>> -> memref<40xi32, #tpu.memory_space<hbm>>
      %dma_start3A_29 = tpu.memref_slice %arg5[%add3A_26] : memref<160000xi32, #tpu.memory_space<hbm>> -> memref<40xi32, #tpu.memory_space<hbm>>
      tpu.enqueue_dma source(%dma_start3A_29 : memref<40xi32, #tpu.memory_space<hbm>>) target(%arg10 : memref<40xi32, #tpu.memory_space<vmem>>) target_semaphore(%arg16 : memref<!tpu.dma_semaphore, #tpu.memory_space<semaphore_mem>>)
      %add3A_30 = arith.constant 40 : i32
      %add3A_31 = arith.addi %mul3A_0, %add3A_30 : i32
      %dma_start3A_32 = tpu.memref_slice %arg4[%add3A_31] : memref<160000xi32, #tpu.memory_space<hbm>> -> memref<40xi32, #tpu.memory_space<hbm>>
      %dma_start3A_33 = tpu.memref_slice %arg4[%add3A_31] : memref<160000xi32, #tpu.memory_space<hbm>> -> memref<40xi32, #tpu.memory_space<hbm>>
      tpu.enqueue_dma source(%dma_start3A_33 : memref<40xi32, #tpu.memory_space<hbm>>) target(%arg12 : memref<40xi32, #tpu.memory_space<vmem>>) target_semaphore(%arg17 : memref<!tpu.dma_semaphore, #tpu.memory_space<semaphore_mem>>)
      %dma_start3A_34 = tpu.memref_slice %arg5[%add3A_31] : memref<160000xi32, #tpu.memory_space<hbm>> -> memref<40xi32, #tpu.memory_space<hbm>>
      %dma_start3A_35 = tpu.memref_slice %arg5[%add3A_31] : memref<160000xi32, #tpu.memory_space<hbm>> -> memref<40xi32, #tpu.memory_space<hbm>>
      tpu.enqueue_dma source(%dma_start3A_35 : memref<40xi32, #tpu.memory_space<hbm>>) target(%arg13 : memref<40xi32, #tpu.memory_space<vmem>>) target_semaphore(%arg17 : memref<!tpu.dma_semaphore, #tpu.memory_space<semaphore_mem>>)
      %dma_wait3A = tpu.memref_slice %arg4[%mul3A_0] : memref<160000xi32, #tpu.memory_space<hbm>> -> memref<40xi32, #tpu.memory_space<hbm>>
      %dma_wait3A_36 = tpu.memref_slice %arg4[%mul3A_0] : memref<160000xi32, #tpu.memory_space<hbm>> -> memref<40xi32, #tpu.memory_space<hbm>>
      tpu.wait_dma2 semaphore(%arg16 : memref<!tpu.dma_semaphore, #tpu.memory_space<semaphore_mem>>) src(%dma_wait3A_36 : memref<40xi32, #tpu.memory_space<hbm>>) dst(%arg9 : memref<40xi32, #tpu.memory_space<vmem>>)
      %dma_wait3A_37 = tpu.memref_slice %arg5[%mul3A_0] : memref<160000xi32, #tpu.memory_space<hbm>> -> memref<40xi32, #tpu.memory_space<hbm>>
      %dma_wait3A_38 = tpu.memref_slice %arg5[%mul3A_0] : memref<160000xi32, #tpu.memory_space<hbm>> -> memref<40xi32, #tpu.memory_space<hbm>>
      tpu.wait_dma2 semaphore(%arg16 : memref<!tpu.dma_semaphore, #tpu.memory_space<semaphore_mem>>) src(%dma_wait3A_38 : memref<40xi32, #tpu.memory_space<hbm>>) dst(%arg10 : memref<40xi32, #tpu.memory_space<vmem>>)
      %dma_start3A_39 = arith.constant 0 : i32
      %dma_start3A_40 = arith.constant 0 : i32
      %dma_start3A_41 = tpu.memref_slice %arg2[%dma_start3A_39, %dma_start3A_40] : memref<10000x128xf32, #tpu.memory_space<hbm>> -> memref<10000x128xf32, #tpu.memory_space<hbm>>
      tpu.enqueue_indirect_dma source(%dma_start3A_41 : memref<10000x128xf32, #tpu.memory_space<hbm>>) target(%arg11 : memref<40x128xf32, #tpu.memory_space<vmem>>) offsets(%arg9 : memref<40xi32, #tpu.memory_space<vmem>>) semaphore(%arg18 : memref<!tpu.dma_semaphore, #tpu.memory_space<semaphore_mem>>)
      %scan3A = arith.constant 0 : i32
      %scan3A_42 = arith.constant 0 : i32
      %scan3A_43 = arith.constant 125 : i32
      %scan3A_44 = arith.addi %scan3A_42, %scan3A_43 : i32
      %scan3A_45 = arith.constant 1 : i32
      scf.for %scan3A_47 = %scan3A_42 to %scan3A_44 step %scan3A_45  : i32 {
        %mul3A_48 = arith.constant 2 : i32
        %mul3A_49 = arith.muli %mul3A_48, %scan3A_47 : i32
        %dma_wait3A_50 = tpu.memref_slice %arg4[%mul3A_0] : memref<160000xi32, #tpu.memory_space<hbm>> -> memref<40xi32, #tpu.memory_space<hbm>>
        %dma_wait3A_51 = tpu.memref_slice %arg4[%mul3A_0] : memref<160000xi32, #tpu.memory_space<hbm>> -> memref<40xi32, #tpu.memory_space<hbm>>
        tpu.wait_dma2 semaphore(%arg17 : memref<!tpu.dma_semaphore, #tpu.memory_space<semaphore_mem>>) src(%dma_wait3A_51 : memref<40xi32, #tpu.memory_space<hbm>>) dst(%arg12 : memref<40xi32, #tpu.memory_space<vmem>>)
        %dma_wait3A_52 = tpu.memref_slice %arg5[%mul3A_0] : memref<160000xi32, #tpu.memory_space<hbm>> -> memref<40xi32, #tpu.memory_space<hbm>>
        %dma_wait3A_53 = tpu.memref_slice %arg5[%mul3A_0] : memref<160000xi32, #tpu.memory_space<hbm>> -> memref<40xi32, #tpu.memory_space<hbm>>
        tpu.wait_dma2 semaphore(%arg17 : memref<!tpu.dma_semaphore, #tpu.memory_space<semaphore_mem>>) src(%dma_wait3A_53 : memref<40xi32, #tpu.memory_space<hbm>>) dst(%arg13 : memref<40xi32, #tpu.memory_space<vmem>>)
        %dma_start3A_54 = arith.constant 0 : i32
        %dma_start3A_55 = arith.constant 0 : i32
        %dma_start3A_56 = tpu.memref_slice %arg2[%dma_start3A_54, %dma_start3A_55] : memref<10000x128xf32, #tpu.memory_space<hbm>> -> memref<10000x128xf32, #tpu.memory_space<hbm>>
        tpu.enqueue_indirect_dma source(%dma_start3A_56 : memref<10000x128xf32, #tpu.memory_space<hbm>>) target(%arg14 : memref<40x128xf32, #tpu.memory_space<vmem>>) offsets(%arg12 : memref<40xi32, #tpu.memory_space<vmem>>) semaphore(%arg19 : memref<!tpu.dma_semaphore, #tpu.memory_space<semaphore_mem>>)
        %dma_wait3A_57 = arith.constant 0 : i32
        %dma_wait3A_58 = arith.constant 0 : i32
        %dma_wait3A_59 = tpu.memref_slice %arg2[%dma_wait3A_57, %dma_wait3A_58] : memref<10000x128xf32, #tpu.memory_space<hbm>> -> memref<10000x128xf32, #tpu.memory_space<hbm>>
        tpu.wait_indirect_dma semaphore(%arg18 : memref<!tpu.dma_semaphore, #tpu.memory_space<semaphore_mem>>) src(%dma_wait3A_59 : memref<10000x128xf32, #tpu.memory_space<hbm>>) dst(%arg11 : memref<40x128xf32, #tpu.memory_space<vmem>>)
        %lt3A = arith.constant 124 : i32
        %lt3A_60 = arith.cmpi slt, %scan3A_47, %lt3A : i32
        %convert_element_type3A_61 = arith.extui %lt3A_60 : i1 to i32
        %cond3A_62 = arith.constant 0 : i32
        %cond3A_63 = arith.cmpi ne, %convert_element_type3A_61, %cond3A_62 : i32
        scf.if %cond3A_63 {
          %add3A_82 = arith.constant 2 : i32
          %add3A_83 = arith.addi %mul3A_49, %add3A_82 : i32
          %mul3A_84 = arith.constant 40 : i32
          %mul3A_85 = arith.muli %add3A_83, %mul3A_84 : i32
          %add3A_86 = arith.addi %mul3A_0, %mul3A_85 : i32
          %dma_start3A_87 = tpu.memref_slice %arg4[%add3A_86] : memref<160000xi32, #tpu.memory_space<hbm>> -> memref<40xi32, #tpu.memory_space<hbm>>
          %dma_start3A_88 = tpu.memref_slice %arg4[%add3A_86] : memref<160000xi32, #tpu.memory_space<hbm>> -> memref<40xi32, #tpu.memory_space<hbm>>
          tpu.enqueue_dma source(%dma_start3A_88 : memref<40xi32, #tpu.memory_space<hbm>>) target(%arg9 : memref<40xi32, #tpu.memory_space<vmem>>) target_semaphore(%arg16 : memref<!tpu.dma_semaphore, #tpu.memory_space<semaphore_mem>>)
          %dma_start3A_89 = tpu.memref_slice %arg5[%add3A_86] : memref<160000xi32, #tpu.memory_space<hbm>> -> memref<40xi32, #tpu.memory_space<hbm>>
          %dma_start3A_90 = tpu.memref_slice %arg5[%add3A_86] : memref<160000xi32, #tpu.memory_space<hbm>> -> memref<40xi32, #tpu.memory_space<hbm>>
          tpu.enqueue_dma source(%dma_start3A_90 : memref<40xi32, #tpu.memory_space<hbm>>) target(%arg10 : memref<40xi32, #tpu.memory_space<vmem>>) target_semaphore(%arg16 : memref<!tpu.dma_semaphore, #tpu.memory_space<semaphore_mem>>)
          %dma_start3A_91 = arith.constant 0 : i32
          %dma_start3A_92 = arith.constant 0 : i32
          %dma_start3A_93 = tpu.memref_slice %arg15[%dma_start3A_91, %dma_start3A_92] : memref<10000x128xf32, #tpu.memory_space<vmem_shared>> -> memref<10000x128xf32, #tpu.memory_space<vmem_shared>>
          tpu.enqueue_indirect_dma source(%arg11 : memref<40x128xf32, #tpu.memory_space<vmem>>) target(%dma_start3A_93 : memref<10000x128xf32, #tpu.memory_space<vmem_shared>>) offsets(%arg10 : memref<40xi32, #tpu.memory_space<vmem>>) semaphore(%arg20 : memref<!tpu.dma_semaphore, #tpu.memory_space<semaphore_mem>>) {add = true}
        } else {
        }
        %eq3A_64 = arith.constant 124 : i32
        %eq3A_65 = arith.cmpi eq, %scan3A_47, %eq3A_64 : i32
        %convert_element_type3A_66 = arith.extui %eq3A_65 : i1 to i32
        %cond3A_67 = arith.constant 0 : i32
        %cond3A_68 = arith.cmpi ne, %convert_element_type3A_66, %cond3A_67 : i32
        scf.if %cond3A_68 {
          "tpu.region"() ({
            %run_scoped3A = tpu.sem_alloc : memref<!tpu.dma_semaphore, #tpu.memory_space<semaphore_mem>>
            %dma_start3A_82 = arith.constant 0 : i32
            %dma_start3A_83 = arith.constant 0 : i32
            %dma_start3A_84 = tpu.memref_slice %arg15[%dma_start3A_82, %dma_start3A_83] : memref<10000x128xf32, #tpu.memory_space<vmem_shared>> -> memref<10000x128xf32, #tpu.memory_space<vmem_shared>>
            tpu.enqueue_indirect_dma source(%arg11 : memref<40x128xf32, #tpu.memory_space<vmem>>) target(%dma_start3A_84 : memref<10000x128xf32, #tpu.memory_space<vmem_shared>>) offsets(%arg10 : memref<40xi32, #tpu.memory_space<vmem>>) semaphore(%run_scoped3A : memref<!tpu.dma_semaphore, #tpu.memory_space<semaphore_mem>>) {add = true}
            %dma_wait3A_85 = arith.constant 0 : i32
            %dma_wait3A_86 = arith.constant 0 : i32
            %dma_wait3A_87 = tpu.memref_slice %arg15[%dma_wait3A_85, %dma_wait3A_86] : memref<10000x128xf32, #tpu.memory_space<vmem_shared>> -> memref<10000x128xf32, #tpu.memory_space<vmem_shared>>
            tpu.wait_indirect_dma semaphore(%run_scoped3A : memref<!tpu.dma_semaphore, #tpu.memory_space<semaphore_mem>>) src(%arg11 : memref<40x128xf32, #tpu.memory_space<vmem>>) dst(%dma_wait3A_87 : memref<10000x128xf32, #tpu.memory_space<vmem_shared>>)
            tpu.yield
          }) : () -> ()
        } else {
        }
        %dma_wait3A_69 = arith.constant 0 : i32
        %dma_wait3A_70 = arith.constant 0 : i32
        %dma_wait3A_71 = tpu.memref_slice %arg2[%dma_wait3A_69, %dma_wait3A_70] : memref<10000x128xf32, #tpu.memory_space<hbm>> -> memref<10000x128xf32, #tpu.memory_space<hbm>>
        tpu.wait_indirect_dma semaphore(%arg19 : memref<!tpu.dma_semaphore, #tpu.memory_space<semaphore_mem>>) src(%dma_wait3A_71 : memref<10000x128xf32, #tpu.memory_space<hbm>>) dst(%arg14 : memref<40x128xf32, #tpu.memory_space<vmem>>)
        %lt3A_72 = arith.constant 124 : i32
        %lt3A_73 = arith.cmpi slt, %scan3A_47, %lt3A_72 : i32
        %convert_element_type3A_74 = arith.extui %lt3A_73 : i1 to i32
        %cond3A_75 = arith.constant 0 : i32
        %cond3A_76 = arith.cmpi ne, %convert_element_type3A_74, %cond3A_75 : i32
        scf.if %cond3A_76 {
          %add3A_82 = arith.constant 3 : i32
          %add3A_83 = arith.addi %mul3A_49, %add3A_82 : i32
          %mul3A_84 = arith.constant 40 : i32
          %mul3A_85 = arith.muli %add3A_83, %mul3A_84 : i32
          %add3A_86 = arith.addi %mul3A_0, %mul3A_85 : i32
          %dma_start3A_87 = tpu.memref_slice %arg4[%add3A_86] : memref<160000xi32, #tpu.memory_space<hbm>> -> memref<40xi32, #tpu.memory_space<hbm>>
          %dma_start3A_88 = tpu.memref_slice %arg4[%add3A_86] : memref<160000xi32, #tpu.memory_space<hbm>> -> memref<40xi32, #tpu.memory_space<hbm>>
          tpu.enqueue_dma source(%dma_start3A_88 : memref<40xi32, #tpu.memory_space<hbm>>) target(%arg12 : memref<40xi32, #tpu.memory_space<vmem>>) target_semaphore(%arg17 : memref<!tpu.dma_semaphore, #tpu.memory_space<semaphore_mem>>)
          %dma_start3A_89 = tpu.memref_slice %arg5[%add3A_86] : memref<160000xi32, #tpu.memory_space<hbm>> -> memref<40xi32, #tpu.memory_space<hbm>>
          %dma_start3A_90 = tpu.memref_slice %arg5[%add3A_86] : memref<160000xi32, #tpu.memory_space<hbm>> -> memref<40xi32, #tpu.memory_space<hbm>>
          tpu.enqueue_dma source(%dma_start3A_90 : memref<40xi32, #tpu.memory_space<hbm>>) target(%arg13 : memref<40xi32, #tpu.memory_space<vmem>>) target_semaphore(%arg17 : memref<!tpu.dma_semaphore, #tpu.memory_space<semaphore_mem>>)
        } else {
        }
        "tpu.region"() ({
          %run_scoped3A = tpu.sem_alloc : memref<!tpu.dma_semaphore, #tpu.memory_space<semaphore_mem>>
          %dma_start3A_82 = arith.constant 0 : i32
          %dma_start3A_83 = arith.constant 0 : i32
          %dma_start3A_84 = tpu.memref_slice %arg15[%dma_start3A_82, %dma_start3A_83] : memref<10000x128xf32, #tpu.memory_space<vmem_shared>> -> memref<10000x128xf32, #tpu.memory_space<vmem_shared>>
          tpu.enqueue_indirect_dma source(%arg14 : memref<40x128xf32, #tpu.memory_space<vmem>>) target(%dma_start3A_84 : memref<10000x128xf32, #tpu.memory_space<vmem_shared>>) offsets(%arg13 : memref<40xi32, #tpu.memory_space<vmem>>) semaphore(%run_scoped3A : memref<!tpu.dma_semaphore, #tpu.memory_space<semaphore_mem>>) {add = true}
          %dma_wait3A_85 = arith.constant 0 : i32
          %dma_wait3A_86 = arith.constant 0 : i32
          %dma_wait3A_87 = tpu.memref_slice %arg15[%dma_wait3A_85, %dma_wait3A_86] : memref<10000x128xf32, #tpu.memory_space<vmem_shared>> -> memref<10000x128xf32, #tpu.memory_space<vmem_shared>>
          tpu.wait_indirect_dma semaphore(%run_scoped3A : memref<!tpu.dma_semaphore, #tpu.memory_space<semaphore_mem>>) src(%arg14 : memref<40x128xf32, #tpu.memory_space<vmem>>) dst(%dma_wait3A_87 : memref<10000x128xf32, #tpu.memory_space<vmem_shared>>)
          tpu.yield
        }) : () -> ()
        %lt3A_77 = arith.constant 124 : i32
        %lt3A_78 = arith.cmpi slt, %scan3A_47, %lt3A_77 : i32
        %convert_element_type3A_79 = arith.extui %lt3A_78 : i1 to i32
        %cond3A_80 = arith.constant 0 : i32
        %cond3A_81 = arith.cmpi ne, %convert_element_type3A_79, %cond3A_80 : i32
        scf.if %cond3A_81 {
          %dma_wait3A_82 = arith.constant 0 : i32
          %dma_wait3A_83 = arith.constant 0 : i32
          %dma_wait3A_84 = tpu.memref_slice %arg15[%dma_wait3A_82, %dma_wait3A_83] : memref<10000x128xf32, #tpu.memory_space<vmem_shared>> -> memref<10000x128xf32, #tpu.memory_space<vmem_shared>>
          tpu.wait_indirect_dma semaphore(%arg20 : memref<!tpu.dma_semaphore, #tpu.memory_space<semaphore_mem>>) src(%arg11 : memref<40x128xf32, #tpu.memory_space<vmem>>) dst(%dma_wait3A_84 : memref<10000x128xf32, #tpu.memory_space<vmem_shared>>)
          %dma_wait3A_85 = tpu.memref_slice %arg4[%mul3A_0] : memref<160000xi32, #tpu.memory_space<hbm>> -> memref<40xi32, #tpu.memory_space<hbm>>
          %dma_wait3A_86 = tpu.memref_slice %arg4[%mul3A_0] : memref<160000xi32, #tpu.memory_space<hbm>> -> memref<40xi32, #tpu.memory_space<hbm>>
          tpu.wait_dma2 semaphore(%arg16 : memref<!tpu.dma_semaphore, #tpu.memory_space<semaphore_mem>>) src(%dma_wait3A_86 : memref<40xi32, #tpu.memory_space<hbm>>) dst(%arg9 : memref<40xi32, #tpu.memory_space<vmem>>)
          %dma_wait3A_87 = tpu.memref_slice %arg5[%mul3A_0] : memref<160000xi32, #tpu.memory_space<hbm>> -> memref<40xi32, #tpu.memory_space<hbm>>
          %dma_wait3A_88 = tpu.memref_slice %arg5[%mul3A_0] : memref<160000xi32, #tpu.memory_space<hbm>> -> memref<40xi32, #tpu.memory_space<hbm>>
          tpu.wait_dma2 semaphore(%arg16 : memref<!tpu.dma_semaphore, #tpu.memory_space<semaphore_mem>>) src(%dma_wait3A_88 : memref<40xi32, #tpu.memory_space<hbm>>) dst(%arg10 : memref<40xi32, #tpu.memory_space<vmem>>)
          %dma_start3A_89 = arith.constant 0 : i32
          %dma_start3A_90 = arith.constant 0 : i32
          %dma_start3A_91 = tpu.memref_slice %arg2[%dma_start3A_89, %dma_start3A_90] : memref<10000x128xf32, #tpu.memory_space<hbm>> -> memref<10000x128xf32, #tpu.memory_space<hbm>>
          tpu.enqueue_indirect_dma source(%dma_start3A_91 : memref<10000x128xf32, #tpu.memory_space<hbm>>) target(%arg11 : memref<40x128xf32, #tpu.memory_space<vmem>>) offsets(%arg9 : memref<40xi32, #tpu.memory_space<vmem>>) semaphore(%arg18 : memref<!tpu.dma_semaphore, #tpu.memory_space<semaphore_mem>>)
        } else {
        }
      }
      %scan3A_46 = arith.constant 125 : i32
    } else {
    }
    %eq3A_10 = arith.constant 1 : i32
    %eq3A_11 = arith.cmpi eq, %arg0, %eq3A_10 : i32
    %convert_element_type3A_12 = arith.extui %eq3A_11 : i1 to i32
    %cond3A_13 = arith.constant 0 : i32
    %cond3A_14 = arith.cmpi ne, %convert_element_type3A_12, %cond3A_13 : i32
    scf.if %cond3A_14 {
      %add3A = arith.constant 0 : i32
      %add3A_26 = arith.addi %mul3A_0, %add3A : i32
      %dma_start3A = tpu.memref_slice %arg4[%add3A_26] : memref<160000xi32, #tpu.memory_space<hbm>> -> memref<40xi32, #tpu.memory_space<hbm>>
      %dma_start3A_27 = tpu.memref_slice %arg4[%add3A_26] : memref<160000xi32, #tpu.memory_space<hbm>> -> memref<40xi32, #tpu.memory_space<hbm>>
      tpu.enqueue_dma source(%dma_start3A_27 : memref<40xi32, #tpu.memory_space<hbm>>) target(%arg9 : memref<40xi32, #tpu.memory_space<vmem>>) target_semaphore(%arg16 : memref<!tpu.dma_semaphore, #tpu.memory_space<semaphore_mem>>)
      %dma_start3A_28 = tpu.memref_slice %arg5[%add3A_26] : memref<160000xi32, #tpu.memory_space<hbm>> -> memref<40xi32, #tpu.memory_space<hbm>>
      %dma_start3A_29 = tpu.memref_slice %arg5[%add3A_26] : memref<160000xi32, #tpu.memory_space<hbm>> -> memref<40xi32, #tpu.memory_space<hbm>>
      tpu.enqueue_dma source(%dma_start3A_29 : memref<40xi32, #tpu.memory_space<hbm>>) target(%arg10 : memref<40xi32, #tpu.memory_space<vmem>>) target_semaphore(%arg16 : memref<!tpu.dma_semaphore, #tpu.memory_space<semaphore_mem>>)
      %add3A_30 = arith.constant 40 : i32
      %add3A_31 = arith.addi %mul3A_0, %add3A_30 : i32
      %dma_start3A_32 = tpu.memref_slice %arg4[%add3A_31] : memref<160000xi32, #tpu.memory_space<hbm>> -> memref<40xi32, #tpu.memory_space<hbm>>
      %dma_start3A_33 = tpu.memref_slice %arg4[%add3A_31] : memref<160000xi32, #tpu.memory_space<hbm>> -> memref<40xi32, #tpu.memory_space<hbm>>
      tpu.enqueue_dma source(%dma_start3A_33 : memref<40xi32, #tpu.memory_space<hbm>>) target(%arg12 : memref<40xi32, #tpu.memory_space<vmem>>) target_semaphore(%arg17 : memref<!tpu.dma_semaphore, #tpu.memory_space<semaphore_mem>>)
      %dma_start3A_34 = tpu.memref_slice %arg5[%add3A_31] : memref<160000xi32, #tpu.memory_space<hbm>> -> memref<40xi32, #tpu.memory_space<hbm>>
      %dma_start3A_35 = tpu.memref_slice %arg5[%add3A_31] : memref<160000xi32, #tpu.memory_space<hbm>> -> memref<40xi32, #tpu.memory_space<hbm>>
      tpu.enqueue_dma source(%dma_start3A_35 : memref<40xi32, #tpu.memory_space<hbm>>) target(%arg13 : memref<40xi32, #tpu.memory_space<vmem>>) target_semaphore(%arg17 : memref<!tpu.dma_semaphore, #tpu.memory_space<semaphore_mem>>)
      %dma_wait3A = tpu.memref_slice %arg4[%mul3A_0] : memref<160000xi32, #tpu.memory_space<hbm>> -> memref<40xi32, #tpu.memory_space<hbm>>
      %dma_wait3A_36 = tpu.memref_slice %arg4[%mul3A_0] : memref<160000xi32, #tpu.memory_space<hbm>> -> memref<40xi32, #tpu.memory_space<hbm>>
      tpu.wait_dma2 semaphore(%arg16 : memref<!tpu.dma_semaphore, #tpu.memory_space<semaphore_mem>>) src(%dma_wait3A_36 : memref<40xi32, #tpu.memory_space<hbm>>) dst(%arg9 : memref<40xi32, #tpu.memory_space<vmem>>)
      %dma_wait3A_37 = tpu.memref_slice %arg5[%mul3A_0] : memref<160000xi32, #tpu.memory_space<hbm>> -> memref<40xi32, #tpu.memory_space<hbm>>
      %dma_wait3A_38 = tpu.memref_slice %arg5[%mul3A_0] : memref<160000xi32, #tpu.memory_space<hbm>> -> memref<40xi32, #tpu.memory_space<hbm>>
      tpu.wait_dma2 semaphore(%arg16 : memref<!tpu.dma_semaphore, #tpu.memory_space<semaphore_mem>>) src(%dma_wait3A_38 : memref<40xi32, #tpu.memory_space<hbm>>) dst(%arg10 : memref<40xi32, #tpu.memory_space<vmem>>)
      %dma_start3A_39 = arith.constant 0 : i32
      %dma_start3A_40 = arith.constant 0 : i32
      %dma_start3A_41 = tpu.memref_slice %arg3[%dma_start3A_39, %dma_start3A_40] : memref<10000x128xf32, #tpu.memory_space<hbm>> -> memref<10000x128xf32, #tpu.memory_space<hbm>>
      tpu.enqueue_indirect_dma source(%dma_start3A_41 : memref<10000x128xf32, #tpu.memory_space<hbm>>) target(%arg11 : memref<40x128xf32, #tpu.memory_space<vmem>>) offsets(%arg9 : memref<40xi32, #tpu.memory_space<vmem>>) semaphore(%arg18 : memref<!tpu.dma_semaphore, #tpu.memory_space<semaphore_mem>>)
      %scan3A = arith.constant 0 : i32
      %scan3A_42 = arith.constant 0 : i32
      %scan3A_43 = arith.constant 125 : i32
      %scan3A_44 = arith.addi %scan3A_42, %scan3A_43 : i32
      %scan3A_45 = arith.constant 1 : i32
      scf.for %scan3A_47 = %scan3A_42 to %scan3A_44 step %scan3A_45  : i32 {
        %mul3A_48 = arith.constant 2 : i32
        %mul3A_49 = arith.muli %mul3A_48, %scan3A_47 : i32
        %dma_wait3A_50 = tpu.memref_slice %arg4[%mul3A_0] : memref<160000xi32, #tpu.memory_space<hbm>> -> memref<40xi32, #tpu.memory_space<hbm>>
        %dma_wait3A_51 = tpu.memref_slice %arg4[%mul3A_0] : memref<160000xi32, #tpu.memory_space<hbm>> -> memref<40xi32, #tpu.memory_space<hbm>>
        tpu.wait_dma2 semaphore(%arg17 : memref<!tpu.dma_semaphore, #tpu.memory_space<semaphore_mem>>) src(%dma_wait3A_51 : memref<40xi32, #tpu.memory_space<hbm>>) dst(%arg12 : memref<40xi32, #tpu.memory_space<vmem>>)
        %dma_wait3A_52 = tpu.memref_slice %arg5[%mul3A_0] : memref<160000xi32, #tpu.memory_space<hbm>> -> memref<40xi32, #tpu.memory_space<hbm>>
        %dma_wait3A_53 = tpu.memref_slice %arg5[%mul3A_0] : memref<160000xi32, #tpu.memory_space<hbm>> -> memref<40xi32, #tpu.memory_space<hbm>>
        tpu.wait_dma2 semaphore(%arg17 : memref<!tpu.dma_semaphore, #tpu.memory_space<semaphore_mem>>) src(%dma_wait3A_53 : memref<40xi32, #tpu.memory_space<hbm>>) dst(%arg13 : memref<40xi32, #tpu.memory_space<vmem>>)
        %dma_start3A_54 = arith.constant 0 : i32
        %dma_start3A_55 = arith.constant 0 : i32
        %dma_start3A_56 = tpu.memref_slice %arg3[%dma_start3A_54, %dma_start3A_55] : memref<10000x128xf32, #tpu.memory_space<hbm>> -> memref<10000x128xf32, #tpu.memory_space<hbm>>
        tpu.enqueue_indirect_dma source(%dma_start3A_56 : memref<10000x128xf32, #tpu.memory_space<hbm>>) target(%arg14 : memref<40x128xf32, #tpu.memory_space<vmem>>) offsets(%arg12 : memref<40xi32, #tpu.memory_space<vmem>>) semaphore(%arg19 : memref<!tpu.dma_semaphore, #tpu.memory_space<semaphore_mem>>)
        %dma_wait3A_57 = arith.constant 0 : i32
        %dma_wait3A_58 = arith.constant 0 : i32
        %dma_wait3A_59 = tpu.memref_slice %arg3[%dma_wait3A_57, %dma_wait3A_58] : memref<10000x128xf32, #tpu.memory_space<hbm>> -> memref<10000x128xf32, #tpu.memory_space<hbm>>
        tpu.wait_indirect_dma semaphore(%arg18 : memref<!tpu.dma_semaphore, #tpu.memory_space<semaphore_mem>>) src(%dma_wait3A_59 : memref<10000x128xf32, #tpu.memory_space<hbm>>) dst(%arg11 : memref<40x128xf32, #tpu.memory_space<vmem>>)
        %lt3A = arith.constant 124 : i32
        %lt3A_60 = arith.cmpi slt, %scan3A_47, %lt3A : i32
        %convert_element_type3A_61 = arith.extui %lt3A_60 : i1 to i32
        %cond3A_62 = arith.constant 0 : i32
        %cond3A_63 = arith.cmpi ne, %convert_element_type3A_61, %cond3A_62 : i32
        scf.if %cond3A_63 {
          %add3A_82 = arith.constant 2 : i32
          %add3A_83 = arith.addi %mul3A_49, %add3A_82 : i32
          %mul3A_84 = arith.constant 40 : i32
          %mul3A_85 = arith.muli %add3A_83, %mul3A_84 : i32
          %add3A_86 = arith.addi %mul3A_0, %mul3A_85 : i32
          %dma_start3A_87 = tpu.memref_slice %arg4[%add3A_86] : memref<160000xi32, #tpu.memory_space<hbm>> -> memref<40xi32, #tpu.memory_space<hbm>>
          %dma_start3A_88 = tpu.memref_slice %arg4[%add3A_86] : memref<160000xi32, #tpu.memory_space<hbm>> -> memref<40xi32, #tpu.memory_space<hbm>>
          tpu.enqueue_dma source(%dma_start3A_88 : memref<40xi32, #tpu.memory_space<hbm>>) target(%arg9 : memref<40xi32, #tpu.memory_space<vmem>>) target_semaphore(%arg16 : memref<!tpu.dma_semaphore, #tpu.memory_space<semaphore_mem>>)
          %dma_start3A_89 = tpu.memref_slice %arg5[%add3A_86] : memref<160000xi32, #tpu.memory_space<hbm>> -> memref<40xi32, #tpu.memory_space<hbm>>
          %dma_start3A_90 = tpu.memref_slice %arg5[%add3A_86] : memref<160000xi32, #tpu.memory_space<hbm>> -> memref<40xi32, #tpu.memory_space<hbm>>
          tpu.enqueue_dma source(%dma_start3A_90 : memref<40xi32, #tpu.memory_space<hbm>>) target(%arg10 : memref<40xi32, #tpu.memory_space<vmem>>) target_semaphore(%arg16 : memref<!tpu.dma_semaphore, #tpu.memory_space<semaphore_mem>>)
          %dma_start3A_91 = arith.constant 0 : i32
          %dma_start3A_92 = arith.constant 0 : i32
          %dma_start3A_93 = tpu.memref_slice %arg15[%dma_start3A_91, %dma_start3A_92] : memref<10000x128xf32, #tpu.memory_space<vmem_shared>> -> memref<10000x128xf32, #tpu.memory_space<vmem_shared>>
          tpu.enqueue_indirect_dma source(%arg11 : memref<40x128xf32, #tpu.memory_space<vmem>>) target(%dma_start3A_93 : memref<10000x128xf32, #tpu.memory_space<vmem_shared>>) offsets(%arg10 : memref<40xi32, #tpu.memory_space<vmem>>) semaphore(%arg20 : memref<!tpu.dma_semaphore, #tpu.memory_space<semaphore_mem>>) {add = true}
        } else {
        }
        %eq3A_64 = arith.constant 124 : i32
        %eq3A_65 = arith.cmpi eq, %scan3A_47, %eq3A_64 : i32
        %convert_element_type3A_66 = arith.extui %eq3A_65 : i1 to i32
        %cond3A_67 = arith.constant 0 : i32
        %cond3A_68 = arith.cmpi ne, %convert_element_type3A_66, %cond3A_67 : i32
        scf.if %cond3A_68 {
          "tpu.region"() ({
            %run_scoped3A = tpu.sem_alloc : memref<!tpu.dma_semaphore, #tpu.memory_space<semaphore_mem>>
            %dma_start3A_82 = arith.constant 0 : i32
            %dma_start3A_83 = arith.constant 0 : i32
            %dma_start3A_84 = tpu.memref_slice %arg15[%dma_start3A_82, %dma_start3A_83] : memref<10000x128xf32, #tpu.memory_space<vmem_shared>> -> memref<10000x128xf32, #tpu.memory_space<vmem_shared>>
            tpu.enqueue_indirect_dma source(%arg11 : memref<40x128xf32, #tpu.memory_space<vmem>>) target(%dma_start3A_84 : memref<10000x128xf32, #tpu.memory_space<vmem_shared>>) offsets(%arg10 : memref<40xi32, #tpu.memory_space<vmem>>) semaphore(%run_scoped3A : memref<!tpu.dma_semaphore, #tpu.memory_space<semaphore_mem>>) {add = true}
            %dma_wait3A_85 = arith.constant 0 : i32
            %dma_wait3A_86 = arith.constant 0 : i32
            %dma_wait3A_87 = tpu.memref_slice %arg15[%dma_wait3A_85, %dma_wait3A_86] : memref<10000x128xf32, #tpu.memory_space<vmem_shared>> -> memref<10000x128xf32, #tpu.memory_space<vmem_shared>>
            tpu.wait_indirect_dma semaphore(%run_scoped3A : memref<!tpu.dma_semaphore, #tpu.memory_space<semaphore_mem>>) src(%arg11 : memref<40x128xf32, #tpu.memory_space<vmem>>) dst(%dma_wait3A_87 : memref<10000x128xf32, #tpu.memory_space<vmem_shared>>)
            tpu.yield
          }) : () -> ()
        } else {
        }
        %dma_wait3A_69 = arith.constant 0 : i32
        %dma_wait3A_70 = arith.constant 0 : i32
        %dma_wait3A_71 = tpu.memref_slice %arg3[%dma_wait3A_69, %dma_wait3A_70] : memref<10000x128xf32, #tpu.memory_space<hbm>> -> memref<10000x128xf32, #tpu.memory_space<hbm>>
        tpu.wait_indirect_dma semaphore(%arg19 : memref<!tpu.dma_semaphore, #tpu.memory_space<semaphore_mem>>) src(%dma_wait3A_71 : memref<10000x128xf32, #tpu.memory_space<hbm>>) dst(%arg14 : memref<40x128xf32, #tpu.memory_space<vmem>>)
        %lt3A_72 = arith.constant 124 : i32
        %lt3A_73 = arith.cmpi slt, %scan3A_47, %lt3A_72 : i32
        %convert_element_type3A_74 = arith.extui %lt3A_73 : i1 to i32
        %cond3A_75 = arith.constant 0 : i32
        %cond3A_76 = arith.cmpi ne, %convert_element_type3A_74, %cond3A_75 : i32
        scf.if %cond3A_76 {
          %add3A_82 = arith.constant 3 : i32
          %add3A_83 = arith.addi %mul3A_49, %add3A_82 : i32
          %mul3A_84 = arith.constant 40 : i32
          %mul3A_85 = arith.muli %add3A_83, %mul3A_84 : i32
          %add3A_86 = arith.addi %mul3A_0, %mul3A_85 : i32
          %dma_start3A_87 = tpu.memref_slice %arg4[%add3A_86] : memref<160000xi32, #tpu.memory_space<hbm>> -> memref<40xi32, #tpu.memory_space<hbm>>
          %dma_start3A_88 = tpu.memref_slice %arg4[%add3A_86] : memref<160000xi32, #tpu.memory_space<hbm>> -> memref<40xi32, #tpu.memory_space<hbm>>
          tpu.enqueue_dma source(%dma_start3A_88 : memref<40xi32, #tpu.memory_space<hbm>>) target(%arg12 : memref<40xi32, #tpu.memory_space<vmem>>) target_semaphore(%arg17 : memref<!tpu.dma_semaphore, #tpu.memory_space<semaphore_mem>>)
          %dma_start3A_89 = tpu.memref_slice %arg5[%add3A_86] : memref<160000xi32, #tpu.memory_space<hbm>> -> memref<40xi32, #tpu.memory_space<hbm>>
          %dma_start3A_90 = tpu.memref_slice %arg5[%add3A_86] : memref<160000xi32, #tpu.memory_space<hbm>> -> memref<40xi32, #tpu.memory_space<hbm>>
          tpu.enqueue_dma source(%dma_start3A_90 : memref<40xi32, #tpu.memory_space<hbm>>) target(%arg13 : memref<40xi32, #tpu.memory_space<vmem>>) target_semaphore(%arg17 : memref<!tpu.dma_semaphore, #tpu.memory_space<semaphore_mem>>)
        } else {
        }
        "tpu.region"() ({
          %run_scoped3A = tpu.sem_alloc : memref<!tpu.dma_semaphore, #tpu.memory_space<semaphore_mem>>
          %dma_start3A_82 = arith.constant 0 : i32
          %dma_start3A_83 = arith.constant 0 : i32
          %dma_start3A_84 = tpu.memref_slice %arg15[%dma_start3A_82, %dma_start3A_83] : memref<10000x128xf32, #tpu.memory_space<vmem_shared>> -> memref<10000x128xf32, #tpu.memory_space<vmem_shared>>
          tpu.enqueue_indirect_dma source(%arg14 : memref<40x128xf32, #tpu.memory_space<vmem>>) target(%dma_start3A_84 : memref<10000x128xf32, #tpu.memory_space<vmem_shared>>) offsets(%arg13 : memref<40xi32, #tpu.memory_space<vmem>>) semaphore(%run_scoped3A : memref<!tpu.dma_semaphore, #tpu.memory_space<semaphore_mem>>) {add = true}
          %dma_wait3A_85 = arith.constant 0 : i32
          %dma_wait3A_86 = arith.constant 0 : i32
          %dma_wait3A_87 = tpu.memref_slice %arg15[%dma_wait3A_85, %dma_wait3A_86] : memref<10000x128xf32, #tpu.memory_space<vmem_shared>> -> memref<10000x128xf32, #tpu.memory_space<vmem_shared>>
          tpu.wait_indirect_dma semaphore(%run_scoped3A : memref<!tpu.dma_semaphore, #tpu.memory_space<semaphore_mem>>) src(%arg14 : memref<40x128xf32, #tpu.memory_space<vmem>>) dst(%dma_wait3A_87 : memref<10000x128xf32, #tpu.memory_space<vmem_shared>>)
          tpu.yield
        }) : () -> ()
        %lt3A_77 = arith.constant 124 : i32
        %lt3A_78 = arith.cmpi slt, %scan3A_47, %lt3A_77 : i32
        %convert_element_type3A_79 = arith.extui %lt3A_78 : i1 to i32
        %cond3A_80 = arith.constant 0 : i32
        %cond3A_81 = arith.cmpi ne, %convert_element_type3A_79, %cond3A_80 : i32
        scf.if %cond3A_81 {
          %dma_wait3A_82 = arith.constant 0 : i32
          %dma_wait3A_83 = arith.constant 0 : i32
          %dma_wait3A_84 = tpu.memref_slice %arg15[%dma_wait3A_82, %dma_wait3A_83] : memref<10000x128xf32, #tpu.memory_space<vmem_shared>> -> memref<10000x128xf32, #tpu.memory_space<vmem_shared>>
          tpu.wait_indirect_dma semaphore(%arg20 : memref<!tpu.dma_semaphore, #tpu.memory_space<semaphore_mem>>) src(%arg11 : memref<40x128xf32, #tpu.memory_space<vmem>>) dst(%dma_wait3A_84 : memref<10000x128xf32, #tpu.memory_space<vmem_shared>>)
          %dma_wait3A_85 = tpu.memref_slice %arg4[%mul3A_0] : memref<160000xi32, #tpu.memory_space<hbm>> -> memref<40xi32, #tpu.memory_space<hbm>>
          %dma_wait3A_86 = tpu.memref_slice %arg4[%mul3A_0] : memref<160000xi32, #tpu.memory_space<hbm>> -> memref<40xi32, #tpu.memory_space<hbm>>
          tpu.wait_dma2 semaphore(%arg16 : memref<!tpu.dma_semaphore, #tpu.memory_space<semaphore_mem>>) src(%dma_wait3A_86 : memref<40xi32, #tpu.memory_space<hbm>>) dst(%arg9 : memref<40xi32, #tpu.memory_space<vmem>>)
          %dma_wait3A_87 = tpu.memref_slice %arg5[%mul3A_0] : memref<160000xi32, #tpu.memory_space<hbm>> -> memref<40xi32, #tpu.memory_space<hbm>>
          %dma_wait3A_88 = tpu.memref_slice %arg5[%mul3A_0] : memref<160000xi32, #tpu.memory_space<hbm>> -> memref<40xi32, #tpu.memory_space<hbm>>
          tpu.wait_dma2 semaphore(%arg16 : memref<!tpu.dma_semaphore, #tpu.memory_space<semaphore_mem>>) src(%dma_wait3A_88 : memref<40xi32, #tpu.memory_space<hbm>>) dst(%arg10 : memref<40xi32, #tpu.memory_space<vmem>>)
          %dma_start3A_89 = arith.constant 0 : i32
          %dma_start3A_90 = arith.constant 0 : i32
          %dma_start3A_91 = tpu.memref_slice %arg3[%dma_start3A_89, %dma_start3A_90] : memref<10000x128xf32, #tpu.memory_space<hbm>> -> memref<10000x128xf32, #tpu.memory_space<hbm>>
          tpu.enqueue_indirect_dma source(%dma_start3A_91 : memref<10000x128xf32, #tpu.memory_space<hbm>>) target(%arg11 : memref<40x128xf32, #tpu.memory_space<vmem>>) offsets(%arg9 : memref<40xi32, #tpu.memory_space<vmem>>) semaphore(%arg18 : memref<!tpu.dma_semaphore, #tpu.memory_space<semaphore_mem>>)
        } else {
        }
      }
      %scan3A_46 = arith.constant 125 : i32
    } else {
    }
    %barrier3A_15 = arith.constant 0 : index
    tpu.barrier barrier_id(%barrier3A_15)
    %eq3A_16 = arith.constant 0 : i32
    %eq3A_17 = arith.cmpi eq, %arg0, %eq3A_16 : i32
    %convert_element_type3A_18 = arith.extui %eq3A_17 : i1 to i32
    %cond3A_19 = arith.constant 0 : i32
    %cond3A_20 = arith.cmpi ne, %convert_element_type3A_18, %cond3A_19 : i32
    scf.if %cond3A_20 {
      %mul3A_26 = arith.constant 624 : i32
      %mul3A_27 = arith.muli %arg1, %mul3A_26 : i32
      %mul3A_28 = arith.constant 624 : i32
      %mul3A_29 = arith.muli %arg1, %mul3A_28 : i32
      "tpu.region"() ({
        %run_scoped3A = tpu.sem_alloc : memref<!tpu.dma_semaphore, #tpu.memory_space<semaphore_mem>>
        %dma_start3A = arith.constant 0 : i32
        %dma_start3A_35 = tpu.memref_slice %arg7[%mul3A_29, %dma_start3A] : memref<10000x128xf32, #tpu.memory_space<hbm>> -> memref<624x128xf32, #tpu.memory_space<hbm>>
        %dma_start3A_36 = arith.constant 0 : i32
        %dma_start3A_37 = tpu.memref_slice %arg15[%mul3A_27, %dma_start3A_36] : memref<10000x128xf32, #tpu.memory_space<vmem_shared>> -> memref<624x128xf32, #tpu.memory_space<vmem_shared>>
        tpu.enqueue_dma source(%dma_start3A_37 : memref<624x128xf32, #tpu.memory_space<vmem_shared>>) target(%dma_start3A_35 : memref<624x128xf32, #tpu.memory_space<hbm>>) target_semaphore(%run_scoped3A : memref<!tpu.dma_semaphore, #tpu.memory_space<semaphore_mem>>)
        %dma_wait3A = arith.constant 0 : i32
        %dma_wait3A_38 = tpu.memref_slice %arg7[%mul3A_29, %dma_wait3A] : memref<10000x128xf32, #tpu.memory_space<hbm>> -> memref<624x128xf32, #tpu.memory_space<hbm>>
        %dma_wait3A_39 = arith.constant 0 : i32
        %dma_wait3A_40 = tpu.memref_slice %arg15[%mul3A_27, %dma_wait3A_39] : memref<10000x128xf32, #tpu.memory_space<vmem_shared>> -> memref<624x128xf32, #tpu.memory_space<vmem_shared>>
        tpu.wait_dma2 semaphore(%run_scoped3A : memref<!tpu.dma_semaphore, #tpu.memory_space<semaphore_mem>>) src(%dma_wait3A_40 : memref<624x128xf32, #tpu.memory_space<vmem_shared>>) dst(%dma_wait3A_38 : memref<624x128xf32, #tpu.memory_space<hbm>>)
        tpu.yield
      }) : () -> ()
      %eq3A_30 = arith.constant 15 : i32
      %eq3A_31 = arith.cmpi eq, %arg1, %eq3A_30 : i32
      %convert_element_type3A_32 = arith.extui %eq3A_31 : i1 to i32
      %cond3A_33 = arith.constant 0 : i32
      %cond3A_34 = arith.cmpi ne, %convert_element_type3A_32, %cond3A_33 : i32
      scf.if %cond3A_34 {
        "tpu.region"() ({
          %run_scoped3A = tpu.sem_alloc : memref<!tpu.dma_semaphore, #tpu.memory_space<semaphore_mem>>
          %dma_start3A = arith.constant 9984 : i32
          %dma_start3A_35 = arith.constant 0 : i32
          %dma_start3A_36 = tpu.memref_slice %arg7[%dma_start3A, %dma_start3A_35] : memref<10000x128xf32, #tpu.memory_space<hbm>> -> memref<16x128xf32, #tpu.memory_space<hbm>>
          %dma_start3A_37 = arith.constant 9984 : i32
          %dma_start3A_38 = arith.constant 0 : i32
          %dma_start3A_39 = tpu.memref_slice %arg15[%dma_start3A_37, %dma_start3A_38] : memref<10000x128xf32, #tpu.memory_space<vmem_shared>> -> memref<16x128xf32, #tpu.memory_space<vmem_shared>>
          tpu.enqueue_dma source(%dma_start3A_39 : memref<16x128xf32, #tpu.memory_space<vmem_shared>>) target(%dma_start3A_36 : memref<16x128xf32, #tpu.memory_space<hbm>>) target_semaphore(%run_scoped3A : memref<!tpu.dma_semaphore, #tpu.memory_space<semaphore_mem>>)
          %dma_wait3A = arith.constant 9984 : i32
          %dma_wait3A_40 = arith.constant 0 : i32
          %dma_wait3A_41 = tpu.memref_slice %arg7[%dma_wait3A, %dma_wait3A_40] : memref<10000x128xf32, #tpu.memory_space<hbm>> -> memref<16x128xf32, #tpu.memory_space<hbm>>
          %dma_wait3A_42 = arith.constant 9984 : i32
          %dma_wait3A_43 = arith.constant 0 : i32
          %dma_wait3A_44 = tpu.memref_slice %arg15[%dma_wait3A_42, %dma_wait3A_43] : memref<10000x128xf32, #tpu.memory_space<vmem_shared>> -> memref<16x128xf32, #tpu.memory_space<vmem_shared>>
          tpu.wait_dma2 semaphore(%run_scoped3A : memref<!tpu.dma_semaphore, #tpu.memory_space<semaphore_mem>>) src(%dma_wait3A_44 : memref<16x128xf32, #tpu.memory_space<vmem_shared>>) dst(%dma_wait3A_41 : memref<16x128xf32, #tpu.memory_space<hbm>>)
          tpu.yield
        }) : () -> ()
      } else {
      }
    } else {
    }
    %eq3A_21 = arith.constant 1 : i32
    %eq3A_22 = arith.cmpi eq, %arg0, %eq3A_21 : i32
    %convert_element_type3A_23 = arith.extui %eq3A_22 : i1 to i32
    %cond3A_24 = arith.constant 0 : i32
    %cond3A_25 = arith.cmpi ne, %convert_element_type3A_23, %cond3A_24 : i32
    scf.if %cond3A_25 {
      %mul3A_26 = arith.constant 624 : i32
      %mul3A_27 = arith.muli %arg1, %mul3A_26 : i32
      %mul3A_28 = arith.constant 624 : i32
      %mul3A_29 = arith.muli %arg1, %mul3A_28 : i32
      "tpu.region"() ({
        %run_scoped3A = tpu.sem_alloc : memref<!tpu.dma_semaphore, #tpu.memory_space<semaphore_mem>>
        %dma_start3A = arith.constant 0 : i32
        %dma_start3A_35 = tpu.memref_slice %arg8[%mul3A_29, %dma_start3A] : memref<10000x128xf32, #tpu.memory_space<hbm>> -> memref<624x128xf32, #tpu.memory_space<hbm>>
        %dma_start3A_36 = arith.constant 0 : i32
        %dma_start3A_37 = tpu.memref_slice %arg15[%mul3A_27, %dma_start3A_36] : memref<10000x128xf32, #tpu.memory_space<vmem_shared>> -> memref<624x128xf32, #tpu.memory_space<vmem_shared>>
        tpu.enqueue_dma source(%dma_start3A_37 : memref<624x128xf32, #tpu.memory_space<vmem_shared>>) target(%dma_start3A_35 : memref<624x128xf32, #tpu.memory_space<hbm>>) target_semaphore(%run_scoped3A : memref<!tpu.dma_semaphore, #tpu.memory_space<semaphore_mem>>)
        %dma_wait3A = arith.constant 0 : i32
        %dma_wait3A_38 = tpu.memref_slice %arg8[%mul3A_29, %dma_wait3A] : memref<10000x128xf32, #tpu.memory_space<hbm>> -> memref<624x128xf32, #tpu.memory_space<hbm>>
        %dma_wait3A_39 = arith.constant 0 : i32
        %dma_wait3A_40 = tpu.memref_slice %arg15[%mul3A_27, %dma_wait3A_39] : memref<10000x128xf32, #tpu.memory_space<vmem_shared>> -> memref<624x128xf32, #tpu.memory_space<vmem_shared>>
        tpu.wait_dma2 semaphore(%run_scoped3A : memref<!tpu.dma_semaphore, #tpu.memory_space<semaphore_mem>>) src(%dma_wait3A_40 : memref<624x128xf32, #tpu.memory_space<vmem_shared>>) dst(%dma_wait3A_38 : memref<624x128xf32, #tpu.memory_space<hbm>>)
        tpu.yield
      }) : () -> ()
      %eq3A_30 = arith.constant 15 : i32
      %eq3A_31 = arith.cmpi eq, %arg1, %eq3A_30 : i32
      %convert_element_type3A_32 = arith.extui %eq3A_31 : i1 to i32
      %cond3A_33 = arith.constant 0 : i32
      %cond3A_34 = arith.cmpi ne, %convert_element_type3A_32, %cond3A_33 : i32
      scf.if %cond3A_34 {
        "tpu.region"() ({
          %run_scoped3A = tpu.sem_alloc : memref<!tpu.dma_semaphore, #tpu.memory_space<semaphore_mem>>
          %dma_start3A = arith.constant 9984 : i32
          %dma_start3A_35 = arith.constant 0 : i32
          %dma_start3A_36 = tpu.memref_slice %arg8[%dma_start3A, %dma_start3A_35] : memref<10000x128xf32, #tpu.memory_space<hbm>> -> memref<16x128xf32, #tpu.memory_space<hbm>>
          %dma_start3A_37 = arith.constant 9984 : i32
          %dma_start3A_38 = arith.constant 0 : i32
          %dma_start3A_39 = tpu.memref_slice %arg15[%dma_start3A_37, %dma_start3A_38] : memref<10000x128xf32, #tpu.memory_space<vmem_shared>> -> memref<16x128xf32, #tpu.memory_space<vmem_shared>>
          tpu.enqueue_dma source(%dma_start3A_39 : memref<16x128xf32, #tpu.memory_space<vmem_shared>>) target(%dma_start3A_36 : memref<16x128xf32, #tpu.memory_space<hbm>>) target_semaphore(%run_scoped3A : memref<!tpu.dma_semaphore, #tpu.memory_space<semaphore_mem>>)
          %dma_wait3A = arith.constant 9984 : i32
          %dma_wait3A_40 = arith.constant 0 : i32
          %dma_wait3A_41 = tpu.memref_slice %arg8[%dma_wait3A, %dma_wait3A_40] : memref<10000x128xf32, #tpu.memory_space<hbm>> -> memref<16x128xf32, #tpu.memory_space<hbm>>
          %dma_wait3A_42 = arith.constant 9984 : i32
          %dma_wait3A_43 = arith.constant 0 : i32
          %dma_wait3A_44 = tpu.memref_slice %arg15[%dma_wait3A_42, %dma_wait3A_43] : memref<10000x128xf32, #tpu.memory_space<vmem_shared>> -> memref<16x128xf32, #tpu.memory_space<vmem_shared>>
          tpu.wait_dma2 semaphore(%run_scoped3A : memref<!tpu.dma_semaphore, #tpu.memory_space<semaphore_mem>>) src(%dma_wait3A_44 : memref<16x128xf32, #tpu.memory_space<vmem_shared>>) dst(%dma_wait3A_41 : memref<16x128xf32, #tpu.memory_space<hbm>>)
          tpu.yield
        }) : () -> ()
      } else {
      }
    } else {
    }
    return
  }
}

#map = affine_map<(d0, d1) -> (0, 0)>
#map1 = affine_map<(d0, d1) -> (0)>
module attributes {stable_mosaic.version = 14 : i64} {
  func.func @_sc_dec_gather(%arg0: i32, %arg1: i32, %arg2: memref<10000x256xf32, #tpu.memory_space<hbm>>, %arg3: memref<4096xi32, #tpu.memory_space<hbm>>, %arg4: memref<4096xi32, #tpu.memory_space<hbm>>, %arg5: memref<4096x256xf32, #tpu.memory_space<hbm>>, %arg6: memref<4096x256xf32, #tpu.memory_space<hbm>>, %arg7: memref<256xi32, #tpu.memory_space<vmem>>, %arg8: memref<8x256xf32, #tpu.memory_space<vmem>>) attributes {dimension_semantics = [#tpu.dimension_semantics<core_parallel>, #tpu.dimension_semantics<subcore_parallel>], iteration_bounds = array<i64: 2, 16>, scalar_prefetch = 0 : i64, scratch_operands = 2 : i64, tpu.core_type = #tpu.core_type<sc_vector_subcore>, window_params = [{transform_indices = #map}, {transform_indices = #map1}, {transform_indices = #map1}, {transform_indices = #map}, {transform_indices = #map}]} {
    %mul3A = arith.constant 256 : i32
    %mul3A_0 = arith.muli %arg1, %mul3A : i32
    %eq3A = arith.constant 0 : i32
    %eq3A_1 = arith.cmpi eq, %arg0, %eq3A : i32
    %convert_element_type3A = arith.extui %eq3A_1 : i1 to i32
    %cond3A = arith.constant 0 : i32
    %cond3A_2 = arith.cmpi ne, %convert_element_type3A, %cond3A : i32
    scf.if %cond3A_2 {
      "tpu.region"() ({
        %run_scoped3A = tpu.sem_alloc : memref<!tpu.dma_semaphore, #tpu.memory_space<semaphore_mem>>
        %dma_start3A = tpu.memref_slice %arg3[%mul3A_0] : memref<4096xi32, #tpu.memory_space<hbm>> -> memref<256xi32, #tpu.memory_space<hbm>>
        %dma_start3A_13 = tpu.memref_slice %arg3[%mul3A_0] : memref<4096xi32, #tpu.memory_space<hbm>> -> memref<256xi32, #tpu.memory_space<hbm>>
        tpu.enqueue_dma source(%dma_start3A_13 : memref<256xi32, #tpu.memory_space<hbm>>) target(%arg7 : memref<256xi32, #tpu.memory_space<vmem>>) target_semaphore(%run_scoped3A : memref<!tpu.dma_semaphore, #tpu.memory_space<semaphore_mem>>)
        %dma_wait3A = tpu.memref_slice %arg3[%mul3A_0] : memref<4096xi32, #tpu.memory_space<hbm>> -> memref<256xi32, #tpu.memory_space<hbm>>
        %dma_wait3A_14 = tpu.memref_slice %arg3[%mul3A_0] : memref<4096xi32, #tpu.memory_space<hbm>> -> memref<256xi32, #tpu.memory_space<hbm>>
        tpu.wait_dma2 semaphore(%run_scoped3A : memref<!tpu.dma_semaphore, #tpu.memory_space<semaphore_mem>>) src(%dma_wait3A_14 : memref<256xi32, #tpu.memory_space<hbm>>) dst(%arg7 : memref<256xi32, #tpu.memory_space<vmem>>)
        tpu.yield
      }) : () -> ()
      %scan3A = arith.constant 0 : i32
      %scan3A_8 = arith.constant 0 : i32
      %scan3A_9 = arith.constant 32 : i32
      %scan3A_10 = arith.addi %scan3A_8, %scan3A_9 : i32
      %scan3A_11 = arith.constant 1 : i32
      scf.for %scan3A_13 = %scan3A_8 to %scan3A_10 step %scan3A_11  : i32 {
        %mul3A_14 = arith.constant 8 : i32
        %mul3A_15 = arith.muli %scan3A_13, %mul3A_14 : i32
        "tpu.region"() ({
          %run_scoped3A = tpu.sem_alloc : memref<!tpu.dma_semaphore, #tpu.memory_space<semaphore_mem>>
          %dma_start3A = tpu.memref_slice %arg7[%mul3A_15] : memref<256xi32, #tpu.memory_space<vmem>> -> memref<8xi32, #tpu.memory_space<vmem>>
          %dma_start3A_18 = arith.constant 0 : i32
          %dma_start3A_19 = arith.constant 0 : i32
          %dma_start3A_20 = tpu.memref_slice %arg2[%dma_start3A_18, %dma_start3A_19] : memref<10000x256xf32, #tpu.memory_space<hbm>> -> memref<10000x256xf32, #tpu.memory_space<hbm>>
          tpu.enqueue_indirect_dma source(%dma_start3A_20 : memref<10000x256xf32, #tpu.memory_space<hbm>>) target(%arg8 : memref<8x256xf32, #tpu.memory_space<vmem>>) offsets(%dma_start3A : memref<8xi32, #tpu.memory_space<vmem>>) semaphore(%run_scoped3A : memref<!tpu.dma_semaphore, #tpu.memory_space<semaphore_mem>>)
          %dma_wait3A = tpu.memref_slice %arg7[%mul3A_15] : memref<256xi32, #tpu.memory_space<vmem>> -> memref<8xi32, #tpu.memory_space<vmem>>
          %dma_wait3A_21 = arith.constant 0 : i32
          %dma_wait3A_22 = arith.constant 0 : i32
          %dma_wait3A_23 = tpu.memref_slice %arg2[%dma_wait3A_21, %dma_wait3A_22] : memref<10000x256xf32, #tpu.memory_space<hbm>> -> memref<10000x256xf32, #tpu.memory_space<hbm>>
          tpu.wait_indirect_dma semaphore(%run_scoped3A : memref<!tpu.dma_semaphore, #tpu.memory_space<semaphore_mem>>) src(%dma_wait3A_23 : memref<10000x256xf32, #tpu.memory_space<hbm>>) dst(%arg8 : memref<8x256xf32, #tpu.memory_space<vmem>>)
          tpu.yield
        }) : () -> ()
        %mul3A_16 = arith.constant 8 : i32
        %mul3A_17 = arith.muli %scan3A_13, %mul3A_16 : i32
        %add3A = arith.addi %mul3A_0, %mul3A_17 : i32
        "tpu.region"() ({
          %run_scoped3A = tpu.sem_alloc : memref<!tpu.dma_semaphore, #tpu.memory_space<semaphore_mem>>
          %dma_start3A = arith.constant 0 : i32
          %dma_start3A_18 = tpu.memref_slice %arg5[%add3A, %dma_start3A] : memref<4096x256xf32, #tpu.memory_space<hbm>> -> memref<8x256xf32, #tpu.memory_space<hbm>>
          %dma_start3A_19 = arith.constant 0 : i32
          %dma_start3A_20 = tpu.memref_slice %arg5[%add3A, %dma_start3A_19] : memref<4096x256xf32, #tpu.memory_space<hbm>> -> memref<8x256xf32, #tpu.memory_space<hbm>>
          tpu.enqueue_dma source(%arg8 : memref<8x256xf32, #tpu.memory_space<vmem>>) target(%dma_start3A_20 : memref<8x256xf32, #tpu.memory_space<hbm>>) target_semaphore(%run_scoped3A : memref<!tpu.dma_semaphore, #tpu.memory_space<semaphore_mem>>)
          %dma_wait3A = arith.constant 0 : i32
          %dma_wait3A_21 = tpu.memref_slice %arg5[%add3A, %dma_wait3A] : memref<4096x256xf32, #tpu.memory_space<hbm>> -> memref<8x256xf32, #tpu.memory_space<hbm>>
          %dma_wait3A_22 = arith.constant 0 : i32
          %dma_wait3A_23 = tpu.memref_slice %arg5[%add3A, %dma_wait3A_22] : memref<4096x256xf32, #tpu.memory_space<hbm>> -> memref<8x256xf32, #tpu.memory_space<hbm>>
          tpu.wait_dma2 semaphore(%run_scoped3A : memref<!tpu.dma_semaphore, #tpu.memory_space<semaphore_mem>>) src(%arg8 : memref<8x256xf32, #tpu.memory_space<vmem>>) dst(%dma_wait3A_23 : memref<8x256xf32, #tpu.memory_space<hbm>>)
          tpu.yield
        }) : () -> ()
      }
      %scan3A_12 = arith.constant 32 : i32
    } else {
    }
    %eq3A_3 = arith.constant 1 : i32
    %eq3A_4 = arith.cmpi eq, %arg0, %eq3A_3 : i32
    %convert_element_type3A_5 = arith.extui %eq3A_4 : i1 to i32
    %cond3A_6 = arith.constant 0 : i32
    %cond3A_7 = arith.cmpi ne, %convert_element_type3A_5, %cond3A_6 : i32
    scf.if %cond3A_7 {
      "tpu.region"() ({
        %run_scoped3A = tpu.sem_alloc : memref<!tpu.dma_semaphore, #tpu.memory_space<semaphore_mem>>
        %dma_start3A = tpu.memref_slice %arg4[%mul3A_0] : memref<4096xi32, #tpu.memory_space<hbm>> -> memref<256xi32, #tpu.memory_space<hbm>>
        %dma_start3A_13 = tpu.memref_slice %arg4[%mul3A_0] : memref<4096xi32, #tpu.memory_space<hbm>> -> memref<256xi32, #tpu.memory_space<hbm>>
        tpu.enqueue_dma source(%dma_start3A_13 : memref<256xi32, #tpu.memory_space<hbm>>) target(%arg7 : memref<256xi32, #tpu.memory_space<vmem>>) target_semaphore(%run_scoped3A : memref<!tpu.dma_semaphore, #tpu.memory_space<semaphore_mem>>)
        %dma_wait3A = tpu.memref_slice %arg4[%mul3A_0] : memref<4096xi32, #tpu.memory_space<hbm>> -> memref<256xi32, #tpu.memory_space<hbm>>
        %dma_wait3A_14 = tpu.memref_slice %arg4[%mul3A_0] : memref<4096xi32, #tpu.memory_space<hbm>> -> memref<256xi32, #tpu.memory_space<hbm>>
        tpu.wait_dma2 semaphore(%run_scoped3A : memref<!tpu.dma_semaphore, #tpu.memory_space<semaphore_mem>>) src(%dma_wait3A_14 : memref<256xi32, #tpu.memory_space<hbm>>) dst(%arg7 : memref<256xi32, #tpu.memory_space<vmem>>)
        tpu.yield
      }) : () -> ()
      %scan3A = arith.constant 0 : i32
      %scan3A_8 = arith.constant 0 : i32
      %scan3A_9 = arith.constant 32 : i32
      %scan3A_10 = arith.addi %scan3A_8, %scan3A_9 : i32
      %scan3A_11 = arith.constant 1 : i32
      scf.for %scan3A_13 = %scan3A_8 to %scan3A_10 step %scan3A_11  : i32 {
        %mul3A_14 = arith.constant 8 : i32
        %mul3A_15 = arith.muli %scan3A_13, %mul3A_14 : i32
        "tpu.region"() ({
          %run_scoped3A = tpu.sem_alloc : memref<!tpu.dma_semaphore, #tpu.memory_space<semaphore_mem>>
          %dma_start3A = tpu.memref_slice %arg7[%mul3A_15] : memref<256xi32, #tpu.memory_space<vmem>> -> memref<8xi32, #tpu.memory_space<vmem>>
          %dma_start3A_18 = arith.constant 0 : i32
          %dma_start3A_19 = arith.constant 0 : i32
          %dma_start3A_20 = tpu.memref_slice %arg2[%dma_start3A_18, %dma_start3A_19] : memref<10000x256xf32, #tpu.memory_space<hbm>> -> memref<10000x256xf32, #tpu.memory_space<hbm>>
          tpu.enqueue_indirect_dma source(%dma_start3A_20 : memref<10000x256xf32, #tpu.memory_space<hbm>>) target(%arg8 : memref<8x256xf32, #tpu.memory_space<vmem>>) offsets(%dma_start3A : memref<8xi32, #tpu.memory_space<vmem>>) semaphore(%run_scoped3A : memref<!tpu.dma_semaphore, #tpu.memory_space<semaphore_mem>>)
          %dma_wait3A = tpu.memref_slice %arg7[%mul3A_15] : memref<256xi32, #tpu.memory_space<vmem>> -> memref<8xi32, #tpu.memory_space<vmem>>
          %dma_wait3A_21 = arith.constant 0 : i32
          %dma_wait3A_22 = arith.constant 0 : i32
          %dma_wait3A_23 = tpu.memref_slice %arg2[%dma_wait3A_21, %dma_wait3A_22] : memref<10000x256xf32, #tpu.memory_space<hbm>> -> memref<10000x256xf32, #tpu.memory_space<hbm>>
          tpu.wait_indirect_dma semaphore(%run_scoped3A : memref<!tpu.dma_semaphore, #tpu.memory_space<semaphore_mem>>) src(%dma_wait3A_23 : memref<10000x256xf32, #tpu.memory_space<hbm>>) dst(%arg8 : memref<8x256xf32, #tpu.memory_space<vmem>>)
          tpu.yield
        }) : () -> ()
        %mul3A_16 = arith.constant 8 : i32
        %mul3A_17 = arith.muli %scan3A_13, %mul3A_16 : i32
        %add3A = arith.addi %mul3A_0, %mul3A_17 : i32
        "tpu.region"() ({
          %run_scoped3A = tpu.sem_alloc : memref<!tpu.dma_semaphore, #tpu.memory_space<semaphore_mem>>
          %dma_start3A = arith.constant 0 : i32
          %dma_start3A_18 = tpu.memref_slice %arg6[%add3A, %dma_start3A] : memref<4096x256xf32, #tpu.memory_space<hbm>> -> memref<8x256xf32, #tpu.memory_space<hbm>>
          %dma_start3A_19 = arith.constant 0 : i32
          %dma_start3A_20 = tpu.memref_slice %arg6[%add3A, %dma_start3A_19] : memref<4096x256xf32, #tpu.memory_space<hbm>> -> memref<8x256xf32, #tpu.memory_space<hbm>>
          tpu.enqueue_dma source(%arg8 : memref<8x256xf32, #tpu.memory_space<vmem>>) target(%dma_start3A_20 : memref<8x256xf32, #tpu.memory_space<hbm>>) target_semaphore(%run_scoped3A : memref<!tpu.dma_semaphore, #tpu.memory_space<semaphore_mem>>)
          %dma_wait3A = arith.constant 0 : i32
          %dma_wait3A_21 = tpu.memref_slice %arg6[%add3A, %dma_wait3A] : memref<4096x256xf32, #tpu.memory_space<hbm>> -> memref<8x256xf32, #tpu.memory_space<hbm>>
          %dma_wait3A_22 = arith.constant 0 : i32
          %dma_wait3A_23 = tpu.memref_slice %arg6[%add3A, %dma_wait3A_22] : memref<4096x256xf32, #tpu.memory_space<hbm>> -> memref<8x256xf32, #tpu.memory_space<hbm>>
          tpu.wait_dma2 semaphore(%run_scoped3A : memref<!tpu.dma_semaphore, #tpu.memory_space<semaphore_mem>>) src(%arg8 : memref<8x256xf32, #tpu.memory_space<vmem>>) dst(%dma_wait3A_23 : memref<8x256xf32, #tpu.memory_space<hbm>>)
          tpu.yield
        }) : () -> ()
      }
      %scan3A_12 = arith.constant 32 : i32
    } else {
    }
    return
  }
}

module attributes {stable_mosaic.version = 14 : i64} {
  func.func @_tc_layer_body(%arg0: i32, %arg1: memref<1000x256xf32, #tpu.memory_space<vmem>>, %arg2: memref<1000x256xf32, #tpu.memory_space<vmem>>, %arg3: memref<1000x128xf32, #tpu.memory_space<vmem>>, %arg4: memref<1000x128xf32, #tpu.memory_space<vmem>>, %arg5: memref<1000x128xf32, #tpu.memory_space<vmem>>, %arg6: memref<1000x128xf32, #tpu.memory_space<vmem>>, %arg7: memref<1000x1xf32, #tpu.memory_space<vmem>>, %arg8: memref<1000x1xf32, #tpu.memory_space<vmem>>, %arg9: memref<256x256xf32, #tpu.memory_space<vmem>>, %arg10: memref<256x256xf32, #tpu.memory_space<vmem>>, %arg11: memref<1x256xf32, #tpu.memory_space<vmem>>, %arg12: memref<256x256xf32, #tpu.memory_space<vmem>>, %arg13: memref<256x256xf32, #tpu.memory_space<vmem>>, %arg14: memref<1x256xf32, #tpu.memory_space<vmem>>, %arg15: memref<1000x128xf32, #tpu.memory_space<vmem>>, %arg16: memref<1000x128xf32, #tpu.memory_space<vmem>>, %arg17: memref<1000x128xf32, #tpu.memory_space<vmem>>, %arg18: memref<1000x128xf32, #tpu.memory_space<vmem>>) attributes {dimension_semantics = [#tpu.dimension_semantics<parallel>], iteration_bounds = array<i64: 10>, scalar_prefetch = 0 : i64, scratch_operands = 0 : i64, tpu.core_type = #tpu.core_type<tc>, window_params = [{transform_indices = @transform_0, window_bounds = array<i64: 1000, 256>}, {transform_indices = @transform_1, window_bounds = array<i64: 1000, 256>}, {transform_indices = @transform_2, window_bounds = array<i64: 1000, 128>}, {transform_indices = @transform_3, window_bounds = array<i64: 1000, 128>}, {transform_indices = @transform_4, window_bounds = array<i64: 1000, 128>}, {transform_indices = @transform_5, window_bounds = array<i64: 1000, 128>}, {transform_indices = @transform_6, window_bounds = array<i64: 1000, 1>}, {transform_indices = @transform_7, window_bounds = array<i64: 1000, 1>}, {pipeline_mode = #tpu.pipeline_mode<synchronous>, transform_indices = @transform_8, window_bounds = array<i64: 256, 256>}, {pipeline_mode = #tpu.pipeline_mode<synchronous>, transform_indices = @transform_9, window_bounds = array<i64: 256, 256>}, {pipeline_mode = #tpu.pipeline_mode<synchronous>, transform_indices = @transform_10, window_bounds = array<i64: 1, 256>}, {pipeline_mode = #tpu.pipeline_mode<synchronous>, transform_indices = @transform_11, window_bounds = array<i64: 256, 256>}, {pipeline_mode = #tpu.pipeline_mode<synchronous>, transform_indices = @transform_12, window_bounds = array<i64: 256, 256>}, {pipeline_mode = #tpu.pipeline_mode<synchronous>, transform_indices = @transform_13, window_bounds = array<i64: 1, 256>}, {transform_indices = @transform_14, window_bounds = array<i64: 1000, 128>}, {transform_indices = @transform_15, window_bounds = array<i64: 1000, 128>}, {transform_indices = @transform_16, window_bounds = array<i64: 1000, 128>}, {transform_indices = @transform_17, window_bounds = array<i64: 1000, 128>}]} {
    %get3A = arith.constant 0 : index
    %get3A_0 = arith.constant 0 : index
    %get3A_1 = vector.load %arg7[%get3A, %get3A_0] : memref<1000x1xf32, #tpu.memory_space<vmem>>, vector<1000x1xf32>
    %max3A = arith.constant 1.000000e+00 : f32
    %max3A_2 = vector.broadcast %max3A : f32 to vector<1000x1xf32>
    %max3A_3 = arith.maximumf %get3A_1, %max3A_2 : vector<1000x1xf32>
    %div3A = arith.constant 1.000000e+00 : f32
    %div3A_4 = vector.broadcast %div3A : f32 to vector<1000x1xf32>
    %div3A_5 = arith.divf %div3A_4, %max3A_3 : vector<1000x1xf32>
    %get3A_6 = arith.constant 0 : index
    %get3A_7 = arith.constant 0 : index
    %get3A_8 = vector.load %arg8[%get3A_6, %get3A_7] : memref<1000x1xf32, #tpu.memory_space<vmem>>, vector<1000x1xf32>
    %max3A_9 = arith.constant 1.000000e+00 : f32
    %max3A_10 = vector.broadcast %max3A_9 : f32 to vector<1000x1xf32>
    %max3A_11 = arith.maximumf %get3A_8, %max3A_10 : vector<1000x1xf32>
    %div3A_12 = arith.constant 1.000000e+00 : f32
    %div3A_13 = vector.broadcast %div3A_12 : f32 to vector<1000x1xf32>
    %div3A_14 = arith.divf %div3A_13, %max3A_11 : vector<1000x1xf32>
    %get3A_15 = arith.constant 0 : index
    %get3A_16 = arith.constant 0 : index
    %get3A_17 = vector.load %arg1[%get3A_15, %get3A_16] : memref<1000x256xf32, #tpu.memory_space<vmem>>, vector<1000x256xf32>
    %get3A_18 = arith.constant 0 : index
    %get3A_19 = arith.constant 0 : index
    %get3A_20 = vector.load %arg9[%get3A_18, %get3A_19] : memref<256x256xf32, #tpu.memory_space<vmem>>, vector<256x256xf32>
    %dot_general3A = arith.constant dense<0.000000e+00> : vector<1000x256xf32>
    %dot_general3A_21 = tpu.matmul %get3A_17, %get3A_20, %dot_general3A {dimension_numbers = #tpu.dot_dimension_numbers<[1], [0], [0], [1], [0, 0, 1, 1], [], []>, transpose_lhs_hint = false} : vector<1000x256xf32>, vector<256x256xf32>, vector<1000x256xf32> -> vector<1000x256xf32>
    %get3A_22 = arith.constant 0 : index
    %get3A_23 = arith.constant 0 : index
    %get3A_24 = vector.load %arg5[%get3A_22, %get3A_23] : memref<1000x128xf32, #tpu.memory_space<vmem>>, vector<1000x128xf32>
    %mul3A = vector.broadcast %div3A_14 : vector<1000x1xf32> to vector<1000x128xf32>
    %mul3A_25 = arith.mulf %get3A_24, %mul3A : vector<1000x128xf32>
    %get3A_26 = arith.constant 0 : index
    %get3A_27 = arith.constant 0 : index
    %get3A_28 = vector.load %arg10[%get3A_26, %get3A_27] : memref<256x256xf32, #tpu.memory_space<vmem>>, vector<128x256xf32>
    %dot_general3A_29 = arith.constant dense<0.000000e+00> : vector<1000x256xf32>
    %dot_general3A_30 = tpu.matmul %mul3A_25, %get3A_28, %dot_general3A_29 {dimension_numbers = #tpu.dot_dimension_numbers<[1], [0], [0], [1], [0, 0, 1, 1], [], []>, transpose_lhs_hint = false} : vector<1000x128xf32>, vector<128x256xf32>, vector<1000x256xf32> -> vector<1000x256xf32>
    %add3A = arith.addf %dot_general3A_21, %dot_general3A_30 : vector<1000x256xf32>
    %get3A_31 = arith.constant 0 : index
    %get3A_32 = arith.constant 0 : index
    %get3A_33 = vector.load %arg6[%get3A_31, %get3A_32] : memref<1000x128xf32, #tpu.memory_space<vmem>>, vector<1000x128xf32>
    %mul3A_34 = vector.broadcast %div3A_14 : vector<1000x1xf32> to vector<1000x128xf32>
    %mul3A_35 = arith.mulf %get3A_33, %mul3A_34 : vector<1000x128xf32>
    %get3A_36 = arith.constant 128 : index
    %get3A_37 = arith.constant 0 : index
    %get3A_38 = vector.load %arg10[%get3A_36, %get3A_37] : memref<256x256xf32, #tpu.memory_space<vmem>>, vector<128x256xf32>
    %dot_general3A_39 = arith.constant dense<0.000000e+00> : vector<1000x256xf32>
    %dot_general3A_40 = tpu.matmul %mul3A_35, %get3A_38, %dot_general3A_39 {dimension_numbers = #tpu.dot_dimension_numbers<[1], [0], [0], [1], [0, 0, 1, 1], [], []>, transpose_lhs_hint = false} : vector<1000x128xf32>, vector<128x256xf32>, vector<1000x256xf32> -> vector<1000x256xf32>
    %add3A_41 = arith.addf %add3A, %dot_general3A_40 : vector<1000x256xf32>
    %get3A_42 = arith.constant 0 : index
    %get3A_43 = arith.constant 0 : index
    %get3A_44 = vector.load %arg11[%get3A_42, %get3A_43] : memref<1x256xf32, #tpu.memory_space<vmem>>, vector<1x256xf32>
    %add3A_45 = vector.broadcast %get3A_44 : vector<1x256xf32> to vector<1000x256xf32>
    %add3A_46 = arith.addf %add3A_41, %add3A_45 : vector<1000x256xf32>
    %max3A_47 = arith.constant 0.000000e+00 : f32
    %max3A_48 = vector.broadcast %max3A_47 : f32 to vector<1000x256xf32>
    %max3A_49 = arith.maximumf %add3A_46, %max3A_48 : vector<1000x256xf32>
    %slice3A = vector.extract_strided_slice %max3A_49 {offsets = [0, 0], sizes = [1000, 128], strides = [1, 1]} : vector<1000x256xf32> to vector<1000x128xf32>
    %swap3A = arith.constant 0 : index
    %swap3A_50 = arith.constant 0 : index
    %swap3A_51 = vector.load %arg15[%swap3A, %swap3A_50] : memref<1000x128xf32, #tpu.memory_space<vmem>>, vector<1000x128xf32>
    tpu.vector_store %arg15[%swap3A, %swap3A_50], %slice3A {strides = array<i32>} : memref<1000x128xf32, #tpu.memory_space<vmem>>, vector<1000x128xf32>,
    %slice3A_52 = vector.extract_strided_slice %max3A_49 {offsets = [0, 128], sizes = [1000, 128], strides = [1, 1]} : vector<1000x256xf32> to vector<1000x128xf32>
    %swap3A_53 = arith.constant 0 : index
    %swap3A_54 = arith.constant 0 : index
    %swap3A_55 = vector.load %arg16[%swap3A_53, %swap3A_54] : memref<1000x128xf32, #tpu.memory_space<vmem>>, vector<1000x128xf32>
    tpu.vector_store %arg16[%swap3A_53, %swap3A_54], %slice3A_52 {strides = array<i32>} : memref<1000x128xf32, #tpu.memory_space<vmem>>, vector<1000x128xf32>,
    %get3A_56 = arith.constant 0 : index
    %get3A_57 = arith.constant 0 : index
    %get3A_58 = vector.load %arg2[%get3A_56, %get3A_57] : memref<1000x256xf32, #tpu.memory_space<vmem>>, vector<1000x256xf32>
    %get3A_59 = arith.constant 0 : index
    %get3A_60 = arith.constant 0 : index
    %get3A_61 = vector.load %arg12[%get3A_59, %get3A_60] : memref<256x256xf32, #tpu.memory_space<vmem>>, vector<256x256xf32>
    %dot_general3A_62 = arith.constant dense<0.000000e+00> : vector<1000x256xf32>
    %dot_general3A_63 = tpu.matmul %get3A_58, %get3A_61, %dot_general3A_62 {dimension_numbers = #tpu.dot_dimension_numbers<[1], [0], [0], [1], [0, 0, 1, 1], [], []>, transpose_lhs_hint = false} : vector<1000x256xf32>, vector<256x256xf32>, vector<1000x256xf32> -> vector<1000x256xf32>
    %get3A_64 = arith.constant 0 : index
    %get3A_65 = arith.constant 0 : index
    %get3A_66 = vector.load %arg3[%get3A_64, %get3A_65] : memref<1000x128xf32, #tpu.memory_space<vmem>>, vector<1000x128xf32>
    %mul3A_67 = vector.broadcast %div3A_5 : vector<1000x1xf32> to vector<1000x128xf32>
    %mul3A_68 = arith.mulf %get3A_66, %mul3A_67 : vector<1000x128xf32>
    %get3A_69 = arith.constant 0 : index
    %get3A_70 = arith.constant 0 : index
    %get3A_71 = vector.load %arg13[%get3A_69, %get3A_70] : memref<256x256xf32, #tpu.memory_space<vmem>>, vector<128x256xf32>
    %dot_general3A_72 = arith.constant dense<0.000000e+00> : vector<1000x256xf32>
    %dot_general3A_73 = tpu.matmul %mul3A_68, %get3A_71, %dot_general3A_72 {dimension_numbers = #tpu.dot_dimension_numbers<[1], [0], [0], [1], [0, 0, 1, 1], [], []>, transpose_lhs_hint = false} : vector<1000x128xf32>, vector<128x256xf32>, vector<1000x256xf32> -> vector<1000x256xf32>
    %add3A_74 = arith.addf %dot_general3A_63, %dot_general3A_73 : vector<1000x256xf32>
    %get3A_75 = arith.constant 0 : index
    %get3A_76 = arith.constant 0 : index
    %get3A_77 = vector.load %arg4[%get3A_75, %get3A_76] : memref<1000x128xf32, #tpu.memory_space<vmem>>, vector<1000x128xf32>
    %mul3A_78 = vector.broadcast %div3A_5 : vector<1000x1xf32> to vector<1000x128xf32>
    %mul3A_79 = arith.mulf %get3A_77, %mul3A_78 : vector<1000x128xf32>
    %get3A_80 = arith.constant 128 : index
    %get3A_81 = arith.constant 0 : index
    %get3A_82 = vector.load %arg13[%get3A_80, %get3A_81] : memref<256x256xf32, #tpu.memory_space<vmem>>, vector<128x256xf32>
    %dot_general3A_83 = arith.constant dense<0.000000e+00> : vector<1000x256xf32>
    %dot_general3A_84 = tpu.matmul %mul3A_79, %get3A_82, %dot_general3A_83 {dimension_numbers = #tpu.dot_dimension_numbers<[1], [0], [0], [1], [0, 0, 1, 1], [], []>, transpose_lhs_hint = false} : vector<1000x128xf32>, vector<128x256xf32>, vector<1000x256xf32> -> vector<1000x256xf32>
    %add3A_85 = arith.addf %add3A_74, %dot_general3A_84 : vector<1000x256xf32>
    %get3A_86 = arith.constant 0 : index
    %get3A_87 = arith.constant 0 : index
    %get3A_88 = vector.load %arg14[%get3A_86, %get3A_87] : memref<1x256xf32, #tpu.memory_space<vmem>>, vector<1x256xf32>
    %add3A_89 = vector.broadcast %get3A_88 : vector<1x256xf32> to vector<1000x256xf32>
    %add3A_90 = arith.addf %add3A_85, %add3A_89 : vector<1000x256xf32>
    %max3A_91 = arith.constant 0.000000e+00 : f32
    %max3A_92 = vector.broadcast %max3A_91 : f32 to vector<1000x256xf32>
    %max3A_93 = arith.maximumf %add3A_90, %max3A_92 : vector<1000x256xf32>
    %slice3A_94 = vector.extract_strided_slice %max3A_93 {offsets = [0, 0], sizes = [1000, 128], strides = [1, 1]} : vector<1000x256xf32> to vector<1000x128xf32>
    %swap3A_95 = arith.constant 0 : index
    %swap3A_96 = arith.constant 0 : index
    %swap3A_97 = vector.load %arg17[%swap3A_95, %swap3A_96] : memref<1000x128xf32, #tpu.memory_space<vmem>>, vector<1000x128xf32>
    tpu.vector_store %arg17[%swap3A_95, %swap3A_96], %slice3A_94 {strides = array<i32>} : memref<1000x128xf32, #tpu.memory_space<vmem>>, vector<1000x128xf32>,
    %slice3A_98 = vector.extract_strided_slice %max3A_93 {offsets = [0, 128], sizes = [1000, 128], strides = [1, 1]} : vector<1000x256xf32> to vector<1000x128xf32>
    %swap3A_99 = arith.constant 0 : index
    %swap3A_100 = arith.constant 0 : index
    %swap3A_101 = vector.load %arg18[%swap3A_99, %swap3A_100] : memref<1000x128xf32, #tpu.memory_space<vmem>>, vector<1000x128xf32>
    tpu.vector_store %arg18[%swap3A_99, %swap3A_100], %slice3A_98 {strides = array<i32>} : memref<1000x128xf32, #tpu.memory_space<vmem>>, vector<1000x128xf32>,
    return
  }
  func.func @transform_0(%arg0: i32) -> (i32, i32) {
    %c0_i32 = arith.constant 0 : i32
    %c0_i32_0 = arith.constant 0 : i32
    return %arg0, %c0_i32 : i32, i32
  }
  func.func @transform_1(%arg0: i32) -> (i32, i32) {
    %c0_i32 = arith.constant 0 : i32
    %c0_i32_0 = arith.constant 0 : i32
    return %arg0, %c0_i32 : i32, i32
  }
  func.func @transform_2(%arg0: i32) -> (i32, i32) {
    %c0_i32 = arith.constant 0 : i32
    %c0_i32_0 = arith.constant 0 : i32
    return %arg0, %c0_i32 : i32, i32
  }
  func.func @transform_3(%arg0: i32) -> (i32, i32) {
    %c0_i32 = arith.constant 0 : i32
    %c0_i32_0 = arith.constant 0 : i32
    return %arg0, %c0_i32 : i32, i32
  }
  func.func @transform_4(%arg0: i32) -> (i32, i32) {
    %c0_i32 = arith.constant 0 : i32
    %c0_i32_0 = arith.constant 0 : i32
    return %arg0, %c0_i32 : i32, i32
  }
  func.func @transform_5(%arg0: i32) -> (i32, i32) {
    %c0_i32 = arith.constant 0 : i32
    %c0_i32_0 = arith.constant 0 : i32
    return %arg0, %c0_i32 : i32, i32
  }
  func.func @transform_6(%arg0: i32) -> (i32, i32) {
    %c0_i32 = arith.constant 0 : i32
    %c0_i32_0 = arith.constant 0 : i32
    return %arg0, %c0_i32 : i32, i32
  }
  func.func @transform_7(%arg0: i32) -> (i32, i32) {
    %c0_i32 = arith.constant 0 : i32
    %c0_i32_0 = arith.constant 0 : i32
    return %arg0, %c0_i32 : i32, i32
  }
  func.func @transform_8(%arg0: i32) -> (i32, i32) {
    %c0_i32 = arith.constant 0 : i32
    %c0_i32_0 = arith.constant 0 : i32
    %c0_i32_1 = arith.constant 0 : i32
    return %c0_i32, %c0_i32_0 : i32, i32
  }
  func.func @transform_9(%arg0: i32) -> (i32, i32) {
    %c0_i32 = arith.constant 0 : i32
    %c0_i32_0 = arith.constant 0 : i32
    %c0_i32_1 = arith.constant 0 : i32
    return %c0_i32, %c0_i32_0 : i32, i32
  }
  func.func @transform_10(%arg0: i32) -> (i32, i32) {
    %c0_i32 = arith.constant 0 : i32
    %c0_i32_0 = arith.constant 0 : i32
    %c0_i32_1 = arith.constant 0 : i32
    return %c0_i32, %c0_i32_0 : i32, i32
  }
  func.func @transform_11(%arg0: i32) -> (i32, i32) {
    %c0_i32 = arith.constant 0 : i32
    %c0_i32_0 = arith.constant 0 : i32
    %c0_i32_1 = arith.constant 0 : i32
    return %c0_i32, %c0_i32_0 : i32, i32
  }
  func.func @transform_12(%arg0: i32) -> (i32, i32) {
    %c0_i32 = arith.constant 0 : i32
    %c0_i32_0 = arith.constant 0 : i32
    %c0_i32_1 = arith.constant 0 : i32
    return %c0_i32, %c0_i32_0 : i32, i32
  }
  func.func @transform_13(%arg0: i32) -> (i32, i32) {
    %c0_i32 = arith.constant 0 : i32
    %c0_i32_0 = arith.constant 0 : i32
    %c0_i32_1 = arith.constant 0 : i32
    return %c0_i32, %c0_i32_0 : i32, i32
  }
  func.func @transform_14(%arg0: i32) -> (i32, i32) {
    %c0_i32 = arith.constant 0 : i32
    %c0_i32_0 = arith.constant 0 : i32
    return %arg0, %c0_i32 : i32, i32
  }
  func.func @transform_15(%arg0: i32) -> (i32, i32) {
    %c0_i32 = arith.constant 0 : i32
    %c0_i32_0 = arith.constant 0 : i32
    return %arg0, %c0_i32 : i32, i32
  }
  func.func @transform_16(%arg0: i32) -> (i32, i32) {
    %c0_i32 = arith.constant 0 : i32
    %c0_i32_0 = arith.constant 0 : i32
    return %arg0, %c0_i32 : i32, i32
  }
  func.func @transform_17(%arg0: i32) -> (i32, i32) {
    %c0_i32 = arith.constant 0 : i32
    %c0_i32_0 = arith.constant 0 : i32
    return %arg0, %c0_i32 : i32, i32
  }
}

module attributes {stable_mosaic.version = 14 : i64} {
  func.func @_tc_tail_body(%arg0: i32, %arg1: memref<1000x128xf32, #tpu.memory_space<vmem>>, %arg2: memref<1000x128xf32, #tpu.memory_space<vmem>>, %arg3: memref<1000x128xf32, #tpu.memory_space<vmem>>, %arg4: memref<1000x128xf32, #tpu.memory_space<vmem>>, %arg5: memref<1000x1xf32, #tpu.memory_space<vmem>>, %arg6: memref<256x256xf32, #tpu.memory_space<vmem>>, %arg7: memref<256x256xf32, #tpu.memory_space<vmem>>, %arg8: memref<1x256xf32, #tpu.memory_space<vmem>>, %arg9: memref<1000x256xf32, #tpu.memory_space<vmem>>) attributes {dimension_semantics = [#tpu.dimension_semantics<parallel>], iteration_bounds = array<i64: 10>, scalar_prefetch = 0 : i64, scratch_operands = 0 : i64, tpu.core_type = #tpu.core_type<tc>, window_params = [{transform_indices = @transform_0, window_bounds = array<i64: 1000, 128>}, {transform_indices = @transform_1, window_bounds = array<i64: 1000, 128>}, {transform_indices = @transform_2, window_bounds = array<i64: 1000, 128>}, {transform_indices = @transform_3, window_bounds = array<i64: 1000, 128>}, {transform_indices = @transform_4, window_bounds = array<i64: 1000, 1>}, {pipeline_mode = #tpu.pipeline_mode<synchronous>, transform_indices = @transform_5, window_bounds = array<i64: 256, 256>}, {pipeline_mode = #tpu.pipeline_mode<synchronous>, transform_indices = @transform_6, window_bounds = array<i64: 256, 256>}, {pipeline_mode = #tpu.pipeline_mode<synchronous>, transform_indices = @transform_7, window_bounds = array<i64: 1, 256>}, {transform_indices = @transform_8, window_bounds = array<i64: 1000, 256>}]} {
    %get3A = arith.constant 0 : index
    %get3A_0 = arith.constant 0 : index
    %get3A_1 = vector.load %arg5[%get3A, %get3A_0] : memref<1000x1xf32, #tpu.memory_space<vmem>>, vector<1000x1xf32>
    %max3A = arith.constant 1.000000e+00 : f32
    %max3A_2 = vector.broadcast %max3A : f32 to vector<1000x1xf32>
    %max3A_3 = arith.maximumf %get3A_1, %max3A_2 : vector<1000x1xf32>
    %div3A = arith.constant 1.000000e+00 : f32
    %div3A_4 = vector.broadcast %div3A : f32 to vector<1000x1xf32>
    %div3A_5 = arith.divf %div3A_4, %max3A_3 : vector<1000x1xf32>
    %get3A_6 = arith.constant 0 : index
    %get3A_7 = arith.constant 0 : index
    %get3A_8 = vector.load %arg1[%get3A_6, %get3A_7] : memref<1000x128xf32, #tpu.memory_space<vmem>>, vector<1000x128xf32>
    %get3A_9 = arith.constant 0 : index
    %get3A_10 = arith.constant 0 : index
    %get3A_11 = vector.load %arg6[%get3A_9, %get3A_10] : memref<256x256xf32, #tpu.memory_space<vmem>>, vector<128x256xf32>
    %dot_general3A = arith.constant dense<0.000000e+00> : vector<1000x256xf32>
    %dot_general3A_12 = tpu.matmul %get3A_8, %get3A_11, %dot_general3A {dimension_numbers = #tpu.dot_dimension_numbers<[1], [0], [0], [1], [0, 0, 1, 1], [], []>, transpose_lhs_hint = false} : vector<1000x128xf32>, vector<128x256xf32>, vector<1000x256xf32> -> vector<1000x256xf32>
    %get3A_13 = arith.constant 0 : index
    %get3A_14 = arith.constant 0 : index
    %get3A_15 = vector.load %arg2[%get3A_13, %get3A_14] : memref<1000x128xf32, #tpu.memory_space<vmem>>, vector<1000x128xf32>
    %get3A_16 = arith.constant 128 : index
    %get3A_17 = arith.constant 0 : index
    %get3A_18 = vector.load %arg6[%get3A_16, %get3A_17] : memref<256x256xf32, #tpu.memory_space<vmem>>, vector<128x256xf32>
    %dot_general3A_19 = arith.constant dense<0.000000e+00> : vector<1000x256xf32>
    %dot_general3A_20 = tpu.matmul %get3A_15, %get3A_18, %dot_general3A_19 {dimension_numbers = #tpu.dot_dimension_numbers<[1], [0], [0], [1], [0, 0, 1, 1], [], []>, transpose_lhs_hint = false} : vector<1000x128xf32>, vector<128x256xf32>, vector<1000x256xf32> -> vector<1000x256xf32>
    %add3A = arith.addf %dot_general3A_12, %dot_general3A_20 : vector<1000x256xf32>
    %get3A_21 = arith.constant 0 : index
    %get3A_22 = arith.constant 0 : index
    %get3A_23 = vector.load %arg3[%get3A_21, %get3A_22] : memref<1000x128xf32, #tpu.memory_space<vmem>>, vector<1000x128xf32>
    %mul3A = vector.broadcast %div3A_5 : vector<1000x1xf32> to vector<1000x128xf32>
    %mul3A_24 = arith.mulf %get3A_23, %mul3A : vector<1000x128xf32>
    %get3A_25 = arith.constant 0 : index
    %get3A_26 = arith.constant 0 : index
    %get3A_27 = vector.load %arg7[%get3A_25, %get3A_26] : memref<256x256xf32, #tpu.memory_space<vmem>>, vector<128x256xf32>
    %dot_general3A_28 = arith.constant dense<0.000000e+00> : vector<1000x256xf32>
    %dot_general3A_29 = tpu.matmul %mul3A_24, %get3A_27, %dot_general3A_28 {dimension_numbers = #tpu.dot_dimension_numbers<[1], [0], [0], [1], [0, 0, 1, 1], [], []>, transpose_lhs_hint = false} : vector<1000x128xf32>, vector<128x256xf32>, vector<1000x256xf32> -> vector<1000x256xf32>
    %add3A_30 = arith.addf %add3A, %dot_general3A_29 : vector<1000x256xf32>
    %get3A_31 = arith.constant 0 : index
    %get3A_32 = arith.constant 0 : index
    %get3A_33 = vector.load %arg4[%get3A_31, %get3A_32] : memref<1000x128xf32, #tpu.memory_space<vmem>>, vector<1000x128xf32>
    %mul3A_34 = vector.broadcast %div3A_5 : vector<1000x1xf32> to vector<1000x128xf32>
    %mul3A_35 = arith.mulf %get3A_33, %mul3A_34 : vector<1000x128xf32>
    %get3A_36 = arith.constant 128 : index
    %get3A_37 = arith.constant 0 : index
    %get3A_38 = vector.load %arg7[%get3A_36, %get3A_37] : memref<256x256xf32, #tpu.memory_space<vmem>>, vector<128x256xf32>
    %dot_general3A_39 = arith.constant dense<0.000000e+00> : vector<1000x256xf32>
    %dot_general3A_40 = tpu.matmul %mul3A_35, %get3A_38, %dot_general3A_39 {dimension_numbers = #tpu.dot_dimension_numbers<[1], [0], [0], [1], [0, 0, 1, 1], [], []>, transpose_lhs_hint = false} : vector<1000x128xf32>, vector<128x256xf32>, vector<1000x256xf32> -> vector<1000x256xf32>
    %add3A_41 = arith.addf %add3A_30, %dot_general3A_40 : vector<1000x256xf32>
    %get3A_42 = arith.constant 0 : index
    %get3A_43 = arith.constant 0 : index
    %get3A_44 = vector.load %arg8[%get3A_42, %get3A_43] : memref<1x256xf32, #tpu.memory_space<vmem>>, vector<1x256xf32>
    %add3A_45 = vector.broadcast %get3A_44 : vector<1x256xf32> to vector<1000x256xf32>
    %add3A_46 = arith.addf %add3A_41, %add3A_45 : vector<1000x256xf32>
    %max3A_47 = arith.constant 0.000000e+00 : f32
    %max3A_48 = vector.broadcast %max3A_47 : f32 to vector<1000x256xf32>
    %max3A_49 = arith.maximumf %add3A_46, %max3A_48 : vector<1000x256xf32>
    %swap3A = arith.constant 0 : index
    %swap3A_50 = arith.constant 0 : index
    %swap3A_51 = vector.load %arg9[%swap3A, %swap3A_50] : memref<1000x256xf32, #tpu.memory_space<vmem>>, vector<1000x256xf32>
    tpu.vector_store %arg9[%swap3A, %swap3A_50], %max3A_49 {strides = array<i32>} : memref<1000x256xf32, #tpu.memory_space<vmem>>, vector<1000x256xf32>,
    return
  }
  func.func @transform_0(%arg0: i32) -> (i32, i32) {
    %c0_i32 = arith.constant 0 : i32
    %c0_i32_0 = arith.constant 0 : i32
    return %arg0, %c0_i32 : i32, i32
  }
  func.func @transform_1(%arg0: i32) -> (i32, i32) {
    %c0_i32 = arith.constant 0 : i32
    %c0_i32_0 = arith.constant 0 : i32
    return %arg0, %c0_i32 : i32, i32
  }
  func.func @transform_2(%arg0: i32) -> (i32, i32) {
    %c0_i32 = arith.constant 0 : i32
    %c0_i32_0 = arith.constant 0 : i32
    return %arg0, %c0_i32 : i32, i32
  }
  func.func @transform_3(%arg0: i32) -> (i32, i32) {
    %c0_i32 = arith.constant 0 : i32
    %c0_i32_0 = arith.constant 0 : i32
    return %arg0, %c0_i32 : i32, i32
  }
  func.func @transform_4(%arg0: i32) -> (i32, i32) {
    %c0_i32 = arith.constant 0 : i32
    %c0_i32_0 = arith.constant 0 : i32
    return %arg0, %c0_i32 : i32, i32
  }
  func.func @transform_5(%arg0: i32) -> (i32, i32) {
    %c0_i32 = arith.constant 0 : i32
    %c0_i32_0 = arith.constant 0 : i32
    %c0_i32_1 = arith.constant 0 : i32
    return %c0_i32, %c0_i32_0 : i32, i32
  }
  func.func @transform_6(%arg0: i32) -> (i32, i32) {
    %c0_i32 = arith.constant 0 : i32
    %c0_i32_0 = arith.constant 0 : i32
    %c0_i32_1 = arith.constant 0 : i32
    return %c0_i32, %c0_i32_0 : i32, i32
  }
  func.func @transform_7(%arg0: i32) -> (i32, i32) {
    %c0_i32 = arith.constant 0 : i32
    %c0_i32_0 = arith.constant 0 : i32
    %c0_i32_1 = arith.constant 0 : i32
    return %c0_i32, %c0_i32_0 : i32, i32
  }
  func.func @transform_8(%arg0: i32) -> (i32, i32) {
    %c0_i32 = arith.constant 0 : i32
    %c0_i32_0 = arith.constant 0 : i32
    return %arg0, %c0_i32 : i32, i32
  }
}

module attributes {stable_mosaic.version = 14 : i64} {
  func.func @_tc_dec_body(%arg0: memref<4096x256xf32, #tpu.memory_space<vmem>>, %arg1: memref<4096x256xf32, #tpu.memory_space<vmem>>, %arg2: memref<256x256xf32, #tpu.memory_space<vmem>>, %arg3: memref<256x256xf32, #tpu.memory_space<vmem>>, %arg4: memref<1x256xf32, #tpu.memory_space<vmem>>, %arg5: memref<256x1xf32, #tpu.memory_space<vmem>>, %arg6: memref<1x1xf32, #tpu.memory_space<vmem>>, %arg7: memref<4096x1xf32, #tpu.memory_space<vmem>>) attributes {dimension_semantics = [], scalar_prefetch = 0 : i64, scratch_operands = 0 : i64, tpu.core_type = #tpu.core_type<tc>} {
    %get3A = arith.constant 0 : index
    %get3A_0 = arith.constant 0 : index
    %get3A_1 = vector.load %arg0[%get3A, %get3A_0] : memref<4096x256xf32, #tpu.memory_space<vmem>>, vector<4096x256xf32>
    %get3A_2 = arith.constant 0 : index
    %get3A_3 = arith.constant 0 : index
    %get3A_4 = vector.load %arg2[%get3A_2, %get3A_3] : memref<256x256xf32, #tpu.memory_space<vmem>>, vector<256x256xf32>
    %dot_general3A = arith.constant dense<0.000000e+00> : vector<4096x256xf32>
    %dot_general3A_5 = tpu.matmul %get3A_1, %get3A_4, %dot_general3A {dimension_numbers = #tpu.dot_dimension_numbers<[1], [0], [0], [1], [0, 0, 1, 1], [], []>, transpose_lhs_hint = false} : vector<4096x256xf32>, vector<256x256xf32>, vector<4096x256xf32> -> vector<4096x256xf32>
    %get3A_6 = arith.constant 0 : index
    %get3A_7 = arith.constant 0 : index
    %get3A_8 = vector.load %arg1[%get3A_6, %get3A_7] : memref<4096x256xf32, #tpu.memory_space<vmem>>, vector<4096x256xf32>
    %get3A_9 = arith.constant 0 : index
    %get3A_10 = arith.constant 0 : index
    %get3A_11 = vector.load %arg3[%get3A_9, %get3A_10] : memref<256x256xf32, #tpu.memory_space<vmem>>, vector<256x256xf32>
    %dot_general3A_12 = arith.constant dense<0.000000e+00> : vector<4096x256xf32>
    %dot_general3A_13 = tpu.matmul %get3A_8, %get3A_11, %dot_general3A_12 {dimension_numbers = #tpu.dot_dimension_numbers<[1], [0], [0], [1], [0, 0, 1, 1], [], []>, transpose_lhs_hint = false} : vector<4096x256xf32>, vector<256x256xf32>, vector<4096x256xf32> -> vector<4096x256xf32>
    %add3A = arith.addf %dot_general3A_5, %dot_general3A_13 : vector<4096x256xf32>
    %get3A_14 = arith.constant 0 : index
    %get3A_15 = arith.constant 0 : index
    %get3A_16 = vector.load %arg4[%get3A_14, %get3A_15] : memref<1x256xf32, #tpu.memory_space<vmem>>, vector<1x256xf32>
    %add3A_17 = vector.broadcast %get3A_16 : vector<1x256xf32> to vector<4096x256xf32>
    %add3A_18 = arith.addf %add3A, %add3A_17 : vector<4096x256xf32>
    %max3A = arith.constant 0.000000e+00 : f32
    %max3A_19 = vector.broadcast %max3A : f32 to vector<4096x256xf32>
    %max3A_20 = arith.maximumf %add3A_18, %max3A_19 : vector<4096x256xf32>
    %get3A_21 = arith.constant 0 : index
    %get3A_22 = arith.constant 0 : index
    %get3A_23 = vector.load %arg5[%get3A_21, %get3A_22] : memref<256x1xf32, #tpu.memory_space<vmem>>, vector<256x1xf32>
    %dot_general3A_24 = arith.constant dense<0.000000e+00> : vector<4096x1xf32>
    %dot_general3A_25 = tpu.matmul %max3A_20, %get3A_23, %dot_general3A_24 {dimension_numbers = #tpu.dot_dimension_numbers<[1], [0], [0], [1], [0, 0, 1, 1], [], []>, transpose_lhs_hint = false} : vector<4096x256xf32>, vector<256x1xf32>, vector<4096x1xf32> -> vector<4096x1xf32>
    %get3A_26 = arith.constant 0 : index
    %get3A_27 = arith.constant 0 : index
    %get3A_28 = vector.load %arg6[%get3A_26, %get3A_27] : memref<1x1xf32, #tpu.memory_space<vmem>>, vector<1x1xf32>
    %add3A_29 = vector.broadcast %get3A_28 : vector<1x1xf32> to vector<4096x1xf32>
    %add3A_30 = arith.addf %dot_general3A_25, %add3A_29 : vector<4096x1xf32>
    %swap3A = arith.constant 0 : index
    %swap3A_31 = arith.constant 0 : index
    %swap3A_32 = vector.load %arg7[%swap3A, %swap3A_31] : memref<4096x1xf32, #tpu.memory_space<vmem>>, vector<4096x1xf32>
    tpu.vector_store %arg7[%swap3A, %swap3A_31], %add3A_30 {strides = array<i32>} : memref<4096x1xf32, #tpu.memory_space<vmem>>, vector<4096x1xf32>,
    return
  }
}

</mosaic_0001>

<sc_bundles>
// kernel: kernel.10.cloned.1.call-start
scs
__scs_entry_jumppad:
0x0: {  	(pc) =	sbr.rel $0x88, $3  }
0x1: {  	(tag) =	ssettag $0x0;
	lr =	simm.s32 $0x1  }
0x2: {  	[smem:$0x3F8F] =	sst lr;
	_ =	strace $0xD0000000  }
0x3: {  	_ = 	snop  }
0x4: {  	_ = 	snop  }
0x5: {  	_ = 	snop  }
0x6: {  	_ = 	snop  }
0x7: {  	_ = 	snop  }
__scs_overlays_trampoline_lowered:
0x8: {  	[smem:$0x3F9E] =	sst s0  }
0x9: {  	[smem:$0x3F9F] =	sst s1  }
0xa: {  	[smem:$0x3FA0] =	sst s2  }
0xb: {  	[smem:$0x3FA1] =	sst s3  }
0xc: {  	[smem:$0x3FA2] =	sst s4  }
0xd: {  	[smem:$0x3FA3] =	sst s5  }
0xe: {  	[smem:$0x3FA4] =	sst s6  }
0xf: {  	[smem:$0x3FA5] =	sst s7  }
0x10: {  	[smem:$0x3FA6] =	sst s8  }
0x11: {  	[smem:$0x3FA7] =	sst s9;
	s0 =	simm.s32 @!p0 $0x0  }
0x12: {  	s1 =	sld [smem:$0x3F8D];
	s0 =	simm.s32 @p0 $0x1  }
0x13: {  	[smem:$0x3FA8] =	sst s0;
	s0 =	simm.s32 @!p1 $0x0  }
0x14: {  	s2 =	sld [smem:$0x3F8C];
	s0 =	simm.s32 @p1 $0x1  }
0x15: {  	[smem:$0x3FA9] =	sst s0;
	s0 =	simm.s32 @!p2 $0x0  }
0x16: {  	s3 =	sld [smem:$0x3FDB];
	s0 =	simm.s32 @p2 $0x1  }
0x17: {  	s4 =	simm.s32 $0x1BF5;
	[smem:$0x3FAB] =	sst s0  }
0x18: {  	s0 =	sld [smem:$0x3F8E];
	_ =	swait.ge [sflag:s4], $0x0  }
0x19: {  	s7 =	sld [smem:$0x3F8F]  }
0x1a: {  	s8 =	sadd.s32 $0xFFFFE003, lr  }
0x1b: {  	s9 =	sadd.s32 $0xFFFFFEF7, lr;
	s5 =	simm.s32 $0xFFFFFFFF;
	p2 =	slt.u32 s8, $0xFFFFF086  }
0x1c: {  	p1 =	slt.u32 s9, $0xF7A;
	s5 =	simm.s32 @!p2 $0x0  }
0x1d: {  	s5 =	simm.s32 @p1 $0x1;
	p0 =	seq.s32 s7, s2  }
0x1e: {  	s7 =	smul.u32 @!p0 $0xF7A, s2;
	p2 =	seq.s32 @!p0 s5, $0x0  }
0x1f: {  	s9 =	smul.u32 $0xF7A, s1;
	s8 =	simm.s32 @!p0 $0x1BF5;
	p2 =	por !p2, p0  }
0x20: {  	[sflag:s8] =	ssyncset.s32 @!p0 $0xFFFFF086;
	s6 =	sadd.s32 @!p0 s3, s7;
	s7 =	simm.s32 @!p0 $0x108  }
0x21: {  	s3 =	sadd.s32 s3, s9;
	s6 =	sadd.s32 @!p0 $0x88, s6;
	s7 =	simm.s32 @p2 $0x1082  }
0x22: {  	[simem:s7], [sflag:s8] =	dma.local @!p0 [hbm:s6], $0xF7A  }
0x23: {  	s9 =	sor.u32 $0xD0000000, s2;
	s6 =	simm.s32 $0x108;
	_ =	swait.ge @!p0 [sflag:s8], $0x0  }
0x24: {  	s3 =	sadd.s32 $0x88, s3;
	s6 =	simm.s32 @!p1 $0x1082;
	[sflag:s4] =	ssyncset.s32 $0xFFFFF086  }
0x25: {  	[simem:s6], [sflag:s4] =	dma.local [hbm:s3], $0xF7A  }
0x26: {  	[smem:$0x3F8F] =	sst s1;
	(tag) =	ssettag s2;
	_ =	strace s9  }
0x27: {  	s1 =	sld [smem:$0x3F9F]  }
0x28: {  	s2 =	sld [smem:$0x3FA0]  }
0x29: {  	s4 =	sld [smem:$0x3FA2]  }
0x2a: {  	p0 =	seq.s32 s5, $0x0;
	s5 =	sld [smem:$0x3FA3]  }
0x2b: {  	s6 =	sld [smem:$0x3FA4]  }
0x2c: {  	s7 =	sld [smem:$0x3FA5]  }
0x2d: {  	s3 =	simm.s32 $0x108;
	s8 =	sld [smem:$0x3FA6]  }
0x2e: {  	s3 =	simm.s32 @!p0 $0x1082;
	s9 =	sld [smem:$0x3FA7]  }
0x2f: {  	lr =	sadd.s32 s0, s3;
	s0 =	sld [smem:$0x3F9E]  }
0x30: {  	s3 =	sld [smem:$0x3FA1]  }
0x31: {  	[smem:$0x3FAA] =	sst s10  }
0x32: {  	s10 =	sld [smem:$0x3FA8];
	_ =	sdelay $0x3  }
0x33: {  	p0 =	seq.s32 s10, $0x1;
	s10 =	sld [smem:$0x3FAA];
	_ =	sdelay $0x3  }
0x34: {  	[smem:$0x3FAA] =	sst s10  }
0x35: {  	s10 =	sld [smem:$0x3FA9];
	_ =	sdelay $0x3  }
0x36: {  	p1 =	seq.s32 s10, $0x1;
	s10 =	sld [smem:$0x3FAA];
	_ =	sdelay $0x3  }
0x37: {  	[smem:$0x3FAA] =	sst s10  }
0x38: {  	s10 =	sld [smem:$0x3FAB]  }
0x39: {  	_ = 	snop;
	(pc) =	sbr.ind lr, $3  }
0x3a: {  	_ = 	snop  }
0x3b: {  	_ = 	snop  }
0x3c: {  	p2 =	seq.s32 s10, $0x1;
	s10 =	sld [smem:$0x3FAA]  }
0x3d: {  	_ =	shalt  }
0x3e: {  	_ =	shalt  }
0x3f: {  	_ =	shalt  }
0x40: {  	_ =	shalt  }
0x41: {  	_ =	shalt  }
0x42: {  	_ =	shalt  }
0x43: {  	_ =	shalt  }
0x44: {  	_ =	shalt  }
0x45: {  	_ =	shalt  }
0x46: {  	_ =	shalt  }
0x47: {  	_ =	shalt  }
0x48: {  	_ =	shalt  }
0x49: {  	_ =	shalt  }
0x4a: {  	_ =	shalt  }
0x4b: {  	_ =	shalt  }
0x4c: {  	_ =	shalt  }
0x4d: {  	_ =	shalt  }
0x4e: {  	_ =	shalt  }
0x4f: {  	_ =	shalt  }
0x50: {  	_ =	shalt  }
0x51: {  	_ =	shalt  }
0x52: {  	_ =	shalt  }
0x53: {  	_ =	shalt  }
0x54: {  	_ =	shalt  }
0x55: {  	_ =	shalt  }
0x56: {  	_ =	shalt  }
0x57: {  	_ =	shalt  }
0x58: {  	_ =	shalt  }
0x59: {  	_ =	shalt  }
0x5a: {  	_ =	shalt  }
0x5b: {  	_ =	shalt  }
0x5c: {  	_ =	shalt  }
0x5d: {  	_ =	shalt  }
0x5e: {  	_ =	shalt  }
0x5f: {  	_ =	shalt  }
0x60: {  	_ =	shalt  }
0x61: {  	_ =	shalt  }
0x62: {  	_ =	shalt  }
0x63: {  	_ =	shalt  }
0x64: {  	_ =	shalt  }
0x65: {  	_ =	shalt  }
0x66: {  	_ =	shalt  }
0x67: {  	_ =	shalt  }
0x68: {  	_ =	shalt  }
0x69: {  	_ =	shalt  }
0x6a: {  	_ =	shalt  }
0x6b: {  	_ =	shalt  }
0x6c: {  	_ =	shalt  }
0x6d: {  	_ =	shalt  }
0x6e: {  	_ =	shalt  }
0x6f: {  	_ =	shalt  }
0x70: {  	_ =	shalt  }
0x71: {  	_ =	shalt  }
0x72: {  	_ =	shalt  }
0x73: {  	_ =	shalt  }
0x74: {  	_ =	shalt  }
0x75: {  	_ =	shalt  }
0x76: {  	_ =	shalt  }
0x77: {  	_ =	shalt  }
0x78: {  	_ =	shalt  }
0x79: {  	_ =	shalt  }
0x7a: {  	_ =	shalt  }
0x7b: {  	_ =	shalt  }
0x7c: {  	_ =	shalt  }
0x7d: {  	_ =	shalt  }
0x7e: {  	_ =	shalt  }
0x7f: {  	_ =	shalt  }
0x80: {  	_ =	shalt  }
0x81: {  	_ =	shalt  }
0x82: {  	_ =	shalt  }
0x83: {  	_ =	shalt  }
0x84: {  	_ =	shalt  }
0x85: {  	_ =	shalt  }
0x86: {  	_ =	shalt  }
0x87: {  	_ =	shalt  }
.Lfunc_end0:
.L_simem_size_0:
called_computation_lowered:
.L_overlay_start_0:
0x88: {  	s2 =	sld [smem:$0x3FD9]  }
0x89: {  	s3 =	sld [smem:$0x3FFE];
	_ =	sdelay $0x1  }
0x8a: {  	s1 =	srdreg.scid  }
0x8b: {  	s0 =	sand.u32 $0x1, s1  }
0x8c: {  	s17 =	sshll.u32 s0, $0xA;
	s2 =	sadd.s32 s3, s2  }
0x8d: {  	s2 =	sadd.s32 s2, s17  }
0x8e: {  	[smem:$0x3FB6] =	sst s2  }
0x8f: {  	_ = 	snop  }
0x90: {  	s2 =	sld [smem:$0x3FD0];
	(tm) =	ssettm $0x1  }
0x91: {  	s18 =	sld [smem:$0x3FFB];
	_ =	sdelay $0x3  }
0x92: {  	_ =	strace s18  }
0x93: {  	s3 =	sld [smem:$0x3FFC];
	_ =	sdelay $0x3  }
0x94: {  	_ =	strace s3  }
0x95: {  	s3 =	sld [smem:$0x3FFD];
	_ =	sdelay $0x3  }
0x96: {  	_ =	strace s3  }
0x97: {  	_ =	strace $0x8FFFFFFF  }
0x98: {  	s19 =	sld [smem:$0x3FDB];
	_ =	sdelay $0x1  }
0x99: {  	s4 =	simm.s32 $_scs_section_size  }
0x9a: {  	s5 =	simm.s32 $_size__tile_overlayer_lowered;
	s6 =	simm.s32 $_tile_overlayer_lowered  }
0x9b: {  	s22 =	simm.s32 $0x1BFF;
	s21 =	sshll.u32 s6, $0x1;
	s3 =	sadd.s32 s4, s19  }
0x9c: {  	s7 =	simm.s32 $0x0;
	s20 =	sshll.u32 s5, $0x1;
	s5 =	sadd.s32 s21, s3  }
0x9d: {  	[timem:s7], [sflag:s22] =	dma.local [hbm:s5], s20  }
0x9e: {  	_ =	swait.ge [sflag:s22], s20  }
0x9f: {  	s4 =	ssub.s32 $0x0, s20;
	[sflag:s22] =	ssyncset.done $0x0  }
0xa0: {  	[sflag:s22] =	ssyncadd.s32 s4;
	_ =	sdelay $0x1  }
0xa1: {  	s23 =	simm.s32 $0x1B8B  }
0xa2: {  	_ =	swait.ge [sflag:s23], $0x1  }
0xa3: {  	[sflag:s23] =	ssyncset.done $0x0  }
0xa4: {  	s25 =	simm.s32 $0x1B8E;
	s24 =	sld [smem:$0x3FFE];
	[sflag:s23] =	ssyncadd.s32 $0xFFFFFFFF  }
0xa5: {  	s26 =	simm.s32 $execute0_lowered;
	[smem:$0x3FD2] =	sst s25  }
0xa6: {  	s5 =	sshll.u32 s26, $0x1;
	_ =	strace $0x80000046;
	[dreg:$0x1] =	wrdreg $0xFFFFFFFF  }
0xa7: {  	s28 =	simm.s32 $_size_execute0_lowered;
	s3 =	sadd.s32 s3, s5;
	[dreg:$0x0] =	wrdreg $0x0  }
0xa8: {  	s5 =	sshll.u32 s28, $0x1;
	[dreg:$0x2] =	wrdreg s3  }
0xa9: {  	[dreg:$0x3] =	wrdreg s5  }
0xaa: {  	[dreg:$0x4] =	wrdreg $0xC0  }
0xab: {  	_ =	task [dreg:s7], $0x5FFFF  }
0xac: {  	[dreg:$0x1] =	wrdreg $0xFFFFFFFF  }
0xad: {  	[dreg:$0x0] =	wrdreg $0x60  }
0xae: {  	[dreg:$0x2] =	wrdreg s24  }
0xaf: {  	[dreg:$0x3] =	wrdreg s2  }
0xb0: {  	[dreg:$0x4] =	wrdreg $0xA800  }
0xb1: {  	[dreg:$0x5] =	wrdreg $0x9  }
0xb2: {  	_ =	task.clear_ibuf [dreg:s7], $0x6FFFF;
	_ =	strace $0x90000046  }
0xb3: {  	s29 =	simm.s32 $0x9;
	_ =	strace $0x80000048  }
0xb4: {  	_ =	swait.ge [sflag:s29], $0x1  }
0xb5: {  	[sflag:s29] =	ssyncadd.s32 $0xFFFFFFFF  }
0xb6: {  	_ =	strace $0x90000048  }
0xb7: {  	_ =	sfence  }
0xb8: {  	s30 =	sld [smem:$0x0];
	_ =	sdelay $0x2  }
0xb9: {  	s31 =	sshll.u32 s1, $0xD;
	s1 =	sshrl.u32 s1, $0x2  }
0xba: {  	s3 =	sand.u32 $0x4000, s31;
	s1 =	sadd.s32 s1, s30  }
0xbb: {  	s0 =	sor.u32 s3, s0;
	s1 =	sshll.u32 s1, $0x11  }
0xbc: {  	s0 =	sor.u32 s1, s0  }
0xbd: {  	s0 =	sadd.s32 $0x8F2B, s0  }
0xbe: {  	[sflag:s0] =	ssyncadd.remote.s32 $0x1  }
0xbf: {  	_ =	sfence.sel $0xFFFF  }
0xc0: {  	[dreg:$0x0] =	wrdreg $0xFFFFFFFF;
	(pc) =	sbr.abs _section_cstart, $3  }
0xc1: {  	[dreg:$0x1] =	wrdreg $0xFFFFFFFF  }
0xc2: {  	_ =	task.clear_ibuf [dreg:s7], $0x2FFFF;
	_ =	strace $0x9FFFFFFF  }
0xc3: {  	(tm) =	ssettm $0x7FFFFFFF  }
tec
execute0_lowered:
.L_overlay_start_1:
0x0: {  	(tag) =	ssettag $0x1  }
0x1: {  	s0 =	rddreg [dreg:$0x0]  }
0x2: {  	s2 =	srdreg.scid;
	s1 =	simm.s32 $0x0;
	s19 =	rddreg [dreg:$0x1]  }
0x3: {  	s28 =	stileid.u32;
	s2 =	sand.u32 $0x1, s2;
	[smem:$0x7FF] =	sst s1  }
0x4: {  	s4 =	smul.u32 $0x2710, s28;
	s5 =	sadd.s32 $0x13C00, s0;
	s6 =	sadd.s32 $0x4C00, s0  }
0x5: {  	p1 =	sne.s32 s28, $0xF;
	p2 =	seq.s32 s28, $0xF;
	s3 =	ssub.s32 $0x2, s2  }
0x6: {  	p0 =	seq.s32 s2, $0x0;
	s2 =	simm.s32 $0x800;
	s7 =	sshrl.u32 s3, $0x1  }
0x7: {  	s12 =	sshrl.u32 s4, $0x3;
	s21 =	sadd.s32 $0x3E8, s4;
	s23 =	sadd.s32 $0xBB8, s4  }
0x8: {  	s24 =	sadd.s32 $0x1388, s4;
	s9 =	sadd.s32 $0x1B58, s4;
	s4 =	sadd.s32 $0x2328, s4  }
0x9: {  	s3 =	ssub.s32 s3, s7;
	s8 =	sadd.s32 s6, s12;
	s13 =	sshrl.u32 s21, $0x3  }
0xa: {  	s14 =	sadd.s32 $0xFA, s12;
	s15 =	sshrl.u32 s23, $0x3;
	s16 =	sadd.s32 $0x1F4, s12  }
0xb: {  	s17 =	sshrl.u32 s24, $0x3;
	s20 =	sadd.s32 $0x2EE, s12;
	s21 =	sshrl.u32 s9, $0x3  }
0xc: {  	s23 =	sadd.s32 $0x3E8, s12;
	s4 =	sshrl.u32 s4, $0x3;
	s12 =	sadd.s32 s5, s12  }
0xd: {  	[dreg:$0x4] =	wrdreg s8;
	s7 =	sadd.s32 s6, s13;
	s22 =	sadd.s32 s6, s14  }
0xe: {  	s25 =	sadd.s32 s6, s15;
	s26 =	sadd.s32 s6, s16;
	s8 =	sadd.s32 s6, s20  }
0xf: {  	s9 =	sadd.s32 s6, s21;
	s10 =	sadd.s32 s6, s23;
	s11 =	sadd.s32 s6, s4  }
0x10: {  	s13 =	sadd.s32 s5, s13;
	s14 =	sadd.s32 s5, s14;
	s15 =	sadd.s32 s5, s15  }
0x11: {  	s16 =	sadd.s32 s5, s16;
	s18 =	sadd.s32 s5, s17;
	[dreg:$0x5] =	wrdreg s7  }
0x12: {  	s20 =	sadd.s32 s5, s20;
	s21 =	sadd.s32 s5, s21;
	[dreg:$0x6] =	wrdreg s22  }
0x13: {  	s23 =	sadd.s32 s5, s23;
	s24 =	sadd.s32 s5, s4;
	[dreg:$0x7] =	wrdreg s25  }
0x14: {  	[dreg:$0x8] =	wrdreg s26;
	s7 =	sadd.s32 s6, s17;
	s17 =	smul.u32 $0x270, s28  }
.Ltmp0:
0x15: {  	s4 =	simm.s32 $0x400;
	s22 =	rddreg [dreg:$0x2];
	(pc) =	sbr.rel .LBB2_1-.Ltmp0, $4  }
0x16: {  	s25 =	sadd.s32 $0x18C00, s0;
	s26 =	sadd.s32 $0x19400, s0;
	s6 =	sadd.s32 $0x18E00, s0  }
0x17: {  	_ =	strace $0x80000047;
	s0 =	sadd.s32 $0x2700, s22;
	s5 =	sshrl.u32 s17, $0x3  }
0x18: {  	s29 =	sadd.s32 s17, s22;
	s17 =	smax.u32 s3, $0x1;
	s3 =	simm.s32 $0x1  }
0x19: {  	s30 =	sadd.s32 s26, s5;
	s31 =	sadd.s32 s6, s5;
	s5 =	simm.s32 $0x3E8  }
.LBB2_4:
0x1a: {  	[tilespmem:s2], [sflag:$0x1] =	stream.linear.gather [spmem:s0], $0x10, $0x38;
	[tilespmem:$0xCF8] =	vst v63  }
0x1b: {  	_ =	swait.ge [sflag:s3], $0x10  }
0x1c: {  	[sflag:s3] =	ssyncset.done $0x0  }
0x1d: {  	s28 =	sadd.s32 $0x4E0, s28;
	[sflag:s3] =	ssyncadd.s32 $0xFFFFFFF0  }
0x1e: {  	[hbm4b:s28+s1] =	stream.linear.scatter [tilespmem:s2], [sflag:$0x1], $0x10, $0x38;
	[tilespmem:$0xCF8] =	vst v63  }
0x1f: {  	_ =	swait.ge [sflag:s3], $0x10  }
0x20: {  	[sflag:s3] =	ssyncset.done $0x0  }
0x21: {  	[sflag:s3] =	ssyncadd.s32 $0xFFFFFFF0  }
.LBB2_5:
0x22: {  	s17 =	sadd.s32 $0xFFFFFFFF, s17  }
0x23: {  	p3 =	sne.s32 s17, $0x0  }
.Ltmp1:
0x24: {  	_ = 	snop;
	(pc) =	sbr.rel @!p3 .LBB2_6-.Ltmp1, $1  }
0x25: {  	_ =	sdelay $0x3  }
.LBB2_1:
0x26: {  	[tilespmem:s2], [sflag:$0x1] =	stream.linear.gather [hbm4b:s19+s1], $0x280, $0x38;
	[tilespmem:$0xCF8] =	vst v63  }
0x27: {  	_ =	swait.ge [sflag:s3], $0x280  }
0x28: {  	[sflag:s3] =	ssyncset.done $0x0  }
0x29: {  	[sflag:s3] =	ssyncadd.s32 $0xFFFFFD80  }
0x2a: {  	[spmem:s29] =	stream.linear.scatter [tilespmem:s2], [sflag:$0x1], $0x270, $0x38;
	[tilespmem:$0xCF8] =	vst v63  }
0x2b: {  	_ =	swait.ge [sflag:s3], $0x270  }
0x2c: {  	[sflag:s3] =	ssyncset.done $0x0  }
0x2d: {  	s28 =	simm.s32 @!p1 $0x800;
	[sflag:s3] =	ssyncadd.s32 $0xFFFFFD90  }
0x2e: {  	[spmem:s0] =	stream.linear.scatter @!p1 [tilespmem:s28], [sflag:$0x1], $0x10, $0x38;
	[tilespmem:$0xCF8] =	vst v63  }
0x2f: {  	s28 =	simm.s32 @!p1 $0x1  }
0x30: {  	_ =	swait.ge @!p1 [sflag:s28], $0x10  }
0x31: {  	[sflag:s28] =	ssyncset.done @!p1 $0x0  }
0x32: {  	[sflag:s28] =	ssyncadd.s32 @!p1 $0xFFFFFFF0  }
0x33: {  	[tilespmem:s4], [sflag:$0x1] =	stream.linear.gather [hbm4b:s25+s1], $0x400, $0x38;
	[tilespmem:$0xCF8] =	vst v63  }
.Ltmp2:
0x34: {  	_ =	swait.ge [sflag:s3], $0x400;
	(pc) =	sbr.rel @!p0 .LBB2_2-.Ltmp2, $3  }
0x35: {  	[sflag:s3] =	ssyncset.done $0x0  }
0x36: {  	[sflag:s3] =	ssyncadd.s32 $0xFFFFFC00  }
0x37: {  	[bflag:$0x0] =	sbarrier.arrive $0xFFFF;
	_ =	sdelay $0x1  }
0x38: {  	[tilespmem:s1], [sflag:$0x1] =	stream.linear.gather [hbm4b:s12+s1], $0x3E8, $0x38;
	[tilespmem:$0xCF8] =	vst v63  }
0x39: {  	_ =	swait.ge [sflag:s3], $0x3E8  }
0x3a: {  	[sflag:s3] =	ssyncset.done $0x0  }
0x3b: {  	[sflag:s3] =	ssyncadd.s32 $0xFFFFFC18  }
0x3c: {  	[spmem:s22] =	stream.indirect.scatter.add.f32 [tilespmem:s4], [sflag:$0x1], $0x1, s1, s5, $0xb8;
	[tilespmem:$0xCF8] =	vst v63  }
0x3d: {  	_ =	swait.ge [sflag:s3], $0x3E8  }
0x3e: {  	[sflag:s3] =	ssyncset.done $0x0  }
0x3f: {  	[sflag:s3] =	ssyncadd.s32 $0xFFFFFC18  }
0x40: {  	[tilespmem:s1], [sflag:$0x1] =	stream.linear.gather [hbm4b:s13+s1], $0x3E8, $0x38;
	[tilespmem:$0xCF8] =	vst v63  }
0x41: {  	_ =	swait.ge [sflag:s3], $0x3E8  }
0x42: {  	[sflag:s3] =	ssyncset.done $0x0  }
0x43: {  	[sflag:s3] =	ssyncadd.s32 $0xFFFFFC18  }
0x44: {  	[spmem:s22] =	stream.indirect.scatter.add.f32 [tilespmem:s4], [sflag:$0x1], $0x1, s1, s5, $0xb8;
	[tilespmem:$0xCF8] =	vst v63  }
0x45: {  	_ =	swait.ge [sflag:s3], $0x3E8  }
0x46: {  	[sflag:s3] =	ssyncset.done $0x0  }
0x47: {  	[sflag:s3] =	ssyncadd.s32 $0xFFFFFC18  }
0x48: {  	[tilespmem:s1], [sflag:$0x1] =	stream.linear.gather [hbm4b:s14+s1], $0x3E8, $0x38;
	[tilespmem:$0xCF8] =	vst v63  }
0x49: {  	_ =	swait.ge [sflag:s3], $0x3E8  }
0x4a: {  	[sflag:s3] =	ssyncset.done $0x0  }
0x4b: {  	[sflag:s3] =	ssyncadd.s32 $0xFFFFFC18  }
0x4c: {  	[spmem:s22] =	stream.indirect.scatter.add.f32 [tilespmem:s4], [sflag:$0x1], $0x1, s1, s5, $0xb8;
	[tilespmem:$0xCF8] =	vst v63  }
0x4d: {  	_ =	swait.ge [sflag:s3], $0x3E8  }
0x4e: {  	[sflag:s3] =	ssyncset.done $0x0  }
0x4f: {  	[sflag:s3] =	ssyncadd.s32 $0xFFFFFC18  }
0x50: {  	[tilespmem:s1], [sflag:$0x1] =	stream.linear.gather [hbm4b:s15+s1], $0x3E8, $0x38;
	[tilespmem:$0xCF8] =	vst v63  }
0x51: {  	_ =	swait.ge [sflag:s3], $0x3E8  }
0x52: {  	[sflag:s3] =	ssyncset.done $0x0  }
0x53: {  	[sflag:s3] =	ssyncadd.s32 $0xFFFFFC18  }
0x54: {  	[spmem:s22] =	stream.indirect.scatter.add.f32 [tilespmem:s4], [sflag:$0x1], $0x1, s1, s5, $0xb8;
	[tilespmem:$0xCF8] =	vst v63  }
0x55: {  	_ =	swait.ge [sflag:s3], $0x3E8  }
0x56: {  	[sflag:s3] =	ssyncset.done $0x0  }
0x57: {  	[sflag:s3] =	ssyncadd.s32 $0xFFFFFC18  }
0x58: {  	[tilespmem:s1], [sflag:$0x1] =	stream.linear.gather [hbm4b:s16+s1], $0x3E8, $0x38;
	[tilespmem:$0xCF8] =	vst v63  }
0x59: {  	_ =	swait.ge [sflag:s3], $0x3E8  }
0x5a: {  	[sflag:s3] =	ssyncset.done $0x0  }
0x5b: {  	[sflag:s3] =	ssyncadd.s32 $0xFFFFFC18  }
0x5c: {  	[spmem:s22] =	stream.indirect.scatter.add.f32 [tilespmem:s4], [sflag:$0x1], $0x1, s1, s5, $0xb8;
	[tilespmem:$0xCF8] =	vst v63  }
0x5d: {  	_ =	swait.ge [sflag:s3], $0x3E8  }
0x5e: {  	[sflag:s3] =	ssyncset.done $0x0  }
0x5f: {  	[sflag:s3] =	ssyncadd.s32 $0xFFFFFC18  }
0x60: {  	[tilespmem:s1], [sflag:$0x1] =	stream.linear.gather [hbm4b:s18+s1], $0x3E8, $0x38;
	[tilespmem:$0xCF8] =	vst v63  }
0x61: {  	_ =	swait.ge [sflag:s3], $0x3E8  }
0x62: {  	[sflag:s3] =	ssyncset.done $0x0  }
0x63: {  	[sflag:s3] =	ssyncadd.s32 $0xFFFFFC18  }
0x64: {  	[spmem:s22] =	stream.indirect.scatter.add.f32 [tilespmem:s4], [sflag:$0x1], $0x1, s1, s5, $0xb8;
	[tilespmem:$0xCF8] =	vst v63  }
0x65: {  	_ =	swait.ge [sflag:s3], $0x3E8  }
0x66: {  	[sflag:s3] =	ssyncset.done $0x0  }
0x67: {  	[sflag:s3] =	ssyncadd.s32 $0xFFFFFC18  }
0x68: {  	[tilespmem:s1], [sflag:$0x1] =	stream.linear.gather [hbm4b:s20+s1], $0x3E8, $0x38;
	[tilespmem:$0xCF8] =	vst v63  }
0x69: {  	_ =	swait.ge [sflag:s3], $0x3E8  }
0x6a: {  	[sflag:s3] =	ssyncset.done $0x0  }
0x6b: {  	[sflag:s3] =	ssyncadd.s32 $0xFFFFFC18  }
0x6c: {  	[spmem:s22] =	stream.indirect.scatter.add.f32 [tilespmem:s4], [sflag:$0x1], $0x1, s1, s5, $0xb8;
	[tilespmem:$0xCF8] =	vst v63  }
0x6d: {  	_ =	swait.ge [sflag:s3], $0x3E8  }
0x6e: {  	[sflag:s3] =	ssyncset.done $0x0  }
0x6f: {  	[sflag:s3] =	ssyncadd.s32 $0xFFFFFC18  }
0x70: {  	[tilespmem:s1], [sflag:$0x1] =	stream.linear.gather [hbm4b:s21+s1], $0x3E8, $0x38;
	[tilespmem:$0xCF8] =	vst v63  }
0x71: {  	_ =	swait.ge [sflag:s3], $0x3E8  }
0x72: {  	[sflag:s3] =	ssyncset.done $0x0  }
0x73: {  	[sflag:s3] =	ssyncadd.s32 $0xFFFFFC18  }
0x74: {  	[spmem:s22] =	stream.indirect.scatter.add.f32 [tilespmem:s4], [sflag:$0x1], $0x1, s1, s5, $0xb8;
	[tilespmem:$0xCF8] =	vst v63  }
0x75: {  	_ =	swait.ge [sflag:s3], $0x3E8  }
0x76: {  	[sflag:s3] =	ssyncset.done $0x0  }
0x77: {  	[sflag:s3] =	ssyncadd.s32 $0xFFFFFC18  }
0x78: {  	[tilespmem:s1], [sflag:$0x1] =	stream.linear.gather [hbm4b:s23+s1], $0x3E8, $0x38;
	[tilespmem:$0xCF8] =	vst v63  }
0x79: {  	_ =	swait.ge [sflag:s3], $0x3E8  }
0x7a: {  	[sflag:s3] =	ssyncset.done $0x0  }
0x7b: {  	[sflag:s3] =	ssyncadd.s32 $0xFFFFFC18  }
0x7c: {  	[spmem:s22] =	stream.indirect.scatter.add.f32 [tilespmem:s4], [sflag:$0x1], $0x1, s1, s5, $0xb8;
	[tilespmem:$0xCF8] =	vst v63  }
0x7d: {  	_ =	swait.ge [sflag:s3], $0x3E8  }
0x7e: {  	[sflag:s3] =	ssyncset.done $0x0  }
0x7f: {  	[sflag:s3] =	ssyncadd.s32 $0xFFFFFC18  }
0x80: {  	[tilespmem:s1], [sflag:$0x1] =	stream.linear.gather [hbm4b:s24+s1], $0x3E8, $0x38;
	[tilespmem:$0xCF8] =	vst v63  }
0x81: {  	_ =	swait.ge [sflag:s3], $0x3E8  }
0x82: {  	[sflag:s3] =	ssyncset.done $0x0  }
0x83: {  	[sflag:s3] =	ssyncadd.s32 $0xFFFFFC18  }
0x84: {  	[spmem:s22] =	stream.indirect.scatter.add.f32 [tilespmem:s4], [sflag:$0x1], $0x1, s1, s5, $0xb8;
	[tilespmem:$0xCF8] =	vst v63  }
0x85: {  	_ =	swait.ge [sflag:s3], $0x3E8  }
0x86: {  	[sflag:s3] =	ssyncset.done $0x0  }
0x87: {  	[sflag:s3] =	ssyncadd.s32 $0xFFFFFC18  }
0x88: {  	[bflag:$0x0] =	sbarrier.arrive $0xFFFF  }
0x89: {  	[tilespmem:s2], [sflag:$0x1] =	stream.linear.gather [spmem:s29], $0x270, $0x38;
	[tilespmem:$0xCF8] =	vst v63  }
0x8a: {  	_ =	swait.ge [sflag:s3], $0x270  }
0x8b: {  	[sflag:s3] =	ssyncset.done $0x0  }
0x8c: {  	[sflag:s3] =	ssyncadd.s32 $0xFFFFFD90  }
0x8d: {  	[hbm4b:s31+s1] =	stream.linear.scatter [tilespmem:s2], [sflag:$0x1], $0x270, $0x38;
	[tilespmem:$0xCF8] =	vst v63  }
.Ltmp3:
0x8e: {  	_ = 	snop;
	(pc) =	sbr.rel @p1 .LBB2_5-.Ltmp3, $4  }
.Ltmp4:
0x8f: {  	_ = 	snop;
	(pc) =	sbr.rel @!p1 .LBB2_4-.Ltmp4, $4  }
0x90: {  	_ =	swait.ge [sflag:s3], $0x270  }
0x91: {  	[sflag:s3] =	ssyncset.done $0x0  }
0x92: {  	s28 =	smov.u32 s6;
	[sflag:s3] =	ssyncadd.s32 $0xFFFFFD90  }
0x93: {  	_ = 	snop  }
.LBB2_2:
0x94: {  	s28 =	rddreg [dreg:$0x4]  }
0x95: {  	[tilespmem:s1], [sflag:$0x1] =	stream.linear.gather [hbm4b:s28+s1], $0x3E8, $0x38;
	[tilespmem:$0xCF8] =	vst v63  }
0x96: {  	_ =	swait.ge [sflag:s3], $0x3E8  }
0x97: {  	[sflag:s3] =	ssyncset.done $0x0  }
0x98: {  	[sflag:s3] =	ssyncadd.s32 $0xFFFFFC18  }
0x99: {  	[spmem:s22] =	stream.indirect.scatter.add.f32 [tilespmem:s4], [sflag:$0x1], $0x1, s1, s5, $0xb8;
	[tilespmem:$0xCF8] =	vst v63  }
0x9a: {  	_ =	swait.ge [sflag:s3], $0x3E8  }
0x9b: {  	[sflag:s3] =	ssyncset.done $0x0  }
0x9c: {  	s28 =	rddreg [dreg:$0x5];
	[sflag:s3] =	ssyncadd.s32 $0xFFFFFC18  }
0x9d: {  	[tilespmem:s1], [sflag:$0x1] =	stream.linear.gather [hbm4b:s28+s1], $0x3E8, $0x38;
	[tilespmem:$0xCF8] =	vst v63  }
0x9e: {  	_ =	swait.ge [sflag:s3], $0x3E8  }
0x9f: {  	[sflag:s3] =	ssyncset.done $0x0  }
0xa0: {  	[sflag:s3] =	ssyncadd.s32 $0xFFFFFC18  }
0xa1: {  	[spmem:s22] =	stream.indirect.scatter.add.f32 [tilespmem:s4], [sflag:$0x1], $0x1, s1, s5, $0xb8;
	[tilespmem:$0xCF8] =	vst v63  }
0xa2: {  	_ =	swait.ge [sflag:s3], $0x3E8  }
0xa3: {  	[sflag:s3] =	ssyncset.done $0x0  }
0xa4: {  	s28 =	rddreg [dreg:$0x6];
	[sflag:s3] =	ssyncadd.s32 $0xFFFFFC18  }
0xa5: {  	[tilespmem:s1], [sflag:$0x1] =	stream.linear.gather [hbm4b:s28+s1], $0x3E8, $0x38;
	[tilespmem:$0xCF8] =	vst v63  }
0xa6: {  	_ =	swait.ge [sflag:s3], $0x3E8  }
0xa7: {  	[sflag:s3] =	ssyncset.done $0x0  }
0xa8: {  	[sflag:s3] =	ssyncadd.s32 $0xFFFFFC18  }
0xa9: {  	[spmem:s22] =	stream.indirect.scatter.add.f32 [tilespmem:s4], [sflag:$0x1], $0x1, s1, s5, $0xb8;
	[tilespmem:$0xCF8] =	vst v63  }
0xaa: {  	_ =	swait.ge [sflag:s3], $0x3E8  }
0xab: {  	[sflag:s3] =	ssyncset.done $0x0  }
0xac: {  	s28 =	rddreg [dreg:$0x7];
	[sflag:s3] =	ssyncadd.s32 $0xFFFFFC18  }
0xad: {  	[tilespmem:s1], [sflag:$0x1] =	stream.linear.gather [hbm4b:s28+s1], $0x3E8, $0x38;
	[tilespmem:$0xCF8] =	vst v63  }
0xae: {  	_ =	swait.ge [sflag:s3], $0x3E8  }
0xaf: {  	[sflag:s3] =	ssyncset.done $0x0  }
0xb0: {  	[sflag:s3] =	ssyncadd.s32 $0xFFFFFC18  }
0xb1: {  	[spmem:s22] =	stream.indirect.scatter.add.f32 [tilespmem:s4], [sflag:$0x1], $0x1, s1, s5, $0xb8;
	[tilespmem:$0xCF8] =	vst v63  }
0xb2: {  	_ =	swait.ge [sflag:s3], $0x3E8  }
0xb3: {  	[sflag:s3] =	ssyncset.done $0x0  }
0xb4: {  	s28 =	rddreg [dreg:$0x8];
	[sflag:s3] =	ssyncadd.s32 $0xFFFFFC18  }
0xb5: {  	[tilespmem:s1], [sflag:$0x1] =	stream.linear.gather [hbm4b:s28+s1], $0x3E8, $0x38;
	[tilespmem:$0xCF8] =	vst v63  }
0xb6: {  	_ =	swait.ge [sflag:s3], $0x3E8  }
0xb7: {  	[sflag:s3] =	ssyncset.done $0x0  }
0xb8: {  	[sflag:s3] =	ssyncadd.s32 $0xFFFFFC18  }
0xb9: {  	[spmem:s22] =	stream.indirect.scatter.add.f32 [tilespmem:s4], [sflag:$0x1], $0x1, s1, s5, $0xb8;
	[tilespmem:$0xCF8] =	vst v63  }
0xba: {  	_ =	swait.ge [sflag:s3], $0x3E8  }
0xbb: {  	[sflag:s3] =	ssyncset.done $0x0  }
0xbc: {  	[sflag:s3] =	ssyncadd.s32 $0xFFFFFC18  }
0xbd: {  	[tilespmem:s1], [sflag:$0x1] =	stream.linear.gather [hbm4b:s7+s1], $0x3E8, $0x38;
	[tilespmem:$0xCF8] =	vst v63  }
0xbe: {  	_ =	swait.ge [sflag:s3], $0x3E8  }
0xbf: {  	[sflag:s3] =	ssyncset.done $0x0  }
0xc0: {  	[sflag:s3] =	ssyncadd.s32 $0xFFFFFC18  }
0xc1: {  	[spmem:s22] =	stream.indirect.scatter.add.f32 [tilespmem:s4], [sflag:$0x1], $0x1, s1, s5, $0xb8;
	[tilespmem:$0xCF8] =	vst v63  }
0xc2: {  	_ =	swait.ge [sflag:s3], $0x3E8  }
0xc3: {  	[sflag:s3] =	ssyncset.done $0x0  }
0xc4: {  	[sflag:s3] =	ssyncadd.s32 $0xFFFFFC18  }
0xc5: {  	[tilespmem:s1], [sflag:$0x1] =	stream.linear.gather [hbm4b:s8+s1], $0x3E8, $0x38;
	[tilespmem:$0xCF8] =	vst v63  }
0xc6: {  	_ =	swait.ge [sflag:s3], $0x3E8  }
0xc7: {  	[sflag:s3] =	ssyncset.done $0x0  }
0xc8: {  	[sflag:s3] =	ssyncadd.s32 $0xFFFFFC18  }
0xc9: {  	[spmem:s22] =	stream.indirect.scatter.add.f32 [tilespmem:s4], [sflag:$0x1], $0x1, s1, s5, $0xb8;
	[tilespmem:$0xCF8] =	vst v63  }
0xca: {  	_ =	swait.ge [sflag:s3], $0x3E8  }
0xcb: {  	[sflag:s3] =	ssyncset.done $0x0  }
0xcc: {  	[sflag:s3] =	ssyncadd.s32 $0xFFFFFC18  }
0xcd: {  	[tilespmem:s1], [sflag:$0x1] =	stream.linear.gather [hbm4b:s9+s1], $0x3E8, $0x38;
	[tilespmem:$0xCF8] =	vst v63  }
0xce: {  	_ =	swait.ge [sflag:s3], $0x3E8  }
0xcf: {  	[sflag:s3] =	ssyncset.done $0x0  }
0xd0: {  	[sflag:s3] =	ssyncadd.s32 $0xFFFFFC18  }
0xd1: {  	[spmem:s22] =	stream.indirect.scatter.add.f32 [tilespmem:s4], [sflag:$0x1], $0x1, s1, s5, $0xb8;
	[tilespmem:$0xCF8] =	vst v63  }
0xd2: {  	_ =	swait.ge [sflag:s3], $0x3E8  }
0xd3: {  	[sflag:s3] =	ssyncset.done $0x0  }
0xd4: {  	[sflag:s3] =	ssyncadd.s32 $0xFFFFFC18  }
0xd5: {  	[tilespmem:s1], [sflag:$0x1] =	stream.linear.gather [hbm4b:s10+s1], $0x3E8, $0x38;
	[tilespmem:$0xCF8] =	vst v63  }
0xd6: {  	_ =	swait.ge [sflag:s3], $0x3E8  }
0xd7: {  	[sflag:s3] =	ssyncset.done $0x0  }
0xd8: {  	[sflag:s3] =	ssyncadd.s32 $0xFFFFFC18  }
0xd9: {  	[spmem:s22] =	stream.indirect.scatter.add.f32 [tilespmem:s4], [sflag:$0x1], $0x1, s1, s5, $0xb8;
	[tilespmem:$0xCF8] =	vst v63  }
0xda: {  	_ =	swait.ge [sflag:s3], $0x3E8  }
0xdb: {  	[sflag:s3] =	ssyncset.done $0x0  }
0xdc: {  	[sflag:s3] =	ssyncadd.s32 $0xFFFFFC18  }
0xdd: {  	[tilespmem:s1], [sflag:$0x1] =	stream.linear.gather [hbm4b:s11+s1], $0x3E8, $0x38;
	[tilespmem:$0xCF8] =	vst v63  }
0xde: {  	_ =	swait.ge [sflag:s3], $0x3E8  }
0xdf: {  	[sflag:s3] =	ssyncset.done $0x0  }
0xe0: {  	[sflag:s3] =	ssyncadd.s32 $0xFFFFFC18  }
0xe1: {  	[spmem:s22] =	stream.indirect.scatter.add.f32 [tilespmem:s4], [sflag:$0x1], $0x1, s1, s5, $0xb8;
	[tilespmem:$0xCF8] =	vst v63  }
0xe2: {  	_ =	swait.ge [sflag:s3], $0x3E8  }
0xe3: {  	[sflag:s3] =	ssyncset.done $0x0  }
0xe4: {  	[sflag:s3] =	ssyncadd.s32 $0xFFFFFC18  }
0xe5: {  	[bflag:$0x0] =	sbarrier.arrive $0xFFFF  }
0xe6: {  	[tilespmem:s2], [sflag:$0x1] =	stream.linear.gather [spmem:s29], $0x270, $0x38;
	[tilespmem:$0xCF8] =	vst v63  }
0xe7: {  	_ =	swait.ge [sflag:s3], $0x270  }
0xe8: {  	[sflag:s3] =	ssyncset.done $0x0  }
0xe9: {  	[sflag:s3] =	ssyncadd.s32 $0xFFFFFD90  }
0xea: {  	[hbm4b:s30+s1] =	stream.linear.scatter [tilespmem:s2], [sflag:$0x1], $0x270, $0x38;
	[tilespmem:$0xCF8] =	vst v63  }
.Ltmp5:
0xeb: {  	_ = 	snop;
	(pc) =	sbr.rel @p2 .LBB2_4-.Ltmp5, $4  }
.Ltmp6:
0xec: {  	_ = 	snop;
	(pc) =	sbr.rel @!p2 .LBB2_5-.Ltmp6, $4  }
0xed: {  	_ =	swait.ge [sflag:s3], $0x270  }
0xee: {  	[sflag:s3] =	ssyncset.done $0x0  }
0xef: {  	s28 =	smov.u32 s26;
	[sflag:s3] =	ssyncadd.s32 $0xFFFFFD90  }
0xf0: {  	_ = 	snop  }
.LBB2_6:
0xf1: {  	_ =	sfence.sel $0x180000  }
0xf2: {  	[bflag:$0x0] =	sbarrier.arrive $0xFFFF  }
0xf3: {  	_ =	strace $0x90000047  }
0xf4: {  	s0 =	stileid.u32;
	[bflag:$0x2] =	sbarrier.arrive $0xFFFF  }
0xf5: {  	p0 =	sne.s32 s0, $0x0;
	s0 =	rddreg [dreg:$0x3]  }
0xf6: {  	s0 =	sadd.s32 @!p0 $0x100000, s0  }
0xf7: {  	[sflag:s0] =	ssyncadd.tile.s32 @!p0 $0x1;
	_ =	shalt  }
.Lfunc_end2:
_tile_overlayer_lowered:
.L_overlay_start_2:
0xf8: {  	(tag) =	ssettag $0x2  }
0xf9: {  	s0 =	rddreg [dreg:$0x0];
	s2 =	stileid.u32  }
0xfa: {  	s1 =	rddreg [dreg:$0x1];
	p0 =	sne.s32 s2, $0x0  }
0xfb: {  	s3 =	rddreg [dreg:$0x2];
	[bflag:$0x3] =	sbarrier.arrive $0xFFFF;
	s2 =	simm.s32 @!p0 $0x1C01  }
0xfc: {  	[timem:s3], [sflag:s2] =	dma.local @!p0 [hbm:s0], s1  }
0xfd: {  	s0 =	simm.s32 @!p0 $0x1  }
0xfe: {  	_ =	swait.ge @!p0 [sflag:s0], s1  }
0xff: {  	s1 =	ssub.s32 @!p0 $0x0, s1;
	[sflag:s0] =	ssyncset.done @!p0 $0x0  }
0x100: {  	[sflag:s0] =	ssyncadd.s32 @!p0 s1  }
0x101: {  	[bflag:$0x3] =	sbarrier.arrive $0xFFFF  }
0x102: {  	_ =	shalt  }

// kernel: kernel.13.cloned.1.call-start
scs
__scs_entry_jumppad:
0x0: {  	(pc) =	sbr.rel $0x88, $3  }
0x1: {  	(tag) =	ssettag $0x0;
	lr =	simm.s32 $0x1  }
0x2: {  	[smem:$0x3F8F] =	sst lr;
	_ =	strace $0xD0000000  }
0x3: {  	_ = 	snop  }
0x4: {  	_ = 	snop  }
0x5: {  	_ = 	snop  }
0x6: {  	_ = 	snop  }
0x7: {  	_ = 	snop  }
__scs_overlays_trampoline_lowered:
0x8: {  	[smem:$0x3F9E] =	sst s0  }
0x9: {  	[smem:$0x3F9F] =	sst s1  }
0xa: {  	[smem:$0x3FA0] =	sst s2  }
0xb: {  	[smem:$0x3FA1] =	sst s3  }
0xc: {  	[smem:$0x3FA2] =	sst s4  }
0xd: {  	[smem:$0x3FA3] =	sst s5  }
0xe: {  	[smem:$0x3FA4] =	sst s6  }
0xf: {  	[smem:$0x3FA5] =	sst s7  }
0x10: {  	[smem:$0x3FA6] =	sst s8  }
0x11: {  	[smem:$0x3FA7] =	sst s9;
	s0 =	simm.s32 @!p0 $0x0  }
0x12: {  	s1 =	sld [smem:$0x3F8D];
	s0 =	simm.s32 @p0 $0x1  }
0x13: {  	[smem:$0x3FA8] =	sst s0;
	s0 =	simm.s32 @!p1 $0x0  }
0x14: {  	s2 =	sld [smem:$0x3F8C];
	s0 =	simm.s32 @p1 $0x1  }
0x15: {  	[smem:$0x3FA9] =	sst s0;
	s0 =	simm.s32 @!p2 $0x0  }
0x16: {  	s3 =	sld [smem:$0x3FDB];
	s0 =	simm.s32 @p2 $0x1  }
0x17: {  	s4 =	simm.s32 $0x1BF5;
	[smem:$0x3FAB] =	sst s0  }
0x18: {  	s0 =	sld [smem:$0x3F8E];
	_ =	swait.ge [sflag:s4], $0x0  }
0x19: {  	s7 =	sld [smem:$0x3F8F]  }
0x1a: {  	s8 =	sadd.s32 $0xFFFFE003, lr  }
0x1b: {  	s9 =	sadd.s32 $0xFFFFFEF7, lr;
	s5 =	simm.s32 $0xFFFFFFFF;
	p2 =	slt.u32 s8, $0xFFFFF086  }
0x1c: {  	p1 =	slt.u32 s9, $0xF7A;
	s5 =	simm.s32 @!p2 $0x0  }
0x1d: {  	s5 =	simm.s32 @p1 $0x1;
	p0 =	seq.s32 s7, s2  }
0x1e: {  	s7 =	smul.u32 @!p0 $0xF7A, s2;
	p2 =	seq.s32 @!p0 s5, $0x0  }
0x1f: {  	s9 =	smul.u32 $0xF7A, s1;
	s8 =	simm.s32 @!p0 $0x1BF5;
	p2 =	por !p2, p0  }
0x20: {  	[sflag:s8] =	ssyncset.s32 @!p0 $0xFFFFF086;
	s6 =	sadd.s32 @!p0 s3, s7;
	s7 =	simm.s32 @!p0 $0x108  }
0x21: {  	s3 =	sadd.s32 s3, s9;
	s6 =	sadd.s32 @!p0 $0x88, s6;
	s7 =	simm.s32 @p2 $0x1082  }
0x22: {  	[simem:s7], [sflag:s8] =	dma.local @!p0 [hbm:s6], $0xF7A  }
0x23: {  	s9 =	sor.u32 $0xD0000000, s2;
	s6 =	simm.s32 $0x108;
	_ =	swait.ge @!p0 [sflag:s8], $0x0  }
0x24: {  	s3 =	sadd.s32 $0x88, s3;
	s6 =	simm.s32 @!p1 $0x1082;
	[sflag:s4] =	ssyncset.s32 $0xFFFFF086  }
0x25: {  	[simem:s6], [sflag:s4] =	dma.local [hbm:s3], $0xF7A  }
0x26: {  	[smem:$0x3F8F] =	sst s1;
	(tag) =	ssettag s2;
	_ =	strace s9  }
0x27: {  	s1 =	sld [smem:$0x3F9F]  }
0x28: {  	s2 =	sld [smem:$0x3FA0]  }
0x29: {  	s4 =	sld [smem:$0x3FA2]  }
0x2a: {  	p0 =	seq.s32 s5, $0x0;
	s5 =	sld [smem:$0x3FA3]  }
0x2b: {  	s6 =	sld [smem:$0x3FA4]  }
0x2c: {  	s7 =	sld [smem:$0x3FA5]  }
0x2d: {  	s3 =	simm.s32 $0x108;
	s8 =	sld [smem:$0x3FA6]  }
0x2e: {  	s3 =	simm.s32 @!p0 $0x1082;
	s9 =	sld [smem:$0x3FA7]  }
0x2f: {  	lr =	sadd.s32 s0, s3;
	s0 =	sld [smem:$0x3F9E]  }
0x30: {  	s3 =	sld [smem:$0x3FA1]  }
0x31: {  	[smem:$0x3FAA] =	sst s10  }
0x32: {  	s10 =	sld [smem:$0x3FA8];
	_ =	sdelay $0x3  }
0x33: {  	p0 =	seq.s32 s10, $0x1;
	s10 =	sld [smem:$0x3FAA];
	_ =	sdelay $0x3  }
0x34: {  	[smem:$0x3FAA] =	sst s10  }
0x35: {  	s10 =	sld [smem:$0x3FA9];
	_ =	sdelay $0x3  }
0x36: {  	p1 =	seq.s32 s10, $0x1;
	s10 =	sld [smem:$0x3FAA];
	_ =	sdelay $0x3  }
0x37: {  	[smem:$0x3FAA] =	sst s10  }
0x38: {  	s10 =	sld [smem:$0x3FAB]  }
0x39: {  	_ = 	snop;
	(pc) =	sbr.ind lr, $3  }
0x3a: {  	_ = 	snop  }
0x3b: {  	_ = 	snop  }
0x3c: {  	p2 =	seq.s32 s10, $0x1;
	s10 =	sld [smem:$0x3FAA]  }
0x3d: {  	_ =	shalt  }
0x3e: {  	_ =	shalt  }
0x3f: {  	_ =	shalt  }
0x40: {  	_ =	shalt  }
0x41: {  	_ =	shalt  }
0x42: {  	_ =	shalt  }
0x43: {  	_ =	shalt  }
0x44: {  	_ =	shalt  }
0x45: {  	_ =	shalt  }
0x46: {  	_ =	shalt  }
0x47: {  	_ =	shalt  }
0x48: {  	_ =	shalt  }
0x49: {  	_ =	shalt  }
0x4a: {  	_ =	shalt  }
0x4b: {  	_ =	shalt  }
0x4c: {  	_ =	shalt  }
0x4d: {  	_ =	shalt  }
0x4e: {  	_ =	shalt  }
0x4f: {  	_ =	shalt  }
0x50: {  	_ =	shalt  }
0x51: {  	_ =	shalt  }
0x52: {  	_ =	shalt  }
0x53: {  	_ =	shalt  }
0x54: {  	_ =	shalt  }
0x55: {  	_ =	shalt  }
0x56: {  	_ =	shalt  }
0x57: {  	_ =	shalt  }
0x58: {  	_ =	shalt  }
0x59: {  	_ =	shalt  }
0x5a: {  	_ =	shalt  }
0x5b: {  	_ =	shalt  }
0x5c: {  	_ =	shalt  }
0x5d: {  	_ =	shalt  }
0x5e: {  	_ =	shalt  }
0x5f: {  	_ =	shalt  }
0x60: {  	_ =	shalt  }
0x61: {  	_ =	shalt  }
0x62: {  	_ =	shalt  }
0x63: {  	_ =	shalt  }
0x64: {  	_ =	shalt  }
0x65: {  	_ =	shalt  }
0x66: {  	_ =	shalt  }
0x67: {  	_ =	shalt  }
0x68: {  	_ =	shalt  }
0x69: {  	_ =	shalt  }
0x6a: {  	_ =	shalt  }
0x6b: {  	_ =	shalt  }
0x6c: {  	_ =	shalt  }
0x6d: {  	_ =	shalt  }
0x6e: {  	_ =	shalt  }
0x6f: {  	_ =	shalt  }
0x70: {  	_ =	shalt  }
0x71: {  	_ =	shalt  }
0x72: {  	_ =	shalt  }
0x73: {  	_ =	shalt  }
0x74: {  	_ =	shalt  }
0x75: {  	_ =	shalt  }
0x76: {  	_ =	shalt  }
0x77: {  	_ =	shalt  }
0x78: {  	_ =	shalt  }
0x79: {  	_ =	shalt  }
0x7a: {  	_ =	shalt  }
0x7b: {  	_ =	shalt  }
0x7c: {  	_ =	shalt  }
0x7d: {  	_ =	shalt  }
0x7e: {  	_ =	shalt  }
0x7f: {  	_ =	shalt  }
0x80: {  	_ =	shalt  }
0x81: {  	_ =	shalt  }
0x82: {  	_ =	shalt  }
0x83: {  	_ =	shalt  }
0x84: {  	_ =	shalt  }
0x85: {  	_ =	shalt  }
0x86: {  	_ =	shalt  }
0x87: {  	_ =	shalt  }
.Lfunc_end0:
.L_simem_size_0:
called_computation.1_lowered:
.L_overlay_start_0:
0x88: {  	s2 =	sld [smem:$0x3FD9]  }
0x89: {  	s3 =	sld [smem:$0x3FFE];
	_ =	sdelay $0x1  }
0x8a: {  	s1 =	srdreg.scid  }
0x8b: {  	s0 =	sand.u32 $0x1, s1  }
0x8c: {  	s17 =	sshll.u32 s0, $0xA;
	s2 =	sadd.s32 s3, s2  }
0x8d: {  	s2 =	sadd.s32 s2, s17  }
0x8e: {  	[smem:$0x3FB6] =	sst s2  }
0x8f: {  	_ = 	snop  }
0x90: {  	(tm) =	ssettm $0x1  }
0x91: {  	s18 =	sld [smem:$0x3FFB];
	_ =	sdelay $0x3  }
0x92: {  	_ =	strace s18  }
0x93: {  	s2 =	sld [smem:$0x3FFC];
	_ =	sdelay $0x3  }
0x94: {  	_ =	strace s2  }
0x95: {  	s2 =	sld [smem:$0x3FFD];
	_ =	sdelay $0x3  }
0x96: {  	_ =	strace s2  }
0x97: {  	_ =	strace $0x8FFFFFFF  }
0x98: {  	s19 =	sld [smem:$0x3FDB];
	_ =	sdelay $0x1  }
0x99: {  	s20 =	simm.s32 $_scs_section_size  }
0x9a: {  	s4 =	simm.s32 $_size__tile_overlayer_lowered;
	s5 =	simm.s32 $_tile_overlayer_lowered  }
0x9b: {  	s6 =	simm.s32 $0x1BFF;
	s21 =	sshll.u32 s5, $0x1;
	s3 =	sadd.s32 s20, s19  }
0x9c: {  	s22 =	simm.s32 $0x0;
	s4 =	sshll.u32 s4, $0x1;
	s5 =	sadd.s32 s21, s3  }
0x9d: {  	[timem:s22], [sflag:s6] =	dma.local [hbm:s5], s4  }
0x9e: {  	_ =	swait.ge [sflag:s6], s4  }
0x9f: {  	s4 =	ssub.s32 $0x0, s4;
	[sflag:s6] =	ssyncset.done $0x0  }
0xa0: {  	[sflag:s6] =	ssyncadd.s32 s4;
	_ =	sdelay $0x1  }
0xa1: {  	s23 =	simm.s32 $0x1B8B  }
0xa2: {  	_ =	swait.ge [sflag:s23], $0x1  }
0xa3: {  	[sflag:s23] =	ssyncset.done $0x0  }
0xa4: {  	[sflag:s23] =	ssyncadd.s32 $0xFFFFFFFF  }
0xa5: {  	s4 =	sld [smem:$0x0]  }
0xa6: {  	s5 =	sand.u32 $0xFFFFFFFE, s1  }
0xa7: {  	p0 =	sne.s32 s1, s5  }
0xa8: {  	s5 =	sshll.u32 @p0 s5, $0xE  }
0xa9: {  	s5 =	sadd.s32 @p0 $0x11B8D, s5;
	s6 =	sshll.u32 @p0 s4, $0x11  }
0xaa: {  	s5 =	sor.u32 @p0 s6, s5  }
0xab: {  	[sflag:s5] =	ssyncadd.remote.s32 @p0 $0x1;
	_ =	sdelay $0x1  }
0xac: {  	s5 =	simm.s32 @p0 $0x1B8D  }
0xad: {  	_ =	swait.eq @p0 [sflag:s5], $0x1  }
0xae: {  	[sflag:s5] =	ssyncadd.s32 @p0 $0xFFFFFFFF  }
0xaf: {  	s6 =	sshll.u32 @!p0 s1, $0xE  }
0xb0: {  	s6 =	sor.u32 @!p0 $0x4000, s6;
	s5 =	simm.s32 @!p0 $0x1B8D  }
0xb1: {  	s4 =	sshll.u32 @!p0 s4, $0x11;
	s6 =	sadd.s32 @!p0 $0x11B8D, s6;
	_ =	swait.eq @!p0 [sflag:s5], $0x1  }
0xb2: {  	s4 =	sor.u32 @!p0 s4, s6;
	[sflag:s5] =	ssyncadd.s32 @!p0 $0xFFFFFFFF  }
0xb3: {  	s25 =	simm.s32 $0x1B8E;
	s24 =	sld [smem:$0x3FFE];
	[sflag:s4] =	ssyncadd.remote.s32 @!p0 $0x1  }
0xb4: {  	s26 =	simm.s32 $execute0_lowered;
	[smem:$0x3FD2] =	sst s25  }
0xb5: {  	s5 =	sshll.u32 s26, $0x1;
	_ =	strace $0x80000049;
	[dreg:$0x1] =	wrdreg $0xFFFFFFFF  }
0xb6: {  	s28 =	simm.s32 $_size_execute0_lowered;
	s3 =	sadd.s32 s3, s5;
	[dreg:$0x0] =	wrdreg $0x0  }
0xb7: {  	s5 =	sshll.u32 s28, $0x1;
	[dreg:$0x2] =	wrdreg s3  }
0xb8: {  	[dreg:$0x3] =	wrdreg s5  }
0xb9: {  	[dreg:$0x4] =	wrdreg $0xC0  }
0xba: {  	_ =	task [dreg:s22], $0x5FFFF  }
0xbb: {  	[dreg:$0x1] =	wrdreg $0xFFFFFFFF  }
0xbc: {  	[dreg:$0x0] =	wrdreg $0x60  }
0xbd: {  	[dreg:$0x2] =	wrdreg s24  }
0xbe: {  	[dreg:$0x3] =	wrdreg $0x2A000  }
0xbf: {  	[dreg:$0x4] =	wrdreg $0xA  }
0xc0: {  	_ =	task.clear_ibuf [dreg:s22], $0x5FFFF;
	_ =	strace $0x90000049  }
0xc1: {  	s29 =	simm.s32 $0xA;
	_ =	strace $0x8000004B  }
0xc2: {  	_ =	swait.ge [sflag:s29], $0x1  }
0xc3: {  	[sflag:s29] =	ssyncadd.s32 $0xFFFFFFFF  }
0xc4: {  	_ =	strace $0x9000004B  }
0xc5: {  	_ =	sfence  }
0xc6: {  	s30 =	sld [smem:$0x0];
	_ =	sdelay $0x2  }
0xc7: {  	s31 =	sshll.u32 s1, $0xD;
	s1 =	sshrl.u32 s1, $0x2  }
0xc8: {  	s4 =	sand.u32 $0x4000, s31;
	s1 =	sadd.s32 s1, s30  }
0xc9: {  	s0 =	sor.u32 s4, s0;
	s1 =	sshll.u32 s1, $0x11  }
0xca: {  	s0 =	sor.u32 s1, s0  }
0xcb: {  	s0 =	sadd.s32 $0x8F2B, s0  }
0xcc: {  	[sflag:s0] =	ssyncadd.remote.s32 $0x1  }
0xcd: {  	_ =	sfence.sel $0xFFFF  }
0xce: {  	[dreg:$0x0] =	wrdreg $0xFFFFFFFF;
	(pc) =	sbr.abs _section_cstart, $3  }
0xcf: {  	[dreg:$0x1] =	wrdreg $0xFFFFFFFF  }
0xd0: {  	_ =	task.clear_ibuf [dreg:s22], $0x2FFFF;
	_ =	strace $0x9FFFFFFF  }
0xd1: {  	(tm) =	ssettm $0x7FFFFFFF  }
tec
execute0_lowered:
.L_overlay_start_1:
0x0: {  	(tag) =	ssettag $0x1  }
0x1: {  	s0 =	rddreg [dreg:$0x0]  }
0x2: {  	s1 =	rddreg [dreg:$0x1]  }
0x3: {  	s2 =	simm.s32 $0x0;
	s8 =	srdreg.scid;
	s12 =	stileid.u32  }
0x4: {  	s28 =	simm.s32 $0x100;
	s29 =	simm.s32 $0x2;
	s30 =	simm.s32 $0x1600  }
0x5: {  	s31 =	simm.s32 $0x3;
	[smem:$0x7FF] =	sst s2;
	s3 =	sadd.s32 $0x40C00, s0  }
0x6: {  	s4 =	sadd.s32 $0x19A00, s0;
	s5 =	sadd.s32 $0xEC00, s0;
	s7 =	sadd.s32 $0x13C00, s0  }
0x7: {  	s6 =	sadd.s32 $0x67E00, s0;
	s16 =	sand.u32 $0x1, s8;
	s10 =	smul.u32 $0x4E000, s12  }
0x8: {  	s21 =	sadd.s32 $0x6A600, s0;
	s18 =	sadd.s32 $0x91800, s0;
	s13 =	smul.u32 $0x2710, s12  }
0x9: {  	s24 =	sshll.u32 s12, $0x6;
	s11 =	sadd.s32 $0x138000, s1;
	s17 =	smul.u32 $0x2700, s12  }
0xa: {  	s20 =	smul.u32 $0x4E2, s12;
	p0 =	sne.s32 s12, $0xF;
	p2 =	seq.s32 s12, $0xF  }
0xb: {  	_ =	strace $0x8000004A;
	s9 =	ssub.s32 $0x2, s16;
	[dreg:$0x4] =	wrdreg s18  }
0xc: {  	[dreg:$0x3] =	wrdreg s21;
	p1 =	sne.s32 s16, $0x0;
	s16 =	simm.s32 $0x0  }
0xd: {  	s22 =	sshrl.u32 s9, $0x1;
	s23 =	sshrl.u32 s10, $0x2;
	s10 =	sor.u32 $0x1C06, s24  }
0xe: {  	s14 =	sshrl.u32 s13, $0x3;
	s15 =	sadd.s32 $0x28, s13;
	s26 =	sadd.s32 s18, s17  }
0xf: {  	s8 =	sadd.s32 s21, s17;
	s19 =	sadd.s32 s20, s7;
	s20 =	sadd.s32 s20, s5  }
0x10: {  	s21 =	simm.s32 $0x6;
	s24 =	simm.s32 $0x1580;
	s0 =	ssub.s32 s9, s22  }
0x11: {  	s9 =	sadd.s32 s23, s1;
	s25 =	sadd.s32 s5, s14;
	[dreg:$0x7] =	wrdreg s26  }
.Ltmp0:
0x12: {  	s13 =	sadd.s32 s7, s14;
	[dreg:$0x8] =	wrdreg s8;
	(pc) =	sbr.rel .LBB2_1-.Ltmp0, $4  }
0x13: {  	s15 =	sshrl.u32 s15, $0x3;
	s22 =	simm.s32 $0x80;
	[dreg:$0x5] =	wrdreg s9  }
0x14: {  	s23 =	simm.s32 $0x1500;
	s26 =	simm.s32 $0x28;
	[dreg:$0x6] =	wrdreg s25  }
0x15: {  	s14 =	sadd.s32 s5, s15;
	s15 =	sadd.s32 s7, s15;
	s18 =	smax.u32 s0, $0x1  }
0x16: {  	s25 =	simm.s32 $0x1;
	s0 =	simm.s32 $0x4;
	s5 =	simm.s32 $0x5  }
.LBB2_8:
0x17: {  	s7 =	sadd.s32 $0x27000, s7;
	s8 =	sshrl.u32 s11, $0x3  }
0x18: {  	[hbm:s7], [sflag:s10] =	dma.local [spmem:s8], $0x100  }
0x19: {  	_ =	swait.ge [sflag:s21], $0x100  }
0x1a: {  	[sflag:s21] =	ssyncset.done $0x0  }
0x1b: {  	[sflag:s21] =	ssyncadd.s32 $0xFFFFFF00  }
.LBB2_9:
0x1c: {  	s16 =	sadd.s32 $0x1, s16  }
0x1d: {  	p3 =	sne.s32 s16, s18  }
.Ltmp1:
0x1e: {  	_ = 	snop;
	(pc) =	sbr.rel @!p3 .LBB2_10-.Ltmp1, $1  }
0x1f: {  	_ =	sdelay $0x3  }
.LBB2_1:
0x20: {  	s7 =	rddreg [dreg:$0x5]  }
0x21: {  	s17 =	sshrl.u32 s7, $0x3  }
0x22: {  	[spmem:s17], [sflag:s10] =	dma.local [hbm:s6], $0x2700  }
0x23: {  	_ =	swait.ge [sflag:s21], $0x2700  }
0x24: {  	[sflag:s21] =	ssyncset.done $0x0  }
0x25: {  	s7 =	sshrl.u32 @!p0 s11, $0x3;
	[sflag:s21] =	ssyncadd.s32 $0xFFFFD900  }
0x26: {  	[spmem:s7], [sflag:s10] =	dma.local @!p0 [hbm:s6], $0x100  }
0x27: {  	s7 =	simm.s32 @!p0 $0x6  }
0x28: {  	_ =	swait.ge @!p0 [sflag:s7], $0x100  }
0x29: {  	[sflag:s7] =	ssyncset.done @!p0 $0x0  }
0x2a: {  	[sflag:s7] =	ssyncadd.s32 @!p0 $0xFFFFFF00  }
0x2b: {  	[bflag:$0x0] =	sbarrier.arrive $0xFFFF  }
0x2c: {  	s12 =	rddreg [dreg:$0x6]  }
0x2d: {  	[tilespmem:s2], [sflag:$0x1] =	stream.linear.gather [hbm4b:s12+s2], $0x28, $0x38;
	[tilespmem:$0x16280] =	vst v63  }
0x2e: {  	_ = 	snop  }
0x2f: {  	[tilespmem:s22], [sflag:$0x1] =	stream.linear.gather [hbm4b:s13+s2], $0x28, $0x38;
	[tilespmem:$0x16280] =	vst v63  }
0x30: {  	_ = 	snop  }
0x31: {  	[tilespmem:s23], [sflag:$0x2] =	stream.linear.gather [hbm4b:s14+s2], $0x28, $0x38;
	[tilespmem:$0x16280] =	vst v63  }
0x32: {  	_ = 	snop  }
0x33: {  	[tilespmem:s24], [sflag:$0x2] =	stream.linear.gather [hbm4b:s15+s2], $0x28, $0x38;
	[tilespmem:$0x16280] =	vst v63  }
0x34: {  	_ =	swait.ge [sflag:s25], $0x28  }
.Ltmp2:
0x35: {  	[sflag:s25] =	ssyncset.done $0x0;
	(pc) =	sbr.rel @p1 .LBB2_5-.Ltmp2, $4  }
0x36: {  	[sflag:s25] =	ssyncadd.s32 $0xFFFFFFD8  }
0x37: {  	_ =	swait.ge [sflag:s25], $0x28  }
0x38: {  	[sflag:s25] =	ssyncset.done $0x0  }
0x39: {  	[sflag:s25] =	ssyncadd.s32 $0xFFFFFFD8  }
0x3a: {  	[tilespmem:s28], [sflag:$0x3] =	stream.indirect.gather [hbm4b:s3+s26], $0x80, s2, s26, $0xb8;
	[tilespmem:$0x16280] =	vst v63  }
0x3b: {  	_ =	swait.ge [sflag:s29], $0x28  }
0x3c: {  	[sflag:s29] =	ssyncset.done $0x0  }
0x3d: {  	[sflag:s29] =	ssyncadd.s32 $0xFFFFFFD8  }
0x3e: {  	_ =	swait.ge [sflag:s29], $0x28  }
0x3f: {  	[sflag:s29] =	ssyncset.done $0x0  }
0x40: {  	[sflag:s29] =	ssyncadd.s32 $0xFFFFFFD8  }
0x41: {  	[tilespmem:s30], [sflag:$0x4] =	stream.indirect.gather [hbm4b:s3+s26], $0x80, s23, s26, $0xb8;
	[tilespmem:$0x16280] =	vst v63  }
0x42: {  	_ =	swait.ge [sflag:s31], $0x1400  }
0x43: {  	s7 =	sadd.s32 $0xFFFFFB28, s20;
	[sflag:s31] =	ssyncset.done $0x0  }
0x44: {  	s9 =	sadd.s32 $0xFFFFFB28, s19;
	s8 =	sadd.s32 $0x4E2, s7;
	[sflag:s31] =	ssyncadd.s32 $0xFFFFEC00  }
0x45: {  	[tilespmem:s2], [sflag:$0x1] =	stream.linear.gather [hbm4b:s8+s2], $0x28, $0x38;
	[tilespmem:$0x16280] =	vst v63  }
0x46: {  	s12 =	sadd.s32 $0x4E2, s9  }
0x47: {  	[tilespmem:s22], [sflag:$0x1] =	stream.linear.gather [hbm4b:s12+s2], $0x28, $0x38;
	[tilespmem:$0x16280] =	vst v63  }
0x48: {  	_ = 	snop  }
0x49: {  	[spmem:s1] =	stream.indirect.scatter.add.f32 [tilespmem:s28], [sflag:$0x5], $0x80, s22, s26, $0xb8;
	[tilespmem:$0x16280] =	vst v63  }
0x4a: {  	_ =	swait.ge [sflag:s0], $0x1400  }
0x4b: {  	[sflag:s0] =	ssyncset.done $0x0  }
0x4c: {  	s7 =	sadd.s32 $0x4E7, s7;
	[sflag:s0] =	ssyncadd.s32 $0xFFFFEC00  }
0x4d: {  	[tilespmem:s23], [sflag:$0x2] =	stream.linear.gather [hbm4b:s7+s2], $0x28, $0x38;
	[tilespmem:$0x16280] =	vst v63  }
0x4e: {  	s12 =	sadd.s32 $0x4E7, s9  }
0x4f: {  	[tilespmem:s24], [sflag:$0x2] =	stream.linear.gather [hbm4b:s12+s2], $0x28, $0x38;
	[tilespmem:$0x16280] =	vst v63  }
0x50: {  	_ = 	snop  }
0x51: {  	[spmem:s1] =	stream.indirect.scatter.add.f32 [tilespmem:s30], [sflag:$0x6], $0x80, s24, s26, $0xb8;
	[tilespmem:$0x16280] =	vst v63  }
0x52: {  	_ =	swait.ge [sflag:s21], $0x1400  }
0x53: {  	[sflag:s21] =	ssyncset.done $0x0  }
0x54: {  	[sflag:s21] =	ssyncadd.s32 $0xFFFFEC00  }
0x55: {  	_ =	swait.ge [sflag:s5], $0x1400  }
0x56: {  	[sflag:s5] =	ssyncset.done $0x0  }
0x57: {  	[sflag:s5] =	ssyncadd.s32 $0xFFFFEC00  }
0x58: {  	_ =	swait.ge [sflag:s25], $0x28  }
0x59: {  	[sflag:s25] =	ssyncset.done $0x0  }
0x5a: {  	[sflag:s25] =	ssyncadd.s32 $0xFFFFFFD8  }
0x5b: {  	_ =	swait.ge [sflag:s25], $0x28  }
0x5c: {  	[sflag:s25] =	ssyncset.done $0x0  }
0x5d: {  	s7 =	simm.s32 $0xFFFFFB32;
	[sflag:s25] =	ssyncadd.s32 $0xFFFFFFD8  }
.LBB2_3:
0x5e: {  	[tilespmem:s28], [sflag:$0x3] =	stream.indirect.gather [hbm4b:s3+s26], $0x80, s2, s26, $0xb8;
	[tilespmem:$0x16280] =	vst v63  }
0x5f: {  	s8 =	smov.u32 s7  }
0x60: {  	p3 =	sne.s32 s7, $0xFFFFFFF6;
	s7 =	sadd.s32 $0xA, s7;
	_ =	swait.ge [sflag:s29], $0x28  }
0x61: {  	[sflag:s29] =	ssyncset.done $0x0  }
0x62: {  	[sflag:s29] =	ssyncadd.s32 $0xFFFFFFD8  }
0x63: {  	_ =	swait.ge [sflag:s29], $0x28  }
0x64: {  	[sflag:s29] =	ssyncset.done $0x0  }
0x65: {  	[sflag:s29] =	ssyncadd.s32 $0xFFFFFFD8  }
0x66: {  	[tilespmem:s30], [sflag:$0x4] =	stream.indirect.gather [hbm4b:s3+s26], $0x80, s23, s26, $0xb8;
	[tilespmem:$0x16280] =	vst v63  }
0x67: {  	_ =	swait.ge [sflag:s31], $0x1400  }
0x68: {  	s9 =	sadd.s32 s8, s20;
	[sflag:s31] =	ssyncset.done $0x0  }
0x69: {  	s8 =	sadd.s32 s8, s19;
	s12 =	sadd.s32 $0x4E2, s9;
	[sflag:s31] =	ssyncadd.s32 $0xFFFFEC00  }
0x6a: {  	[tilespmem:s2], [sflag:$0x1] =	stream.linear.gather [hbm4b:s12+s2], $0x28, $0x38;
	[tilespmem:$0x16280] =	vst v63  }
0x6b: {  	s12 =	sadd.s32 $0x4E2, s8  }
0x6c: {  	[tilespmem:s22], [sflag:$0x1] =	stream.linear.gather [hbm4b:s12+s2], $0x28, $0x38;
	[tilespmem:$0x16280] =	vst v63  }
0x6d: {  	_ = 	snop  }
0x6e: {  	[spmem:s1] =	stream.indirect.scatter.add.f32 [tilespmem:s28], [sflag:$0x5], $0x80, s22, s26, $0xb8;
	[tilespmem:$0x16280] =	vst v63  }
0x6f: {  	_ =	swait.ge [sflag:s0], $0x1400  }
0x70: {  	[sflag:s0] =	ssyncset.done $0x0  }
0x71: {  	s9 =	sadd.s32 $0x4E7, s9;
	[sflag:s0] =	ssyncadd.s32 $0xFFFFEC00  }
0x72: {  	[tilespmem:s23], [sflag:$0x2] =	stream.linear.gather [hbm4b:s9+s2], $0x28, $0x38;
	[tilespmem:$0x16280] =	vst v63  }
0x73: {  	s8 =	sadd.s32 $0x4E7, s8  }
0x74: {  	[tilespmem:s24], [sflag:$0x2] =	stream.linear.gather [hbm4b:s8+s2], $0x28, $0x38;
	[tilespmem:$0x16280] =	vst v63  }
0x75: {  	_ = 	snop  }
0x76: {  	[spmem:s1] =	stream.indirect.scatter.add.f32 [tilespmem:s30], [sflag:$0x6], $0x80, s24, s26, $0xb8;
	[tilespmem:$0x16280] =	vst v63  }
0x77: {  	_ =	swait.ge [sflag:s21], $0x1400  }
0x78: {  	[sflag:s21] =	ssyncset.done $0x0  }
0x79: {  	[sflag:s21] =	ssyncadd.s32 $0xFFFFEC00  }
0x7a: {  	_ =	swait.ge [sflag:s5], $0x1400  }
0x7b: {  	[sflag:s5] =	ssyncset.done $0x0  }
0x7c: {  	[sflag:s5] =	ssyncadd.s32 $0xFFFFEC00  }
0x7d: {  	_ =	swait.ge [sflag:s25], $0x28  }
.Ltmp3:
0x7e: {  	[sflag:s25] =	ssyncset.done $0x0;
	(pc) =	sbr.rel @p3 .LBB2_3-.Ltmp3, $4  }
0x7f: {  	[sflag:s25] =	ssyncadd.s32 $0xFFFFFFD8  }
0x80: {  	_ =	swait.ge [sflag:s25], $0x28  }
0x81: {  	[sflag:s25] =	ssyncset.done $0x0  }
0x82: {  	[sflag:s25] =	ssyncadd.s32 $0xFFFFFFD8  }
0x83: {  	[tilespmem:s28], [sflag:$0x3] =	stream.indirect.gather [hbm4b:s3+s26], $0x80, s2, s26, $0xb8;
	[tilespmem:$0x16280] =	vst v63  }
0x84: {  	_ =	swait.ge [sflag:s29], $0x28  }
0x85: {  	[sflag:s29] =	ssyncset.done $0x0  }
0x86: {  	[sflag:s29] =	ssyncadd.s32 $0xFFFFFFD8  }
0x87: {  	_ =	swait.ge [sflag:s29], $0x28  }
0x88: {  	[sflag:s29] =	ssyncset.done $0x0  }
0x89: {  	[sflag:s29] =	ssyncadd.s32 $0xFFFFFFD8  }
0x8a: {  	[tilespmem:s30], [sflag:$0x4] =	stream.indirect.gather [hbm4b:s3+s26], $0x80, s23, s26, $0xb8;
	[tilespmem:$0x16280] =	vst v63  }
0x8b: {  	_ =	swait.ge [sflag:s31], $0x1400  }
0x8c: {  	[sflag:s31] =	ssyncset.done $0x0  }
0x8d: {  	[sflag:s31] =	ssyncadd.s32 $0xFFFFEC00  }
0x8e: {  	[spmem:s1] =	stream.indirect.scatter.add.f32 [tilespmem:s28], [sflag:$0x6], $0x80, s22, s26, $0xb8;
	[tilespmem:$0x16280] =	vst v63  }
0x8f: {  	_ =	swait.ge [sflag:s21], $0x1400  }
0x90: {  	[sflag:s21] =	ssyncset.done $0x0  }
0x91: {  	[sflag:s21] =	ssyncadd.s32 $0xFFFFEC00  }
0x92: {  	_ =	swait.ge [sflag:s0], $0x1400  }
0x93: {  	[sflag:s0] =	ssyncset.done $0x0  }
0x94: {  	[sflag:s0] =	ssyncadd.s32 $0xFFFFEC00  }
0x95: {  	[spmem:s1] =	stream.indirect.scatter.add.f32 [tilespmem:s30], [sflag:$0x6], $0x80, s24, s26, $0xb8;
	[tilespmem:$0x16280] =	vst v63  }
0x96: {  	_ =	swait.ge [sflag:s21], $0x1400  }
0x97: {  	[sflag:s21] =	ssyncset.done $0x0  }
0x98: {  	[sflag:s21] =	ssyncadd.s32 $0xFFFFEC00  }
0x99: {  	[bflag:$0x0] =	sbarrier.arrive $0xFFFF  }
0x9a: {  	s7 =	rddreg [dreg:$0x8]  }
0x9b: {  	[hbm:s7], [sflag:s10] =	dma.local [spmem:s17], $0x2700  }
.Ltmp4:
0x9c: {  	_ = 	snop;
	(pc) =	sbr.rel @p2 .LBB2_8-.Ltmp4, $4  }
.Ltmp5:
0x9d: {  	_ = 	snop;
	(pc) =	sbr.rel @!p2 .LBB2_9-.Ltmp5, $4  }
0x9e: {  	_ =	swait.ge [sflag:s21], $0x2700  }
0x9f: {  	[sflag:s21] =	ssyncset.done $0x0  }
0xa0: {  	s7 =	rddreg [dreg:$0x3];
	[sflag:s21] =	ssyncadd.s32 $0xFFFFD900  }
0xa1: {  	_ = 	snop  }
.LBB2_5:
0xa2: {  	[tilespmem:s28], [sflag:$0x3] =	stream.indirect.gather [hbm4b:s4+s26], $0x80, s2, s26, $0xb8;
	[tilespmem:$0x16280] =	vst v63  }
0xa3: {  	_ =	swait.ge [sflag:s29], $0x28  }
0xa4: {  	[sflag:s29] =	ssyncset.done $0x0  }
0xa5: {  	[sflag:s29] =	ssyncadd.s32 $0xFFFFFFD8  }
0xa6: {  	_ =	swait.ge [sflag:s29], $0x28  }
0xa7: {  	[sflag:s29] =	ssyncset.done $0x0  }
0xa8: {  	[sflag:s29] =	ssyncadd.s32 $0xFFFFFFD8  }
0xa9: {  	[tilespmem:s30], [sflag:$0x4] =	stream.indirect.gather [hbm4b:s4+s26], $0x80, s23, s26, $0xb8;
	[tilespmem:$0x16280] =	vst v63  }
0xaa: {  	_ =	swait.ge [sflag:s31], $0x1400  }
0xab: {  	s7 =	sadd.s32 $0xFFFFFB28, s20;
	[sflag:s31] =	ssyncset.done $0x0  }
0xac: {  	s9 =	sadd.s32 $0xFFFFFB28, s19;
	s8 =	sadd.s32 $0x4E2, s7;
	[sflag:s31] =	ssyncadd.s32 $0xFFFFEC00  }
0xad: {  	[tilespmem:s2], [sflag:$0x1] =	stream.linear.gather [hbm4b:s8+s2], $0x28, $0x38;
	[tilespmem:$0x16280] =	vst v63  }
0xae: {  	s12 =	sadd.s32 $0x4E2, s9  }
0xaf: {  	[tilespmem:s22], [sflag:$0x1] =	stream.linear.gather [hbm4b:s12+s2], $0x28, $0x38;
	[tilespmem:$0x16280] =	vst v63  }
0xb0: {  	_ = 	snop  }
0xb1: {  	[spmem:s1] =	stream.indirect.scatter.add.f32 [tilespmem:s28], [sflag:$0x5], $0x80, s22, s26, $0xb8;
	[tilespmem:$0x16280] =	vst v63  }
0xb2: {  	_ =	swait.ge [sflag:s0], $0x1400  }
0xb3: {  	[sflag:s0] =	ssyncset.done $0x0  }
0xb4: {  	s7 =	sadd.s32 $0x4E7, s7;
	[sflag:s0] =	ssyncadd.s32 $0xFFFFEC00  }
0xb5: {  	[tilespmem:s23], [sflag:$0x2] =	stream.linear.gather [hbm4b:s7+s2], $0x28, $0x38;
	[tilespmem:$0x16280] =	vst v63  }
0xb6: {  	s12 =	sadd.s32 $0x4E7, s9  }
0xb7: {  	[tilespmem:s24], [sflag:$0x2] =	stream.linear.gather [hbm4b:s12+s2], $0x28, $0x38;
	[tilespmem:$0x16280] =	vst v63  }
0xb8: {  	_ = 	snop  }
0xb9: {  	[spmem:s1] =	stream.indirect.scatter.add.f32 [tilespmem:s30], [sflag:$0x6], $0x80, s24, s26, $0xb8;
	[tilespmem:$0x16280] =	vst v63  }
0xba: {  	_ =	swait.ge [sflag:s21], $0x1400  }
0xbb: {  	[sflag:s21] =	ssyncset.done $0x0  }
0xbc: {  	[sflag:s21] =	ssyncadd.s32 $0xFFFFEC00  }
0xbd: {  	_ =	swait.ge [sflag:s5], $0x1400  }
0xbe: {  	[sflag:s5] =	ssyncset.done $0x0  }
0xbf: {  	[sflag:s5] =	ssyncadd.s32 $0xFFFFEC00  }
0xc0: {  	_ =	swait.ge [sflag:s25], $0x28  }
0xc1: {  	[sflag:s25] =	ssyncset.done $0x0  }
0xc2: {  	[sflag:s25] =	ssyncadd.s32 $0xFFFFFFD8  }
0xc3: {  	_ =	swait.ge [sflag:s25], $0x28  }
0xc4: {  	[sflag:s25] =	ssyncset.done $0x0  }
0xc5: {  	s7 =	simm.s32 $0xFFFFFB32;
	[sflag:s25] =	ssyncadd.s32 $0xFFFFFFD8  }
.LBB2_6:
0xc6: {  	[tilespmem:s28], [sflag:$0x3] =	stream.indirect.gather [hbm4b:s4+s26], $0x80, s2, s26, $0xb8;
	[tilespmem:$0x16280] =	vst v63  }
0xc7: {  	s8 =	smov.u32 s7  }
0xc8: {  	p3 =	sne.s32 s7, $0xFFFFFFF6;
	s7 =	sadd.s32 $0xA, s7;
	_ =	swait.ge [sflag:s29], $0x28  }
0xc9: {  	[sflag:s29] =	ssyncset.done $0x0  }
0xca: {  	[sflag:s29] =	ssyncadd.s32 $0xFFFFFFD8  }
0xcb: {  	_ =	swait.ge [sflag:s29], $0x28  }
0xcc: {  	[sflag:s29] =	ssyncset.done $0x0  }
0xcd: {  	[sflag:s29] =	ssyncadd.s32 $0xFFFFFFD8  }
0xce: {  	[tilespmem:s30], [sflag:$0x4] =	stream.indirect.gather [hbm4b:s4+s26], $0x80, s23, s26, $0xb8;
	[tilespmem:$0x16280] =	vst v63  }
0xcf: {  	_ =	swait.ge [sflag:s31], $0x1400  }
0xd0: {  	s9 =	sadd.s32 s8, s20;
	[sflag:s31] =	ssyncset.done $0x0  }
0xd1: {  	s8 =	sadd.s32 s8, s19;
	s12 =	sadd.s32 $0x4E2, s9;
	[sflag:s31] =	ssyncadd.s32 $0xFFFFEC00  }
0xd2: {  	[tilespmem:s2], [sflag:$0x1] =	stream.linear.gather [hbm4b:s12+s2], $0x28, $0x38;
	[tilespmem:$0x16280] =	vst v63  }
0xd3: {  	s12 =	sadd.s32 $0x4E2, s8  }
0xd4: {  	[tilespmem:s22], [sflag:$0x1] =	stream.linear.gather [hbm4b:s12+s2], $0x28, $0x38;
	[tilespmem:$0x16280] =	vst v63  }
0xd5: {  	_ = 	snop  }
0xd6: {  	[spmem:s1] =	stream.indirect.scatter.add.f32 [tilespmem:s28], [sflag:$0x5], $0x80, s22, s26, $0xb8;
	[tilespmem:$0x16280] =	vst v63  }
0xd7: {  	_ =	swait.ge [sflag:s0], $0x1400  }
0xd8: {  	[sflag:s0] =	ssyncset.done $0x0  }
0xd9: {  	s9 =	sadd.s32 $0x4E7, s9;
	[sflag:s0] =	ssyncadd.s32 $0xFFFFEC00  }
0xda: {  	[tilespmem:s23], [sflag:$0x2] =	stream.linear.gather [hbm4b:s9+s2], $0x28, $0x38;
	[tilespmem:$0x16280] =	vst v63  }
0xdb: {  	s8 =	sadd.s32 $0x4E7, s8  }
0xdc: {  	[tilespmem:s24], [sflag:$0x2] =	stream.linear.gather [hbm4b:s8+s2], $0x28, $0x38;
	[tilespmem:$0x16280] =	vst v63  }
0xdd: {  	_ = 	snop  }
0xde: {  	[spmem:s1] =	stream.indirect.scatter.add.f32 [tilespmem:s30], [sflag:$0x6], $0x80, s24, s26, $0xb8;
	[tilespmem:$0x16280] =	vst v63  }
0xdf: {  	_ =	swait.ge [sflag:s21], $0x1400  }
0xe0: {  	[sflag:s21] =	ssyncset.done $0x0  }
0xe1: {  	[sflag:s21] =	ssyncadd.s32 $0xFFFFEC00  }
0xe2: {  	_ =	swait.ge [sflag:s5], $0x1400  }
0xe3: {  	[sflag:s5] =	ssyncset.done $0x0  }
0xe4: {  	[sflag:s5] =	ssyncadd.s32 $0xFFFFEC00  }
0xe5: {  	_ =	swait.ge [sflag:s25], $0x28  }
.Ltmp6:
0xe6: {  	[sflag:s25] =	ssyncset.done $0x0;
	(pc) =	sbr.rel @p3 .LBB2_6-.Ltmp6, $4  }
0xe7: {  	[sflag:s25] =	ssyncadd.s32 $0xFFFFFFD8  }
0xe8: {  	_ =	swait.ge [sflag:s25], $0x28  }
0xe9: {  	[sflag:s25] =	ssyncset.done $0x0  }
0xea: {  	[sflag:s25] =	ssyncadd.s32 $0xFFFFFFD8  }
0xeb: {  	[tilespmem:s28], [sflag:$0x3] =	stream.indirect.gather [hbm4b:s4+s26], $0x80, s2, s26, $0xb8;
	[tilespmem:$0x16280] =	vst v63  }
0xec: {  	_ =	swait.ge [sflag:s29], $0x28  }
0xed: {  	[sflag:s29] =	ssyncset.done $0x0  }
0xee: {  	[sflag:s29] =	ssyncadd.s32 $0xFFFFFFD8  }
0xef: {  	_ =	swait.ge [sflag:s29], $0x28  }
0xf0: {  	[sflag:s29] =	ssyncset.done $0x0  }
0xf1: {  	[sflag:s29] =	ssyncadd.s32 $0xFFFFFFD8  }
0xf2: {  	[tilespmem:s30], [sflag:$0x4] =	stream.indirect.gather [hbm4b:s4+s26], $0x80, s23, s26, $0xb8;
	[tilespmem:$0x16280] =	vst v63  }
0xf3: {  	_ =	swait.ge [sflag:s31], $0x1400  }
0xf4: {  	[sflag:s31] =	ssyncset.done $0x0  }
0xf5: {  	[sflag:s31] =	ssyncadd.s32 $0xFFFFEC00  }
0xf6: {  	[spmem:s1] =	stream.indirect.scatter.add.f32 [tilespmem:s28], [sflag:$0x6], $0x80, s22, s26, $0xb8;
	[tilespmem:$0x16280] =	vst v63  }
0xf7: {  	_ =	swait.ge [sflag:s21], $0x1400  }
0xf8: {  	[sflag:s21] =	ssyncset.done $0x0  }
0xf9: {  	[sflag:s21] =	ssyncadd.s32 $0xFFFFEC00  }
0xfa: {  	_ =	swait.ge [sflag:s0], $0x1400  }
0xfb: {  	[sflag:s0] =	ssyncset.done $0x0  }
0xfc: {  	[sflag:s0] =	ssyncadd.s32 $0xFFFFEC00  }
0xfd: {  	[spmem:s1] =	stream.indirect.scatter.add.f32 [tilespmem:s30], [sflag:$0x6], $0x80, s24, s26, $0xb8;
	[tilespmem:$0x16280] =	vst v63  }
0xfe: {  	_ =	swait.ge [sflag:s21], $0x1400  }
0xff: {  	[sflag:s21] =	ssyncset.done $0x0  }
0x100: {  	[sflag:s21] =	ssyncadd.s32 $0xFFFFEC00  }
0x101: {  	[bflag:$0x0] =	sbarrier.arrive $0xFFFF  }
0x102: {  	s7 =	rddreg [dreg:$0x7]  }
0x103: {  	[hbm:s7], [sflag:s10] =	dma.local [spmem:s17], $0x2700  }
.Ltmp7:
0x104: {  	_ = 	snop;
	(pc) =	sbr.rel @p0 .LBB2_9-.Ltmp7, $4  }
.Ltmp8:
0x105: {  	_ = 	snop;
	(pc) =	sbr.rel @!p0 .LBB2_8-.Ltmp8, $4  }
0x106: {  	_ =	swait.ge [sflag:s21], $0x2700  }
0x107: {  	[sflag:s21] =	ssyncset.done $0x0  }
0x108: {  	s7 =	rddreg [dreg:$0x4];
	[sflag:s21] =	ssyncadd.s32 $0xFFFFD900  }
0x109: {  	_ = 	snop  }
.LBB2_10:
0x10a: {  	_ =	sfence.sel $0x180000  }
0x10b: {  	[bflag:$0x0] =	sbarrier.arrive $0xFFFF  }
0x10c: {  	_ =	strace $0x9000004A  }
0x10d: {  	s0 =	stileid.u32;
	[bflag:$0x2] =	sbarrier.arrive $0xFFFF  }
0x10e: {  	p0 =	sne.s32 s0, $0x0;
	s0 =	rddreg [dreg:$0x2]  }
0x10f: {  	s0 =	sadd.s32 @!p0 $0x100000, s0  }
0x110: {  	[sflag:s0] =	ssyncadd.tile.s32 @!p0 $0x1;
	_ =	shalt  }
.Lfunc_end2:
_tile_overlayer_lowered:
.L_overlay_start_2:
0x111: {  	(tag) =	ssettag $0x2  }
0x112: {  	s0 =	rddreg [dreg:$0x0];
	s2 =	stileid.u32  }
0x113: {  	s1 =	rddreg [dreg:$0x1];
	p0 =	sne.s32 s2, $0x0  }
0x114: {  	s3 =	rddreg [dreg:$0x2];
	[bflag:$0x3] =	sbarrier.arrive $0xFFFF;
	s2 =	simm.s32 @!p0 $0x1C06  }
0x115: {  	[timem:s3], [sflag:s2] =	dma.local @!p0 [hbm:s0], s1  }
0x116: {  	s0 =	simm.s32 @!p0 $0x6  }
0x117: {  	_ =	swait.ge @!p0 [sflag:s0], s1  }
0x118: {  	s1 =	ssub.s32 @!p0 $0x0, s1;
	[sflag:s0] =	ssyncset.done @!p0 $0x0  }
0x119: {  	[sflag:s0] =	ssyncadd.s32 @!p0 s1  }
0x11a: {  	[bflag:$0x3] =	sbarrier.arrive $0xFFFF  }
0x11b: {  	_ =	shalt  }

// kernel: kernel.16.cloned.1.call-start
scs
__scs_entry_jumppad:
0x0: {  	(pc) =	sbr.rel $0x88, $3  }
0x1: {  	(tag) =	ssettag $0x0;
	lr =	simm.s32 $0x1  }
0x2: {  	[smem:$0x3F8F] =	sst lr;
	_ =	strace $0xD0000000  }
0x3: {  	_ = 	snop  }
0x4: {  	_ = 	snop  }
0x5: {  	_ = 	snop  }
0x6: {  	_ = 	snop  }
0x7: {  	_ = 	snop  }
__scs_overlays_trampoline_lowered:
0x8: {  	[smem:$0x3F9E] =	sst s0  }
0x9: {  	[smem:$0x3F9F] =	sst s1  }
0xa: {  	[smem:$0x3FA0] =	sst s2  }
0xb: {  	[smem:$0x3FA1] =	sst s3  }
0xc: {  	[smem:$0x3FA2] =	sst s4  }
0xd: {  	[smem:$0x3FA3] =	sst s5  }
0xe: {  	[smem:$0x3FA4] =	sst s6  }
0xf: {  	[smem:$0x3FA5] =	sst s7  }
0x10: {  	[smem:$0x3FA6] =	sst s8  }
0x11: {  	[smem:$0x3FA7] =	sst s9;
	s0 =	simm.s32 @!p0 $0x0  }
0x12: {  	s1 =	sld [smem:$0x3F8D];
	s0 =	simm.s32 @p0 $0x1  }
0x13: {  	[smem:$0x3FA8] =	sst s0;
	s0 =	simm.s32 @!p1 $0x0  }
0x14: {  	s2 =	sld [smem:$0x3F8C];
	s0 =	simm.s32 @p1 $0x1  }
0x15: {  	[smem:$0x3FA9] =	sst s0;
	s0 =	simm.s32 @!p2 $0x0  }
0x16: {  	s3 =	sld [smem:$0x3FDB];
	s0 =	simm.s32 @p2 $0x1  }
0x17: {  	s4 =	simm.s32 $0x1BF5;
	[smem:$0x3FAB] =	sst s0  }
0x18: {  	s0 =	sld [smem:$0x3F8E];
	_ =	swait.ge [sflag:s4], $0x0  }
0x19: {  	s7 =	sld [smem:$0x3F8F]  }
0x1a: {  	s8 =	sadd.s32 $0xFFFFE003, lr  }
0x1b: {  	s9 =	sadd.s32 $0xFFFFFEF7, lr;
	s5 =	simm.s32 $0xFFFFFFFF;
	p2 =	slt.u32 s8, $0xFFFFF086  }
0x1c: {  	p1 =	slt.u32 s9, $0xF7A;
	s5 =	simm.s32 @!p2 $0x0  }
0x1d: {  	s5 =	simm.s32 @p1 $0x1;
	p0 =	seq.s32 s7, s2  }
0x1e: {  	s7 =	smul.u32 @!p0 $0xF7A, s2;
	p2 =	seq.s32 @!p0 s5, $0x0  }
0x1f: {  	s9 =	smul.u32 $0xF7A, s1;
	s8 =	simm.s32 @!p0 $0x1BF5;
	p2 =	por !p2, p0  }
0x20: {  	[sflag:s8] =	ssyncset.s32 @!p0 $0xFFFFF086;
	s6 =	sadd.s32 @!p0 s3, s7;
	s7 =	simm.s32 @!p0 $0x108  }
0x21: {  	s3 =	sadd.s32 s3, s9;
	s6 =	sadd.s32 @!p0 $0x88, s6;
	s7 =	simm.s32 @p2 $0x1082  }
0x22: {  	[simem:s7], [sflag:s8] =	dma.local @!p0 [hbm:s6], $0xF7A  }
0x23: {  	s9 =	sor.u32 $0xD0000000, s2;
	s6 =	simm.s32 $0x108;
	_ =	swait.ge @!p0 [sflag:s8], $0x0  }
0x24: {  	s3 =	sadd.s32 $0x88, s3;
	s6 =	simm.s32 @!p1 $0x1082;
	[sflag:s4] =	ssyncset.s32 $0xFFFFF086  }
0x25: {  	[simem:s6], [sflag:s4] =	dma.local [hbm:s3], $0xF7A  }
0x26: {  	[smem:$0x3F8F] =	sst s1;
	(tag) =	ssettag s2;
	_ =	strace s9  }
0x27: {  	s1 =	sld [smem:$0x3F9F]  }
0x28: {  	s2 =	sld [smem:$0x3FA0]  }
0x29: {  	s4 =	sld [smem:$0x3FA2]  }
0x2a: {  	p0 =	seq.s32 s5, $0x0;
	s5 =	sld [smem:$0x3FA3]  }
0x2b: {  	s6 =	sld [smem:$0x3FA4]  }
0x2c: {  	s7 =	sld [smem:$0x3FA5]  }
0x2d: {  	s3 =	simm.s32 $0x108;
	s8 =	sld [smem:$0x3FA6]  }
0x2e: {  	s3 =	simm.s32 @!p0 $0x1082;
	s9 =	sld [smem:$0x3FA7]  }
0x2f: {  	lr =	sadd.s32 s0, s3;
	s0 =	sld [smem:$0x3F9E]  }
0x30: {  	s3 =	sld [smem:$0x3FA1]  }
0x31: {  	[smem:$0x3FAA] =	sst s10  }
0x32: {  	s10 =	sld [smem:$0x3FA8];
	_ =	sdelay $0x3  }
0x33: {  	p0 =	seq.s32 s10, $0x1;
	s10 =	sld [smem:$0x3FAA];
	_ =	sdelay $0x3  }
0x34: {  	[smem:$0x3FAA] =	sst s10  }
0x35: {  	s10 =	sld [smem:$0x3FA9];
	_ =	sdelay $0x3  }
0x36: {  	p1 =	seq.s32 s10, $0x1;
	s10 =	sld [smem:$0x3FAA];
	_ =	sdelay $0x3  }
0x37: {  	[smem:$0x3FAA] =	sst s10  }
0x38: {  	s10 =	sld [smem:$0x3FAB]  }
0x39: {  	_ = 	snop;
	(pc) =	sbr.ind lr, $3  }
0x3a: {  	_ = 	snop  }
0x3b: {  	_ = 	snop  }
0x3c: {  	p2 =	seq.s32 s10, $0x1;
	s10 =	sld [smem:$0x3FAA]  }
0x3d: {  	_ =	shalt  }
0x3e: {  	_ =	shalt  }
0x3f: {  	_ =	shalt  }
0x40: {  	_ =	shalt  }
0x41: {  	_ =	shalt  }
0x42: {  	_ =	shalt  }
0x43: {  	_ =	shalt  }
0x44: {  	_ =	shalt  }
0x45: {  	_ =	shalt  }
0x46: {  	_ =	shalt  }
0x47: {  	_ =	shalt  }
0x48: {  	_ =	shalt  }
0x49: {  	_ =	shalt  }
0x4a: {  	_ =	shalt  }
0x4b: {  	_ =	shalt  }
0x4c: {  	_ =	shalt  }
0x4d: {  	_ =	shalt  }
0x4e: {  	_ =	shalt  }
0x4f: {  	_ =	shalt  }
0x50: {  	_ =	shalt  }
0x51: {  	_ =	shalt  }
0x52: {  	_ =	shalt  }
0x53: {  	_ =	shalt  }
0x54: {  	_ =	shalt  }
0x55: {  	_ =	shalt  }
0x56: {  	_ =	shalt  }
0x57: {  	_ =	shalt  }
0x58: {  	_ =	shalt  }
0x59: {  	_ =	shalt  }
0x5a: {  	_ =	shalt  }
0x5b: {  	_ =	shalt  }
0x5c: {  	_ =	shalt  }
0x5d: {  	_ =	shalt  }
0x5e: {  	_ =	shalt  }
0x5f: {  	_ =	shalt  }
0x60: {  	_ =	shalt  }
0x61: {  	_ =	shalt  }
0x62: {  	_ =	shalt  }
0x63: {  	_ =	shalt  }
0x64: {  	_ =	shalt  }
0x65: {  	_ =	shalt  }
0x66: {  	_ =	shalt  }
0x67: {  	_ =	shalt  }
0x68: {  	_ =	shalt  }
0x69: {  	_ =	shalt  }
0x6a: {  	_ =	shalt  }
0x6b: {  	_ =	shalt  }
0x6c: {  	_ =	shalt  }
0x6d: {  	_ =	shalt  }
0x6e: {  	_ =	shalt  }
0x6f: {  	_ =	shalt  }
0x70: {  	_ =	shalt  }
0x71: {  	_ =	shalt  }
0x72: {  	_ =	shalt  }
0x73: {  	_ =	shalt  }
0x74: {  	_ =	shalt  }
0x75: {  	_ =	shalt  }
0x76: {  	_ =	shalt  }
0x77: {  	_ =	shalt  }
0x78: {  	_ =	shalt  }
0x79: {  	_ =	shalt  }
0x7a: {  	_ =	shalt  }
0x7b: {  	_ =	shalt  }
0x7c: {  	_ =	shalt  }
0x7d: {  	_ =	shalt  }
0x7e: {  	_ =	shalt  }
0x7f: {  	_ =	shalt  }
0x80: {  	_ =	shalt  }
0x81: {  	_ =	shalt  }
0x82: {  	_ =	shalt  }
0x83: {  	_ =	shalt  }
0x84: {  	_ =	shalt  }
0x85: {  	_ =	shalt  }
0x86: {  	_ =	shalt  }
0x87: {  	_ =	shalt  }
.Lfunc_end0:
.L_simem_size_0:
called_computation.2_lowered:
.L_overlay_start_0:
0x88: {  	s2 =	sld [smem:$0x3FD9]  }
0x89: {  	s3 =	sld [smem:$0x3FFE];
	_ =	sdelay $0x1  }
0x8a: {  	s1 =	srdreg.scid  }
0x8b: {  	s0 =	sand.u32 $0x1, s1  }
0x8c: {  	s17 =	sshll.u32 s0, $0xA;
	s2 =	sadd.s32 s3, s2  }
0x8d: {  	s2 =	sadd.s32 s2, s17  }
0x8e: {  	[smem:$0x3FB6] =	sst s2  }
0x8f: {  	_ = 	snop  }
0x90: {  	(tm) =	ssettm $0x1  }
0x91: {  	s18 =	sld [smem:$0x3FFB];
	_ =	sdelay $0x3  }
0x92: {  	_ =	strace s18  }
0x93: {  	s2 =	sld [smem:$0x3FFC];
	_ =	sdelay $0x3  }
0x94: {  	_ =	strace s2  }
0x95: {  	s2 =	sld [smem:$0x3FFD];
	_ =	sdelay $0x3  }
0x96: {  	_ =	strace s2  }
0x97: {  	_ =	strace $0x8FFFFFFF  }
0x98: {  	s19 =	sld [smem:$0x3FDB];
	_ =	sdelay $0x1  }
0x99: {  	s20 =	simm.s32 $_scs_section_size  }
0x9a: {  	s4 =	simm.s32 $_size__tile_overlayer_lowered;
	s5 =	simm.s32 $_tile_overlayer_lowered  }
0x9b: {  	s6 =	simm.s32 $0x1BFF;
	s21 =	sshll.u32 s5, $0x1;
	s3 =	sadd.s32 s20, s19  }
0x9c: {  	s22 =	simm.s32 $0x0;
	s4 =	sshll.u32 s4, $0x1;
	s5 =	sadd.s32 s21, s3  }
0x9d: {  	[timem:s22], [sflag:s6] =	dma.local [hbm:s5], s4  }
0x9e: {  	_ =	swait.ge [sflag:s6], s4  }
0x9f: {  	s4 =	ssub.s32 $0x0, s4;
	[sflag:s6] =	ssyncset.done $0x0  }
0xa0: {  	[sflag:s6] =	ssyncadd.s32 s4;
	_ =	sdelay $0x1  }
0xa1: {  	s23 =	simm.s32 $0x1B8B  }
0xa2: {  	_ =	swait.ge [sflag:s23], $0x1  }
0xa3: {  	[sflag:s23] =	ssyncset.done $0x0  }
0xa4: {  	[sflag:s23] =	ssyncadd.s32 $0xFFFFFFFF  }
0xa5: {  	s4 =	sld [smem:$0x0]  }
0xa6: {  	s5 =	sand.u32 $0xFFFFFFFE, s1  }
0xa7: {  	p0 =	sne.s32 s1, s5  }
0xa8: {  	s5 =	sshll.u32 @p0 s5, $0xE  }
0xa9: {  	s5 =	sadd.s32 @p0 $0x11B8D, s5;
	s6 =	sshll.u32 @p0 s4, $0x11  }
0xaa: {  	s5 =	sor.u32 @p0 s6, s5  }
0xab: {  	[sflag:s5] =	ssyncadd.remote.s32 @p0 $0x1;
	_ =	sdelay $0x1  }
0xac: {  	s5 =	simm.s32 @p0 $0x1B8D  }
0xad: {  	_ =	swait.eq @p0 [sflag:s5], $0x1  }
0xae: {  	[sflag:s5] =	ssyncadd.s32 @p0 $0xFFFFFFFF  }
0xaf: {  	s6 =	sshll.u32 @!p0 s1, $0xE  }
0xb0: {  	s6 =	sor.u32 @!p0 $0x4000, s6;
	s5 =	simm.s32 @!p0 $0x1B8D  }
0xb1: {  	s4 =	sshll.u32 @!p0 s4, $0x11;
	s6 =	sadd.s32 @!p0 $0x11B8D, s6;
	_ =	swait.eq @!p0 [sflag:s5], $0x1  }
0xb2: {  	s4 =	sor.u32 @!p0 s4, s6;
	[sflag:s5] =	ssyncadd.s32 @!p0 $0xFFFFFFFF  }
0xb3: {  	s25 =	simm.s32 $0x1B8E;
	s24 =	sld [smem:$0x3FFE];
	[sflag:s4] =	ssyncadd.remote.s32 @!p0 $0x1  }
0xb4: {  	s26 =	simm.s32 $execute0_lowered;
	[smem:$0x3FD2] =	sst s25  }
0xb5: {  	s5 =	sshll.u32 s26, $0x1;
	_ =	strace $0x8000004C;
	[dreg:$0x1] =	wrdreg $0xFFFFFFFF  }
0xb6: {  	s28 =	simm.s32 $_size_execute0_lowered;
	s3 =	sadd.s32 s3, s5;
	[dreg:$0x0] =	wrdreg $0x0  }
0xb7: {  	s5 =	sshll.u32 s28, $0x1;
	[dreg:$0x2] =	wrdreg s3  }
0xb8: {  	[dreg:$0x3] =	wrdreg s5  }
0xb9: {  	[dreg:$0x4] =	wrdreg $0xC0  }
0xba: {  	_ =	task [dreg:s22], $0x5FFFF  }
0xbb: {  	[dreg:$0x1] =	wrdreg $0xFFFFFFFF  }
0xbc: {  	[dreg:$0x0] =	wrdreg $0x60  }
0xbd: {  	[dreg:$0x2] =	wrdreg s24  }
0xbe: {  	[dreg:$0x3] =	wrdreg $0x2A000  }
0xbf: {  	[dreg:$0x4] =	wrdreg $0xB  }
0xc0: {  	_ =	task.clear_ibuf [dreg:s22], $0x5FFFF;
	_ =	strace $0x9000004C  }
0xc1: {  	s29 =	simm.s32 $0xB;
	_ =	strace $0x8000004E  }
0xc2: {  	_ =	swait.ge [sflag:s29], $0x1  }
0xc3: {  	[sflag:s29] =	ssyncadd.s32 $0xFFFFFFFF  }
0xc4: {  	_ =	strace $0x9000004E  }
0xc5: {  	_ =	sfence  }
0xc6: {  	s30 =	sld [smem:$0x0];
	_ =	sdelay $0x2  }
0xc7: {  	s31 =	sshll.u32 s1, $0xD;
	s1 =	sshrl.u32 s1, $0x2  }
0xc8: {  	s4 =	sand.u32 $0x4000, s31;
	s1 =	sadd.s32 s1, s30  }
0xc9: {  	s0 =	sor.u32 s4, s0;
	s1 =	sshll.u32 s1, $0x11  }
0xca: {  	s0 =	sor.u32 s1, s0  }
0xcb: {  	s0 =	sadd.s32 $0x8F2B, s0  }
0xcc: {  	[sflag:s0] =	ssyncadd.remote.s32 $0x1  }
0xcd: {  	_ =	sfence.sel $0xFFFF  }
0xce: {  	[dreg:$0x0] =	wrdreg $0xFFFFFFFF;
	(pc) =	sbr.abs _section_cstart, $3  }
0xcf: {  	[dreg:$0x1] =	wrdreg $0xFFFFFFFF  }
0xd0: {  	_ =	task.clear_ibuf [dreg:s22], $0x2FFFF;
	_ =	strace $0x9FFFFFFF  }
0xd1: {  	(tm) =	ssettm $0x7FFFFFFF  }
tec
execute0_lowered:
.L_overlay_start_1:
0x0: {  	(tag) =	ssettag $0x1  }
0x1: {  	s0 =	rddreg [dreg:$0x0]  }
0x2: {  	s1 =	rddreg [dreg:$0x1]  }
0x3: {  	s2 =	simm.s32 $0x0;
	s8 =	srdreg.scid;
	s12 =	stileid.u32  }
0x4: {  	s28 =	simm.s32 $0x100;
	s29 =	simm.s32 $0x2;
	s30 =	simm.s32 $0x1600  }
0x5: {  	s31 =	simm.s32 $0x3;
	[smem:$0x7FF] =	sst s2;
	s3 =	sadd.s32 $0xDFC00, s0  }
0x6: {  	s4 =	sadd.s32 $0xB8A00, s0;
	s5 =	sadd.s32 $0x9C00, s0;
	s7 =	sadd.s32 $0x4C00, s0  }
0x7: {  	s6 =	sadd.s32 $0x67E00, s0;
	s16 =	sand.u32 $0x1, s8;
	s10 =	smul.u32 $0x4E000, s12  }
0x8: {  	s21 =	sadd.s32 $0x106E00, s0;
	s18 =	sadd.s32 $0x12E000, s0;
	s13 =	smul.u32 $0x2710, s12  }
0x9: {  	s24 =	sshll.u32 s12, $0x6;
	s11 =	sadd.s32 $0x138000, s1;
	s17 =	smul.u32 $0x2700, s12  }
0xa: {  	s20 =	smul.u32 $0x4E2, s12;
	p0 =	sne.s32 s12, $0xF;
	p2 =	seq.s32 s12, $0xF  }
0xb: {  	_ =	strace $0x8000004D;
	s9 =	ssub.s32 $0x2, s16;
	[dreg:$0x4] =	wrdreg s18  }
0xc: {  	[dreg:$0x3] =	wrdreg s21;
	p1 =	sne.s32 s16, $0x0;
	s16 =	simm.s32 $0x0  }
0xd: {  	s22 =	sshrl.u32 s9, $0x1;
	s23 =	sshrl.u32 s10, $0x2;
	s10 =	sor.u32 $0x1C06, s24  }
0xe: {  	s14 =	sshrl.u32 s13, $0x3;
	s15 =	sadd.s32 $0x28, s13;
	s26 =	sadd.s32 s18, s17  }
0xf: {  	s8 =	sadd.s32 s21, s17;
	s19 =	sadd.s32 s20, s7;
	s20 =	sadd.s32 s20, s5  }
0x10: {  	s21 =	simm.s32 $0x6;
	s24 =	simm.s32 $0x1580;
	s0 =	ssub.s32 s9, s22  }
0x11: {  	s9 =	sadd.s32 s23, s1;
	s25 =	sadd.s32 s5, s14;
	[dreg:$0x7] =	wrdreg s26  }
.Ltmp0:
0x12: {  	s13 =	sadd.s32 s7, s14;
	[dreg:$0x8] =	wrdreg s8;
	(pc) =	sbr.rel .LBB2_1-.Ltmp0, $4  }
0x13: {  	s15 =	sshrl.u32 s15, $0x3;
	s22 =	simm.s32 $0x80;
	[dreg:$0x5] =	wrdreg s9  }
0x14: {  	s23 =	simm.s32 $0x1500;
	s26 =	simm.s32 $0x28;
	[dreg:$0x6] =	wrdreg s25  }
0x15: {  	s14 =	sadd.s32 s5, s15;
	s15 =	sadd.s32 s7, s15;
	s18 =	smax.u32 s0, $0x1  }
0x16: {  	s25 =	simm.s32 $0x1;
	s0 =	simm.s32 $0x4;
	s5 =	simm.s32 $0x5  }
.LBB2_8:
0x17: {  	s7 =	sadd.s32 $0x27000, s7;
	s8 =	sshrl.u32 s11, $0x3  }
0x18: {  	[hbm:s7], [sflag:s10] =	dma.local [spmem:s8], $0x100  }
0x19: {  	_ =	swait.ge [sflag:s21], $0x100  }
0x1a: {  	[sflag:s21] =	ssyncset.done $0x0  }
0x1b: {  	[sflag:s21] =	ssyncadd.s32 $0xFFFFFF00  }
.LBB2_9:
0x1c: {  	s16 =	sadd.s32 $0x1, s16  }
0x1d: {  	p3 =	sne.s32 s16, s18  }
.Ltmp1:
0x1e: {  	_ = 	snop;
	(pc) =	sbr.rel @!p3 .LBB2_10-.Ltmp1, $1  }
0x1f: {  	_ =	sdelay $0x3  }
.LBB2_1:
0x20: {  	s7 =	rddreg [dreg:$0x5]  }
0x21: {  	s17 =	sshrl.u32 s7, $0x3  }
0x22: {  	[spmem:s17], [sflag:s10] =	dma.local [hbm:s6], $0x2700  }
0x23: {  	_ =	swait.ge [sflag:s21], $0x2700  }
0x24: {  	[sflag:s21] =	ssyncset.done $0x0  }
0x25: {  	s7 =	sshrl.u32 @!p0 s11, $0x3;
	[sflag:s21] =	ssyncadd.s32 $0xFFFFD900  }
0x26: {  	[spmem:s7], [sflag:s10] =	dma.local @!p0 [hbm:s6], $0x100  }
0x27: {  	s7 =	simm.s32 @!p0 $0x6  }
0x28: {  	_ =	swait.ge @!p0 [sflag:s7], $0x100  }
0x29: {  	[sflag:s7] =	ssyncset.done @!p0 $0x0  }
0x2a: {  	[sflag:s7] =	ssyncadd.s32 @!p0 $0xFFFFFF00  }
0x2b: {  	[bflag:$0x0] =	sbarrier.arrive $0xFFFF  }
0x2c: {  	s12 =	rddreg [dreg:$0x6]  }
0x2d: {  	[tilespmem:s2], [sflag:$0x1] =	stream.linear.gather [hbm4b:s12+s2], $0x28, $0x38;
	[tilespmem:$0x16280] =	vst v63  }
0x2e: {  	_ = 	snop  }
0x2f: {  	[tilespmem:s22], [sflag:$0x1] =	stream.linear.gather [hbm4b:s13+s2], $0x28, $0x38;
	[tilespmem:$0x16280] =	vst v63  }
0x30: {  	_ = 	snop  }
0x31: {  	[tilespmem:s23], [sflag:$0x2] =	stream.linear.gather [hbm4b:s14+s2], $0x28, $0x38;
	[tilespmem:$0x16280] =	vst v63  }
0x32: {  	_ = 	snop  }
0x33: {  	[tilespmem:s24], [sflag:$0x2] =	stream.linear.gather [hbm4b:s15+s2], $0x28, $0x38;
	[tilespmem:$0x16280] =	vst v63  }
0x34: {  	_ =	swait.ge [sflag:s25], $0x28  }
.Ltmp2:
0x35: {  	[sflag:s25] =	ssyncset.done $0x0;
	(pc) =	sbr.rel @p1 .LBB2_5-.Ltmp2, $4  }
0x36: {  	[sflag:s25] =	ssyncadd.s32 $0xFFFFFFD8  }
0x37: {  	_ =	swait.ge [sflag:s25], $0x28  }
0x38: {  	[sflag:s25] =	ssyncset.done $0x0  }
0x39: {  	[sflag:s25] =	ssyncadd.s32 $0xFFFFFFD8  }
0x3a: {  	[tilespmem:s28], [sflag:$0x3] =	stream.indirect.gather [hbm4b:s3+s26], $0x80, s2, s26, $0xb8;
	[tilespmem:$0x16280] =	vst v63  }
0x3b: {  	_ =	swait.ge [sflag:s29], $0x28  }
0x3c: {  	[sflag:s29] =	ssyncset.done $0x0  }
0x3d: {  	[sflag:s29] =	ssyncadd.s32 $0xFFFFFFD8  }
0x3e: {  	_ =	swait.ge [sflag:s29], $0x28  }
0x3f: {  	[sflag:s29] =	ssyncset.done $0x0  }
0x40: {  	[sflag:s29] =	ssyncadd.s32 $0xFFFFFFD8  }
0x41: {  	[tilespmem:s30], [sflag:$0x4] =	stream.indirect.gather [hbm4b:s3+s26], $0x80, s23, s26, $0xb8;
	[tilespmem:$0x16280] =	vst v63  }
0x42: {  	_ =	swait.ge [sflag:s31], $0x1400  }
0x43: {  	s7 =	sadd.s32 $0xFFFFFB28, s20;
	[sflag:s31] =	ssyncset.done $0x0  }
0x44: {  	s9 =	sadd.s32 $0xFFFFFB28, s19;
	s8 =	sadd.s32 $0x4E2, s7;
	[sflag:s31] =	ssyncadd.s32 $0xFFFFEC00  }
0x45: {  	[tilespmem:s2], [sflag:$0x1] =	stream.linear.gather [hbm4b:s8+s2], $0x28, $0x38;
	[tilespmem:$0x16280] =	vst v63  }
0x46: {  	s12 =	sadd.s32 $0x4E2, s9  }
0x47: {  	[tilespmem:s22], [sflag:$0x1] =	stream.linear.gather [hbm4b:s12+s2], $0x28, $0x38;
	[tilespmem:$0x16280] =	vst v63  }
0x48: {  	_ = 	snop  }
0x49: {  	[spmem:s1] =	stream.indirect.scatter.add.f32 [tilespmem:s28], [sflag:$0x5], $0x80, s22, s26, $0xb8;
	[tilespmem:$0x16280] =	vst v63  }
0x4a: {  	_ =	swait.ge [sflag:s0], $0x1400  }
0x4b: {  	[sflag:s0] =	ssyncset.done $0x0  }
0x4c: {  	s7 =	sadd.s32 $0x4E7, s7;
	[sflag:s0] =	ssyncadd.s32 $0xFFFFEC00  }
0x4d: {  	[tilespmem:s23], [sflag:$0x2] =	stream.linear.gather [hbm4b:s7+s2], $0x28, $0x38;
	[tilespmem:$0x16280] =	vst v63  }
0x4e: {  	s12 =	sadd.s32 $0x4E7, s9  }
0x4f: {  	[tilespmem:s24], [sflag:$0x2] =	stream.linear.gather [hbm4b:s12+s2], $0x28, $0x38;
	[tilespmem:$0x16280] =	vst v63  }
0x50: {  	_ = 	snop  }
0x51: {  	[spmem:s1] =	stream.indirect.scatter.add.f32 [tilespmem:s30], [sflag:$0x6], $0x80, s24, s26, $0xb8;
	[tilespmem:$0x16280] =	vst v63  }
0x52: {  	_ =	swait.ge [sflag:s21], $0x1400  }
0x53: {  	[sflag:s21] =	ssyncset.done $0x0  }
0x54: {  	[sflag:s21] =	ssyncadd.s32 $0xFFFFEC00  }
0x55: {  	_ =	swait.ge [sflag:s5], $0x1400  }
0x56: {  	[sflag:s5] =	ssyncset.done $0x0  }
0x57: {  	[sflag:s5] =	ssyncadd.s32 $0xFFFFEC00  }
0x58: {  	_ =	swait.ge [sflag:s25], $0x28  }
0x59: {  	[sflag:s25] =	ssyncset.done $0x0  }
0x5a: {  	[sflag:s25] =	ssyncadd.s32 $0xFFFFFFD8  }
0x5b: {  	_ =	swait.ge [sflag:s25], $0x28  }
0x5c: {  	[sflag:s25] =	ssyncset.done $0x0  }
0x5d: {  	s7 =	simm.s32 $0xFFFFFB32;
	[sflag:s25] =	ssyncadd.s32 $0xFFFFFFD8  }
.LBB2_3:
0x5e: {  	[tilespmem:s28], [sflag:$0x3] =	stream.indirect.gather [hbm4b:s3+s26], $0x80, s2, s26, $0xb8;
	[tilespmem:$0x16280] =	vst v63  }
0x5f: {  	s8 =	smov.u32 s7  }
0x60: {  	p3 =	sne.s32 s7, $0xFFFFFFF6;
	s7 =	sadd.s32 $0xA, s7;
	_ =	swait.ge [sflag:s29], $0x28  }
0x61: {  	[sflag:s29] =	ssyncset.done $0x0  }
0x62: {  	[sflag:s29] =	ssyncadd.s32 $0xFFFFFFD8  }
0x63: {  	_ =	swait.ge [sflag:s29], $0x28  }
0x64: {  	[sflag:s29] =	ssyncset.done $0x0  }
0x65: {  	[sflag:s29] =	ssyncadd.s32 $0xFFFFFFD8  }
0x66: {  	[tilespmem:s30], [sflag:$0x4] =	stream.indirect.gather [hbm4b:s3+s26], $0x80, s23, s26, $0xb8;
	[tilespmem:$0x16280] =	vst v63  }
0x67: {  	_ =	swait.ge [sflag:s31], $0x1400  }
0x68: {  	s9 =	sadd.s32 s8, s20;
	[sflag:s31] =	ssyncset.done $0x0  }
0x69: {  	s8 =	sadd.s32 s8, s19;
	s12 =	sadd.s32 $0x4E2, s9;
	[sflag:s31] =	ssyncadd.s32 $0xFFFFEC00  }
0x6a: {  	[tilespmem:s2], [sflag:$0x1] =	stream.linear.gather [hbm4b:s12+s2], $0x28, $0x38;
	[tilespmem:$0x16280] =	vst v63  }
0x6b: {  	s12 =	sadd.s32 $0x4E2, s8  }
0x6c: {  	[tilespmem:s22], [sflag:$0x1] =	stream.linear.gather [hbm4b:s12+s2], $0x28, $0x38;
	[tilespmem:$0x16280] =	vst v63  }
0x6d: {  	_ = 	snop  }
0x6e: {  	[spmem:s1] =	stream.indirect.scatter.add.f32 [tilespmem:s28], [sflag:$0x5], $0x80, s22, s26, $0xb8;
	[tilespmem:$0x16280] =	vst v63  }
0x6f: {  	_ =	swait.ge [sflag:s0], $0x1400  }
0x70: {  	[sflag:s0] =	ssyncset.done $0x0  }
0x71: {  	s9 =	sadd.s32 $0x4E7, s9;
	[sflag:s0] =	ssyncadd.s32 $0xFFFFEC00  }
0x72: {  	[tilespmem:s23], [sflag:$0x2] =	stream.linear.gather [hbm4b:s9+s2], $0x28, $0x38;
	[tilespmem:$0x16280] =	vst v63  }
0x73: {  	s8 =	sadd.s32 $0x4E7, s8  }
0x74: {  	[tilespmem:s24], [sflag:$0x2] =	stream.linear.gather [hbm4b:s8+s2], $0x28, $0x38;
	[tilespmem:$0x16280] =	vst v63  }
0x75: {  	_ = 	snop  }
0x76: {  	[spmem:s1] =	stream.indirect.scatter.add.f32 [tilespmem:s30], [sflag:$0x6], $0x80, s24, s26, $0xb8;
	[tilespmem:$0x16280] =	vst v63  }
0x77: {  	_ =	swait.ge [sflag:s21], $0x1400  }
0x78: {  	[sflag:s21] =	ssyncset.done $0x0  }
0x79: {  	[sflag:s21] =	ssyncadd.s32 $0xFFFFEC00  }
0x7a: {  	_ =	swait.ge [sflag:s5], $0x1400  }
0x7b: {  	[sflag:s5] =	ssyncset.done $0x0  }
0x7c: {  	[sflag:s5] =	ssyncadd.s32 $0xFFFFEC00  }
0x7d: {  	_ =	swait.ge [sflag:s25], $0x28  }
.Ltmp3:
0x7e: {  	[sflag:s25] =	ssyncset.done $0x0;
	(pc) =	sbr.rel @p3 .LBB2_3-.Ltmp3, $4  }
0x7f: {  	[sflag:s25] =	ssyncadd.s32 $0xFFFFFFD8  }
0x80: {  	_ =	swait.ge [sflag:s25], $0x28  }
0x81: {  	[sflag:s25] =	ssyncset.done $0x0  }
0x82: {  	[sflag:s25] =	ssyncadd.s32 $0xFFFFFFD8  }
0x83: {  	[tilespmem:s28], [sflag:$0x3] =	stream.indirect.gather [hbm4b:s3+s26], $0x80, s2, s26, $0xb8;
	[tilespmem:$0x16280] =	vst v63  }
0x84: {  	_ =	swait.ge [sflag:s29], $0x28  }
0x85: {  	[sflag:s29] =	ssyncset.done $0x0  }
0x86: {  	[sflag:s29] =	ssyncadd.s32 $0xFFFFFFD8  }
0x87: {  	_ =	swait.ge [sflag:s29], $0x28  }
0x88: {  	[sflag:s29] =	ssyncset.done $0x0  }
0x89: {  	[sflag:s29] =	ssyncadd.s32 $0xFFFFFFD8  }
0x8a: {  	[tilespmem:s30], [sflag:$0x4] =	stream.indirect.gather [hbm4b:s3+s26], $0x80, s23, s26, $0xb8;
	[tilespmem:$0x16280] =	vst v63  }
0x8b: {  	_ =	swait.ge [sflag:s31], $0x1400  }
0x8c: {  	[sflag:s31] =	ssyncset.done $0x0  }
0x8d: {  	[sflag:s31] =	ssyncadd.s32 $0xFFFFEC00  }
0x8e: {  	[spmem:s1] =	stream.indirect.scatter.add.f32 [tilespmem:s28], [sflag:$0x6], $0x80, s22, s26, $0xb8;
	[tilespmem:$0x16280] =	vst v63  }
0x8f: {  	_ =	swait.ge [sflag:s21], $0x1400  }
0x90: {  	[sflag:s21] =	ssyncset.done $0x0  }
0x91: {  	[sflag:s21] =	ssyncadd.s32 $0xFFFFEC00  }
0x92: {  	_ =	swait.ge [sflag:s0], $0x1400  }
0x93: {  	[sflag:s0] =	ssyncset.done $0x0  }
0x94: {  	[sflag:s0] =	ssyncadd.s32 $0xFFFFEC00  }
0x95: {  	[spmem:s1] =	stream.indirect.scatter.add.f32 [tilespmem:s30], [sflag:$0x6], $0x80, s24, s26, $0xb8;
	[tilespmem:$0x16280] =	vst v63  }
0x96: {  	_ =	swait.ge [sflag:s21], $0x1400  }
0x97: {  	[sflag:s21] =	ssyncset.done $0x0  }
0x98: {  	[sflag:s21] =	ssyncadd.s32 $0xFFFFEC00  }
0x99: {  	[bflag:$0x0] =	sbarrier.arrive $0xFFFF  }
0x9a: {  	s7 =	rddreg [dreg:$0x8]  }
0x9b: {  	[hbm:s7], [sflag:s10] =	dma.local [spmem:s17], $0x2700  }
.Ltmp4:
0x9c: {  	_ = 	snop;
	(pc) =	sbr.rel @p2 .LBB2_8-.Ltmp4, $4  }
.Ltmp5:
0x9d: {  	_ = 	snop;
	(pc) =	sbr.rel @!p2 .LBB2_9-.Ltmp5, $4  }
0x9e: {  	_ =	swait.ge [sflag:s21], $0x2700  }
0x9f: {  	[sflag:s21] =	ssyncset.done $0x0  }
0xa0: {  	s7 =	rddreg [dreg:$0x3];
	[sflag:s21] =	ssyncadd.s32 $0xFFFFD900  }
0xa1: {  	_ = 	snop  }
.LBB2_5:
0xa2: {  	[tilespmem:s28], [sflag:$0x3] =	stream.indirect.gather [hbm4b:s4+s26], $0x80, s2, s26, $0xb8;
	[tilespmem:$0x16280] =	vst v63  }
0xa3: {  	_ =	swait.ge [sflag:s29], $0x28  }
0xa4: {  	[sflag:s29] =	ssyncset.done $0x0  }
0xa5: {  	[sflag:s29] =	ssyncadd.s32 $0xFFFFFFD8  }
0xa6: {  	_ =	swait.ge [sflag:s29], $0x28  }
0xa7: {  	[sflag:s29] =	ssyncset.done $0x0  }
0xa8: {  	[sflag:s29] =	ssyncadd.s32 $0xFFFFFFD8  }
0xa9: {  	[tilespmem:s30], [sflag:$0x4] =	stream.indirect.gather [hbm4b:s4+s26], $0x80, s23, s26, $0xb8;
	[tilespmem:$0x16280] =	vst v63  }
0xaa: {  	_ =	swait.ge [sflag:s31], $0x1400  }
0xab: {  	s7 =	sadd.s32 $0xFFFFFB28, s20;
	[sflag:s31] =	ssyncset.done $0x0  }
0xac: {  	s9 =	sadd.s32 $0xFFFFFB28, s19;
	s8 =	sadd.s32 $0x4E2, s7;
	[sflag:s31] =	ssyncadd.s32 $0xFFFFEC00  }
0xad: {  	[tilespmem:s2], [sflag:$0x1] =	stream.linear.gather [hbm4b:s8+s2], $0x28, $0x38;
	[tilespmem:$0x16280] =	vst v63  }
0xae: {  	s12 =	sadd.s32 $0x4E2, s9  }
0xaf: {  	[tilespmem:s22], [sflag:$0x1] =	stream.linear.gather [hbm4b:s12+s2], $0x28, $0x38;
	[tilespmem:$0x16280] =	vst v63  }
0xb0: {  	_ = 	snop  }
0xb1: {  	[spmem:s1] =	stream.indirect.scatter.add.f32 [tilespmem:s28], [sflag:$0x5], $0x80, s22, s26, $0xb8;
	[tilespmem:$0x16280] =	vst v63  }
0xb2: {  	_ =	swait.ge [sflag:s0], $0x1400  }
0xb3: {  	[sflag:s0] =	ssyncset.done $0x0  }
0xb4: {  	s7 =	sadd.s32 $0x4E7, s7;
	[sflag:s0] =	ssyncadd.s32 $0xFFFFEC00  }
0xb5: {  	[tilespmem:s23], [sflag:$0x2] =	stream.linear.gather [hbm4b:s7+s2], $0x28, $0x38;
	[tilespmem:$0x16280] =	vst v63  }
0xb6: {  	s12 =	sadd.s32 $0x4E7, s9  }
0xb7: {  	[tilespmem:s24], [sflag:$0x2] =	stream.linear.gather [hbm4b:s12+s2], $0x28, $0x38;
	[tilespmem:$0x16280] =	vst v63  }
0xb8: {  	_ = 	snop  }
0xb9: {  	[spmem:s1] =	stream.indirect.scatter.add.f32 [tilespmem:s30], [sflag:$0x6], $0x80, s24, s26, $0xb8;
	[tilespmem:$0x16280] =	vst v63  }
0xba: {  	_ =	swait.ge [sflag:s21], $0x1400  }
0xbb: {  	[sflag:s21] =	ssyncset.done $0x0  }
0xbc: {  	[sflag:s21] =	ssyncadd.s32 $0xFFFFEC00  }
0xbd: {  	_ =	swait.ge [sflag:s5], $0x1400  }
0xbe: {  	[sflag:s5] =	ssyncset.done $0x0  }
0xbf: {  	[sflag:s5] =	ssyncadd.s32 $0xFFFFEC00  }
0xc0: {  	_ =	swait.ge [sflag:s25], $0x28  }
0xc1: {  	[sflag:s25] =	ssyncset.done $0x0  }
0xc2: {  	[sflag:s25] =	ssyncadd.s32 $0xFFFFFFD8  }
0xc3: {  	_ =	swait.ge [sflag:s25], $0x28  }
0xc4: {  	[sflag:s25] =	ssyncset.done $0x0  }
0xc5: {  	s7 =	simm.s32 $0xFFFFFB32;
	[sflag:s25] =	ssyncadd.s32 $0xFFFFFFD8  }
.LBB2_6:
0xc6: {  	[tilespmem:s28], [sflag:$0x3] =	stream.indirect.gather [hbm4b:s4+s26], $0x80, s2, s26, $0xb8;
	[tilespmem:$0x16280] =	vst v63  }
0xc7: {  	s8 =	smov.u32 s7  }
0xc8: {  	p3 =	sne.s32 s7, $0xFFFFFFF6;
	s7 =	sadd.s32 $0xA, s7;
	_ =	swait.ge [sflag:s29], $0x28  }
0xc9: {  	[sflag:s29] =	ssyncset.done $0x0  }
0xca: {  	[sflag:s29] =	ssyncadd.s32 $0xFFFFFFD8  }
0xcb: {  	_ =	swait.ge [sflag:s29], $0x28  }
0xcc: {  	[sflag:s29] =	ssyncset.done $0x0  }
0xcd: {  	[sflag:s29] =	ssyncadd.s32 $0xFFFFFFD8  }
0xce: {  	[tilespmem:s30], [sflag:$0x4] =	stream.indirect.gather [hbm4b:s4+s26], $0x80, s23, s26, $0xb8;
	[tilespmem:$0x16280] =	vst v63  }
0xcf: {  	_ =	swait.ge [sflag:s31], $0x1400  }
0xd0: {  	s9 =	sadd.s32 s8, s20;
	[sflag:s31] =	ssyncset.done $0x0  }
0xd1: {  	s8 =	sadd.s32 s8, s19;
	s12 =	sadd.s32 $0x4E2, s9;
	[sflag:s31] =	ssyncadd.s32 $0xFFFFEC00  }
0xd2: {  	[tilespmem:s2], [sflag:$0x1] =	stream.linear.gather [hbm4b:s12+s2], $0x28, $0x38;
	[tilespmem:$0x16280] =	vst v63  }
0xd3: {  	s12 =	sadd.s32 $0x4E2, s8  }
0xd4: {  	[tilespmem:s22], [sflag:$0x1] =	stream.linear.gather [hbm4b:s12+s2], $0x28, $0x38;
	[tilespmem:$0x16280] =	vst v63  }
0xd5: {  	_ = 	snop  }
0xd6: {  	[spmem:s1] =	stream.indirect.scatter.add.f32 [tilespmem:s28], [sflag:$0x5], $0x80, s22, s26, $0xb8;
	[tilespmem:$0x16280] =	vst v63  }
0xd7: {  	_ =	swait.ge [sflag:s0], $0x1400  }
0xd8: {  	[sflag:s0] =	ssyncset.done $0x0  }
0xd9: {  	s9 =	sadd.s32 $0x4E7, s9;
	[sflag:s0] =	ssyncadd.s32 $0xFFFFEC00  }
0xda: {  	[tilespmem:s23], [sflag:$0x2] =	stream.linear.gather [hbm4b:s9+s2], $0x28, $0x38;
	[tilespmem:$0x16280] =	vst v63  }
0xdb: {  	s8 =	sadd.s32 $0x4E7, s8  }
0xdc: {  	[tilespmem:s24], [sflag:$0x2] =	stream.linear.gather [hbm4b:s8+s2], $0x28, $0x38;
	[tilespmem:$0x16280] =	vst v63  }
0xdd: {  	_ = 	snop  }
0xde: {  	[spmem:s1] =	stream.indirect.scatter.add.f32 [tilespmem:s30], [sflag:$0x6], $0x80, s24, s26, $0xb8;
	[tilespmem:$0x16280] =	vst v63  }
0xdf: {  	_ =	swait.ge [sflag:s21], $0x1400  }
0xe0: {  	[sflag:s21] =	ssyncset.done $0x0  }
0xe1: {  	[sflag:s21] =	ssyncadd.s32 $0xFFFFEC00  }
0xe2: {  	_ =	swait.ge [sflag:s5], $0x1400  }
0xe3: {  	[sflag:s5] =	ssyncset.done $0x0  }
0xe4: {  	[sflag:s5] =	ssyncadd.s32 $0xFFFFEC00  }
0xe5: {  	_ =	swait.ge [sflag:s25], $0x28  }
.Ltmp6:
0xe6: {  	[sflag:s25] =	ssyncset.done $0x0;
	(pc) =	sbr.rel @p3 .LBB2_6-.Ltmp6, $4  }
0xe7: {  	[sflag:s25] =	ssyncadd.s32 $0xFFFFFFD8  }
0xe8: {  	_ =	swait.ge [sflag:s25], $0x28  }
0xe9: {  	[sflag:s25] =	ssyncset.done $0x0  }
0xea: {  	[sflag:s25] =	ssyncadd.s32 $0xFFFFFFD8  }
0xeb: {  	[tilespmem:s28], [sflag:$0x3] =	stream.indirect.gather [hbm4b:s4+s26], $0x80, s2, s26, $0xb8;
	[tilespmem:$0x16280] =	vst v63  }
0xec: {  	_ =	swait.ge [sflag:s29], $0x28  }
0xed: {  	[sflag:s29] =	ssyncset.done $0x0  }
0xee: {  	[sflag:s29] =	ssyncadd.s32 $0xFFFFFFD8  }
0xef: {  	_ =	swait.ge [sflag:s29], $0x28  }
0xf0: {  	[sflag:s29] =	ssyncset.done $0x0  }
0xf1: {  	[sflag:s29] =	ssyncadd.s32 $0xFFFFFFD8  }
0xf2: {  	[tilespmem:s30], [sflag:$0x4] =	stream.indirect.gather [hbm4b:s4+s26], $0x80, s23, s26, $0xb8;
	[tilespmem:$0x16280] =	vst v63  }
0xf3: {  	_ =	swait.ge [sflag:s31], $0x1400  }
0xf4: {  	[sflag:s31] =	ssyncset.done $0x0  }
0xf5: {  	[sflag:s31] =	ssyncadd.s32 $0xFFFFEC00  }
0xf6: {  	[spmem:s1] =	stream.indirect.scatter.add.f32 [tilespmem:s28], [sflag:$0x6], $0x80, s22, s26, $0xb8;
	[tilespmem:$0x16280] =	vst v63  }
0xf7: {  	_ =	swait.ge [sflag:s21], $0x1400  }
0xf8: {  	[sflag:s21] =	ssyncset.done $0x0  }
0xf9: {  	[sflag:s21] =	ssyncadd.s32 $0xFFFFEC00  }
0xfa: {  	_ =	swait.ge [sflag:s0], $0x1400  }
0xfb: {  	[sflag:s0] =	ssyncset.done $0x0  }
0xfc: {  	[sflag:s0] =	ssyncadd.s32 $0xFFFFEC00  }
0xfd: {  	[spmem:s1] =	stream.indirect.scatter.add.f32 [tilespmem:s30], [sflag:$0x6], $0x80, s24, s26, $0xb8;
	[tilespmem:$0x16280] =	vst v63  }
0xfe: {  	_ =	swait.ge [sflag:s21], $0x1400  }
0xff: {  	[sflag:s21] =	ssyncset.done $0x0  }
0x100: {  	[sflag:s21] =	ssyncadd.s32 $0xFFFFEC00  }
0x101: {  	[bflag:$0x0] =	sbarrier.arrive $0xFFFF  }
0x102: {  	s7 =	rddreg [dreg:$0x7]  }
0x103: {  	[hbm:s7], [sflag:s10] =	dma.local [spmem:s17], $0x2700  }
.Ltmp7:
0x104: {  	_ = 	snop;
	(pc) =	sbr.rel @p0 .LBB2_9-.Ltmp7, $4  }
.Ltmp8:
0x105: {  	_ = 	snop;
	(pc) =	sbr.rel @!p0 .LBB2_8-.Ltmp8, $4  }
0x106: {  	_ =	swait.ge [sflag:s21], $0x2700  }
0x107: {  	[sflag:s21] =	ssyncset.done $0x0  }
0x108: {  	s7 =	rddreg [dreg:$0x4];
	[sflag:s21] =	ssyncadd.s32 $0xFFFFD900  }
0x109: {  	_ = 	snop  }
.LBB2_10:
0x10a: {  	_ =	sfence.sel $0x180000  }
0x10b: {  	[bflag:$0x0] =	sbarrier.arrive $0xFFFF  }
0x10c: {  	_ =	strace $0x9000004D  }
0x10d: {  	s0 =	stileid.u32;
	[bflag:$0x2] =	sbarrier.arrive $0xFFFF  }
0x10e: {  	p0 =	sne.s32 s0, $0x0;
	s0 =	rddreg [dreg:$0x2]  }
0x10f: {  	s0 =	sadd.s32 @!p0 $0x100000, s0  }
0x110: {  	[sflag:s0] =	ssyncadd.tile.s32 @!p0 $0x1;
	_ =	shalt  }
.Lfunc_end2:
_tile_overlayer_lowered:
.L_overlay_start_2:
0x111: {  	(tag) =	ssettag $0x2  }
0x112: {  	s0 =	rddreg [dreg:$0x0];
	s2 =	stileid.u32  }
0x113: {  	s1 =	rddreg [dreg:$0x1];
	p0 =	sne.s32 s2, $0x0  }
0x114: {  	s3 =	rddreg [dreg:$0x2];
	[bflag:$0x3] =	sbarrier.arrive $0xFFFF;
	s2 =	simm.s32 @!p0 $0x1C06  }
0x115: {  	[timem:s3], [sflag:s2] =	dma.local @!p0 [hbm:s0], s1  }
0x116: {  	s0 =	simm.s32 @!p0 $0x6  }
0x117: {  	_ =	swait.ge @!p0 [sflag:s0], s1  }
0x118: {  	s1 =	ssub.s32 @!p0 $0x0, s1;
	[sflag:s0] =	ssyncset.done @!p0 $0x0  }
0x119: {  	[sflag:s0] =	ssyncadd.s32 @!p0 s1  }
0x11a: {  	[bflag:$0x3] =	sbarrier.arrive $0xFFFF  }
0x11b: {  	_ =	shalt  }

// kernel: kernel.19.cloned.1.call-start
scs
__scs_entry_jumppad:
0x0: {  	(pc) =	sbr.rel $0x88, $3  }
0x1: {  	(tag) =	ssettag $0x0;
	lr =	simm.s32 $0x1  }
0x2: {  	[smem:$0x3F8F] =	sst lr;
	_ =	strace $0xD0000000  }
0x3: {  	_ = 	snop  }
0x4: {  	_ = 	snop  }
0x5: {  	_ = 	snop  }
0x6: {  	_ = 	snop  }
0x7: {  	_ = 	snop  }
__scs_overlays_trampoline_lowered:
0x8: {  	[smem:$0x3F9E] =	sst s0  }
0x9: {  	[smem:$0x3F9F] =	sst s1  }
0xa: {  	[smem:$0x3FA0] =	sst s2  }
0xb: {  	[smem:$0x3FA1] =	sst s3  }
0xc: {  	[smem:$0x3FA2] =	sst s4  }
0xd: {  	[smem:$0x3FA3] =	sst s5  }
0xe: {  	[smem:$0x3FA4] =	sst s6  }
0xf: {  	[smem:$0x3FA5] =	sst s7  }
0x10: {  	[smem:$0x3FA6] =	sst s8  }
0x11: {  	[smem:$0x3FA7] =	sst s9;
	s0 =	simm.s32 @!p0 $0x0  }
0x12: {  	s1 =	sld [smem:$0x3F8D];
	s0 =	simm.s32 @p0 $0x1  }
0x13: {  	[smem:$0x3FA8] =	sst s0;
	s0 =	simm.s32 @!p1 $0x0  }
0x14: {  	s2 =	sld [smem:$0x3F8C];
	s0 =	simm.s32 @p1 $0x1  }
0x15: {  	[smem:$0x3FA9] =	sst s0;
	s0 =	simm.s32 @!p2 $0x0  }
0x16: {  	s3 =	sld [smem:$0x3FDB];
	s0 =	simm.s32 @p2 $0x1  }
0x17: {  	s4 =	simm.s32 $0x1BF5;
	[smem:$0x3FAB] =	sst s0  }
0x18: {  	s0 =	sld [smem:$0x3F8E];
	_ =	swait.ge [sflag:s4], $0x0  }
0x19: {  	s7 =	sld [smem:$0x3F8F]  }
0x1a: {  	s8 =	sadd.s32 $0xFFFFE003, lr  }
0x1b: {  	s9 =	sadd.s32 $0xFFFFFEF7, lr;
	s5 =	simm.s32 $0xFFFFFFFF;
	p2 =	slt.u32 s8, $0xFFFFF086  }
0x1c: {  	p1 =	slt.u32 s9, $0xF7A;
	s5 =	simm.s32 @!p2 $0x0  }
0x1d: {  	s5 =	simm.s32 @p1 $0x1;
	p0 =	seq.s32 s7, s2  }
0x1e: {  	s7 =	smul.u32 @!p0 $0xF7A, s2;
	p2 =	seq.s32 @!p0 s5, $0x0  }
0x1f: {  	s9 =	smul.u32 $0xF7A, s1;
	s8 =	simm.s32 @!p0 $0x1BF5;
	p2 =	por !p2, p0  }
0x20: {  	[sflag:s8] =	ssyncset.s32 @!p0 $0xFFFFF086;
	s6 =	sadd.s32 @!p0 s3, s7;
	s7 =	simm.s32 @!p0 $0x108  }
0x21: {  	s3 =	sadd.s32 s3, s9;
	s6 =	sadd.s32 @!p0 $0x88, s6;
	s7 =	simm.s32 @p2 $0x1082  }
0x22: {  	[simem:s7], [sflag:s8] =	dma.local @!p0 [hbm:s6], $0xF7A  }
0x23: {  	s9 =	sor.u32 $0xD0000000, s2;
	s6 =	simm.s32 $0x108;
	_ =	swait.ge @!p0 [sflag:s8], $0x0  }
0x24: {  	s3 =	sadd.s32 $0x88, s3;
	s6 =	simm.s32 @!p1 $0x1082;
	[sflag:s4] =	ssyncset.s32 $0xFFFFF086  }
0x25: {  	[simem:s6], [sflag:s4] =	dma.local [hbm:s3], $0xF7A  }
0x26: {  	[smem:$0x3F8F] =	sst s1;
	(tag) =	ssettag s2;
	_ =	strace s9  }
0x27: {  	s1 =	sld [smem:$0x3F9F]  }
0x28: {  	s2 =	sld [smem:$0x3FA0]  }
0x29: {  	s4 =	sld [smem:$0x3FA2]  }
0x2a: {  	p0 =	seq.s32 s5, $0x0;
	s5 =	sld [smem:$0x3FA3]  }
0x2b: {  	s6 =	sld [smem:$0x3FA4]  }
0x2c: {  	s7 =	sld [smem:$0x3FA5]  }
0x2d: {  	s3 =	simm.s32 $0x108;
	s8 =	sld [smem:$0x3FA6]  }
0x2e: {  	s3 =	simm.s32 @!p0 $0x1082;
	s9 =	sld [smem:$0x3FA7]  }
0x2f: {  	lr =	sadd.s32 s0, s3;
	s0 =	sld [smem:$0x3F9E]  }
0x30: {  	s3 =	sld [smem:$0x3FA1]  }
0x31: {  	[smem:$0x3FAA] =	sst s10  }
0x32: {  	s10 =	sld [smem:$0x3FA8];
	_ =	sdelay $0x3  }
0x33: {  	p0 =	seq.s32 s10, $0x1;
	s10 =	sld [smem:$0x3FAA];
	_ =	sdelay $0x3  }
0x34: {  	[smem:$0x3FAA] =	sst s10  }
0x35: {  	s10 =	sld [smem:$0x3FA9];
	_ =	sdelay $0x3  }
0x36: {  	p1 =	seq.s32 s10, $0x1;
	s10 =	sld [smem:$0x3FAA];
	_ =	sdelay $0x3  }
0x37: {  	[smem:$0x3FAA] =	sst s10  }
0x38: {  	s10 =	sld [smem:$0x3FAB]  }
0x39: {  	_ = 	snop;
	(pc) =	sbr.ind lr, $3  }
0x3a: {  	_ = 	snop  }
0x3b: {  	_ = 	snop  }
0x3c: {  	p2 =	seq.s32 s10, $0x1;
	s10 =	sld [smem:$0x3FAA]  }
0x3d: {  	_ =	shalt  }
0x3e: {  	_ =	shalt  }
0x3f: {  	_ =	shalt  }
0x40: {  	_ =	shalt  }
0x41: {  	_ =	shalt  }
0x42: {  	_ =	shalt  }
0x43: {  	_ =	shalt  }
0x44: {  	_ =	shalt  }
0x45: {  	_ =	shalt  }
0x46: {  	_ =	shalt  }
0x47: {  	_ =	shalt  }
0x48: {  	_ =	shalt  }
0x49: {  	_ =	shalt  }
0x4a: {  	_ =	shalt  }
0x4b: {  	_ =	shalt  }
0x4c: {  	_ =	shalt  }
0x4d: {  	_ =	shalt  }
0x4e: {  	_ =	shalt  }
0x4f: {  	_ =	shalt  }
0x50: {  	_ =	shalt  }
0x51: {  	_ =	shalt  }
0x52: {  	_ =	shalt  }
0x53: {  	_ =	shalt  }
0x54: {  	_ =	shalt  }
0x55: {  	_ =	shalt  }
0x56: {  	_ =	shalt  }
0x57: {  	_ =	shalt  }
0x58: {  	_ =	shalt  }
0x59: {  	_ =	shalt  }
0x5a: {  	_ =	shalt  }
0x5b: {  	_ =	shalt  }
0x5c: {  	_ =	shalt  }
0x5d: {  	_ =	shalt  }
0x5e: {  	_ =	shalt  }
0x5f: {  	_ =	shalt  }
0x60: {  	_ =	shalt  }
0x61: {  	_ =	shalt  }
0x62: {  	_ =	shalt  }
0x63: {  	_ =	shalt  }
0x64: {  	_ =	shalt  }
0x65: {  	_ =	shalt  }
0x66: {  	_ =	shalt  }
0x67: {  	_ =	shalt  }
0x68: {  	_ =	shalt  }
0x69: {  	_ =	shalt  }
0x6a: {  	_ =	shalt  }
0x6b: {  	_ =	shalt  }
0x6c: {  	_ =	shalt  }
0x6d: {  	_ =	shalt  }
0x6e: {  	_ =	shalt  }
0x6f: {  	_ =	shalt  }
0x70: {  	_ =	shalt  }
0x71: {  	_ =	shalt  }
0x72: {  	_ =	shalt  }
0x73: {  	_ =	shalt  }
0x74: {  	_ =	shalt  }
0x75: {  	_ =	shalt  }
0x76: {  	_ =	shalt  }
0x77: {  	_ =	shalt  }
0x78: {  	_ =	shalt  }
0x79: {  	_ =	shalt  }
0x7a: {  	_ =	shalt  }
0x7b: {  	_ =	shalt  }
0x7c: {  	_ =	shalt  }
0x7d: {  	_ =	shalt  }
0x7e: {  	_ =	shalt  }
0x7f: {  	_ =	shalt  }
0x80: {  	_ =	shalt  }
0x81: {  	_ =	shalt  }
0x82: {  	_ =	shalt  }
0x83: {  	_ =	shalt  }
0x84: {  	_ =	shalt  }
0x85: {  	_ =	shalt  }
0x86: {  	_ =	shalt  }
0x87: {  	_ =	shalt  }
.Lfunc_end0:
.L_simem_size_0:
called_computation.3_lowered:
.L_overlay_start_0:
0x88: {  	s2 =	sld [smem:$0x3FD9]  }
0x89: {  	s3 =	sld [smem:$0x3FFE];
	_ =	sdelay $0x1  }
0x8a: {  	s1 =	srdreg.scid  }
0x8b: {  	s0 =	sand.u32 $0x1, s1  }
0x8c: {  	s16 =	sshll.u32 s0, $0xA;
	s2 =	sadd.s32 s3, s2  }
0x8d: {  	s2 =	sadd.s32 s2, s16  }
0x8e: {  	[smem:$0x3FB6] =	sst s2  }
0x8f: {  	_ = 	snop  }
0x90: {  	(tm) =	ssettm $0x1  }
0x91: {  	s17 =	sld [smem:$0x3FFB];
	_ =	sdelay $0x3  }
0x92: {  	_ =	strace s17  }
0x93: {  	s2 =	sld [smem:$0x3FFC];
	_ =	sdelay $0x3  }
0x94: {  	_ =	strace s2  }
0x95: {  	s2 =	sld [smem:$0x3FFD];
	_ =	sdelay $0x3  }
0x96: {  	_ =	strace s2  }
0x97: {  	_ =	strace $0x8FFFFFFF  }
0x98: {  	s18 =	sld [smem:$0x3FDB];
	_ =	sdelay $0x1  }
0x99: {  	s19 =	simm.s32 $_scs_section_size  }
0x9a: {  	s4 =	simm.s32 $_size__tile_overlayer_lowered;
	s5 =	simm.s32 $_tile_overlayer_lowered  }
0x9b: {  	s22 =	simm.s32 $0x1BFF;
	s21 =	sshll.u32 s5, $0x1;
	s2 =	sadd.s32 s19, s18  }
0x9c: {  	s6 =	simm.s32 $0x0;
	s20 =	sshll.u32 s4, $0x1;
	s4 =	sadd.s32 s21, s2  }
0x9d: {  	[timem:s6], [sflag:s22] =	dma.local [hbm:s4], s20  }
0x9e: {  	_ =	swait.ge [sflag:s22], s20  }
0x9f: {  	s3 =	ssub.s32 $0x0, s20;
	[sflag:s22] =	ssyncset.done $0x0  }
0xa0: {  	[sflag:s22] =	ssyncadd.s32 s3;
	_ =	sdelay $0x1  }
0xa1: {  	s23 =	simm.s32 $0x1B8B  }
0xa2: {  	_ =	swait.ge [sflag:s23], $0x1  }
0xa3: {  	[sflag:s23] =	ssyncset.done $0x0  }
0xa4: {  	s25 =	simm.s32 $0x1B8E;
	s24 =	sld [smem:$0x3FFE];
	[sflag:s23] =	ssyncadd.s32 $0xFFFFFFFF  }
0xa5: {  	s26 =	simm.s32 $execute0_lowered;
	[smem:$0x3FD2] =	sst s25  }
0xa6: {  	s4 =	sshll.u32 s26, $0x1;
	_ =	strace $0x8000004F;
	[dreg:$0x1] =	wrdreg $0xFFFFFFFF  }
0xa7: {  	s28 =	simm.s32 $_size_execute0_lowered;
	s2 =	sadd.s32 s2, s4;
	[dreg:$0x0] =	wrdreg $0x0  }
0xa8: {  	s4 =	sshll.u32 s28, $0x1;
	[dreg:$0x2] =	wrdreg s2  }
0xa9: {  	[dreg:$0x3] =	wrdreg s4  }
0xaa: {  	[dreg:$0x4] =	wrdreg $0xC0  }
0xab: {  	_ =	task [dreg:s6], $0x5FFFF  }
0xac: {  	[dreg:$0x1] =	wrdreg $0xFFFFFFFF  }
0xad: {  	[dreg:$0x0] =	wrdreg $0x60  }
0xae: {  	[dreg:$0x2] =	wrdreg s24  }
0xaf: {  	[dreg:$0x3] =	wrdreg $0x2A000  }
0xb0: {  	[dreg:$0x4] =	wrdreg $0x9  }
0xb1: {  	_ =	task.clear_ibuf [dreg:s6], $0x5FFFF;
	_ =	strace $0x9000004F  }
0xb2: {  	s29 =	simm.s32 $0x9;
	_ =	strace $0x80000051  }
0xb3: {  	_ =	swait.ge [sflag:s29], $0x1  }
0xb4: {  	[sflag:s29] =	ssyncadd.s32 $0xFFFFFFFF  }
0xb5: {  	_ =	strace $0x90000051  }
0xb6: {  	_ =	sfence  }
0xb7: {  	s30 =	sld [smem:$0x0];
	_ =	sdelay $0x2  }
0xb8: {  	s31 =	sshll.u32 s1, $0xD;
	s1 =	sshrl.u32 s1, $0x2  }
0xb9: {  	s3 =	sand.u32 $0x4000, s31;
	s1 =	sadd.s32 s1, s30  }
0xba: {  	s0 =	sor.u32 s3, s0;
	s1 =	sshll.u32 s1, $0x11  }
0xbb: {  	s0 =	sor.u32 s1, s0  }
0xbc: {  	s0 =	sadd.s32 $0x8F2B, s0  }
0xbd: {  	[sflag:s0] =	ssyncadd.remote.s32 $0x1  }
0xbe: {  	_ =	sfence.sel $0xFFFF  }
0xbf: {  	[dreg:$0x0] =	wrdreg $0xFFFFFFFF;
	(pc) =	sbr.abs _section_cstart, $3  }
0xc0: {  	[dreg:$0x1] =	wrdreg $0xFFFFFFFF  }
0xc1: {  	_ =	task.clear_ibuf [dreg:s6], $0x2FFFF;
	_ =	strace $0x9FFFFFFF  }
0xc2: {  	(tm) =	ssettm $0x7FFFFFFF  }
0xc3: {  	_ =	shalt  }
tec
execute0_lowered:
.L_overlay_start_1:
0x0: {  	(tag) =	ssettag $0x1  }
0x1: {  	s0 =	rddreg [dreg:$0x0]  }
0x2: {  	s1 =	rddreg [dreg:$0x1]  }
0x3: {  	s2 =	simm.s32 $0x0;
	s8 =	srdreg.scid;
	s12 =	stileid.u32  }
0x4: {  	s28 =	simm.s32 $0x100;
	s29 =	simm.s32 $0x2;
	s30 =	simm.s32 $0x1600  }
0x5: {  	s31 =	simm.s32 $0x3;
	[smem:$0x7FF] =	sst s2;
	s3 =	sadd.s32 $0x18C00, s0  }
0x6: {  	s4 =	sadd.s32 $0x3FE00, s0;
	s5 =	sadd.s32 $0xEC00, s0;
	s7 =	sadd.s32 $0x13C00, s0  }
0x7: {  	s6 =	sadd.s32 $0x67E00, s0;
	s16 =	sand.u32 $0x1, s8;
	s10 =	smul.u32 $0x4E000, s12  }
0x8: {  	s21 =	sadd.s32 $0x6A600, s0;
	s18 =	sadd.s32 $0x91800, s0;
	s13 =	smul.u32 $0x2710, s12  }
0x9: {  	s24 =	sshll.u32 s12, $0x6;
	s11 =	sadd.s32 $0x138000, s1;
	s17 =	smul.u32 $0x2700, s12  }
0xa: {  	s20 =	smul.u32 $0x4E2, s12;
	p0 =	sne.s32 s12, $0xF;
	p2 =	seq.s32 s12, $0xF  }
0xb: {  	_ =	strace $0x80000050;
	s9 =	ssub.s32 $0x2, s16;
	[dreg:$0x4] =	wrdreg s18  }
0xc: {  	[dreg:$0x3] =	wrdreg s21;
	p1 =	sne.s32 s16, $0x0;
	s16 =	simm.s32 $0x0  }
0xd: {  	s22 =	sshrl.u32 s9, $0x1;
	s23 =	sshrl.u32 s10, $0x2;
	s10 =	sor.u32 $0x1C06, s24  }
0xe: {  	s14 =	sshrl.u32 s13, $0x3;
	s15 =	sadd.s32 $0x28, s13;
	s26 =	sadd.s32 s18, s17  }
0xf: {  	s8 =	sadd.s32 s21, s17;
	s19 =	sadd.s32 s20, s7;
	s20 =	sadd.s32 s20, s5  }
0x10: {  	s21 =	simm.s32 $0x6;
	s24 =	simm.s32 $0x1580;
	s0 =	ssub.s32 s9, s22  }
0x11: {  	s9 =	sadd.s32 s23, s1;
	s25 =	sadd.s32 s5, s14;
	[dreg:$0x7] =	wrdreg s26  }
.Ltmp0:
0x12: {  	s13 =	sadd.s32 s7, s14;
	[dreg:$0x8] =	wrdreg s8;
	(pc) =	sbr.rel .LBB2_1-.Ltmp0, $4  }
0x13: {  	s15 =	sshrl.u32 s15, $0x3;
	s22 =	simm.s32 $0x80;
	[dreg:$0x5] =	wrdreg s9  }
0x14: {  	s23 =	simm.s32 $0x1500;
	s26 =	simm.s32 $0x28;
	[dreg:$0x6] =	wrdreg s25  }
0x15: {  	s14 =	sadd.s32 s5, s15;
	s15 =	sadd.s32 s7, s15;
	s18 =	smax.u32 s0, $0x1  }
0x16: {  	s25 =	simm.s32 $0x1;
	s0 =	simm.s32 $0x4;
	s5 =	simm.s32 $0x5  }
.LBB2_8:
0x17: {  	s7 =	sadd.s32 $0x27000, s7;
	s8 =	sshrl.u32 s11, $0x3  }
0x18: {  	[hbm:s7], [sflag:s10] =	dma.local [spmem:s8], $0x100  }
0x19: {  	_ =	swait.ge [sflag:s21], $0x100  }
0x1a: {  	[sflag:s21] =	ssyncset.done $0x0  }
0x1b: {  	[sflag:s21] =	ssyncadd.s32 $0xFFFFFF00  }
.LBB2_9:
0x1c: {  	s16 =	sadd.s32 $0x1, s16  }
0x1d: {  	p3 =	sne.s32 s16, s18  }
.Ltmp1:
0x1e: {  	_ = 	snop;
	(pc) =	sbr.rel @!p3 .LBB2_10-.Ltmp1, $1  }
0x1f: {  	_ =	sdelay $0x3  }
.LBB2_1:
0x20: {  	s7 =	rddreg [dreg:$0x5]  }
0x21: {  	s17 =	sshrl.u32 s7, $0x3  }
0x22: {  	[spmem:s17], [sflag:s10] =	dma.local [hbm:s6], $0x2700  }
0x23: {  	_ =	swait.ge [sflag:s21], $0x2700  }
0x24: {  	[sflag:s21] =	ssyncset.done $0x0  }
0x25: {  	s7 =	sshrl.u32 @!p0 s11, $0x3;
	[sflag:s21] =	ssyncadd.s32 $0xFFFFD900  }
0x26: {  	[spmem:s7], [sflag:s10] =	dma.local @!p0 [hbm:s6], $0x100  }
0x27: {  	s7 =	simm.s32 @!p0 $0x6  }
0x28: {  	_ =	swait.ge @!p0 [sflag:s7], $0x100  }
0x29: {  	[sflag:s7] =	ssyncset.done @!p0 $0x0  }
0x2a: {  	[sflag:s7] =	ssyncadd.s32 @!p0 $0xFFFFFF00  }
0x2b: {  	[bflag:$0x0] =	sbarrier.arrive $0xFFFF  }
0x2c: {  	s12 =	rddreg [dreg:$0x6]  }
0x2d: {  	[tilespmem:s2], [sflag:$0x1] =	stream.linear.gather [hbm4b:s12+s2], $0x28, $0x38;
	[tilespmem:$0x16280] =	vst v63  }
0x2e: {  	_ = 	snop  }
0x2f: {  	[tilespmem:s22], [sflag:$0x1] =	stream.linear.gather [hbm4b:s13+s2], $0x28, $0x38;
	[tilespmem:$0x16280] =	vst v63  }
0x30: {  	_ = 	snop  }
0x31: {  	[tilespmem:s23], [sflag:$0x2] =	stream.linear.gather [hbm4b:s14+s2], $0x28, $0x38;
	[tilespmem:$0x16280] =	vst v63  }
0x32: {  	_ = 	snop  }
0x33: {  	[tilespmem:s24], [sflag:$0x2] =	stream.linear.gather [hbm4b:s15+s2], $0x28, $0x38;
	[tilespmem:$0x16280] =	vst v63  }
0x34: {  	_ =	swait.ge [sflag:s25], $0x28  }
.Ltmp2:
0x35: {  	[sflag:s25] =	ssyncset.done $0x0;
	(pc) =	sbr.rel @p1 .LBB2_5-.Ltmp2, $4  }
0x36: {  	[sflag:s25] =	ssyncadd.s32 $0xFFFFFFD8  }
0x37: {  	_ =	swait.ge [sflag:s25], $0x28  }
0x38: {  	[sflag:s25] =	ssyncset.done $0x0  }
0x39: {  	[sflag:s25] =	ssyncadd.s32 $0xFFFFFFD8  }
0x3a: {  	[tilespmem:s28], [sflag:$0x3] =	stream.indirect.gather [hbm4b:s3+s26], $0x80, s2, s26, $0xb8;
	[tilespmem:$0x16280] =	vst v63  }
0x3b: {  	_ =	swait.ge [sflag:s29], $0x28  }
0x3c: {  	[sflag:s29] =	ssyncset.done $0x0  }
0x3d: {  	[sflag:s29] =	ssyncadd.s32 $0xFFFFFFD8  }
0x3e: {  	_ =	swait.ge [sflag:s29], $0x28  }
0x3f: {  	[sflag:s29] =	ssyncset.done $0x0  }
0x40: {  	[sflag:s29] =	ssyncadd.s32 $0xFFFFFFD8  }
0x41: {  	[tilespmem:s30], [sflag:$0x4] =	stream.indirect.gather [hbm4b:s3+s26], $0x80, s23, s26, $0xb8;
	[tilespmem:$0x16280] =	vst v63  }
0x42: {  	_ =	swait.ge [sflag:s31], $0x1400  }
0x43: {  	s7 =	sadd.s32 $0xFFFFFB28, s20;
	[sflag:s31] =	ssyncset.done $0x0  }
0x44: {  	s9 =	sadd.s32 $0xFFFFFB28, s19;
	s8 =	sadd.s32 $0x4E2, s7;
	[sflag:s31] =	ssyncadd.s32 $0xFFFFEC00  }
0x45: {  	[tilespmem:s2], [sflag:$0x1] =	stream.linear.gather [hbm4b:s8+s2], $0x28, $0x38;
	[tilespmem:$0x16280] =	vst v63  }
0x46: {  	s12 =	sadd.s32 $0x4E2, s9  }
0x47: {  	[tilespmem:s22], [sflag:$0x1] =	stream.linear.gather [hbm4b:s12+s2], $0x28, $0x38;
	[tilespmem:$0x16280] =	vst v63  }
0x48: {  	_ = 	snop  }
0x49: {  	[spmem:s1] =	stream.indirect.scatter.add.f32 [tilespmem:s28], [sflag:$0x5], $0x80, s22, s26, $0xb8;
	[tilespmem:$0x16280] =	vst v63  }
0x4a: {  	_ =	swait.ge [sflag:s0], $0x1400  }
0x4b: {  	[sflag:s0] =	ssyncset.done $0x0  }
0x4c: {  	s7 =	sadd.s32 $0x4E7, s7;
	[sflag:s0] =	ssyncadd.s32 $0xFFFFEC00  }
0x4d: {  	[tilespmem:s23], [sflag:$0x2] =	stream.linear.gather [hbm4b:s7+s2], $0x28, $0x38;
	[tilespmem:$0x16280] =	vst v63  }
0x4e: {  	s12 =	sadd.s32 $0x4E7, s9  }
0x4f: {  	[tilespmem:s24], [sflag:$0x2] =	stream.linear.gather [hbm4b:s12+s2], $0x28, $0x38;
	[tilespmem:$0x16280] =	vst v63  }
0x50: {  	_ = 	snop  }
0x51: {  	[spmem:s1] =	stream.indirect.scatter.add.f32 [tilespmem:s30], [sflag:$0x6], $0x80, s24, s26, $0xb8;
	[tilespmem:$0x16280] =	vst v63  }
0x52: {  	_ =	swait.ge [sflag:s21], $0x1400  }
0x53: {  	[sflag:s21] =	ssyncset.done $0x0  }
0x54: {  	[sflag:s21] =	ssyncadd.s32 $0xFFFFEC00  }
0x55: {  	_ =	swait.ge [sflag:s5], $0x1400  }
0x56: {  	[sflag:s5] =	ssyncset.done $0x0  }
0x57: {  	[sflag:s5] =	ssyncadd.s32 $0xFFFFEC00  }
0x58: {  	_ =	swait.ge [sflag:s25], $0x28  }
0x59: {  	[sflag:s25] =	ssyncset.done $0x0  }
0x5a: {  	[sflag:s25] =	ssyncadd.s32 $0xFFFFFFD8  }
0x5b: {  	_ =	swait.ge [sflag:s25], $0x28  }
0x5c: {  	[sflag:s25] =	ssyncset.done $0x0  }
0x5d: {  	s7 =	simm.s32 $0xFFFFFB32;
	[sflag:s25] =	ssyncadd.s32 $0xFFFFFFD8  }
.LBB2_3:
0x5e: {  	[tilespmem:s28], [sflag:$0x3] =	stream.indirect.gather [hbm4b:s3+s26], $0x80, s2, s26, $0xb8;
	[tilespmem:$0x16280] =	vst v63  }
0x5f: {  	s8 =	smov.u32 s7  }
0x60: {  	p3 =	sne.s32 s7, $0xFFFFFFF6;
	s7 =	sadd.s32 $0xA, s7;
	_ =	swait.ge [sflag:s29], $0x28  }
0x61: {  	[sflag:s29] =	ssyncset.done $0x0  }
0x62: {  	[sflag:s29] =	ssyncadd.s32 $0xFFFFFFD8  }
0x63: {  	_ =	swait.ge [sflag:s29], $0x28  }
0x64: {  	[sflag:s29] =	ssyncset.done $0x0  }
0x65: {  	[sflag:s29] =	ssyncadd.s32 $0xFFFFFFD8  }
0x66: {  	[tilespmem:s30], [sflag:$0x4] =	stream.indirect.gather [hbm4b:s3+s26], $0x80, s23, s26, $0xb8;
	[tilespmem:$0x16280] =	vst v63  }
0x67: {  	_ =	swait.ge [sflag:s31], $0x1400  }
0x68: {  	s9 =	sadd.s32 s8, s20;
	[sflag:s31] =	ssyncset.done $0x0  }
0x69: {  	s8 =	sadd.s32 s8, s19;
	s12 =	sadd.s32 $0x4E2, s9;
	[sflag:s31] =	ssyncadd.s32 $0xFFFFEC00  }
0x6a: {  	[tilespmem:s2], [sflag:$0x1] =	stream.linear.gather [hbm4b:s12+s2], $0x28, $0x38;
	[tilespmem:$0x16280] =	vst v63  }
0x6b: {  	s12 =	sadd.s32 $0x4E2, s8  }
0x6c: {  	[tilespmem:s22], [sflag:$0x1] =	stream.linear.gather [hbm4b:s12+s2], $0x28, $0x38;
	[tilespmem:$0x16280] =	vst v63  }
0x6d: {  	_ = 	snop  }
0x6e: {  	[spmem:s1] =	stream.indirect.scatter.add.f32 [tilespmem:s28], [sflag:$0x5], $0x80, s22, s26, $0xb8;
	[tilespmem:$0x16280] =	vst v63  }
0x6f: {  	_ =	swait.ge [sflag:s0], $0x1400  }
0x70: {  	[sflag:s0] =	ssyncset.done $0x0  }
0x71: {  	s9 =	sadd.s32 $0x4E7, s9;
	[sflag:s0] =	ssyncadd.s32 $0xFFFFEC00  }
0x72: {  	[tilespmem:s23], [sflag:$0x2] =	stream.linear.gather [hbm4b:s9+s2], $0x28, $0x38;
	[tilespmem:$0x16280] =	vst v63  }
0x73: {  	s8 =	sadd.s32 $0x4E7, s8  }
0x74: {  	[tilespmem:s24], [sflag:$0x2] =	stream.linear.gather [hbm4b:s8+s2], $0x28, $0x38;
	[tilespmem:$0x16280] =	vst v63  }
0x75: {  	_ = 	snop  }
0x76: {  	[spmem:s1] =	stream.indirect.scatter.add.f32 [tilespmem:s30], [sflag:$0x6], $0x80, s24, s26, $0xb8;
	[tilespmem:$0x16280] =	vst v63  }
0x77: {  	_ =	swait.ge [sflag:s21], $0x1400  }
0x78: {  	[sflag:s21] =	ssyncset.done $0x0  }
0x79: {  	[sflag:s21] =	ssyncadd.s32 $0xFFFFEC00  }
0x7a: {  	_ =	swait.ge [sflag:s5], $0x1400  }
0x7b: {  	[sflag:s5] =	ssyncset.done $0x0  }
0x7c: {  	[sflag:s5] =	ssyncadd.s32 $0xFFFFEC00  }
0x7d: {  	_ =	swait.ge [sflag:s25], $0x28  }
.Ltmp3:
0x7e: {  	[sflag:s25] =	ssyncset.done $0x0;
	(pc) =	sbr.rel @p3 .LBB2_3-.Ltmp3, $4  }
0x7f: {  	[sflag:s25] =	ssyncadd.s32 $0xFFFFFFD8  }
0x80: {  	_ =	swait.ge [sflag:s25], $0x28  }
0x81: {  	[sflag:s25] =	ssyncset.done $0x0  }
0x82: {  	[sflag:s25] =	ssyncadd.s32 $0xFFFFFFD8  }
0x83: {  	[tilespmem:s28], [sflag:$0x3] =	stream.indirect.gather [hbm4b:s3+s26], $0x80, s2, s26, $0xb8;
	[tilespmem:$0x16280] =	vst v63  }
0x84: {  	_ =	swait.ge [sflag:s29], $0x28  }
0x85: {  	[sflag:s29] =	ssyncset.done $0x0  }
0x86: {  	[sflag:s29] =	ssyncadd.s32 $0xFFFFFFD8  }
0x87: {  	_ =	swait.ge [sflag:s29], $0x28  }
0x88: {  	[sflag:s29] =	ssyncset.done $0x0  }
0x89: {  	[sflag:s29] =	ssyncadd.s32 $0xFFFFFFD8  }
0x8a: {  	[tilespmem:s30], [sflag:$0x4] =	stream.indirect.gather [hbm4b:s3+s26], $0x80, s23, s26, $0xb8;
	[tilespmem:$0x16280] =	vst v63  }
0x8b: {  	_ =	swait.ge [sflag:s31], $0x1400  }
0x8c: {  	[sflag:s31] =	ssyncset.done $0x0  }
0x8d: {  	[sflag:s31] =	ssyncadd.s32 $0xFFFFEC00  }
0x8e: {  	[spmem:s1] =	stream.indirect.scatter.add.f32 [tilespmem:s28], [sflag:$0x6], $0x80, s22, s26, $0xb8;
	[tilespmem:$0x16280] =	vst v63  }
0x8f: {  	_ =	swait.ge [sflag:s21], $0x1400  }
0x90: {  	[sflag:s21] =	ssyncset.done $0x0  }
0x91: {  	[sflag:s21] =	ssyncadd.s32 $0xFFFFEC00  }
0x92: {  	_ =	swait.ge [sflag:s0], $0x1400  }
0x93: {  	[sflag:s0] =	ssyncset.done $0x0  }
0x94: {  	[sflag:s0] =	ssyncadd.s32 $0xFFFFEC00  }
0x95: {  	[spmem:s1] =	stream.indirect.scatter.add.f32 [tilespmem:s30], [sflag:$0x6], $0x80, s24, s26, $0xb8;
	[tilespmem:$0x16280] =	vst v63  }
0x96: {  	_ =	swait.ge [sflag:s21], $0x1400  }
0x97: {  	[sflag:s21] =	ssyncset.done $0x0  }
0x98: {  	[sflag:s21] =	ssyncadd.s32 $0xFFFFEC00  }
0x99: {  	[bflag:$0x0] =	sbarrier.arrive $0xFFFF  }
0x9a: {  	s7 =	rddreg [dreg:$0x8]  }
0x9b: {  	[hbm:s7], [sflag:s10] =	dma.local [spmem:s17], $0x2700  }
.Ltmp4:
0x9c: {  	_ = 	snop;
	(pc) =	sbr.rel @p2 .LBB2_8-.Ltmp4, $4  }
.Ltmp5:
0x9d: {  	_ = 	snop;
	(pc) =	sbr.rel @!p2 .LBB2_9-.Ltmp5, $4  }
0x9e: {  	_ =	swait.ge [sflag:s21], $0x2700  }
0x9f: {  	[sflag:s21] =	ssyncset.done $0x0  }
0xa0: {  	s7 =	rddreg [dreg:$0x3];
	[sflag:s21] =	ssyncadd.s32 $0xFFFFD900  }
0xa1: {  	_ = 	snop  }
.LBB2_5:
0xa2: {  	[tilespmem:s28], [sflag:$0x3] =	stream.indirect.gather [hbm4b:s4+s26], $0x80, s2, s26, $0xb8;
	[tilespmem:$0x16280] =	vst v63  }
0xa3: {  	_ =	swait.ge [sflag:s29], $0x28  }
0xa4: {  	[sflag:s29] =	ssyncset.done $0x0  }
0xa5: {  	[sflag:s29] =	ssyncadd.s32 $0xFFFFFFD8  }
0xa6: {  	_ =	swait.ge [sflag:s29], $0x28  }
0xa7: {  	[sflag:s29] =	ssyncset.done $0x0  }
0xa8: {  	[sflag:s29] =	ssyncadd.s32 $0xFFFFFFD8  }
0xa9: {  	[tilespmem:s30], [sflag:$0x4] =	stream.indirect.gather [hbm4b:s4+s26], $0x80, s23, s26, $0xb8;
	[tilespmem:$0x16280] =	vst v63  }
0xaa: {  	_ =	swait.ge [sflag:s31], $0x1400  }
0xab: {  	s7 =	sadd.s32 $0xFFFFFB28, s20;
	[sflag:s31] =	ssyncset.done $0x0  }
0xac: {  	s9 =	sadd.s32 $0xFFFFFB28, s19;
	s8 =	sadd.s32 $0x4E2, s7;
	[sflag:s31] =	ssyncadd.s32 $0xFFFFEC00  }
0xad: {  	[tilespmem:s2], [sflag:$0x1] =	stream.linear.gather [hbm4b:s8+s2], $0x28, $0x38;
	[tilespmem:$0x16280] =	vst v63  }
0xae: {  	s12 =	sadd.s32 $0x4E2, s9  }
0xaf: {  	[tilespmem:s22], [sflag:$0x1] =	stream.linear.gather [hbm4b:s12+s2], $0x28, $0x38;
	[tilespmem:$0x16280] =	vst v63  }
0xb0: {  	_ = 	snop  }
0xb1: {  	[spmem:s1] =	stream.indirect.scatter.add.f32 [tilespmem:s28], [sflag:$0x5], $0x80, s22, s26, $0xb8;
	[tilespmem:$0x16280] =	vst v63  }
0xb2: {  	_ =	swait.ge [sflag:s0], $0x1400  }
0xb3: {  	[sflag:s0] =	ssyncset.done $0x0  }
0xb4: {  	s7 =	sadd.s32 $0x4E7, s7;
	[sflag:s0] =	ssyncadd.s32 $0xFFFFEC00  }
0xb5: {  	[tilespmem:s23], [sflag:$0x2] =	stream.linear.gather [hbm4b:s7+s2], $0x28, $0x38;
	[tilespmem:$0x16280] =	vst v63  }
0xb6: {  	s12 =	sadd.s32 $0x4E7, s9  }
0xb7: {  	[tilespmem:s24], [sflag:$0x2] =	stream.linear.gather [hbm4b:s12+s2], $0x28, $0x38;
	[tilespmem:$0x16280] =	vst v63  }
0xb8: {  	_ = 	snop  }
0xb9: {  	[spmem:s1] =	stream.indirect.scatter.add.f32 [tilespmem:s30], [sflag:$0x6], $0x80, s24, s26, $0xb8;
	[tilespmem:$0x16280] =	vst v63  }
0xba: {  	_ =	swait.ge [sflag:s21], $0x1400  }
0xbb: {  	[sflag:s21] =	ssyncset.done $0x0  }
0xbc: {  	[sflag:s21] =	ssyncadd.s32 $0xFFFFEC00  }
0xbd: {  	_ =	swait.ge [sflag:s5], $0x1400  }
0xbe: {  	[sflag:s5] =	ssyncset.done $0x0  }
0xbf: {  	[sflag:s5] =	ssyncadd.s32 $0xFFFFEC00  }
0xc0: {  	_ =	swait.ge [sflag:s25], $0x28  }
0xc1: {  	[sflag:s25] =	ssyncset.done $0x0  }
0xc2: {  	[sflag:s25] =	ssyncadd.s32 $0xFFFFFFD8  }
0xc3: {  	_ =	swait.ge [sflag:s25], $0x28  }
0xc4: {  	[sflag:s25] =	ssyncset.done $0x0  }
0xc5: {  	s7 =	simm.s32 $0xFFFFFB32;
	[sflag:s25] =	ssyncadd.s32 $0xFFFFFFD8  }
.LBB2_6:
0xc6: {  	[tilespmem:s28], [sflag:$0x3] =	stream.indirect.gather [hbm4b:s4+s26], $0x80, s2, s26, $0xb8;
	[tilespmem:$0x16280] =	vst v63  }
0xc7: {  	s8 =	smov.u32 s7  }
0xc8: {  	p3 =	sne.s32 s7, $0xFFFFFFF6;
	s7 =	sadd.s32 $0xA, s7;
	_ =	swait.ge [sflag:s29], $0x28  }
0xc9: {  	[sflag:s29] =	ssyncset.done $0x0  }
0xca: {  	[sflag:s29] =	ssyncadd.s32 $0xFFFFFFD8  }
0xcb: {  	_ =	swait.ge [sflag:s29], $0x28  }
0xcc: {  	[sflag:s29] =	ssyncset.done $0x0  }
0xcd: {  	[sflag:s29] =	ssyncadd.s32 $0xFFFFFFD8  }
0xce: {  	[tilespmem:s30], [sflag:$0x4] =	stream.indirect.gather [hbm4b:s4+s26], $0x80, s23, s26, $0xb8;
	[tilespmem:$0x16280] =	vst v63  }
0xcf: {  	_ =	swait.ge [sflag:s31], $0x1400  }
0xd0: {  	s9 =	sadd.s32 s8, s20;
	[sflag:s31] =	ssyncset.done $0x0  }
0xd1: {  	s8 =	sadd.s32 s8, s19;
	s12 =	sadd.s32 $0x4E2, s9;
	[sflag:s31] =	ssyncadd.s32 $0xFFFFEC00  }
0xd2: {  	[tilespmem:s2], [sflag:$0x1] =	stream.linear.gather [hbm4b:s12+s2], $0x28, $0x38;
	[tilespmem:$0x16280] =	vst v63  }
0xd3: {  	s12 =	sadd.s32 $0x4E2, s8  }
0xd4: {  	[tilespmem:s22], [sflag:$0x1] =	stream.linear.gather [hbm4b:s12+s2], $0x28, $0x38;
	[tilespmem:$0x16280] =	vst v63  }
0xd5: {  	_ = 	snop  }
0xd6: {  	[spmem:s1] =	stream.indirect.scatter.add.f32 [tilespmem:s28], [sflag:$0x5], $0x80, s22, s26, $0xb8;
	[tilespmem:$0x16280] =	vst v63  }
0xd7: {  	_ =	swait.ge [sflag:s0], $0x1400  }
0xd8: {  	[sflag:s0] =	ssyncset.done $0x0  }
0xd9: {  	s9 =	sadd.s32 $0x4E7, s9;
	[sflag:s0] =	ssyncadd.s32 $0xFFFFEC00  }
0xda: {  	[tilespmem:s23], [sflag:$0x2] =	stream.linear.gather [hbm4b:s9+s2], $0x28, $0x38;
	[tilespmem:$0x16280] =	vst v63  }
0xdb: {  	s8 =	sadd.s32 $0x4E7, s8  }
0xdc: {  	[tilespmem:s24], [sflag:$0x2] =	stream.linear.gather [hbm4b:s8+s2], $0x28, $0x38;
	[tilespmem:$0x16280] =	vst v63  }
0xdd: {  	_ = 	snop  }
0xde: {  	[spmem:s1] =	stream.indirect.scatter.add.f32 [tilespmem:s30], [sflag:$0x6], $0x80, s24, s26, $0xb8;
	[tilespmem:$0x16280] =	vst v63  }
0xdf: {  	_ =	swait.ge [sflag:s21], $0x1400  }
0xe0: {  	[sflag:s21] =	ssyncset.done $0x0  }
0xe1: {  	[sflag:s21] =	ssyncadd.s32 $0xFFFFEC00  }
0xe2: {  	_ =	swait.ge [sflag:s5], $0x1400  }
0xe3: {  	[sflag:s5] =	ssyncset.done $0x0  }
0xe4: {  	[sflag:s5] =	ssyncadd.s32 $0xFFFFEC00  }
0xe5: {  	_ =	swait.ge [sflag:s25], $0x28  }
.Ltmp6:
0xe6: {  	[sflag:s25] =	ssyncset.done $0x0;
	(pc) =	sbr.rel @p3 .LBB2_6-.Ltmp6, $4  }
0xe7: {  	[sflag:s25] =	ssyncadd.s32 $0xFFFFFFD8  }
0xe8: {  	_ =	swait.ge [sflag:s25], $0x28  }
0xe9: {  	[sflag:s25] =	ssyncset.done $0x0  }
0xea: {  	[sflag:s25] =	ssyncadd.s32 $0xFFFFFFD8  }
0xeb: {  	[tilespmem:s28], [sflag:$0x3] =	stream.indirect.gather [hbm4b:s4+s26], $0x80, s2, s26, $0xb8;
	[tilespmem:$0x16280] =	vst v63  }
0xec: {  	_ =	swait.ge [sflag:s29], $0x28  }
0xed: {  	[sflag:s29] =	ssyncset.done $0x0  }
0xee: {  	[sflag:s29] =	ssyncadd.s32 $0xFFFFFFD8  }
0xef: {  	_ =	swait.ge [sflag:s29], $0x28  }
0xf0: {  	[sflag:s29] =	ssyncset.done $0x0  }
0xf1: {  	[sflag:s29] =	ssyncadd.s32 $0xFFFFFFD8  }
0xf2: {  	[tilespmem:s30], [sflag:$0x4] =	stream.indirect.gather [hbm4b:s4+s26], $0x80, s23, s26, $0xb8;
	[tilespmem:$0x16280] =	vst v63  }
0xf3: {  	_ =	swait.ge [sflag:s31], $0x1400  }
0xf4: {  	[sflag:s31] =	ssyncset.done $0x0  }
0xf5: {  	[sflag:s31] =	ssyncadd.s32 $0xFFFFEC00  }
0xf6: {  	[spmem:s1] =	stream.indirect.scatter.add.f32 [tilespmem:s28], [sflag:$0x6], $0x80, s22, s26, $0xb8;
	[tilespmem:$0x16280] =	vst v63  }
0xf7: {  	_ =	swait.ge [sflag:s21], $0x1400  }
0xf8: {  	[sflag:s21] =	ssyncset.done $0x0  }
0xf9: {  	[sflag:s21] =	ssyncadd.s32 $0xFFFFEC00  }
0xfa: {  	_ =	swait.ge [sflag:s0], $0x1400  }
0xfb: {  	[sflag:s0] =	ssyncset.done $0x0  }
0xfc: {  	[sflag:s0] =	ssyncadd.s32 $0xFFFFEC00  }
0xfd: {  	[spmem:s1] =	stream.indirect.scatter.add.f32 [tilespmem:s30], [sflag:$0x6], $0x80, s24, s26, $0xb8;
	[tilespmem:$0x16280] =	vst v63  }
0xfe: {  	_ =	swait.ge [sflag:s21], $0x1400  }
0xff: {  	[sflag:s21] =	ssyncset.done $0x0  }
0x100: {  	[sflag:s21] =	ssyncadd.s32 $0xFFFFEC00  }
0x101: {  	[bflag:$0x0] =	sbarrier.arrive $0xFFFF  }
0x102: {  	s7 =	rddreg [dreg:$0x7]  }
0x103: {  	[hbm:s7], [sflag:s10] =	dma.local [spmem:s17], $0x2700  }
.Ltmp7:
0x104: {  	_ = 	snop;
	(pc) =	sbr.rel @p0 .LBB2_9-.Ltmp7, $4  }
.Ltmp8:
0x105: {  	_ = 	snop;
	(pc) =	sbr.rel @!p0 .LBB2_8-.Ltmp8, $4  }
0x106: {  	_ =	swait.ge [sflag:s21], $0x2700  }
0x107: {  	[sflag:s21] =	ssyncset.done $0x0  }
0x108: {  	s7 =	rddreg [dreg:$0x4];
	[sflag:s21] =	ssyncadd.s32 $0xFFFFD900  }
0x109: {  	_ = 	snop  }
.LBB2_10:
0x10a: {  	_ =	sfence.sel $0x180000  }
0x10b: {  	[bflag:$0x0] =	sbarrier.arrive $0xFFFF  }
0x10c: {  	_ =	strace $0x90000050  }
0x10d: {  	s0 =	stileid.u32;
	[bflag:$0x2] =	sbarrier.arrive $0xFFFF  }
0x10e: {  	p0 =	sne.s32 s0, $0x0;
	s0 =	rddreg [dreg:$0x2]  }
0x10f: {  	s0 =	sadd.s32 @!p0 $0x100000, s0  }
0x110: {  	[sflag:s0] =	ssyncadd.tile.s32 @!p0 $0x1;
	_ =	shalt  }
.Lfunc_end2:
_tile_overlayer_lowered:
.L_overlay_start_2:
0x111: {  	(tag) =	ssettag $0x2  }
0x112: {  	s0 =	rddreg [dreg:$0x0];
	s2 =	stileid.u32  }
0x113: {  	s1 =	rddreg [dreg:$0x1];
	p0 =	sne.s32 s2, $0x0  }
0x114: {  	s3 =	rddreg [dreg:$0x2];
	[bflag:$0x3] =	sbarrier.arrive $0xFFFF;
	s2 =	simm.s32 @!p0 $0x1C06  }
0x115: {  	[timem:s3], [sflag:s2] =	dma.local @!p0 [hbm:s0], s1  }
0x116: {  	s0 =	simm.s32 @!p0 $0x6  }
0x117: {  	_ =	swait.ge @!p0 [sflag:s0], s1  }
0x118: {  	s1 =	ssub.s32 @!p0 $0x0, s1;
	[sflag:s0] =	ssyncset.done @!p0 $0x0  }
0x119: {  	[sflag:s0] =	ssyncadd.s32 @!p0 s1  }
0x11a: {  	[bflag:$0x3] =	sbarrier.arrive $0xFFFF  }
0x11b: {  	_ =	shalt  }

// kernel: kernel.22.cloned.1.call-start
scs
__scs_entry_jumppad:
0x0: {  	(pc) =	sbr.rel $0x88, $3  }
0x1: {  	(tag) =	ssettag $0x0;
	lr =	simm.s32 $0x1  }
0x2: {  	[smem:$0x3F8F] =	sst lr;
	_ =	strace $0xD0000000  }
0x3: {  	_ = 	snop  }
0x4: {  	_ = 	snop  }
0x5: {  	_ = 	snop  }
0x6: {  	_ = 	snop  }
0x7: {  	_ = 	snop  }
__scs_overlays_trampoline_lowered:
0x8: {  	[smem:$0x3F9E] =	sst s0  }
0x9: {  	[smem:$0x3F9F] =	sst s1  }
0xa: {  	[smem:$0x3FA0] =	sst s2  }
0xb: {  	[smem:$0x3FA1] =	sst s3  }
0xc: {  	[smem:$0x3FA2] =	sst s4  }
0xd: {  	[smem:$0x3FA3] =	sst s5  }
0xe: {  	[smem:$0x3FA4] =	sst s6  }
0xf: {  	[smem:$0x3FA5] =	sst s7  }
0x10: {  	[smem:$0x3FA6] =	sst s8  }
0x11: {  	[smem:$0x3FA7] =	sst s9;
	s0 =	simm.s32 @!p0 $0x0  }
0x12: {  	s1 =	sld [smem:$0x3F8D];
	s0 =	simm.s32 @p0 $0x1  }
0x13: {  	[smem:$0x3FA8] =	sst s0;
	s0 =	simm.s32 @!p1 $0x0  }
0x14: {  	s2 =	sld [smem:$0x3F8C];
	s0 =	simm.s32 @p1 $0x1  }
0x15: {  	[smem:$0x3FA9] =	sst s0;
	s0 =	simm.s32 @!p2 $0x0  }
0x16: {  	s3 =	sld [smem:$0x3FDB];
	s0 =	simm.s32 @p2 $0x1  }
0x17: {  	s4 =	simm.s32 $0x1BF5;
	[smem:$0x3FAB] =	sst s0  }
0x18: {  	s0 =	sld [smem:$0x3F8E];
	_ =	swait.ge [sflag:s4], $0x0  }
0x19: {  	s7 =	sld [smem:$0x3F8F]  }
0x1a: {  	s8 =	sadd.s32 $0xFFFFE003, lr  }
0x1b: {  	s9 =	sadd.s32 $0xFFFFFEF7, lr;
	s5 =	simm.s32 $0xFFFFFFFF;
	p2 =	slt.u32 s8, $0xFFFFF086  }
0x1c: {  	p1 =	slt.u32 s9, $0xF7A;
	s5 =	simm.s32 @!p2 $0x0  }
0x1d: {  	s5 =	simm.s32 @p1 $0x1;
	p0 =	seq.s32 s7, s2  }
0x1e: {  	s7 =	smul.u32 @!p0 $0xF7A, s2;
	p2 =	seq.s32 @!p0 s5, $0x0  }
0x1f: {  	s9 =	smul.u32 $0xF7A, s1;
	s8 =	simm.s32 @!p0 $0x1BF5;
	p2 =	por !p2, p0  }
0x20: {  	[sflag:s8] =	ssyncset.s32 @!p0 $0xFFFFF086;
	s6 =	sadd.s32 @!p0 s3, s7;
	s7 =	simm.s32 @!p0 $0x108  }
0x21: {  	s3 =	sadd.s32 s3, s9;
	s6 =	sadd.s32 @!p0 $0x88, s6;
	s7 =	simm.s32 @p2 $0x1082  }
0x22: {  	[simem:s7], [sflag:s8] =	dma.local @!p0 [hbm:s6], $0xF7A  }
0x23: {  	s9 =	sor.u32 $0xD0000000, s2;
	s6 =	simm.s32 $0x108;
	_ =	swait.ge @!p0 [sflag:s8], $0x0  }
0x24: {  	s3 =	sadd.s32 $0x88, s3;
	s6 =	simm.s32 @!p1 $0x1082;
	[sflag:s4] =	ssyncset.s32 $0xFFFFF086  }
0x25: {  	[simem:s6], [sflag:s4] =	dma.local [hbm:s3], $0xF7A  }
0x26: {  	[smem:$0x3F8F] =	sst s1;
	(tag) =	ssettag s2;
	_ =	strace s9  }
0x27: {  	s1 =	sld [smem:$0x3F9F]  }
0x28: {  	s2 =	sld [smem:$0x3FA0]  }
0x29: {  	s4 =	sld [smem:$0x3FA2]  }
0x2a: {  	p0 =	seq.s32 s5, $0x0;
	s5 =	sld [smem:$0x3FA3]  }
0x2b: {  	s6 =	sld [smem:$0x3FA4]  }
0x2c: {  	s7 =	sld [smem:$0x3FA5]  }
0x2d: {  	s3 =	simm.s32 $0x108;
	s8 =	sld [smem:$0x3FA6]  }
0x2e: {  	s3 =	simm.s32 @!p0 $0x1082;
	s9 =	sld [smem:$0x3FA7]  }
0x2f: {  	lr =	sadd.s32 s0, s3;
	s0 =	sld [smem:$0x3F9E]  }
0x30: {  	s3 =	sld [smem:$0x3FA1]  }
0x31: {  	[smem:$0x3FAA] =	sst s10  }
0x32: {  	s10 =	sld [smem:$0x3FA8];
	_ =	sdelay $0x3  }
0x33: {  	p0 =	seq.s32 s10, $0x1;
	s10 =	sld [smem:$0x3FAA];
	_ =	sdelay $0x3  }
0x34: {  	[smem:$0x3FAA] =	sst s10  }
0x35: {  	s10 =	sld [smem:$0x3FA9];
	_ =	sdelay $0x3  }
0x36: {  	p1 =	seq.s32 s10, $0x1;
	s10 =	sld [smem:$0x3FAA];
	_ =	sdelay $0x3  }
0x37: {  	[smem:$0x3FAA] =	sst s10  }
0x38: {  	s10 =	sld [smem:$0x3FAB]  }
0x39: {  	_ = 	snop;
	(pc) =	sbr.ind lr, $3  }
0x3a: {  	_ = 	snop  }
0x3b: {  	_ = 	snop  }
0x3c: {  	p2 =	seq.s32 s10, $0x1;
	s10 =	sld [smem:$0x3FAA]  }
0x3d: {  	_ =	shalt  }
0x3e: {  	_ =	shalt  }
0x3f: {  	_ =	shalt  }
0x40: {  	_ =	shalt  }
0x41: {  	_ =	shalt  }
0x42: {  	_ =	shalt  }
0x43: {  	_ =	shalt  }
0x44: {  	_ =	shalt  }
0x45: {  	_ =	shalt  }
0x46: {  	_ =	shalt  }
0x47: {  	_ =	shalt  }
0x48: {  	_ =	shalt  }
0x49: {  	_ =	shalt  }
0x4a: {  	_ =	shalt  }
0x4b: {  	_ =	shalt  }
0x4c: {  	_ =	shalt  }
0x4d: {  	_ =	shalt  }
0x4e: {  	_ =	shalt  }
0x4f: {  	_ =	shalt  }
0x50: {  	_ =	shalt  }
0x51: {  	_ =	shalt  }
0x52: {  	_ =	shalt  }
0x53: {  	_ =	shalt  }
0x54: {  	_ =	shalt  }
0x55: {  	_ =	shalt  }
0x56: {  	_ =	shalt  }
0x57: {  	_ =	shalt  }
0x58: {  	_ =	shalt  }
0x59: {  	_ =	shalt  }
0x5a: {  	_ =	shalt  }
0x5b: {  	_ =	shalt  }
0x5c: {  	_ =	shalt  }
0x5d: {  	_ =	shalt  }
0x5e: {  	_ =	shalt  }
0x5f: {  	_ =	shalt  }
0x60: {  	_ =	shalt  }
0x61: {  	_ =	shalt  }
0x62: {  	_ =	shalt  }
0x63: {  	_ =	shalt  }
0x64: {  	_ =	shalt  }
0x65: {  	_ =	shalt  }
0x66: {  	_ =	shalt  }
0x67: {  	_ =	shalt  }
0x68: {  	_ =	shalt  }
0x69: {  	_ =	shalt  }
0x6a: {  	_ =	shalt  }
0x6b: {  	_ =	shalt  }
0x6c: {  	_ =	shalt  }
0x6d: {  	_ =	shalt  }
0x6e: {  	_ =	shalt  }
0x6f: {  	_ =	shalt  }
0x70: {  	_ =	shalt  }
0x71: {  	_ =	shalt  }
0x72: {  	_ =	shalt  }
0x73: {  	_ =	shalt  }
0x74: {  	_ =	shalt  }
0x75: {  	_ =	shalt  }
0x76: {  	_ =	shalt  }
0x77: {  	_ =	shalt  }
0x78: {  	_ =	shalt  }
0x79: {  	_ =	shalt  }
0x7a: {  	_ =	shalt  }
0x7b: {  	_ =	shalt  }
0x7c: {  	_ =	shalt  }
0x7d: {  	_ =	shalt  }
0x7e: {  	_ =	shalt  }
0x7f: {  	_ =	shalt  }
0x80: {  	_ =	shalt  }
0x81: {  	_ =	shalt  }
0x82: {  	_ =	shalt  }
0x83: {  	_ =	shalt  }
0x84: {  	_ =	shalt  }
0x85: {  	_ =	shalt  }
0x86: {  	_ =	shalt  }
0x87: {  	_ =	shalt  }
.Lfunc_end0:
.L_simem_size_0:
called_computation.4_lowered:
.L_overlay_start_0:
0x88: {  	s2 =	sld [smem:$0x3FD9]  }
0x89: {  	s3 =	sld [smem:$0x3FFE];
	_ =	sdelay $0x1  }
0x8a: {  	s1 =	srdreg.scid  }
0x8b: {  	s0 =	sand.u32 $0x1, s1  }
0x8c: {  	s17 =	sshll.u32 s0, $0xA;
	s2 =	sadd.s32 s3, s2  }
0x8d: {  	s2 =	sadd.s32 s2, s17  }
0x8e: {  	[smem:$0x3FB6] =	sst s2  }
0x8f: {  	_ = 	snop  }
0x90: {  	s2 =	sld [smem:$0x3FD0];
	(tm) =	ssettm $0x1  }
0x91: {  	s18 =	sld [smem:$0x3FFB];
	_ =	sdelay $0x3  }
0x92: {  	_ =	strace s18  }
0x93: {  	s3 =	sld [smem:$0x3FFC];
	_ =	sdelay $0x3  }
0x94: {  	_ =	strace s3  }
0x95: {  	s3 =	sld [smem:$0x3FFD];
	_ =	sdelay $0x3  }
0x96: {  	_ =	strace s3  }
0x97: {  	_ =	strace $0x8FFFFFFF  }
0x98: {  	s19 =	sld [smem:$0x3FDB];
	_ =	sdelay $0x1  }
0x99: {  	s4 =	simm.s32 $_scs_section_size  }
0x9a: {  	s5 =	simm.s32 $_size__tile_overlayer_lowered;
	s6 =	simm.s32 $_tile_overlayer_lowered  }
0x9b: {  	s22 =	simm.s32 $0x1BFF;
	s21 =	sshll.u32 s6, $0x1;
	s3 =	sadd.s32 s4, s19  }
0x9c: {  	s7 =	simm.s32 $0x0;
	s20 =	sshll.u32 s5, $0x1;
	s5 =	sadd.s32 s21, s3  }
0x9d: {  	[timem:s7], [sflag:s22] =	dma.local [hbm:s5], s20  }
0x9e: {  	_ =	swait.ge [sflag:s22], s20  }
0x9f: {  	s4 =	ssub.s32 $0x0, s20;
	[sflag:s22] =	ssyncset.done $0x0  }
0xa0: {  	[sflag:s22] =	ssyncadd.s32 s4;
	_ =	sdelay $0x1  }
0xa1: {  	s23 =	simm.s32 $0x1B8B  }
0xa2: {  	_ =	swait.ge [sflag:s23], $0x1  }
0xa3: {  	[sflag:s23] =	ssyncset.done $0x0  }
0xa4: {  	s25 =	simm.s32 $0x1B8E;
	s24 =	sld [smem:$0x3FFE];
	[sflag:s23] =	ssyncadd.s32 $0xFFFFFFFF  }
0xa5: {  	s26 =	simm.s32 $execute0_lowered;
	[smem:$0x3FD2] =	sst s25  }
0xa6: {  	s5 =	sshll.u32 s26, $0x1;
	_ =	strace $0x80000052;
	[dreg:$0x1] =	wrdreg $0xFFFFFFFF  }
0xa7: {  	s28 =	simm.s32 $_size_execute0_lowered;
	s3 =	sadd.s32 s3, s5;
	[dreg:$0x0] =	wrdreg $0x0  }
0xa8: {  	s5 =	sshll.u32 s28, $0x1;
	[dreg:$0x2] =	wrdreg s3  }
0xa9: {  	[dreg:$0x3] =	wrdreg s5  }
0xaa: {  	[dreg:$0x4] =	wrdreg $0xC0  }
0xab: {  	_ =	task [dreg:s7], $0x5FFFF  }
0xac: {  	[dreg:$0x1] =	wrdreg $0xFFFFFFFF  }
0xad: {  	[dreg:$0x0] =	wrdreg $0x60  }
0xae: {  	[dreg:$0x2] =	wrdreg s24  }
0xaf: {  	[dreg:$0x3] =	wrdreg s2  }
0xb0: {  	[dreg:$0x4] =	wrdreg $0x9  }
0xb1: {  	_ =	task.clear_ibuf [dreg:s7], $0x5FFFF;
	_ =	strace $0x90000052  }
0xb2: {  	s29 =	simm.s32 $0x9;
	_ =	strace $0x80000054  }
0xb3: {  	_ =	swait.ge [sflag:s29], $0x1  }
0xb4: {  	[sflag:s29] =	ssyncadd.s32 $0xFFFFFFFF  }
0xb5: {  	_ =	strace $0x90000054  }
0xb6: {  	_ =	sfence  }
0xb7: {  	s30 =	sld [smem:$0x0];
	_ =	sdelay $0x2  }
0xb8: {  	s31 =	sshll.u32 s1, $0xD;
	s1 =	sshrl.u32 s1, $0x2  }
0xb9: {  	s3 =	sand.u32 $0x4000, s31;
	s1 =	sadd.s32 s1, s30  }
0xba: {  	s0 =	sor.u32 s3, s0;
	s1 =	sshll.u32 s1, $0x11  }
0xbb: {  	s0 =	sor.u32 s1, s0  }
0xbc: {  	s0 =	sadd.s32 $0x8F2B, s0  }
0xbd: {  	[sflag:s0] =	ssyncadd.remote.s32 $0x1  }
0xbe: {  	_ =	sfence.sel $0xFFFF  }
0xbf: {  	[dreg:$0x0] =	wrdreg $0xFFFFFFFF;
	(pc) =	sbr.abs _section_cstart, $3  }
0xc0: {  	[dreg:$0x1] =	wrdreg $0xFFFFFFFF  }
0xc1: {  	_ =	task.clear_ibuf [dreg:s7], $0x2FFFF;
	_ =	strace $0x9FFFFFFF  }
0xc2: {  	(tm) =	ssettm $0x7FFFFFFF  }
0xc3: {  	_ =	shalt  }
tec
execute0_lowered:
.L_overlay_start_1:
0x0: {  	(tag) =	ssettag $0x1  }
0x1: {  	s4 =	rddreg [dreg:$0x0]  }
0x2: {  	s5 =	rddreg [dreg:$0x1]  }
0x3: {  	s0 =	rddreg [dreg:$0x2];
	s1 =	simm.s32 $0x0  }
0x4: {  	s2 =	srdreg.scid;
	[smem:$0x7FF] =	sst s1  }
0x5: {  	s6 =	sand.u32 $0x1, s2;
	s3 =	sadd.s32 $0x4C00, s4;
	s2 =	stileid.u32  }
0x6: {  	_ =	strace $0x80000053;
	s7 =	ssub.s32 $0x2, s6;
	s8 =	sshll.u32 s2, $0x5  }
.Ltmp0:
0x7: {  	s9 =	sshll.u32 s2, $0xD;
	p0 =	seq.s32 s6, $0x1;
	(pc) =	sbr.rel .LBB2_1-.Ltmp0, $4  }
0x8: {  	s10 =	sshrl.u32 s7, $0x1;
	s11 =	sadd.s32 s8, s4;
	s9 =	sadd.s32 s9, s4  }
0x9: {  	v0 =	vlaneseq.u32;
	s5 =	sadd.s32 s5, s8;
	s7 =	ssub.s32 s7, s10;
	s4 =	sadd.s32 $0x67000, s11  }
0xa: {  	v1 =	vshrl.u32 v0, $0x3;
	s8 =	sadd.s32 $0x87200, s9;
	s10 =	simm.s32 $0x100;
	s11 =	simm.s32 $0x0  }
0xb: {  	vm0 =	vmmov $0xffff;
	v0 =	vand.u32 $0x7, v0;
	v1 =	vmul.u32 $0x8, v1;
	s6 =	smax.u32 s7, $0x1;
	s7 =	sadd.s32 $0x67200, s9;
	s9 =	simm.s32 $0x1  }
.LBB2_7:
0xc: {  	s13 =	sshra.s32 s13, $0x2;
	[sflag:s9] =	ssyncadd.s32 $0xFFFFF800  }
0xd: {  	v2 =	vld.msk [tilespmem:s13+$0x0], $0xff;
	_ =	sdelay $0x4  }
0xe: {  	v3 =	vshll.u32 v2, $0x1  }
0xf: {  	v2 =	vand.u32 $0x7, v2;
	v3 =	vand.u32 $0xFFFFFFF0, v3  }
0x10: {  	v2 =	vor.u32 v2, v3  }
0x11: {  	v2 =	vperm.xlane v2, v0;
	_ =	sdelay $0x1  }
0x12: {  	v2 =	vadd.s32 v1, v2;
	_ =	sdelay $0x4  }
0x13: {  	[tilespmem:s10], [sflag:$0x1] =	stream.indirect_vreg.gather [hbm4b:s3+s1], $0x80, v2, vm0, $0xb8;
	[tilespmem:$0x900] =	vst v63  }
0x14: {  	_ =	swait.ge [sflag:s9], $0x800  }
0x15: {  	[sflag:s9] =	ssyncset.done $0x0  }
0x16: {  	[sflag:s9] =	ssyncadd.s32 $0xFFFFF800  }
0x17: {  	[hbm4b:s12+s1] =	stream.linear.scatter [tilespmem:s10], [sflag:$0x1], $0x800, $0x38;
	[tilespmem:$0x900] =	vst v63  }
0x18: {  	_ =	swait.ge [sflag:s9], $0x800  }
0x19: {  	[sflag:s9] =	ssyncset.done $0x0  }
0x1a: {  	[sflag:s9] =	ssyncadd.s32 $0xFFFFF800  }
.LBB2_8:
0x1b: {  	s11 =	sadd.s32 $0x1, s11  }
0x1c: {  	p1 =	sne.s32 s11, s6  }
.Ltmp1:
0x1d: {  	_ = 	snop;
	(pc) =	sbr.rel @!p1 .LBB2_9-.Ltmp1, $1  }
0x1e: {  	_ =	sdelay $0x3  }
.LBB2_1:
.Ltmp2:
0x1f: {  	(pc) =	sbr.rel @!p0 .LBB2_2-.Ltmp2, $2  }
0x20: {  	_ =	sdelay $0x2  }
0x21: {  	s12 =	simm.s32 $0x0  }
0x22: {  	[tilespmem:s12], [sflag:$0x1] =	stream.linear.gather [hbm4b:s5+s12], $0x100, $0x38;
	[tilespmem:$0x900] =	vst v63  }
0x23: {  	_ =	swait.ge [sflag:s9], $0x100  }
0x24: {  	[sflag:s9] =	ssyncset.done $0x0  }
0x25: {  	s31 =	simm.s32 $0x0;
	[sflag:s9] =	ssyncadd.s32 $0xFFFFFF00  }
0x26: {  	v2 =	vld.msk [tilespmem:s31+$0x0], $0xff;
	_ =	sdelay $0x4  }
0x27: {  	v3 =	vshll.u32 v2, $0x1  }
0x28: {  	v2 =	vand.u32 $0x7, v2;
	v3 =	vand.u32 $0xFFFFFFF0, v3  }
0x29: {  	v2 =	vor.u32 v2, v3  }
0x2a: {  	v2 =	vperm.xlane v2, v0;
	_ =	sdelay $0x1  }
0x2b: {  	v2 =	vadd.s32 v1, v2;
	_ =	sdelay $0x4  }
0x2c: {  	[tilespmem:s10], [sflag:$0x1] =	stream.indirect_vreg.gather [hbm4b:s3+s1], $0x80, v2, vm0, $0xb8;
	[tilespmem:$0x900] =	vst v63  }
0x2d: {  	_ =	swait.ge [sflag:s9], $0x800  }
0x2e: {  	[sflag:s9] =	ssyncset.done $0x0  }
0x2f: {  	[sflag:s9] =	ssyncadd.s32 $0xFFFFF800  }
0x30: {  	[hbm4b:s8+s1] =	stream.linear.scatter [tilespmem:s10], [sflag:$0x1], $0x800, $0x38;
	[tilespmem:$0x900] =	vst v63  }
0x31: {  	s13 =	simm.s32 $0x20;
	_ =	swait.ge [sflag:s9], $0x800  }
0x32: {  	s14 =	simm.s32 $0x40;
	s12 =	sadd.s32 $0x100, s8;
	[sflag:s9] =	ssyncset.done $0x0  }
.LBB2_6:
0x33: {  	s15 =	sshra.s32 s13, $0x2  }
0x34: {  	[sflag:s9] =	ssyncadd.s32 $0xFFFFF800;
	s13 =	smov.u32 s14;
	s16 =	sadd.s32 $0x20, s14  }
0x35: {  	p1 =	sne.s32 s14, $0x3E0;
	v2 =	vld.msk [tilespmem:s15+$0x0], $0xff;
	_ =	sdelay $0x4  }
0x36: {  	v3 =	vshll.u32 v2, $0x1  }
0x37: {  	v2 =	vand.u32 $0x7, v2;
	v3 =	vand.u32 $0xFFFFFFF0, v3  }
0x38: {  	v2 =	vor.u32 v2, v3  }
0x39: {  	v2 =	vperm.xlane v2, v0;
	_ =	sdelay $0x1  }
0x3a: {  	v2 =	vadd.s32 v1, v2;
	_ =	sdelay $0x4  }
0x3b: {  	[tilespmem:s10], [sflag:$0x1] =	stream.indirect_vreg.gather [hbm4b:s3+s1], $0x80, v2, vm0, $0xb8;
	[tilespmem:$0x900] =	vst v63  }
0x3c: {  	_ =	swait.ge [sflag:s9], $0x800  }
.Ltmp3:
0x3d: {  	[sflag:s9] =	ssyncset.done $0x0;
	(pc) =	sbr.rel @p1 .LBB2_6-.Ltmp3, $4  }
0x3e: {  	[sflag:s9] =	ssyncadd.s32 $0xFFFFF800  }
0x3f: {  	[hbm4b:s12+s1] =	stream.linear.scatter [tilespmem:s10], [sflag:$0x1], $0x800, $0x38;
	[tilespmem:$0x900] =	vst v63  }
0x40: {  	_ =	swait.ge [sflag:s9], $0x800  }
0x41: {  	s14 =	smov.u32 s16;
	s12 =	sadd.s32 $0x100, s12;
	[sflag:s9] =	ssyncset.done $0x0  }
.Ltmp4:
0x42: {  	_ = 	snop;
	(pc) =	sbr.rel .LBB2_7-.Ltmp4, $1  }
0x43: {  	_ =	sdelay $0x3  }
.LBB2_2:
0x44: {  	[tilespmem:s12], [sflag:$0x1] =	stream.linear.gather [hbm4b:s4+s12], $0x100, $0x38;
	[tilespmem:$0x900] =	vst v63  }
0x45: {  	_ =	swait.ge [sflag:s9], $0x100  }
0x46: {  	[sflag:s9] =	ssyncset.done $0x0  }
0x47: {  	s31 =	simm.s32 $0x0;
	[sflag:s9] =	ssyncadd.s32 $0xFFFFFF00  }
0x48: {  	v2 =	vld.msk [tilespmem:s31+$0x0], $0xff;
	_ =	sdelay $0x4  }
0x49: {  	v3 =	vshll.u32 v2, $0x1  }
0x4a: {  	v2 =	vand.u32 $0x7, v2;
	v3 =	vand.u32 $0xFFFFFFF0, v3  }
0x4b: {  	v2 =	vor.u32 v2, v3  }
0x4c: {  	v2 =	vperm.xlane v2, v0;
	_ =	sdelay $0x1  }
0x4d: {  	v2 =	vadd.s32 v1, v2;
	_ =	sdelay $0x4  }
0x4e: {  	[tilespmem:s10], [sflag:$0x1] =	stream.indirect_vreg.gather [hbm4b:s3+s1], $0x80, v2, vm0, $0xb8;
	[tilespmem:$0x900] =	vst v63  }
0x4f: {  	_ =	swait.ge [sflag:s9], $0x800  }
0x50: {  	[sflag:s9] =	ssyncset.done $0x0  }
0x51: {  	[sflag:s9] =	ssyncadd.s32 $0xFFFFF800  }
0x52: {  	[hbm4b:s7+s1] =	stream.linear.scatter [tilespmem:s10], [sflag:$0x1], $0x800, $0x38;
	[tilespmem:$0x900] =	vst v63  }
0x53: {  	s13 =	simm.s32 $0x20;
	_ =	swait.ge [sflag:s9], $0x800  }
0x54: {  	s14 =	simm.s32 $0x40;
	s12 =	sadd.s32 $0x100, s7;
	[sflag:s9] =	ssyncset.done $0x0  }
.LBB2_3:
0x55: {  	s15 =	sshra.s32 s13, $0x2  }
0x56: {  	[sflag:s9] =	ssyncadd.s32 $0xFFFFF800;
	s13 =	smov.u32 s14;
	s16 =	sadd.s32 $0x20, s14  }
0x57: {  	p1 =	seq.s32 s14, $0x3E0;
	v2 =	vld.msk [tilespmem:s15+$0x0], $0xff;
	_ =	sdelay $0x4  }
0x58: {  	v3 =	vshll.u32 v2, $0x1  }
0x59: {  	v2 =	vand.u32 $0x7, v2;
	v3 =	vand.u32 $0xFFFFFFF0, v3  }
0x5a: {  	v2 =	vor.u32 v2, v3  }
0x5b: {  	v2 =	vperm.xlane v2, v0;
	_ =	sdelay $0x1  }
0x5c: {  	v2 =	vadd.s32 v1, v2;
	_ =	sdelay $0x4  }
0x5d: {  	[tilespmem:s10], [sflag:$0x1] =	stream.indirect_vreg.gather [hbm4b:s3+s1], $0x80, v2, vm0, $0xb8;
	[tilespmem:$0x900] =	vst v63  }
0x5e: {  	_ =	swait.ge [sflag:s9], $0x800  }
.Ltmp5:
0x5f: {  	[sflag:s9] =	ssyncset.done $0x0;
	(pc) =	sbr.rel @!p1 .LBB2_3-.Ltmp5, $4  }
0x60: {  	[sflag:s9] =	ssyncadd.s32 $0xFFFFF800  }
0x61: {  	[hbm4b:s12+s1] =	stream.linear.scatter [tilespmem:s10], [sflag:$0x1], $0x800, $0x38;
	[tilespmem:$0x900] =	vst v63  }
0x62: {  	_ =	swait.ge [sflag:s9], $0x800  }
0x63: {  	s14 =	smov.u32 s16;
	s12 =	sadd.s32 $0x100, s12;
	[sflag:s9] =	ssyncset.done $0x0  }
0x64: {  	s13 =	sshra.s32 s13, $0x2;
	[sflag:s9] =	ssyncadd.s32 $0xFFFFF800  }
0x65: {  	v2 =	vld.msk [tilespmem:s13+$0x0], $0xff;
	_ =	sdelay $0x4  }
0x66: {  	v3 =	vshll.u32 v2, $0x1  }
0x67: {  	v2 =	vand.u32 $0x7, v2;
	v3 =	vand.u32 $0xFFFFFFF0, v3  }
0x68: {  	v2 =	vor.u32 v2, v3  }
0x69: {  	v2 =	vperm.xlane v2, v0;
	_ =	sdelay $0x1  }
0x6a: {  	v2 =	vadd.s32 v1, v2;
	_ =	sdelay $0x4  }
0x6b: {  	[tilespmem:s10], [sflag:$0x1] =	stream.indirect_vreg.gather [hbm4b:s3+s1], $0x80, v2, vm0, $0xb8;
	[tilespmem:$0x900] =	vst v63  }
0x6c: {  	_ =	swait.ge [sflag:s9], $0x800  }
0x6d: {  	[sflag:s9] =	ssyncset.done $0x0  }
.Ltmp6:
0x6e: {  	[sflag:s9] =	ssyncadd.s32 $0xFFFFF800;
	(pc) =	sbr.rel .LBB2_8-.Ltmp6, $4  }
0x6f: {  	[hbm4b:s12+s1] =	stream.linear.scatter [tilespmem:s10], [sflag:$0x1], $0x800, $0x38;
	[tilespmem:$0x900] =	vst v63  }
0x70: {  	_ =	swait.ge [sflag:s9], $0x800  }
0x71: {  	[sflag:s9] =	ssyncset.done $0x0  }
0x72: {  	[sflag:s9] =	ssyncadd.s32 $0xFFFFF800  }
.LBB2_9:
0x73: {  	_ =	sfence.sel $0x180000  }
0x74: {  	[bflag:$0x0] =	sbarrier.arrive $0xFFFF  }
0x75: {  	p0 =	sne.s32 s2, $0x0;
	_ =	strace $0x90000053  }
0x76: {  	s0 =	sadd.s32 @!p0 $0x100000, s0;
	[bflag:$0x2] =	sbarrier.arrive $0xFFFF  }
0x77: {  	[sflag:s0] =	ssyncadd.tile.s32 @!p0 $0x1;
	_ =	shalt  }
.Lfunc_end2:
_tile_overlayer_lowered:
.L_overlay_start_2:
0x78: {  	(tag) =	ssettag $0x2  }
0x79: {  	s0 =	rddreg [dreg:$0x0];
	s2 =	stileid.u32  }
0x7a: {  	s1 =	rddreg [dreg:$0x1];
	p0 =	sne.s32 s2, $0x0  }
0x7b: {  	s3 =	rddreg [dreg:$0x2];
	[bflag:$0x3] =	sbarrier.arrive $0xFFFF;
	s2 =	simm.s32 @!p0 $0x1C01  }
0x7c: {  	[timem:s3], [sflag:s2] =	dma.local @!p0 [hbm:s0], s1  }
0x7d: {  	s0 =	simm.s32 @!p0 $0x1  }
0x7e: {  	_ =	swait.ge @!p0 [sflag:s0], s1  }
0x7f: {  	s1 =	ssub.s32 @!p0 $0x0, s1;
	[sflag:s0] =	ssyncset.done @!p0 $0x0  }
0x80: {  	[sflag:s0] =	ssyncadd.s32 @!p0 s1  }
0x81: {  	[bflag:$0x3] =	sbarrier.arrive $0xFFFF  }
0x82: {  	_ =	shalt  }

</sc_bundles>
